<compile_context>
chip_gen: v7x
topology: tpu7x:2x2x1
jax: 0.10.2.dev20260603
libtpu: 0.0.44.dev20260713+nightly
codegen_flags: <defaults>
</compile_context>

<pallas_src>
import functools

import jax
import jax.numpy as jnp
from jax import lax
from jax.experimental import pallas as pl
from jax.experimental.pallas import tpu as pltpu
from jax.experimental.pallas import tpu_sc as plsc

VOCAB = 1000000
EMBED = 64
OUT_DIM = 2
BATCH = 4096
HIST = 200

_NC = 2
_NS = 16
_NW = _NC * _NS
_BPW = BATCH // _NW
_HALF = HIST // 2
_NBUF = 4
_RPG = 8


def _sc_body(x2_hbm, emb_hbm, w_hbm, btile_hbm, out_hbm,
             idx_v, bufs, w_v, b_v, o_v, sems):
    wid = lax.axis_index("s") * _NC + lax.axis_index("c")

    pltpu.sync_copy(x2_hbm.at[pl.ds(wid * 2 * _BPW, 2 * _BPW)], idx_v)
    pltpu.sync_copy(w_hbm, w_v)
    pltpu.sync_copy(btile_hbm, b_v)

    ninf = jnp.full((16,), -jnp.inf, dtype=jnp.float32)
    lane = lax.iota(jnp.int32, 16)

    _dnums = lax.GatherDimensionNumbers(
        offset_dims=(), collapsed_slice_dims=(0,), start_index_map=(0,))

    def lane_shuffle(p, perm):
        return lax.gather(p, perm.reshape(16, 1), _dnums, (1,),
                          mode=lax.GatherScatterMode.PROMISE_IN_BOUNDS)

    def lane_sum(p):
        for sh in (8, 4, 2, 1):
            p = p + lane_shuffle(p, jnp.bitwise_xor(lane, sh))
        return p

    def gather_row(b, k):
        r = 2 * b
        d0 = pltpu.async_copy(emb_hbm.at[idx_v.at[r]],
                              bufs.at[k, pl.ds(0, _HALF)], sems.at[k])
        d1 = pltpu.async_copy(emb_hbm.at[idx_v.at[r + 1]],
                              bufs.at[k, pl.ds(_HALF, _HALF)], sems.at[k])
        return d0, d1

    def pool_and_project(k, v, lane0):
        buf = bufs.at[k]

        def jbody(j, acc):
            a0, a1, a2, a3 = acc
            return (jnp.maximum(a0, buf[j, 0:16]),
                    jnp.maximum(a1, buf[j, 16:32]),
                    jnp.maximum(a2, buf[j, 32:48]),
                    jnp.maximum(a3, buf[j, 48:64]))

        a0, a1, a2, a3 = lax.fori_loop(0, HIST, jbody,
                                       (ninf, ninf, ninf, ninf), unroll=8)
        for o in range(OUT_DIM):
            p = (a0 * w_v[o, 0:16] + a1 * w_v[o, 16:32]
                 + a2 * w_v[o, 32:48] + a3 * w_v[o, 48:64])
            s = lane_sum(p)
            v = jnp.where(lane == (lane0 + o), s, v)
        return v

    def obody(i, _):
        b0 = _RPG * i
        descs = [None] * _NBUF
        for k in range(_NBUF):
            descs[k] = gather_row(b0 + k, k)
        v = jnp.zeros((16,), dtype=jnp.float32)
        for k in range(_RPG):
            slot = k % _NBUF
            d0, d1 = descs[slot]
            d0.wait()
            d1.wait()
            v = pool_and_project(slot, v, OUT_DIM * k)
            if k + _NBUF < _RPG:
                descs[slot] = gather_row(b0 + k + _NBUF, slot)
        o_v[i, :] = v
        return 0

    lax.fori_loop(0, _BPW // _RPG, obody, 0)

    for i in range(16):
        z = o_v[i, :] + b_v[i, :]
        o_v[i, :] = 1.0 / (1.0 + jnp.exp(-z))

    pltpu.sync_copy(o_v, out_hbm.at[wid])


@jax.jit
def _run(x2, emb_weight, lin_w, btile):
    mesh = plsc.VectorSubcoreMesh(core_axis_name="c", subcore_axis_name="s")
    f = functools.partial(
        pl.kernel,
        mesh=mesh,
        out_type=jax.ShapeDtypeStruct((_NW, 16, 16), jnp.float32),
        scratch_types=[
            pltpu.VMEM((2 * _BPW, _HALF), jnp.int32),
            pltpu.VMEM((_NBUF, HIST, EMBED), jnp.float32),
            pltpu.VMEM((OUT_DIM, EMBED), jnp.float32),
            pltpu.VMEM((16, 16), jnp.float32),
            pltpu.VMEM((16, 16), jnp.float32),
            pltpu.SemaphoreType.DMA((_NBUF,)),
        ],
        compiler_params=pltpu.CompilerParams(use_tc_tiling_on_sc=False),
    )(_sc_body)
    return f(x2, emb_weight, lin_w, btile)


def kernel(x, emb_weight, lin_w, lin_b):
    x2 = x.reshape(2 * BATCH, _HALF).astype(jnp.int32)
    btile = jnp.tile(lin_b, (16 * 16) // OUT_DIM).reshape(16, 16)
    out = _run(x2, emb_weight, lin_w, btile)
    return out.reshape(BATCH, OUT_DIM)

# --- scband reference (transcript-rebuilt; emitter-appended) ---
"""Pipeline reference for scband-logistic-regression-model-9586367005355 (READ-ONLY COPY).

The authoritative reference and input builder live on the scoring server;
editing this copy changes nothing except your own understanding.
"""

import jax, jax.numpy as jnp
import numpy as np

VOCAB = 1000000
EMBED = 64
OUT_DIM = 2
BATCH = 4096
HIST = 200


def setup_inputs(seed: int = 0) -> dict:
    key = jax.random.key(seed)
    k1, k2, k3, k4 = jax.random.split(key, 4)
    x = jax.random.randint(k1, (BATCH, HIST), 0, VOCAB, dtype=jnp.int64 if jax.config.jax_enable_x64 else jnp.int32)
    emb_weight = jax.random.normal(k2, (VOCAB, EMBED), dtype=jnp.float32)
    lin_w = jax.random.normal(k3, (OUT_DIM, EMBED), dtype=jnp.float32) * (1.0 / np.sqrt(EMBED))
    lin_b = jax.random.normal(k4, (OUT_DIM,), dtype=jnp.float32) * 0.01
    return {"x": x, "emb_weight": emb_weight, "lin_w": lin_w, "lin_b": lin_b}


def reference(x, emb_weight, lin_w, lin_b):
    # nn.Embedding lookup: [B, L] -> [B, L, D]
    embedded = jnp.take(emb_weight, x, axis=0)
    # permute(0, 2, 1) -> [B, D, L]; max_pool1d over full length L == max over axis 1 of [B, L, D]
    pooled = jnp.max(embedded, axis=1)  # [B, D]
    # linear + sigmoid
    logits = pooled @ lin_w.T + lin_b  # [B, OUT_DIM]
    out = jax.nn.sigmoid(logits)
    return out

if __name__ == "__main__":
    import jax
    _d = setup_inputs()
    print(jax.jit(kernel)(*tuple(_d.values())))

</pallas_src>

<mosaic_0001>
#map = affine_map<(d0, d1) -> (0, 0)>
#map1 = affine_map<(d0, d1) -> (0, 0, 0)>
module attributes {stable_mosaic.version = 14 : i64} {
  func.func @_sc_body(%arg0: i32, %arg1: i32, %arg2: memref<8192x100xi32, #tpu.memory_space<hbm>>, %arg3: memref<1000000x64xf32, #tpu.memory_space<hbm>>, %arg4: memref<2x64xf32, #tpu.memory_space<hbm>>, %arg5: memref<16x16xf32, #tpu.memory_space<hbm>>, %arg6: memref<32x16x16xf32, #tpu.memory_space<hbm>>, %arg7: memref<256x100xi32, #tpu.memory_space<vmem>>, %arg8: memref<4x200x64xf32, #tpu.memory_space<vmem>>, %arg9: memref<2x64xf32, #tpu.memory_space<vmem>>, %arg10: memref<16x16xf32, #tpu.memory_space<vmem>>, %arg11: memref<16x16xf32, #tpu.memory_space<vmem>>, %arg12: memref<4x!tpu.dma_semaphore, #tpu.memory_space<semaphore_mem>>) attributes {dimension_semantics = [#tpu.dimension_semantics<core_parallel>, #tpu.dimension_semantics<subcore_parallel>], iteration_bounds = array<i64: 2, 16>, scalar_prefetch = 0 : i64, scratch_operands = 6 : i64, tpu.core_type = #tpu.core_type<sc_vector_subcore>, window_params = [{transform_indices = #map}, {transform_indices = #map}, {transform_indices = #map}, {transform_indices = #map}, {transform_indices = #map1}]} {
    %mul3A = arith.constant 2 : i32
    %mul3A_0 = arith.muli %arg1, %mul3A : i32
    %add3A = arith.addi %mul3A_0, %arg0 : i32
    %mul3A_1 = arith.constant 2 : i32
    %mul3A_2 = arith.muli %add3A, %mul3A_1 : i32
    %mul3A_3 = arith.constant 128 : i32
    %mul3A_4 = arith.muli %mul3A_2, %mul3A_3 : i32
    "tpu.region"() ({
      %run_scoped3A = tpu.sem_alloc : memref<!tpu.dma_semaphore, #tpu.memory_space<semaphore_mem>>
      %dma_start3A = arith.constant 0 : i32
      %dma_start3A_439 = tpu.memref_slice %arg2[%mul3A_4, %dma_start3A] : memref<8192x100xi32, #tpu.memory_space<hbm>> -> memref<256x100xi32, #tpu.memory_space<hbm>>
      %dma_start3A_440 = arith.constant 0 : i32
      %dma_start3A_441 = tpu.memref_slice %arg2[%mul3A_4, %dma_start3A_440] : memref<8192x100xi32, #tpu.memory_space<hbm>> -> memref<256x100xi32, #tpu.memory_space<hbm>>
      tpu.enqueue_dma source(%dma_start3A_441 : memref<256x100xi32, #tpu.memory_space<hbm>>) target(%arg7 : memref<256x100xi32, #tpu.memory_space<vmem>>) target_semaphore(%run_scoped3A : memref<!tpu.dma_semaphore, #tpu.memory_space<semaphore_mem>>)
      %dma_wait3A = arith.constant 0 : i32
      %dma_wait3A_442 = tpu.memref_slice %arg2[%mul3A_4, %dma_wait3A] : memref<8192x100xi32, #tpu.memory_space<hbm>> -> memref<256x100xi32, #tpu.memory_space<hbm>>
      %dma_wait3A_443 = arith.constant 0 : i32
      %dma_wait3A_444 = tpu.memref_slice %arg2[%mul3A_4, %dma_wait3A_443] : memref<8192x100xi32, #tpu.memory_space<hbm>> -> memref<256x100xi32, #tpu.memory_space<hbm>>
      tpu.wait_dma2 semaphore(%run_scoped3A : memref<!tpu.dma_semaphore, #tpu.memory_space<semaphore_mem>>) src(%dma_wait3A_444 : memref<256x100xi32, #tpu.memory_space<hbm>>) dst(%arg7 : memref<256x100xi32, #tpu.memory_space<vmem>>)
      tpu.yield
    }) : () -> ()
    "tpu.region"() ({
      %run_scoped3A = tpu.sem_alloc : memref<!tpu.dma_semaphore, #tpu.memory_space<semaphore_mem>>
      tpu.enqueue_dma source(%arg4 : memref<2x64xf32, #tpu.memory_space<hbm>>) target(%arg9 : memref<2x64xf32, #tpu.memory_space<vmem>>) target_semaphore(%run_scoped3A : memref<!tpu.dma_semaphore, #tpu.memory_space<semaphore_mem>>)
      tpu.wait_dma2 semaphore(%run_scoped3A : memref<!tpu.dma_semaphore, #tpu.memory_space<semaphore_mem>>) src(%arg4 : memref<2x64xf32, #tpu.memory_space<hbm>>) dst(%arg9 : memref<2x64xf32, #tpu.memory_space<vmem>>)
      tpu.yield
    }) : () -> ()
    "tpu.region"() ({
      %run_scoped3A = tpu.sem_alloc : memref<!tpu.dma_semaphore, #tpu.memory_space<semaphore_mem>>
      tpu.enqueue_dma source(%arg5 : memref<16x16xf32, #tpu.memory_space<hbm>>) target(%arg10 : memref<16x16xf32, #tpu.memory_space<vmem>>) target_semaphore(%run_scoped3A : memref<!tpu.dma_semaphore, #tpu.memory_space<semaphore_mem>>)
      tpu.wait_dma2 semaphore(%run_scoped3A : memref<!tpu.dma_semaphore, #tpu.memory_space<semaphore_mem>>) src(%arg5 : memref<16x16xf32, #tpu.memory_space<hbm>>) dst(%arg10 : memref<16x16xf32, #tpu.memory_space<vmem>>)
      tpu.yield
    }) : () -> ()
    %broadcast_in_dim3A = arith.constant 0xFF800000 : f32
    %broadcast_in_dim3A_5 = vector.broadcast %broadcast_in_dim3A : f32 to vector<16xf32>
    %iota3A = tpu.iota {dimensions = array<i32: 0>} : vector<16xi32>
    %scan3A = arith.constant 0 : i32
    %scan3A_6 = arith.constant 0 : i32
    %scan3A_7 = arith.constant 16 : i32
    %scan3A_8 = arith.addi %scan3A_6, %scan3A_7 : i32
    %scan3A_9 = arith.constant 1 : i32
    %scan3A_10 = scf.for %scan3A_439 = %scan3A_6 to %scan3A_8 step %scan3A_9 iter_args(%scan3A_440 = %scan3A) -> (i32)  : i32 {
      %mul3A_441 = arith.constant 8 : i32
      %mul3A_442 = arith.muli %mul3A_441, %scan3A_439 : i32
      %add3A_443 = arith.constant 0 : i32
      %add3A_444 = arith.addi %mul3A_442, %add3A_443 : i32
      %mul3A_445 = arith.constant 2 : i32
      %mul3A_446 = arith.muli %mul3A_445, %add3A_444 : i32
      %dma_start3A = arith.constant 0 : i32
      %dma_start3A_447 = arith.constant 0 : i32
      %dma_start3A_448 = arith.constant 0 : i32
      %dma_start3A_449 = arith.constant 0 : i32
      %dma_start3A_450 = tpu.memref_slice %arg8[%dma_start3A, %dma_start3A_448, %dma_start3A_449] : memref<4x200x64xf32, #tpu.memory_space<vmem>> -> memref<1x100x64xf32, #tpu.memory_space<vmem>>
      %dma_start3A_451 = tpu.memref_squeeze %dma_start3A_450 : memref<1x100x64xf32, #tpu.memory_space<vmem>> -> memref<100x64xf32, #tpu.memory_space<vmem>>
      %dma_start3A_452 = arith.constant 0 : i32
      %dma_start3A_453 = tpu.memref_slice %arg7[%mul3A_446, %dma_start3A_452] : memref<256x100xi32, #tpu.memory_space<vmem>> -> memref<1x100xi32, #tpu.memory_space<vmem>>
      %dma_start3A_454 = tpu.memref_squeeze %dma_start3A_453 : memref<1x100xi32, #tpu.memory_space<vmem>> -> memref<100xi32, #tpu.memory_space<vmem>>
      %dma_start3A_455 = arith.constant 0 : i32
      %dma_start3A_456 = arith.constant 0 : i32
      %dma_start3A_457 = tpu.memref_slice %arg3[%dma_start3A_455, %dma_start3A_456] : memref<1000000x64xf32, #tpu.memory_space<hbm>> -> memref<1000000x64xf32, #tpu.memory_space<hbm>>
      %dma_start3A_458 = tpu.memref_slice %arg12[%dma_start3A_447] : memref<4x!tpu.dma_semaphore, #tpu.memory_space<semaphore_mem>> -> memref<1x!tpu.dma_semaphore, #tpu.memory_space<semaphore_mem>>
      %dma_start3A_459 = tpu.memref_squeeze %dma_start3A_458 : memref<1x!tpu.dma_semaphore, #tpu.memory_space<semaphore_mem>> -> memref<!tpu.dma_semaphore, #tpu.memory_space<semaphore_mem>>
      tpu.enqueue_indirect_dma source(%dma_start3A_457 : memref<1000000x64xf32, #tpu.memory_space<hbm>>) target(%dma_start3A_451 : memref<100x64xf32, #tpu.memory_space<vmem>>) offsets(%dma_start3A_454 : memref<100xi32, #tpu.memory_space<vmem>>) semaphore(%dma_start3A_459 : memref<!tpu.dma_semaphore, #tpu.memory_space<semaphore_mem>>)
      %add3A_460 = arith.constant 1 : i32
      %add3A_461 = arith.addi %mul3A_446, %add3A_460 : i32
      %dma_start3A_462 = arith.constant 0 : i32
      %dma_start3A_463 = arith.constant 0 : i32
      %dma_start3A_464 = arith.constant 100 : i32
      %dma_start3A_465 = arith.constant 0 : i32
      %dma_start3A_466 = tpu.memref_slice %arg8[%dma_start3A_462, %dma_start3A_464, %dma_start3A_465] : memref<4x200x64xf32, #tpu.memory_space<vmem>> -> memref<1x100x64xf32, #tpu.memory_space<vmem>>
      %dma_start3A_467 = tpu.memref_squeeze %dma_start3A_466 : memref<1x100x64xf32, #tpu.memory_space<vmem>> -> memref<100x64xf32, #tpu.memory_space<vmem>>
      %dma_start3A_468 = arith.constant 0 : i32
      %dma_start3A_469 = tpu.memref_slice %arg7[%add3A_461, %dma_start3A_468] : memref<256x100xi32, #tpu.memory_space<vmem>> -> memref<1x100xi32, #tpu.memory_space<vmem>>
      %dma_start3A_470 = tpu.memref_squeeze %dma_start3A_469 : memref<1x100xi32, #tpu.memory_space<vmem>> -> memref<100xi32, #tpu.memory_space<vmem>>
      %dma_start3A_471 = arith.constant 0 : i32
      %dma_start3A_472 = arith.constant 0 : i32
      %dma_start3A_473 = tpu.memref_slice %arg3[%dma_start3A_471, %dma_start3A_472] : memref<1000000x64xf32, #tpu.memory_space<hbm>> -> memref<1000000x64xf32, #tpu.memory_space<hbm>>
      %dma_start3A_474 = tpu.memref_slice %arg12[%dma_start3A_463] : memref<4x!tpu.dma_semaphore, #tpu.memory_space<semaphore_mem>> -> memref<1x!tpu.dma_semaphore, #tpu.memory_space<semaphore_mem>>
      %dma_start3A_475 = tpu.memref_squeeze %dma_start3A_474 : memref<1x!tpu.dma_semaphore, #tpu.memory_space<semaphore_mem>> -> memref<!tpu.dma_semaphore, #tpu.memory_space<semaphore_mem>>
      tpu.enqueue_indirect_dma source(%dma_start3A_473 : memref<1000000x64xf32, #tpu.memory_space<hbm>>) target(%dma_start3A_467 : memref<100x64xf32, #tpu.memory_space<vmem>>) offsets(%dma_start3A_470 : memref<100xi32, #tpu.memory_space<vmem>>) semaphore(%dma_start3A_475 : memref<!tpu.dma_semaphore, #tpu.memory_space<semaphore_mem>>)
      %add3A_476 = arith.constant 1 : i32
      %add3A_477 = arith.addi %mul3A_442, %add3A_476 : i32
      %mul3A_478 = arith.constant 2 : i32
      %mul3A_479 = arith.muli %mul3A_478, %add3A_477 : i32
      %dma_start3A_480 = arith.constant 1 : i32
      %dma_start3A_481 = arith.constant 1 : i32
      %dma_start3A_482 = arith.constant 0 : i32
      %dma_start3A_483 = arith.constant 0 : i32
      %dma_start3A_484 = tpu.memref_slice %arg8[%dma_start3A_480, %dma_start3A_482, %dma_start3A_483] : memref<4x200x64xf32, #tpu.memory_space<vmem>> -> memref<1x100x64xf32, #tpu.memory_space<vmem>>
      %dma_start3A_485 = tpu.memref_squeeze %dma_start3A_484 : memref<1x100x64xf32, #tpu.memory_space<vmem>> -> memref<100x64xf32, #tpu.memory_space<vmem>>
      %dma_start3A_486 = arith.constant 0 : i32
      %dma_start3A_487 = tpu.memref_slice %arg7[%mul3A_479, %dma_start3A_486] : memref<256x100xi32, #tpu.memory_space<vmem>> -> memref<1x100xi32, #tpu.memory_space<vmem>>
      %dma_start3A_488 = tpu.memref_squeeze %dma_start3A_487 : memref<1x100xi32, #tpu.memory_space<vmem>> -> memref<100xi32, #tpu.memory_space<vmem>>
      %dma_start3A_489 = arith.constant 0 : i32
      %dma_start3A_490 = arith.constant 0 : i32
      %dma_start3A_491 = tpu.memref_slice %arg3[%dma_start3A_489, %dma_start3A_490] : memref<1000000x64xf32, #tpu.memory_space<hbm>> -> memref<1000000x64xf32, #tpu.memory_space<hbm>>
      %dma_start3A_492 = tpu.memref_slice %arg12[%dma_start3A_481] : memref<4x!tpu.dma_semaphore, #tpu.memory_space<semaphore_mem>> -> memref<1x!tpu.dma_semaphore, #tpu.memory_space<semaphore_mem>>
      %dma_start3A_493 = tpu.memref_squeeze %dma_start3A_492 : memref<1x!tpu.dma_semaphore, #tpu.memory_space<semaphore_mem>> -> memref<!tpu.dma_semaphore, #tpu.memory_space<semaphore_mem>>
      tpu.enqueue_indirect_dma source(%dma_start3A_491 : memref<1000000x64xf32, #tpu.memory_space<hbm>>) target(%dma_start3A_485 : memref<100x64xf32, #tpu.memory_space<vmem>>) offsets(%dma_start3A_488 : memref<100xi32, #tpu.memory_space<vmem>>) semaphore(%dma_start3A_493 : memref<!tpu.dma_semaphore, #tpu.memory_space<semaphore_mem>>)
      %add3A_494 = arith.constant 1 : i32
      %add3A_495 = arith.addi %mul3A_479, %add3A_494 : i32
      %dma_start3A_496 = arith.constant 1 : i32
      %dma_start3A_497 = arith.constant 1 : i32
      %dma_start3A_498 = arith.constant 100 : i32
      %dma_start3A_499 = arith.constant 0 : i32
      %dma_start3A_500 = tpu.memref_slice %arg8[%dma_start3A_496, %dma_start3A_498, %dma_start3A_499] : memref<4x200x64xf32, #tpu.memory_space<vmem>> -> memref<1x100x64xf32, #tpu.memory_space<vmem>>
      %dma_start3A_501 = tpu.memref_squeeze %dma_start3A_500 : memref<1x100x64xf32, #tpu.memory_space<vmem>> -> memref<100x64xf32, #tpu.memory_space<vmem>>
      %dma_start3A_502 = arith.constant 0 : i32
      %dma_start3A_503 = tpu.memref_slice %arg7[%add3A_495, %dma_start3A_502] : memref<256x100xi32, #tpu.memory_space<vmem>> -> memref<1x100xi32, #tpu.memory_space<vmem>>
      %dma_start3A_504 = tpu.memref_squeeze %dma_start3A_503 : memref<1x100xi32, #tpu.memory_space<vmem>> -> memref<100xi32, #tpu.memory_space<vmem>>
      %dma_start3A_505 = arith.constant 0 : i32
      %dma_start3A_506 = arith.constant 0 : i32
      %dma_start3A_507 = tpu.memref_slice %arg3[%dma_start3A_505, %dma_start3A_506] : memref<1000000x64xf32, #tpu.memory_space<hbm>> -> memref<1000000x64xf32, #tpu.memory_space<hbm>>
      %dma_start3A_508 = tpu.memref_slice %arg12[%dma_start3A_497] : memref<4x!tpu.dma_semaphore, #tpu.memory_space<semaphore_mem>> -> memref<1x!tpu.dma_semaphore, #tpu.memory_space<semaphore_mem>>
      %dma_start3A_509 = tpu.memref_squeeze %dma_start3A_508 : memref<1x!tpu.dma_semaphore, #tpu.memory_space<semaphore_mem>> -> memref<!tpu.dma_semaphore, #tpu.memory_space<semaphore_mem>>
      tpu.enqueue_indirect_dma source(%dma_start3A_507 : memref<1000000x64xf32, #tpu.memory_space<hbm>>) target(%dma_start3A_501 : memref<100x64xf32, #tpu.memory_space<vmem>>) offsets(%dma_start3A_504 : memref<100xi32, #tpu.memory_space<vmem>>) semaphore(%dma_start3A_509 : memref<!tpu.dma_semaphore, #tpu.memory_space<semaphore_mem>>)
      %add3A_510 = arith.constant 2 : i32
      %add3A_511 = arith.addi %mul3A_442, %add3A_510 : i32
      %mul3A_512 = arith.constant 2 : i32
      %mul3A_513 = arith.muli %mul3A_512, %add3A_511 : i32
      %dma_start3A_514 = arith.constant 2 : i32
      %dma_start3A_515 = arith.constant 2 : i32
      %dma_start3A_516 = arith.constant 0 : i32
      %dma_start3A_517 = arith.constant 0 : i32
      %dma_start3A_518 = tpu.memref_slice %arg8[%dma_start3A_514, %dma_start3A_516, %dma_start3A_517] : memref<4x200x64xf32, #tpu.memory_space<vmem>> -> memref<1x100x64xf32, #tpu.memory_space<vmem>>
      %dma_start3A_519 = tpu.memref_squeeze %dma_start3A_518 : memref<1x100x64xf32, #tpu.memory_space<vmem>> -> memref<100x64xf32, #tpu.memory_space<vmem>>
      %dma_start3A_520 = arith.constant 0 : i32
      %dma_start3A_521 = tpu.memref_slice %arg7[%mul3A_513, %dma_start3A_520] : memref<256x100xi32, #tpu.memory_space<vmem>> -> memref<1x100xi32, #tpu.memory_space<vmem>>
      %dma_start3A_522 = tpu.memref_squeeze %dma_start3A_521 : memref<1x100xi32, #tpu.memory_space<vmem>> -> memref<100xi32, #tpu.memory_space<vmem>>
      %dma_start3A_523 = arith.constant 0 : i32
      %dma_start3A_524 = arith.constant 0 : i32
      %dma_start3A_525 = tpu.memref_slice %arg3[%dma_start3A_523, %dma_start3A_524] : memref<1000000x64xf32, #tpu.memory_space<hbm>> -> memref<1000000x64xf32, #tpu.memory_space<hbm>>
      %dma_start3A_526 = tpu.memref_slice %arg12[%dma_start3A_515] : memref<4x!tpu.dma_semaphore, #tpu.memory_space<semaphore_mem>> -> memref<1x!tpu.dma_semaphore, #tpu.memory_space<semaphore_mem>>
      %dma_start3A_527 = tpu.memref_squeeze %dma_start3A_526 : memref<1x!tpu.dma_semaphore, #tpu.memory_space<semaphore_mem>> -> memref<!tpu.dma_semaphore, #tpu.memory_space<semaphore_mem>>
      tpu.enqueue_indirect_dma source(%dma_start3A_525 : memref<1000000x64xf32, #tpu.memory_space<hbm>>) target(%dma_start3A_519 : memref<100x64xf32, #tpu.memory_space<vmem>>) offsets(%dma_start3A_522 : memref<100xi32, #tpu.memory_space<vmem>>) semaphore(%dma_start3A_527 : memref<!tpu.dma_semaphore, #tpu.memory_space<semaphore_mem>>)
      %add3A_528 = arith.constant 1 : i32
      %add3A_529 = arith.addi %mul3A_513, %add3A_528 : i32
      %dma_start3A_530 = arith.constant 2 : i32
      %dma_start3A_531 = arith.constant 2 : i32
      %dma_start3A_532 = arith.constant 100 : i32
      %dma_start3A_533 = arith.constant 0 : i32
      %dma_start3A_534 = tpu.memref_slice %arg8[%dma_start3A_530, %dma_start3A_532, %dma_start3A_533] : memref<4x200x64xf32, #tpu.memory_space<vmem>> -> memref<1x100x64xf32, #tpu.memory_space<vmem>>
      %dma_start3A_535 = tpu.memref_squeeze %dma_start3A_534 : memref<1x100x64xf32, #tpu.memory_space<vmem>> -> memref<100x64xf32, #tpu.memory_space<vmem>>
      %dma_start3A_536 = arith.constant 0 : i32
      %dma_start3A_537 = tpu.memref_slice %arg7[%add3A_529, %dma_start3A_536] : memref<256x100xi32, #tpu.memory_space<vmem>> -> memref<1x100xi32, #tpu.memory_space<vmem>>
      %dma_start3A_538 = tpu.memref_squeeze %dma_start3A_537 : memref<1x100xi32, #tpu.memory_space<vmem>> -> memref<100xi32, #tpu.memory_space<vmem>>
      %dma_start3A_539 = arith.constant 0 : i32
      %dma_start3A_540 = arith.constant 0 : i32
      %dma_start3A_541 = tpu.memref_slice %arg3[%dma_start3A_539, %dma_start3A_540] : memref<1000000x64xf32, #tpu.memory_space<hbm>> -> memref<1000000x64xf32, #tpu.memory_space<hbm>>
      %dma_start3A_542 = tpu.memref_slice %arg12[%dma_start3A_531] : memref<4x!tpu.dma_semaphore, #tpu.memory_space<semaphore_mem>> -> memref<1x!tpu.dma_semaphore, #tpu.memory_space<semaphore_mem>>
      %dma_start3A_543 = tpu.memref_squeeze %dma_start3A_542 : memref<1x!tpu.dma_semaphore, #tpu.memory_space<semaphore_mem>> -> memref<!tpu.dma_semaphore, #tpu.memory_space<semaphore_mem>>
      tpu.enqueue_indirect_dma source(%dma_start3A_541 : memref<1000000x64xf32, #tpu.memory_space<hbm>>) target(%dma_start3A_535 : memref<100x64xf32, #tpu.memory_space<vmem>>) offsets(%dma_start3A_538 : memref<100xi32, #tpu.memory_space<vmem>>) semaphore(%dma_start3A_543 : memref<!tpu.dma_semaphore, #tpu.memory_space<semaphore_mem>>)
      %add3A_544 = arith.constant 3 : i32
      %add3A_545 = arith.addi %mul3A_442, %add3A_544 : i32
      %mul3A_546 = arith.constant 2 : i32
      %mul3A_547 = arith.muli %mul3A_546, %add3A_545 : i32
      %dma_start3A_548 = arith.constant 3 : i32
      %dma_start3A_549 = arith.constant 3 : i32
      %dma_start3A_550 = arith.constant 0 : i32
      %dma_start3A_551 = arith.constant 0 : i32
      %dma_start3A_552 = tpu.memref_slice %arg8[%dma_start3A_548, %dma_start3A_550, %dma_start3A_551] : memref<4x200x64xf32, #tpu.memory_space<vmem>> -> memref<1x100x64xf32, #tpu.memory_space<vmem>>
      %dma_start3A_553 = tpu.memref_squeeze %dma_start3A_552 : memref<1x100x64xf32, #tpu.memory_space<vmem>> -> memref<100x64xf32, #tpu.memory_space<vmem>>
      %dma_start3A_554 = arith.constant 0 : i32
      %dma_start3A_555 = tpu.memref_slice %arg7[%mul3A_547, %dma_start3A_554] : memref<256x100xi32, #tpu.memory_space<vmem>> -> memref<1x100xi32, #tpu.memory_space<vmem>>
      %dma_start3A_556 = tpu.memref_squeeze %dma_start3A_555 : memref<1x100xi32, #tpu.memory_space<vmem>> -> memref<100xi32, #tpu.memory_space<vmem>>
      %dma_start3A_557 = arith.constant 0 : i32
      %dma_start3A_558 = arith.constant 0 : i32
      %dma_start3A_559 = tpu.memref_slice %arg3[%dma_start3A_557, %dma_start3A_558] : memref<1000000x64xf32, #tpu.memory_space<hbm>> -> memref<1000000x64xf32, #tpu.memory_space<hbm>>
      %dma_start3A_560 = tpu.memref_slice %arg12[%dma_start3A_549] : memref<4x!tpu.dma_semaphore, #tpu.memory_space<semaphore_mem>> -> memref<1x!tpu.dma_semaphore, #tpu.memory_space<semaphore_mem>>
      %dma_start3A_561 = tpu.memref_squeeze %dma_start3A_560 : memref<1x!tpu.dma_semaphore, #tpu.memory_space<semaphore_mem>> -> memref<!tpu.dma_semaphore, #tpu.memory_space<semaphore_mem>>
      tpu.enqueue_indirect_dma source(%dma_start3A_559 : memref<1000000x64xf32, #tpu.memory_space<hbm>>) target(%dma_start3A_553 : memref<100x64xf32, #tpu.memory_space<vmem>>) offsets(%dma_start3A_556 : memref<100xi32, #tpu.memory_space<vmem>>) semaphore(%dma_start3A_561 : memref<!tpu.dma_semaphore, #tpu.memory_space<semaphore_mem>>)
      %add3A_562 = arith.constant 1 : i32
      %add3A_563 = arith.addi %mul3A_547, %add3A_562 : i32
      %dma_start3A_564 = arith.constant 3 : i32
      %dma_start3A_565 = arith.constant 3 : i32
      %dma_start3A_566 = arith.constant 100 : i32
      %dma_start3A_567 = arith.constant 0 : i32
      %dma_start3A_568 = tpu.memref_slice %arg8[%dma_start3A_564, %dma_start3A_566, %dma_start3A_567] : memref<4x200x64xf32, #tpu.memory_space<vmem>> -> memref<1x100x64xf32, #tpu.memory_space<vmem>>
      %dma_start3A_569 = tpu.memref_squeeze %dma_start3A_568 : memref<1x100x64xf32, #tpu.memory_space<vmem>> -> memref<100x64xf32, #tpu.memory_space<vmem>>
      %dma_start3A_570 = arith.constant 0 : i32
      %dma_start3A_571 = tpu.memref_slice %arg7[%add3A_563, %dma_start3A_570] : memref<256x100xi32, #tpu.memory_space<vmem>> -> memref<1x100xi32, #tpu.memory_space<vmem>>
      %dma_start3A_572 = tpu.memref_squeeze %dma_start3A_571 : memref<1x100xi32, #tpu.memory_space<vmem>> -> memref<100xi32, #tpu.memory_space<vmem>>
      %dma_start3A_573 = arith.constant 0 : i32
      %dma_start3A_574 = arith.constant 0 : i32
      %dma_start3A_575 = tpu.memref_slice %arg3[%dma_start3A_573, %dma_start3A_574] : memref<1000000x64xf32, #tpu.memory_space<hbm>> -> memref<1000000x64xf32, #tpu.memory_space<hbm>>
      %dma_start3A_576 = tpu.memref_slice %arg12[%dma_start3A_565] : memref<4x!tpu.dma_semaphore, #tpu.memory_space<semaphore_mem>> -> memref<1x!tpu.dma_semaphore, #tpu.memory_space<semaphore_mem>>
      %dma_start3A_577 = tpu.memref_squeeze %dma_start3A_576 : memref<1x!tpu.dma_semaphore, #tpu.memory_space<semaphore_mem>> -> memref<!tpu.dma_semaphore, #tpu.memory_space<semaphore_mem>>
      tpu.enqueue_indirect_dma source(%dma_start3A_575 : memref<1000000x64xf32, #tpu.memory_space<hbm>>) target(%dma_start3A_569 : memref<100x64xf32, #tpu.memory_space<vmem>>) offsets(%dma_start3A_572 : memref<100xi32, #tpu.memory_space<vmem>>) semaphore(%dma_start3A_577 : memref<!tpu.dma_semaphore, #tpu.memory_space<semaphore_mem>>)
      %broadcast_in_dim3A_578 = arith.constant 0.000000e+00 : f32
      %broadcast_in_dim3A_579 = vector.broadcast %broadcast_in_dim3A_578 : f32 to vector<16xf32>
      %dma_wait3A = arith.constant 0 : i32
      %dma_wait3A_580 = arith.constant 0 : i32
      %dma_wait3A_581 = arith.constant 0 : i32
      %dma_wait3A_582 = arith.constant 0 : i32
      %dma_wait3A_583 = tpu.memref_slice %arg8[%dma_wait3A, %dma_wait3A_581, %dma_wait3A_582] : memref<4x200x64xf32, #tpu.memory_space<vmem>> -> memref<1x100x64xf32, #tpu.memory_space<vmem>>
      %dma_wait3A_584 = tpu.memref_squeeze %dma_wait3A_583 : memref<1x100x64xf32, #tpu.memory_space<vmem>> -> memref<100x64xf32, #tpu.memory_space<vmem>>
      %dma_wait3A_585 = arith.constant 0 : i32
      %dma_wait3A_586 = tpu.memref_slice %arg7[%mul3A_446, %dma_wait3A_585] : memref<256x100xi32, #tpu.memory_space<vmem>> -> memref<1x100xi32, #tpu.memory_space<vmem>>
      %dma_wait3A_587 = tpu.memref_squeeze %dma_wait3A_586 : memref<1x100xi32, #tpu.memory_space<vmem>> -> memref<100xi32, #tpu.memory_space<vmem>>
      %dma_wait3A_588 = arith.constant 0 : i32
      %dma_wait3A_589 = arith.constant 0 : i32
      %dma_wait3A_590 = tpu.memref_slice %arg3[%dma_wait3A_588, %dma_wait3A_589] : memref<1000000x64xf32, #tpu.memory_space<hbm>> -> memref<1000000x64xf32, #tpu.memory_space<hbm>>
      %dma_wait3A_591 = tpu.memref_slice %arg12[%dma_wait3A_580] : memref<4x!tpu.dma_semaphore, #tpu.memory_space<semaphore_mem>> -> memref<1x!tpu.dma_semaphore, #tpu.memory_space<semaphore_mem>>
      %dma_wait3A_592 = tpu.memref_squeeze %dma_wait3A_591 : memref<1x!tpu.dma_semaphore, #tpu.memory_space<semaphore_mem>> -> memref<!tpu.dma_semaphore, #tpu.memory_space<semaphore_mem>>
      tpu.wait_indirect_dma semaphore(%dma_wait3A_592 : memref<!tpu.dma_semaphore, #tpu.memory_space<semaphore_mem>>) src(%dma_wait3A_590 : memref<1000000x64xf32, #tpu.memory_space<hbm>>) dst(%dma_wait3A_584 : memref<100x64xf32, #tpu.memory_space<vmem>>)
      %dma_wait3A_593 = arith.constant 0 : i32
      %dma_wait3A_594 = arith.constant 0 : i32
      %dma_wait3A_595 = arith.constant 100 : i32
      %dma_wait3A_596 = arith.constant 0 : i32
      %dma_wait3A_597 = tpu.memref_slice %arg8[%dma_wait3A_593, %dma_wait3A_595, %dma_wait3A_596] : memref<4x200x64xf32, #tpu.memory_space<vmem>> -> memref<1x100x64xf32, #tpu.memory_space<vmem>>
      %dma_wait3A_598 = tpu.memref_squeeze %dma_wait3A_597 : memref<1x100x64xf32, #tpu.memory_space<vmem>> -> memref<100x64xf32, #tpu.memory_space<vmem>>
      %dma_wait3A_599 = arith.constant 0 : i32
      %dma_wait3A_600 = tpu.memref_slice %arg7[%add3A_461, %dma_wait3A_599] : memref<256x100xi32, #tpu.memory_space<vmem>> -> memref<1x100xi32, #tpu.memory_space<vmem>>
      %dma_wait3A_601 = tpu.memref_squeeze %dma_wait3A_600 : memref<1x100xi32, #tpu.memory_space<vmem>> -> memref<100xi32, #tpu.memory_space<vmem>>
      %dma_wait3A_602 = arith.constant 0 : i32
      %dma_wait3A_603 = arith.constant 0 : i32
      %dma_wait3A_604 = tpu.memref_slice %arg3[%dma_wait3A_602, %dma_wait3A_603] : memref<1000000x64xf32, #tpu.memory_space<hbm>> -> memref<1000000x64xf32, #tpu.memory_space<hbm>>
      %dma_wait3A_605 = tpu.memref_slice %arg12[%dma_wait3A_594] : memref<4x!tpu.dma_semaphore, #tpu.memory_space<semaphore_mem>> -> memref<1x!tpu.dma_semaphore, #tpu.memory_space<semaphore_mem>>
      %dma_wait3A_606 = tpu.memref_squeeze %dma_wait3A_605 : memref<1x!tpu.dma_semaphore, #tpu.memory_space<semaphore_mem>> -> memref<!tpu.dma_semaphore, #tpu.memory_space<semaphore_mem>>
      tpu.wait_indirect_dma semaphore(%dma_wait3A_606 : memref<!tpu.dma_semaphore, #tpu.memory_space<semaphore_mem>>) src(%dma_wait3A_604 : memref<1000000x64xf32, #tpu.memory_space<hbm>>) dst(%dma_wait3A_598 : memref<100x64xf32, #tpu.memory_space<vmem>>)
      %scan3A_607 = arith.constant 0 : i32
      %scan3A_608 = arith.constant 0 : i32
      %scan3A_609 = arith.constant 200 : i32
      %scan3A_610 = arith.addi %scan3A_608, %scan3A_609 : i32
      %scan3A_611 = arith.constant 8 : i32
      %scan3A_612:4 = scf.for %scan3A_1948 = %scan3A_608 to %scan3A_610 step %scan3A_611 iter_args(%scan3A_1949 = %broadcast_in_dim3A_5, %scan3A_1950 = %broadcast_in_dim3A_5, %scan3A_1951 = %broadcast_in_dim3A_5, %scan3A_1952 = %broadcast_in_dim3A_5) -> (vector<16xf32>, vector<16xf32>, vector<16xf32>, vector<16xf32>)  : i32 {
        %get3A_1953 = arith.constant 0 : i32
        %get3A_1954 = arith.constant 0 : i32
        %get3A_1955 = tpu.memref_slice %arg8[%scan3A_607, %get3A_1953, %get3A_1954] : memref<4x200x64xf32, #tpu.memory_space<vmem>> -> memref<1x200x64xf32, #tpu.memory_space<vmem>>
        %get3A_1956 = tpu.memref_squeeze %get3A_1955 : memref<1x200x64xf32, #tpu.memory_space<vmem>> -> memref<200x64xf32, #tpu.memory_space<vmem>>
        %get3A_1957 = arith.index_cast %scan3A_1948 : i32 to index
        %get3A_1958 = arith.constant 0 : index
        %get3A_1959 = tpu.vector_load %get3A_1956[%get3A_1957, %get3A_1958] {strides = array<i32>} : memref<200x64xf32, #tpu.memory_space<vmem>>, vector<1x16xf32>,
        %get3A_1960 = vector.shape_cast %get3A_1959 : vector<1x16xf32> to vector<16xf32>
        %max3A = arith.maximumf %scan3A_1949, %get3A_1960 : vector<16xf32>
        %get3A_1961 = arith.constant 0 : i32
        %get3A_1962 = arith.constant 0 : i32
        %get3A_1963 = tpu.memref_slice %arg8[%scan3A_607, %get3A_1961, %get3A_1962] : memref<4x200x64xf32, #tpu.memory_space<vmem>> -> memref<1x200x64xf32, #tpu.memory_space<vmem>>
        %get3A_1964 = tpu.memref_squeeze %get3A_1963 : memref<1x200x64xf32, #tpu.memory_space<vmem>> -> memref<200x64xf32, #tpu.memory_space<vmem>>
        %get3A_1965 = arith.index_cast %scan3A_1948 : i32 to index
        %get3A_1966 = arith.constant 16 : index
        %get3A_1967 = tpu.vector_load %get3A_1964[%get3A_1965, %get3A_1966] {strides = array<i32>} : memref<200x64xf32, #tpu.memory_space<vmem>>, vector<1x16xf32>,
        %get3A_1968 = vector.shape_cast %get3A_1967 : vector<1x16xf32> to vector<16xf32>
        %max3A_1969 = arith.maximumf %scan3A_1950, %get3A_1968 : vector<16xf32>
        %get3A_1970 = arith.constant 0 : i32
        %get3A_1971 = arith.constant 0 : i32
        %get3A_1972 = tpu.memref_slice %arg8[%scan3A_607, %get3A_1970, %get3A_1971] : memref<4x200x64xf32, #tpu.memory_space<vmem>> -> memref<1x200x64xf32, #tpu.memory_space<vmem>>
        %get3A_1973 = tpu.memref_squeeze %get3A_1972 : memref<1x200x64xf32, #tpu.memory_space<vmem>> -> memref<200x64xf32, #tpu.memory_space<vmem>>
        %get3A_1974 = arith.index_cast %scan3A_1948 : i32 to index
        %get3A_1975 = arith.constant 32 : index
        %get3A_1976 = tpu.vector_load %get3A_1973[%get3A_1974, %get3A_1975] {strides = array<i32>} : memref<200x64xf32, #tpu.memory_space<vmem>>, vector<1x16xf32>,
        %get3A_1977 = vector.shape_cast %get3A_1976 : vector<1x16xf32> to vector<16xf32>
        %max3A_1978 = arith.maximumf %scan3A_1951, %get3A_1977 : vector<16xf32>
        %get3A_1979 = arith.constant 0 : i32
        %get3A_1980 = arith.constant 0 : i32
        %get3A_1981 = tpu.memref_slice %arg8[%scan3A_607, %get3A_1979, %get3A_1980] : memref<4x200x64xf32, #tpu.memory_space<vmem>> -> memref<1x200x64xf32, #tpu.memory_space<vmem>>
        %get3A_1982 = tpu.memref_squeeze %get3A_1981 : memref<1x200x64xf32, #tpu.memory_space<vmem>> -> memref<200x64xf32, #tpu.memory_space<vmem>>
        %get3A_1983 = arith.index_cast %scan3A_1948 : i32 to index
        %get3A_1984 = arith.constant 48 : index
        %get3A_1985 = tpu.vector_load %get3A_1982[%get3A_1983, %get3A_1984] {strides = array<i32>} : memref<200x64xf32, #tpu.memory_space<vmem>>, vector<1x16xf32>,
        %get3A_1986 = vector.shape_cast %get3A_1985 : vector<1x16xf32> to vector<16xf32>
        %max3A_1987 = arith.maximumf %scan3A_1952, %get3A_1986 : vector<16xf32>
        %scan3A_1988 = arith.constant 1 : i32
        %scan3A_1989 = arith.addi %scan3A_1948, %scan3A_1988 : i32
        %get3A_1990 = arith.constant 0 : i32
        %get3A_1991 = arith.constant 0 : i32
        %get3A_1992 = tpu.memref_slice %arg8[%scan3A_607, %get3A_1990, %get3A_1991] : memref<4x200x64xf32, #tpu.memory_space<vmem>> -> memref<1x200x64xf32, #tpu.memory_space<vmem>>
        %get3A_1993 = tpu.memref_squeeze %get3A_1992 : memref<1x200x64xf32, #tpu.memory_space<vmem>> -> memref<200x64xf32, #tpu.memory_space<vmem>>
        %get3A_1994 = arith.index_cast %scan3A_1989 : i32 to index
        %get3A_1995 = arith.constant 0 : index
        %get3A_1996 = tpu.vector_load %get3A_1993[%get3A_1994, %get3A_1995] {strides = array<i32>} : memref<200x64xf32, #tpu.memory_space<vmem>>, vector<1x16xf32>,
        %get3A_1997 = vector.shape_cast %get3A_1996 : vector<1x16xf32> to vector<16xf32>
        %max3A_1998 = arith.maximumf %max3A, %get3A_1997 : vector<16xf32>
        %get3A_1999 = arith.constant 0 : i32
        %get3A_2000 = arith.constant 0 : i32
        %get3A_2001 = tpu.memref_slice %arg8[%scan3A_607, %get3A_1999, %get3A_2000] : memref<4x200x64xf32, #tpu.memory_space<vmem>> -> memref<1x200x64xf32, #tpu.memory_space<vmem>>
        %get3A_2002 = tpu.memref_squeeze %get3A_2001 : memref<1x200x64xf32, #tpu.memory_space<vmem>> -> memref<200x64xf32, #tpu.memory_space<vmem>>
        %get3A_2003 = arith.index_cast %scan3A_1989 : i32 to index
        %get3A_2004 = arith.constant 16 : index
        %get3A_2005 = tpu.vector_load %get3A_2002[%get3A_2003, %get3A_2004] {strides = array<i32>} : memref<200x64xf32, #tpu.memory_space<vmem>>, vector<1x16xf32>,
        %get3A_2006 = vector.shape_cast %get3A_2005 : vector<1x16xf32> to vector<16xf32>
        %max3A_2007 = arith.maximumf %max3A_1969, %get3A_2006 : vector<16xf32>
        %get3A_2008 = arith.constant 0 : i32
        %get3A_2009 = arith.constant 0 : i32
        %get3A_2010 = tpu.memref_slice %arg8[%scan3A_607, %get3A_2008, %get3A_2009] : memref<4x200x64xf32, #tpu.memory_space<vmem>> -> memref<1x200x64xf32, #tpu.memory_space<vmem>>
        %get3A_2011 = tpu.memref_squeeze %get3A_2010 : memref<1x200x64xf32, #tpu.memory_space<vmem>> -> memref<200x64xf32, #tpu.memory_space<vmem>>
        %get3A_2012 = arith.index_cast %scan3A_1989 : i32 to index
        %get3A_2013 = arith.constant 32 : index
        %get3A_2014 = tpu.vector_load %get3A_2011[%get3A_2012, %get3A_2013] {strides = array<i32>} : memref<200x64xf32, #tpu.memory_space<vmem>>, vector<1x16xf32>,
        %get3A_2015 = vector.shape_cast %get3A_2014 : vector<1x16xf32> to vector<16xf32>
        %max3A_2016 = arith.maximumf %max3A_1978, %get3A_2015 : vector<16xf32>
        %get3A_2017 = arith.constant 0 : i32
        %get3A_2018 = arith.constant 0 : i32
        %get3A_2019 = tpu.memref_slice %arg8[%scan3A_607, %get3A_2017, %get3A_2018] : memref<4x200x64xf32, #tpu.memory_space<vmem>> -> memref<1x200x64xf32, #tpu.memory_space<vmem>>
        %get3A_2020 = tpu.memref_squeeze %get3A_2019 : memref<1x200x64xf32, #tpu.memory_space<vmem>> -> memref<200x64xf32, #tpu.memory_space<vmem>>
        %get3A_2021 = arith.index_cast %scan3A_1989 : i32 to index
        %get3A_2022 = arith.constant 48 : index
        %get3A_2023 = tpu.vector_load %get3A_2020[%get3A_2021, %get3A_2022] {strides = array<i32>} : memref<200x64xf32, #tpu.memory_space<vmem>>, vector<1x16xf32>,
        %get3A_2024 = vector.shape_cast %get3A_2023 : vector<1x16xf32> to vector<16xf32>
        %max3A_2025 = arith.maximumf %max3A_1987, %get3A_2024 : vector<16xf32>
        %scan3A_2026 = arith.constant 2 : i32
        %scan3A_2027 = arith.addi %scan3A_1948, %scan3A_2026 : i32
        %get3A_2028 = arith.constant 0 : i32
        %get3A_2029 = arith.constant 0 : i32
        %get3A_2030 = tpu.memref_slice %arg8[%scan3A_607, %get3A_2028, %get3A_2029] : memref<4x200x64xf32, #tpu.memory_space<vmem>> -> memref<1x200x64xf32, #tpu.memory_space<vmem>>
        %get3A_2031 = tpu.memref_squeeze %get3A_2030 : memref<1x200x64xf32, #tpu.memory_space<vmem>> -> memref<200x64xf32, #tpu.memory_space<vmem>>
        %get3A_2032 = arith.index_cast %scan3A_2027 : i32 to index
        %get3A_2033 = arith.constant 0 : index
        %get3A_2034 = tpu.vector_load %get3A_2031[%get3A_2032, %get3A_2033] {strides = array<i32>} : memref<200x64xf32, #tpu.memory_space<vmem>>, vector<1x16xf32>,
        %get3A_2035 = vector.shape_cast %get3A_2034 : vector<1x16xf32> to vector<16xf32>
        %max3A_2036 = arith.maximumf %max3A_1998, %get3A_2035 : vector<16xf32>
        %get3A_2037 = arith.constant 0 : i32
        %get3A_2038 = arith.constant 0 : i32
        %get3A_2039 = tpu.memref_slice %arg8[%scan3A_607, %get3A_2037, %get3A_2038] : memref<4x200x64xf32, #tpu.memory_space<vmem>> -> memref<1x200x64xf32, #tpu.memory_space<vmem>>
        %get3A_2040 = tpu.memref_squeeze %get3A_2039 : memref<1x200x64xf32, #tpu.memory_space<vmem>> -> memref<200x64xf32, #tpu.memory_space<vmem>>
        %get3A_2041 = arith.index_cast %scan3A_2027 : i32 to index
        %get3A_2042 = arith.constant 16 : index
        %get3A_2043 = tpu.vector_load %get3A_2040[%get3A_2041, %get3A_2042] {strides = array<i32>} : memref<200x64xf32, #tpu.memory_space<vmem>>, vector<1x16xf32>,
        %get3A_2044 = vector.shape_cast %get3A_2043 : vector<1x16xf32> to vector<16xf32>
        %max3A_2045 = arith.maximumf %max3A_2007, %get3A_2044 : vector<16xf32>
        %get3A_2046 = arith.constant 0 : i32
        %get3A_2047 = arith.constant 0 : i32
        %get3A_2048 = tpu.memref_slice %arg8[%scan3A_607, %get3A_2046, %get3A_2047] : memref<4x200x64xf32, #tpu.memory_space<vmem>> -> memref<1x200x64xf32, #tpu.memory_space<vmem>>
        %get3A_2049 = tpu.memref_squeeze %get3A_2048 : memref<1x200x64xf32, #tpu.memory_space<vmem>> -> memref<200x64xf32, #tpu.memory_space<vmem>>
        %get3A_2050 = arith.index_cast %scan3A_2027 : i32 to index
        %get3A_2051 = arith.constant 32 : index
        %get3A_2052 = tpu.vector_load %get3A_2049[%get3A_2050, %get3A_2051] {strides = array<i32>} : memref<200x64xf32, #tpu.memory_space<vmem>>, vector<1x16xf32>,
        %get3A_2053 = vector.shape_cast %get3A_2052 : vector<1x16xf32> to vector<16xf32>
        %max3A_2054 = arith.maximumf %max3A_2016, %get3A_2053 : vector<16xf32>
        %get3A_2055 = arith.constant 0 : i32
        %get3A_2056 = arith.constant 0 : i32
        %get3A_2057 = tpu.memref_slice %arg8[%scan3A_607, %get3A_2055, %get3A_2056] : memref<4x200x64xf32, #tpu.memory_space<vmem>> -> memref<1x200x64xf32, #tpu.memory_space<vmem>>
        %get3A_2058 = tpu.memref_squeeze %get3A_2057 : memref<1x200x64xf32, #tpu.memory_space<vmem>> -> memref<200x64xf32, #tpu.memory_space<vmem>>
        %get3A_2059 = arith.index_cast %scan3A_2027 : i32 to index
        %get3A_2060 = arith.constant 48 : index
        %get3A_2061 = tpu.vector_load %get3A_2058[%get3A_2059, %get3A_2060] {strides = array<i32>} : memref<200x64xf32, #tpu.memory_space<vmem>>, vector<1x16xf32>,
        %get3A_2062 = vector.shape_cast %get3A_2061 : vector<1x16xf32> to vector<16xf32>
        %max3A_2063 = arith.maximumf %max3A_2025, %get3A_2062 : vector<16xf32>
        %scan3A_2064 = arith.constant 3 : i32
        %scan3A_2065 = arith.addi %scan3A_1948, %scan3A_2064 : i32
        %get3A_2066 = arith.constant 0 : i32
        %get3A_2067 = arith.constant 0 : i32
        %get3A_2068 = tpu.memref_slice %arg8[%scan3A_607, %get3A_2066, %get3A_2067] : memref<4x200x64xf32, #tpu.memory_space<vmem>> -> memref<1x200x64xf32, #tpu.memory_space<vmem>>
        %get3A_2069 = tpu.memref_squeeze %get3A_2068 : memref<1x200x64xf32, #tpu.memory_space<vmem>> -> memref<200x64xf32, #tpu.memory_space<vmem>>
        %get3A_2070 = arith.index_cast %scan3A_2065 : i32 to index
        %get3A_2071 = arith.constant 0 : index
        %get3A_2072 = tpu.vector_load %get3A_2069[%get3A_2070, %get3A_2071] {strides = array<i32>} : memref<200x64xf32, #tpu.memory_space<vmem>>, vector<1x16xf32>,
        %get3A_2073 = vector.shape_cast %get3A_2072 : vector<1x16xf32> to vector<16xf32>
        %max3A_2074 = arith.maximumf %max3A_2036, %get3A_2073 : vector<16xf32>
        %get3A_2075 = arith.constant 0 : i32
        %get3A_2076 = arith.constant 0 : i32
        %get3A_2077 = tpu.memref_slice %arg8[%scan3A_607, %get3A_2075, %get3A_2076] : memref<4x200x64xf32, #tpu.memory_space<vmem>> -> memref<1x200x64xf32, #tpu.memory_space<vmem>>
        %get3A_2078 = tpu.memref_squeeze %get3A_2077 : memref<1x200x64xf32, #tpu.memory_space<vmem>> -> memref<200x64xf32, #tpu.memory_space<vmem>>
        %get3A_2079 = arith.index_cast %scan3A_2065 : i32 to index
        %get3A_2080 = arith.constant 16 : index
        %get3A_2081 = tpu.vector_load %get3A_2078[%get3A_2079, %get3A_2080] {strides = array<i32>} : memref<200x64xf32, #tpu.memory_space<vmem>>, vector<1x16xf32>,
        %get3A_2082 = vector.shape_cast %get3A_2081 : vector<1x16xf32> to vector<16xf32>
        %max3A_2083 = arith.maximumf %max3A_2045, %get3A_2082 : vector<16xf32>
        %get3A_2084 = arith.constant 0 : i32
        %get3A_2085 = arith.constant 0 : i32
        %get3A_2086 = tpu.memref_slice %arg8[%scan3A_607, %get3A_2084, %get3A_2085] : memref<4x200x64xf32, #tpu.memory_space<vmem>> -> memref<1x200x64xf32, #tpu.memory_space<vmem>>
        %get3A_2087 = tpu.memref_squeeze %get3A_2086 : memref<1x200x64xf32, #tpu.memory_space<vmem>> -> memref<200x64xf32, #tpu.memory_space<vmem>>
        %get3A_2088 = arith.index_cast %scan3A_2065 : i32 to index
        %get3A_2089 = arith.constant 32 : index
        %get3A_2090 = tpu.vector_load %get3A_2087[%get3A_2088, %get3A_2089] {strides = array<i32>} : memref<200x64xf32, #tpu.memory_space<vmem>>, vector<1x16xf32>,
        %get3A_2091 = vector.shape_cast %get3A_2090 : vector<1x16xf32> to vector<16xf32>
        %max3A_2092 = arith.maximumf %max3A_2054, %get3A_2091 : vector<16xf32>
        %get3A_2093 = arith.constant 0 : i32
        %get3A_2094 = arith.constant 0 : i32
        %get3A_2095 = tpu.memref_slice %arg8[%scan3A_607, %get3A_2093, %get3A_2094] : memref<4x200x64xf32, #tpu.memory_space<vmem>> -> memref<1x200x64xf32, #tpu.memory_space<vmem>>
        %get3A_2096 = tpu.memref_squeeze %get3A_2095 : memref<1x200x64xf32, #tpu.memory_space<vmem>> -> memref<200x64xf32, #tpu.memory_space<vmem>>
        %get3A_2097 = arith.index_cast %scan3A_2065 : i32 to index
        %get3A_2098 = arith.constant 48 : index
        %get3A_2099 = tpu.vector_load %get3A_2096[%get3A_2097, %get3A_2098] {strides = array<i32>} : memref<200x64xf32, #tpu.memory_space<vmem>>, vector<1x16xf32>,
        %get3A_2100 = vector.shape_cast %get3A_2099 : vector<1x16xf32> to vector<16xf32>
        %max3A_2101 = arith.maximumf %max3A_2063, %get3A_2100 : vector<16xf32>
        %scan3A_2102 = arith.constant 4 : i32
        %scan3A_2103 = arith.addi %scan3A_1948, %scan3A_2102 : i32
        %get3A_2104 = arith.constant 0 : i32
        %get3A_2105 = arith.constant 0 : i32
        %get3A_2106 = tpu.memref_slice %arg8[%scan3A_607, %get3A_2104, %get3A_2105] : memref<4x200x64xf32, #tpu.memory_space<vmem>> -> memref<1x200x64xf32, #tpu.memory_space<vmem>>
        %get3A_2107 = tpu.memref_squeeze %get3A_2106 : memref<1x200x64xf32, #tpu.memory_space<vmem>> -> memref<200x64xf32, #tpu.memory_space<vmem>>
        %get3A_2108 = arith.index_cast %scan3A_2103 : i32 to index
        %get3A_2109 = arith.constant 0 : index
        %get3A_2110 = tpu.vector_load %get3A_2107[%get3A_2108, %get3A_2109] {strides = array<i32>} : memref<200x64xf32, #tpu.memory_space<vmem>>, vector<1x16xf32>,
        %get3A_2111 = vector.shape_cast %get3A_2110 : vector<1x16xf32> to vector<16xf32>
        %max3A_2112 = arith.maximumf %max3A_2074, %get3A_2111 : vector<16xf32>
        %get3A_2113 = arith.constant 0 : i32
        %get3A_2114 = arith.constant 0 : i32
        %get3A_2115 = tpu.memref_slice %arg8[%scan3A_607, %get3A_2113, %get3A_2114] : memref<4x200x64xf32, #tpu.memory_space<vmem>> -> memref<1x200x64xf32, #tpu.memory_space<vmem>>
        %get3A_2116 = tpu.memref_squeeze %get3A_2115 : memref<1x200x64xf32, #tpu.memory_space<vmem>> -> memref<200x64xf32, #tpu.memory_space<vmem>>
        %get3A_2117 = arith.index_cast %scan3A_2103 : i32 to index
        %get3A_2118 = arith.constant 16 : index
        %get3A_2119 = tpu.vector_load %get3A_2116[%get3A_2117, %get3A_2118] {strides = array<i32>} : memref<200x64xf32, #tpu.memory_space<vmem>>, vector<1x16xf32>,
        %get3A_2120 = vector.shape_cast %get3A_2119 : vector<1x16xf32> to vector<16xf32>
        %max3A_2121 = arith.maximumf %max3A_2083, %get3A_2120 : vector<16xf32>
        %get3A_2122 = arith.constant 0 : i32
        %get3A_2123 = arith.constant 0 : i32
        %get3A_2124 = tpu.memref_slice %arg8[%scan3A_607, %get3A_2122, %get3A_2123] : memref<4x200x64xf32, #tpu.memory_space<vmem>> -> memref<1x200x64xf32, #tpu.memory_space<vmem>>
        %get3A_2125 = tpu.memref_squeeze %get3A_2124 : memref<1x200x64xf32, #tpu.memory_space<vmem>> -> memref<200x64xf32, #tpu.memory_space<vmem>>
        %get3A_2126 = arith.index_cast %scan3A_2103 : i32 to index
        %get3A_2127 = arith.constant 32 : index
        %get3A_2128 = tpu.vector_load %get3A_2125[%get3A_2126, %get3A_2127] {strides = array<i32>} : memref<200x64xf32, #tpu.memory_space<vmem>>, vector<1x16xf32>,
        %get3A_2129 = vector.shape_cast %get3A_2128 : vector<1x16xf32> to vector<16xf32>
        %max3A_2130 = arith.maximumf %max3A_2092, %get3A_2129 : vector<16xf32>
        %get3A_2131 = arith.constant 0 : i32
        %get3A_2132 = arith.constant 0 : i32
        %get3A_2133 = tpu.memref_slice %arg8[%scan3A_607, %get3A_2131, %get3A_2132] : memref<4x200x64xf32, #tpu.memory_space<vmem>> -> memref<1x200x64xf32, #tpu.memory_space<vmem>>
        %get3A_2134 = tpu.memref_squeeze %get3A_2133 : memref<1x200x64xf32, #tpu.memory_space<vmem>> -> memref<200x64xf32, #tpu.memory_space<vmem>>
        %get3A_2135 = arith.index_cast %scan3A_2103 : i32 to index
        %get3A_2136 = arith.constant 48 : index
        %get3A_2137 = tpu.vector_load %get3A_2134[%get3A_2135, %get3A_2136] {strides = array<i32>} : memref<200x64xf32, #tpu.memory_space<vmem>>, vector<1x16xf32>,
        %get3A_2138 = vector.shape_cast %get3A_2137 : vector<1x16xf32> to vector<16xf32>
        %max3A_2139 = arith.maximumf %max3A_2101, %get3A_2138 : vector<16xf32>
        %scan3A_2140 = arith.constant 5 : i32
        %scan3A_2141 = arith.addi %scan3A_1948, %scan3A_2140 : i32
        %get3A_2142 = arith.constant 0 : i32
        %get3A_2143 = arith.constant 0 : i32
        %get3A_2144 = tpu.memref_slice %arg8[%scan3A_607, %get3A_2142, %get3A_2143] : memref<4x200x64xf32, #tpu.memory_space<vmem>> -> memref<1x200x64xf32, #tpu.memory_space<vmem>>
        %get3A_2145 = tpu.memref_squeeze %get3A_2144 : memref<1x200x64xf32, #tpu.memory_space<vmem>> -> memref<200x64xf32, #tpu.memory_space<vmem>>
        %get3A_2146 = arith.index_cast %scan3A_2141 : i32 to index
        %get3A_2147 = arith.constant 0 : index
        %get3A_2148 = tpu.vector_load %get3A_2145[%get3A_2146, %get3A_2147] {strides = array<i32>} : memref<200x64xf32, #tpu.memory_space<vmem>>, vector<1x16xf32>,
        %get3A_2149 = vector.shape_cast %get3A_2148 : vector<1x16xf32> to vector<16xf32>
        %max3A_2150 = arith.maximumf %max3A_2112, %get3A_2149 : vector<16xf32>
        %get3A_2151 = arith.constant 0 : i32
        %get3A_2152 = arith.constant 0 : i32
        %get3A_2153 = tpu.memref_slice %arg8[%scan3A_607, %get3A_2151, %get3A_2152] : memref<4x200x64xf32, #tpu.memory_space<vmem>> -> memref<1x200x64xf32, #tpu.memory_space<vmem>>
        %get3A_2154 = tpu.memref_squeeze %get3A_2153 : memref<1x200x64xf32, #tpu.memory_space<vmem>> -> memref<200x64xf32, #tpu.memory_space<vmem>>
        %get3A_2155 = arith.index_cast %scan3A_2141 : i32 to index
        %get3A_2156 = arith.constant 16 : index
        %get3A_2157 = tpu.vector_load %get3A_2154[%get3A_2155, %get3A_2156] {strides = array<i32>} : memref<200x64xf32, #tpu.memory_space<vmem>>, vector<1x16xf32>,
        %get3A_2158 = vector.shape_cast %get3A_2157 : vector<1x16xf32> to vector<16xf32>
        %max3A_2159 = arith.maximumf %max3A_2121, %get3A_2158 : vector<16xf32>
        %get3A_2160 = arith.constant 0 : i32
        %get3A_2161 = arith.constant 0 : i32
        %get3A_2162 = tpu.memref_slice %arg8[%scan3A_607, %get3A_2160, %get3A_2161] : memref<4x200x64xf32, #tpu.memory_space<vmem>> -> memref<1x200x64xf32, #tpu.memory_space<vmem>>
        %get3A_2163 = tpu.memref_squeeze %get3A_2162 : memref<1x200x64xf32, #tpu.memory_space<vmem>> -> memref<200x64xf32, #tpu.memory_space<vmem>>
        %get3A_2164 = arith.index_cast %scan3A_2141 : i32 to index
        %get3A_2165 = arith.constant 32 : index
        %get3A_2166 = tpu.vector_load %get3A_2163[%get3A_2164, %get3A_2165] {strides = array<i32>} : memref<200x64xf32, #tpu.memory_space<vmem>>, vector<1x16xf32>,
        %get3A_2167 = vector.shape_cast %get3A_2166 : vector<1x16xf32> to vector<16xf32>
        %max3A_2168 = arith.maximumf %max3A_2130, %get3A_2167 : vector<16xf32>
        %get3A_2169 = arith.constant 0 : i32
        %get3A_2170 = arith.constant 0 : i32
        %get3A_2171 = tpu.memref_slice %arg8[%scan3A_607, %get3A_2169, %get3A_2170] : memref<4x200x64xf32, #tpu.memory_space<vmem>> -> memref<1x200x64xf32, #tpu.memory_space<vmem>>
        %get3A_2172 = tpu.memref_squeeze %get3A_2171 : memref<1x200x64xf32, #tpu.memory_space<vmem>> -> memref<200x64xf32, #tpu.memory_space<vmem>>
        %get3A_2173 = arith.index_cast %scan3A_2141 : i32 to index
        %get3A_2174 = arith.constant 48 : index
        %get3A_2175 = tpu.vector_load %get3A_2172[%get3A_2173, %get3A_2174] {strides = array<i32>} : memref<200x64xf32, #tpu.memory_space<vmem>>, vector<1x16xf32>,
        %get3A_2176 = vector.shape_cast %get3A_2175 : vector<1x16xf32> to vector<16xf32>
        %max3A_2177 = arith.maximumf %max3A_2139, %get3A_2176 : vector<16xf32>
        %scan3A_2178 = arith.constant 6 : i32
        %scan3A_2179 = arith.addi %scan3A_1948, %scan3A_2178 : i32
        %get3A_2180 = arith.constant 0 : i32
        %get3A_2181 = arith.constant 0 : i32
        %get3A_2182 = tpu.memref_slice %arg8[%scan3A_607, %get3A_2180, %get3A_2181] : memref<4x200x64xf32, #tpu.memory_space<vmem>> -> memref<1x200x64xf32, #tpu.memory_space<vmem>>
        %get3A_2183 = tpu.memref_squeeze %get3A_2182 : memref<1x200x64xf32, #tpu.memory_space<vmem>> -> memref<200x64xf32, #tpu.memory_space<vmem>>
        %get3A_2184 = arith.index_cast %scan3A_2179 : i32 to index
        %get3A_2185 = arith.constant 0 : index
        %get3A_2186 = tpu.vector_load %get3A_2183[%get3A_2184, %get3A_2185] {strides = array<i32>} : memref<200x64xf32, #tpu.memory_space<vmem>>, vector<1x16xf32>,
        %get3A_2187 = vector.shape_cast %get3A_2186 : vector<1x16xf32> to vector<16xf32>
        %max3A_2188 = arith.maximumf %max3A_2150, %get3A_2187 : vector<16xf32>
        %get3A_2189 = arith.constant 0 : i32
        %get3A_2190 = arith.constant 0 : i32
        %get3A_2191 = tpu.memref_slice %arg8[%scan3A_607, %get3A_2189, %get3A_2190] : memref<4x200x64xf32, #tpu.memory_space<vmem>> -> memref<1x200x64xf32, #tpu.memory_space<vmem>>
        %get3A_2192 = tpu.memref_squeeze %get3A_2191 : memref<1x200x64xf32, #tpu.memory_space<vmem>> -> memref<200x64xf32, #tpu.memory_space<vmem>>
        %get3A_2193 = arith.index_cast %scan3A_2179 : i32 to index
        %get3A_2194 = arith.constant 16 : index
        %get3A_2195 = tpu.vector_load %get3A_2192[%get3A_2193, %get3A_2194] {strides = array<i32>} : memref<200x64xf32, #tpu.memory_space<vmem>>, vector<1x16xf32>,
        %get3A_2196 = vector.shape_cast %get3A_2195 : vector<1x16xf32> to vector<16xf32>
        %max3A_2197 = arith.maximumf %max3A_2159, %get3A_2196 : vector<16xf32>
        %get3A_2198 = arith.constant 0 : i32
        %get3A_2199 = arith.constant 0 : i32
        %get3A_2200 = tpu.memref_slice %arg8[%scan3A_607, %get3A_2198, %get3A_2199] : memref<4x200x64xf32, #tpu.memory_space<vmem>> -> memref<1x200x64xf32, #tpu.memory_space<vmem>>
        %get3A_2201 = tpu.memref_squeeze %get3A_2200 : memref<1x200x64xf32, #tpu.memory_space<vmem>> -> memref<200x64xf32, #tpu.memory_space<vmem>>
        %get3A_2202 = arith.index_cast %scan3A_2179 : i32 to index
        %get3A_2203 = arith.constant 32 : index
        %get3A_2204 = tpu.vector_load %get3A_2201[%get3A_2202, %get3A_2203] {strides = array<i32>} : memref<200x64xf32, #tpu.memory_space<vmem>>, vector<1x16xf32>,
        %get3A_2205 = vector.shape_cast %get3A_2204 : vector<1x16xf32> to vector<16xf32>
        %max3A_2206 = arith.maximumf %max3A_2168, %get3A_2205 : vector<16xf32>
        %get3A_2207 = arith.constant 0 : i32
        %get3A_2208 = arith.constant 0 : i32
        %get3A_2209 = tpu.memref_slice %arg8[%scan3A_607, %get3A_2207, %get3A_2208] : memref<4x200x64xf32, #tpu.memory_space<vmem>> -> memref<1x200x64xf32, #tpu.memory_space<vmem>>
        %get3A_2210 = tpu.memref_squeeze %get3A_2209 : memref<1x200x64xf32, #tpu.memory_space<vmem>> -> memref<200x64xf32, #tpu.memory_space<vmem>>
        %get3A_2211 = arith.index_cast %scan3A_2179 : i32 to index
        %get3A_2212 = arith.constant 48 : index
        %get3A_2213 = tpu.vector_load %get3A_2210[%get3A_2211, %get3A_2212] {strides = array<i32>} : memref<200x64xf32, #tpu.memory_space<vmem>>, vector<1x16xf32>,
        %get3A_2214 = vector.shape_cast %get3A_2213 : vector<1x16xf32> to vector<16xf32>
        %max3A_2215 = arith.maximumf %max3A_2177, %get3A_2214 : vector<16xf32>
        %scan3A_2216 = arith.constant 7 : i32
        %scan3A_2217 = arith.addi %scan3A_1948, %scan3A_2216 : i32
        %get3A_2218 = arith.constant 0 : i32
        %get3A_2219 = arith.constant 0 : i32
        %get3A_2220 = tpu.memref_slice %arg8[%scan3A_607, %get3A_2218, %get3A_2219] : memref<4x200x64xf32, #tpu.memory_space<vmem>> -> memref<1x200x64xf32, #tpu.memory_space<vmem>>
        %get3A_2221 = tpu.memref_squeeze %get3A_2220 : memref<1x200x64xf32, #tpu.memory_space<vmem>> -> memref<200x64xf32, #tpu.memory_space<vmem>>
        %get3A_2222 = arith.index_cast %scan3A_2217 : i32 to index
        %get3A_2223 = arith.constant 0 : index
        %get3A_2224 = tpu.vector_load %get3A_2221[%get3A_2222, %get3A_2223] {strides = array<i32>} : memref<200x64xf32, #tpu.memory_space<vmem>>, vector<1x16xf32>,
        %get3A_2225 = vector.shape_cast %get3A_2224 : vector<1x16xf32> to vector<16xf32>
        %max3A_2226 = arith.maximumf %max3A_2188, %get3A_2225 : vector<16xf32>
        %get3A_2227 = arith.constant 0 : i32
        %get3A_2228 = arith.constant 0 : i32
        %get3A_2229 = tpu.memref_slice %arg8[%scan3A_607, %get3A_2227, %get3A_2228] : memref<4x200x64xf32, #tpu.memory_space<vmem>> -> memref<1x200x64xf32, #tpu.memory_space<vmem>>
        %get3A_2230 = tpu.memref_squeeze %get3A_2229 : memref<1x200x64xf32, #tpu.memory_space<vmem>> -> memref<200x64xf32, #tpu.memory_space<vmem>>
        %get3A_2231 = arith.index_cast %scan3A_2217 : i32 to index
        %get3A_2232 = arith.constant 16 : index
        %get3A_2233 = tpu.vector_load %get3A_2230[%get3A_2231, %get3A_2232] {strides = array<i32>} : memref<200x64xf32, #tpu.memory_space<vmem>>, vector<1x16xf32>,
        %get3A_2234 = vector.shape_cast %get3A_2233 : vector<1x16xf32> to vector<16xf32>
        %max3A_2235 = arith.maximumf %max3A_2197, %get3A_2234 : vector<16xf32>
        %get3A_2236 = arith.constant 0 : i32
        %get3A_2237 = arith.constant 0 : i32
        %get3A_2238 = tpu.memref_slice %arg8[%scan3A_607, %get3A_2236, %get3A_2237] : memref<4x200x64xf32, #tpu.memory_space<vmem>> -> memref<1x200x64xf32, #tpu.memory_space<vmem>>
        %get3A_2239 = tpu.memref_squeeze %get3A_2238 : memref<1x200x64xf32, #tpu.memory_space<vmem>> -> memref<200x64xf32, #tpu.memory_space<vmem>>
        %get3A_2240 = arith.index_cast %scan3A_2217 : i32 to index
        %get3A_2241 = arith.constant 32 : index
        %get3A_2242 = tpu.vector_load %get3A_2239[%get3A_2240, %get3A_2241] {strides = array<i32>} : memref<200x64xf32, #tpu.memory_space<vmem>>, vector<1x16xf32>,
        %get3A_2243 = vector.shape_cast %get3A_2242 : vector<1x16xf32> to vector<16xf32>
        %max3A_2244 = arith.maximumf %max3A_2206, %get3A_2243 : vector<16xf32>
        %get3A_2245 = arith.constant 0 : i32
        %get3A_2246 = arith.constant 0 : i32
        %get3A_2247 = tpu.memref_slice %arg8[%scan3A_607, %get3A_2245, %get3A_2246] : memref<4x200x64xf32, #tpu.memory_space<vmem>> -> memref<1x200x64xf32, #tpu.memory_space<vmem>>
        %get3A_2248 = tpu.memref_squeeze %get3A_2247 : memref<1x200x64xf32, #tpu.memory_space<vmem>> -> memref<200x64xf32, #tpu.memory_space<vmem>>
        %get3A_2249 = arith.index_cast %scan3A_2217 : i32 to index
        %get3A_2250 = arith.constant 48 : index
        %get3A_2251 = tpu.vector_load %get3A_2248[%get3A_2249, %get3A_2250] {strides = array<i32>} : memref<200x64xf32, #tpu.memory_space<vmem>>, vector<1x16xf32>,
        %get3A_2252 = vector.shape_cast %get3A_2251 : vector<1x16xf32> to vector<16xf32>
        %max3A_2253 = arith.maximumf %max3A_2215, %get3A_2252 : vector<16xf32>
        scf.yield %max3A_2226, %max3A_2235, %max3A_2244, %max3A_2253 : vector<16xf32>, vector<16xf32>, vector<16xf32>, vector<16xf32>
      }
      %scan3A_613 = arith.constant 200 : i32
      %get3A_614 = arith.constant 0 : i32
      %get3A_615 = arith.index_cast %get3A_614 : i32 to index
      %get3A_616 = arith.constant 0 : index
      %get3A_617 = tpu.vector_load %arg9[%get3A_615, %get3A_616] {strides = array<i32>} : memref<2x64xf32, #tpu.memory_space<vmem>>, vector<1x16xf32>,
      %get3A_618 = vector.shape_cast %get3A_617 : vector<1x16xf32> to vector<16xf32>
      %mul3A_619 = arith.mulf %scan3A_612#0, %get3A_618 : vector<16xf32>
      %get3A_620 = arith.constant 0 : i32
      %get3A_621 = arith.index_cast %get3A_620 : i32 to index
      %get3A_622 = arith.constant 16 : index
      %get3A_623 = tpu.vector_load %arg9[%get3A_621, %get3A_622] {strides = array<i32>} : memref<2x64xf32, #tpu.memory_space<vmem>>, vector<1x16xf32>,
      %get3A_624 = vector.shape_cast %get3A_623 : vector<1x16xf32> to vector<16xf32>
      %mul3A_625 = arith.mulf %scan3A_612#1, %get3A_624 : vector<16xf32>
      %add3A_626 = arith.addf %mul3A_619, %mul3A_625 : vector<16xf32>
      %get3A_627 = arith.constant 0 : i32
      %get3A_628 = arith.index_cast %get3A_627 : i32 to index
      %get3A_629 = arith.constant 32 : index
      %get3A_630 = tpu.vector_load %arg9[%get3A_628, %get3A_629] {strides = array<i32>} : memref<2x64xf32, #tpu.memory_space<vmem>>, vector<1x16xf32>,
      %get3A_631 = vector.shape_cast %get3A_630 : vector<1x16xf32> to vector<16xf32>
      %mul3A_632 = arith.mulf %scan3A_612#2, %get3A_631 : vector<16xf32>
      %add3A_633 = arith.addf %add3A_626, %mul3A_632 : vector<16xf32>
      %get3A_634 = arith.constant 0 : i32
      %get3A_635 = arith.index_cast %get3A_634 : i32 to index
      %get3A_636 = arith.constant 48 : index
      %get3A_637 = tpu.vector_load %arg9[%get3A_635, %get3A_636] {strides = array<i32>} : memref<2x64xf32, #tpu.memory_space<vmem>>, vector<1x16xf32>,
      %get3A_638 = vector.shape_cast %get3A_637 : vector<1x16xf32> to vector<16xf32>
      %mul3A_639 = arith.mulf %scan3A_612#3, %get3A_638 : vector<16xf32>
      %add3A_640 = arith.addf %add3A_633, %mul3A_639 : vector<16xf32>
      %xor3A = arith.constant 8 : i32
      %xor3A_641 = vector.broadcast %xor3A : i32 to vector<16xi32>
      %xor3A_642 = arith.xori %iota3A, %xor3A_641 : vector<16xi32>
      %reshape3A = vector.shape_cast %xor3A_642 : vector<16xi32> to vector<16x1xi32>
      %gather3A = vector.shape_cast %reshape3A : vector<16x1xi32> to vector<16xi32>
      %gather3A_643 = tpu.dynamic_gather %add3A_640[%gather3A] in [0] : vector<16xf32>, vector<16xi32> -> vector<16xf32>
      %add3A_644 = arith.addf %add3A_640, %gather3A_643 : vector<16xf32>
      %xor3A_645 = arith.constant 4 : i32
      %xor3A_646 = vector.broadcast %xor3A_645 : i32 to vector<16xi32>
      %xor3A_647 = arith.xori %iota3A, %xor3A_646 : vector<16xi32>
      %reshape3A_648 = vector.shape_cast %xor3A_647 : vector<16xi32> to vector<16x1xi32>
      %gather3A_649 = vector.shape_cast %reshape3A_648 : vector<16x1xi32> to vector<16xi32>
      %gather3A_650 = tpu.dynamic_gather %add3A_644[%gather3A_649] in [0] : vector<16xf32>, vector<16xi32> -> vector<16xf32>
      %add3A_651 = arith.addf %add3A_644, %gather3A_650 : vector<16xf32>
      %xor3A_652 = arith.constant 2 : i32
      %xor3A_653 = vector.broadcast %xor3A_652 : i32 to vector<16xi32>
      %xor3A_654 = arith.xori %iota3A, %xor3A_653 : vector<16xi32>
      %reshape3A_655 = vector.shape_cast %xor3A_654 : vector<16xi32> to vector<16x1xi32>
      %gather3A_656 = vector.shape_cast %reshape3A_655 : vector<16x1xi32> to vector<16xi32>
      %gather3A_657 = tpu.dynamic_gather %add3A_651[%gather3A_656] in [0] : vector<16xf32>, vector<16xi32> -> vector<16xf32>
      %add3A_658 = arith.addf %add3A_651, %gather3A_657 : vector<16xf32>
      %xor3A_659 = arith.constant 1 : i32
      %xor3A_660 = vector.broadcast %xor3A_659 : i32 to vector<16xi32>
      %xor3A_661 = arith.xori %iota3A, %xor3A_660 : vector<16xi32>
      %reshape3A_662 = vector.shape_cast %xor3A_661 : vector<16xi32> to vector<16x1xi32>
      %gather3A_663 = vector.shape_cast %reshape3A_662 : vector<16x1xi32> to vector<16xi32>
      %gather3A_664 = tpu.dynamic_gather %add3A_658[%gather3A_663] in [0] : vector<16xf32>, vector<16xi32> -> vector<16xf32>
      %add3A_665 = arith.addf %add3A_658, %gather3A_664 : vector<16xf32>
      %eq3A = arith.constant 0 : i32
      %eq3A_666 = vector.broadcast %eq3A : i32 to vector<16xi32>
      %eq3A_667 = arith.cmpi eq, %iota3A, %eq3A_666 : vector<16xi32>
      %select_n3A = arith.select %eq3A_667, %add3A_665, %broadcast_in_dim3A_579 : vector<16xi1>, vector<16xf32>
      %get3A_668 = arith.constant 1 : i32
      %get3A_669 = arith.index_cast %get3A_668 : i32 to index
      %get3A_670 = arith.constant 0 : index
      %get3A_671 = tpu.vector_load %arg9[%get3A_669, %get3A_670] {strides = array<i32>} : memref<2x64xf32, #tpu.memory_space<vmem>>, vector<1x16xf32>,
      %get3A_672 = vector.shape_cast %get3A_671 : vector<1x16xf32> to vector<16xf32>
      %mul3A_673 = arith.mulf %scan3A_612#0, %get3A_672 : vector<16xf32>
      %get3A_674 = arith.constant 1 : i32
      %get3A_675 = arith.index_cast %get3A_674 : i32 to index
      %get3A_676 = arith.constant 16 : index
      %get3A_677 = tpu.vector_load %arg9[%get3A_675, %get3A_676] {strides = array<i32>} : memref<2x64xf32, #tpu.memory_space<vmem>>, vector<1x16xf32>,
      %get3A_678 = vector.shape_cast %get3A_677 : vector<1x16xf32> to vector<16xf32>
      %mul3A_679 = arith.mulf %scan3A_612#1, %get3A_678 : vector<16xf32>
      %add3A_680 = arith.addf %mul3A_673, %mul3A_679 : vector<16xf32>
      %get3A_681 = arith.constant 1 : i32
      %get3A_682 = arith.index_cast %get3A_681 : i32 to index
      %get3A_683 = arith.constant 32 : index
      %get3A_684 = tpu.vector_load %arg9[%get3A_682, %get3A_683] {strides = array<i32>} : memref<2x64xf32, #tpu.memory_space<vmem>>, vector<1x16xf32>,
      %get3A_685 = vector.shape_cast %get3A_684 : vector<1x16xf32> to vector<16xf32>
      %mul3A_686 = arith.mulf %scan3A_612#2, %get3A_685 : vector<16xf32>
      %add3A_687 = arith.addf %add3A_680, %mul3A_686 : vector<16xf32>
      %get3A_688 = arith.constant 1 : i32
      %get3A_689 = arith.index_cast %get3A_688 : i32 to index
      %get3A_690 = arith.constant 48 : index
      %get3A_691 = tpu.vector_load %arg9[%get3A_689, %get3A_690] {strides = array<i32>} : memref<2x64xf32, #tpu.memory_space<vmem>>, vector<1x16xf32>,
      %get3A_692 = vector.shape_cast %get3A_691 : vector<1x16xf32> to vector<16xf32>
      %mul3A_693 = arith.mulf %scan3A_612#3, %get3A_692 : vector<16xf32>
      %add3A_694 = arith.addf %add3A_687, %mul3A_693 : vector<16xf32>
      %xor3A_695 = arith.constant 8 : i32
      %xor3A_696 = vector.broadcast %xor3A_695 : i32 to vector<16xi32>
      %xor3A_697 = arith.xori %iota3A, %xor3A_696 : vector<16xi32>
      %reshape3A_698 = vector.shape_cast %xor3A_697 : vector<16xi32> to vector<16x1xi32>
      %gather3A_699 = vector.shape_cast %reshape3A_698 : vector<16x1xi32> to vector<16xi32>
      %gather3A_700 = tpu.dynamic_gather %add3A_694[%gather3A_699] in [0] : vector<16xf32>, vector<16xi32> -> vector<16xf32>
      %add3A_701 = arith.addf %add3A_694, %gather3A_700 : vector<16xf32>
      %xor3A_702 = arith.constant 4 : i32
      %xor3A_703 = vector.broadcast %xor3A_702 : i32 to vector<16xi32>
      %xor3A_704 = arith.xori %iota3A, %xor3A_703 : vector<16xi32>
      %reshape3A_705 = vector.shape_cast %xor3A_704 : vector<16xi32> to vector<16x1xi32>
      %gather3A_706 = vector.shape_cast %reshape3A_705 : vector<16x1xi32> to vector<16xi32>
      %gather3A_707 = tpu.dynamic_gather %add3A_701[%gather3A_706] in [0] : vector<16xf32>, vector<16xi32> -> vector<16xf32>
      %add3A_708 = arith.addf %add3A_701, %gather3A_707 : vector<16xf32>
      %xor3A_709 = arith.constant 2 : i32
      %xor3A_710 = vector.broadcast %xor3A_709 : i32 to vector<16xi32>
      %xor3A_711 = arith.xori %iota3A, %xor3A_710 : vector<16xi32>
      %reshape3A_712 = vector.shape_cast %xor3A_711 : vector<16xi32> to vector<16x1xi32>
      %gather3A_713 = vector.shape_cast %reshape3A_712 : vector<16x1xi32> to vector<16xi32>
      %gather3A_714 = tpu.dynamic_gather %add3A_708[%gather3A_713] in [0] : vector<16xf32>, vector<16xi32> -> vector<16xf32>
      %add3A_715 = arith.addf %add3A_708, %gather3A_714 : vector<16xf32>
      %xor3A_716 = arith.constant 1 : i32
      %xor3A_717 = vector.broadcast %xor3A_716 : i32 to vector<16xi32>
      %xor3A_718 = arith.xori %iota3A, %xor3A_717 : vector<16xi32>
      %reshape3A_719 = vector.shape_cast %xor3A_718 : vector<16xi32> to vector<16x1xi32>
      %gather3A_720 = vector.shape_cast %reshape3A_719 : vector<16x1xi32> to vector<16xi32>
      %gather3A_721 = tpu.dynamic_gather %add3A_715[%gather3A_720] in [0] : vector<16xf32>, vector<16xi32> -> vector<16xf32>
      %add3A_722 = arith.addf %add3A_715, %gather3A_721 : vector<16xf32>
      %eq3A_723 = arith.constant 1 : i32
      %eq3A_724 = vector.broadcast %eq3A_723 : i32 to vector<16xi32>
      %eq3A_725 = arith.cmpi eq, %iota3A, %eq3A_724 : vector<16xi32>
      %select_n3A_726 = arith.select %eq3A_725, %add3A_722, %select_n3A : vector<16xi1>, vector<16xf32>
      %add3A_727 = arith.constant 0 : i32
      %add3A_728 = arith.addi %mul3A_442, %add3A_727 : i32
      %add3A_729 = arith.constant 4 : i32
      %add3A_730 = arith.addi %add3A_728, %add3A_729 : i32
      %mul3A_731 = arith.constant 2 : i32
      %mul3A_732 = arith.muli %mul3A_731, %add3A_730 : i32
      %dma_start3A_733 = arith.constant 0 : i32
      %dma_start3A_734 = arith.constant 0 : i32
      %dma_start3A_735 = arith.constant 0 : i32
      %dma_start3A_736 = arith.constant 0 : i32
      %dma_start3A_737 = tpu.memref_slice %arg8[%dma_start3A_733, %dma_start3A_735, %dma_start3A_736] : memref<4x200x64xf32, #tpu.memory_space<vmem>> -> memref<1x100x64xf32, #tpu.memory_space<vmem>>
      %dma_start3A_738 = tpu.memref_squeeze %dma_start3A_737 : memref<1x100x64xf32, #tpu.memory_space<vmem>> -> memref<100x64xf32, #tpu.memory_space<vmem>>
      %dma_start3A_739 = arith.constant 0 : i32
      %dma_start3A_740 = tpu.memref_slice %arg7[%mul3A_732, %dma_start3A_739] : memref<256x100xi32, #tpu.memory_space<vmem>> -> memref<1x100xi32, #tpu.memory_space<vmem>>
      %dma_start3A_741 = tpu.memref_squeeze %dma_start3A_740 : memref<1x100xi32, #tpu.memory_space<vmem>> -> memref<100xi32, #tpu.memory_space<vmem>>
      %dma_start3A_742 = arith.constant 0 : i32
      %dma_start3A_743 = arith.constant 0 : i32
      %dma_start3A_744 = tpu.memref_slice %arg3[%dma_start3A_742, %dma_start3A_743] : memref<1000000x64xf32, #tpu.memory_space<hbm>> -> memref<1000000x64xf32, #tpu.memory_space<hbm>>
      %dma_start3A_745 = tpu.memref_slice %arg12[%dma_start3A_734] : memref<4x!tpu.dma_semaphore, #tpu.memory_space<semaphore_mem>> -> memref<1x!tpu.dma_semaphore, #tpu.memory_space<semaphore_mem>>
      %dma_start3A_746 = tpu.memref_squeeze %dma_start3A_745 : memref<1x!tpu.dma_semaphore, #tpu.memory_space<semaphore_mem>> -> memref<!tpu.dma_semaphore, #tpu.memory_space<semaphore_mem>>
      tpu.enqueue_indirect_dma source(%dma_start3A_744 : memref<1000000x64xf32, #tpu.memory_space<hbm>>) target(%dma_start3A_738 : memref<100x64xf32, #tpu.memory_space<vmem>>) offsets(%dma_start3A_741 : memref<100xi32, #tpu.memory_space<vmem>>) semaphore(%dma_start3A_746 : memref<!tpu.dma_semaphore, #tpu.memory_space<semaphore_mem>>)
      %add3A_747 = arith.constant 1 : i32
      %add3A_748 = arith.addi %mul3A_732, %add3A_747 : i32
      %dma_start3A_749 = arith.constant 0 : i32
      %dma_start3A_750 = arith.constant 0 : i32
      %dma_start3A_751 = arith.constant 100 : i32
      %dma_start3A_752 = arith.constant 0 : i32
      %dma_start3A_753 = tpu.memref_slice %arg8[%dma_start3A_749, %dma_start3A_751, %dma_start3A_752] : memref<4x200x64xf32, #tpu.memory_space<vmem>> -> memref<1x100x64xf32, #tpu.memory_space<vmem>>
      %dma_start3A_754 = tpu.memref_squeeze %dma_start3A_753 : memref<1x100x64xf32, #tpu.memory_space<vmem>> -> memref<100x64xf32, #tpu.memory_space<vmem>>
      %dma_start3A_755 = arith.constant 0 : i32
      %dma_start3A_756 = tpu.memref_slice %arg7[%add3A_748, %dma_start3A_755] : memref<256x100xi32, #tpu.memory_space<vmem>> -> memref<1x100xi32, #tpu.memory_space<vmem>>
      %dma_start3A_757 = tpu.memref_squeeze %dma_start3A_756 : memref<1x100xi32, #tpu.memory_space<vmem>> -> memref<100xi32, #tpu.memory_space<vmem>>
      %dma_start3A_758 = arith.constant 0 : i32
      %dma_start3A_759 = arith.constant 0 : i32
      %dma_start3A_760 = tpu.memref_slice %arg3[%dma_start3A_758, %dma_start3A_759] : memref<1000000x64xf32, #tpu.memory_space<hbm>> -> memref<1000000x64xf32, #tpu.memory_space<hbm>>
      %dma_start3A_761 = tpu.memref_slice %arg12[%dma_start3A_750] : memref<4x!tpu.dma_semaphore, #tpu.memory_space<semaphore_mem>> -> memref<1x!tpu.dma_semaphore, #tpu.memory_space<semaphore_mem>>
      %dma_start3A_762 = tpu.memref_squeeze %dma_start3A_761 : memref<1x!tpu.dma_semaphore, #tpu.memory_space<semaphore_mem>> -> memref<!tpu.dma_semaphore, #tpu.memory_space<semaphore_mem>>
      tpu.enqueue_indirect_dma source(%dma_start3A_760 : memref<1000000x64xf32, #tpu.memory_space<hbm>>) target(%dma_start3A_754 : memref<100x64xf32, #tpu.memory_space<vmem>>) offsets(%dma_start3A_757 : memref<100xi32, #tpu.memory_space<vmem>>) semaphore(%dma_start3A_762 : memref<!tpu.dma_semaphore, #tpu.memory_space<semaphore_mem>>)
      %dma_wait3A_763 = arith.constant 1 : i32
      %dma_wait3A_764 = arith.constant 1 : i32
      %dma_wait3A_765 = arith.constant 0 : i32
      %dma_wait3A_766 = arith.constant 0 : i32
      %dma_wait3A_767 = tpu.memref_slice %arg8[%dma_wait3A_763, %dma_wait3A_765, %dma_wait3A_766] : memref<4x200x64xf32, #tpu.memory_space<vmem>> -> memref<1x100x64xf32, #tpu.memory_space<vmem>>
      %dma_wait3A_768 = tpu.memref_squeeze %dma_wait3A_767 : memref<1x100x64xf32, #tpu.memory_space<vmem>> -> memref<100x64xf32, #tpu.memory_space<vmem>>
      %dma_wait3A_769 = arith.constant 0 : i32
      %dma_wait3A_770 = tpu.memref_slice %arg7[%mul3A_479, %dma_wait3A_769] : memref<256x100xi32, #tpu.memory_space<vmem>> -> memref<1x100xi32, #tpu.memory_space<vmem>>
      %dma_wait3A_771 = tpu.memref_squeeze %dma_wait3A_770 : memref<1x100xi32, #tpu.memory_space<vmem>> -> memref<100xi32, #tpu.memory_space<vmem>>
      %dma_wait3A_772 = arith.constant 0 : i32
      %dma_wait3A_773 = arith.constant 0 : i32
      %dma_wait3A_774 = tpu.memref_slice %arg3[%dma_wait3A_772, %dma_wait3A_773] : memref<1000000x64xf32, #tpu.memory_space<hbm>> -> memref<1000000x64xf32, #tpu.memory_space<hbm>>
      %dma_wait3A_775 = tpu.memref_slice %arg12[%dma_wait3A_764] : memref<4x!tpu.dma_semaphore, #tpu.memory_space<semaphore_mem>> -> memref<1x!tpu.dma_semaphore, #tpu.memory_space<semaphore_mem>>
      %dma_wait3A_776 = tpu.memref_squeeze %dma_wait3A_775 : memref<1x!tpu.dma_semaphore, #tpu.memory_space<semaphore_mem>> -> memref<!tpu.dma_semaphore, #tpu.memory_space<semaphore_mem>>
      tpu.wait_indirect_dma semaphore(%dma_wait3A_776 : memref<!tpu.dma_semaphore, #tpu.memory_space<semaphore_mem>>) src(%dma_wait3A_774 : memref<1000000x64xf32, #tpu.memory_space<hbm>>) dst(%dma_wait3A_768 : memref<100x64xf32, #tpu.memory_space<vmem>>)
      %dma_wait3A_777 = arith.constant 1 : i32
      %dma_wait3A_778 = arith.constant 1 : i32
      %dma_wait3A_779 = arith.constant 100 : i32
      %dma_wait3A_780 = arith.constant 0 : i32
      %dma_wait3A_781 = tpu.memref_slice %arg8[%dma_wait3A_777, %dma_wait3A_779, %dma_wait3A_780] : memref<4x200x64xf32, #tpu.memory_space<vmem>> -> memref<1x100x64xf32, #tpu.memory_space<vmem>>
      %dma_wait3A_782 = tpu.memref_squeeze %dma_wait3A_781 : memref<1x100x64xf32, #tpu.memory_space<vmem>> -> memref<100x64xf32, #tpu.memory_space<vmem>>
      %dma_wait3A_783 = arith.constant 0 : i32
      %dma_wait3A_784 = tpu.memref_slice %arg7[%add3A_495, %dma_wait3A_783] : memref<256x100xi32, #tpu.memory_space<vmem>> -> memref<1x100xi32, #tpu.memory_space<vmem>>
      %dma_wait3A_785 = tpu.memref_squeeze %dma_wait3A_784 : memref<1x100xi32, #tpu.memory_space<vmem>> -> memref<100xi32, #tpu.memory_space<vmem>>
      %dma_wait3A_786 = arith.constant 0 : i32
      %dma_wait3A_787 = arith.constant 0 : i32
      %dma_wait3A_788 = tpu.memref_slice %arg3[%dma_wait3A_786, %dma_wait3A_787] : memref<1000000x64xf32, #tpu.memory_space<hbm>> -> memref<1000000x64xf32, #tpu.memory_space<hbm>>
      %dma_wait3A_789 = tpu.memref_slice %arg12[%dma_wait3A_778] : memref<4x!tpu.dma_semaphore, #tpu.memory_space<semaphore_mem>> -> memref<1x!tpu.dma_semaphore, #tpu.memory_space<semaphore_mem>>
      %dma_wait3A_790 = tpu.memref_squeeze %dma_wait3A_789 : memref<1x!tpu.dma_semaphore, #tpu.memory_space<semaphore_mem>> -> memref<!tpu.dma_semaphore, #tpu.memory_space<semaphore_mem>>
      tpu.wait_indirect_dma semaphore(%dma_wait3A_790 : memref<!tpu.dma_semaphore, #tpu.memory_space<semaphore_mem>>) src(%dma_wait3A_788 : memref<1000000x64xf32, #tpu.memory_space<hbm>>) dst(%dma_wait3A_782 : memref<100x64xf32, #tpu.memory_space<vmem>>)
      %scan3A_791 = arith.constant 1 : i32
      %scan3A_792 = arith.constant 0 : i32
      %scan3A_793 = arith.constant 200 : i32
      %scan3A_794 = arith.addi %scan3A_792, %scan3A_793 : i32
      %scan3A_795 = arith.constant 8 : i32
      %scan3A_796:4 = scf.for %scan3A_1948 = %scan3A_792 to %scan3A_794 step %scan3A_795 iter_args(%scan3A_1949 = %broadcast_in_dim3A_5, %scan3A_1950 = %broadcast_in_dim3A_5, %scan3A_1951 = %broadcast_in_dim3A_5, %scan3A_1952 = %broadcast_in_dim3A_5) -> (vector<16xf32>, vector<16xf32>, vector<16xf32>, vector<16xf32>)  : i32 {
        %get3A_1953 = arith.constant 0 : i32
        %get3A_1954 = arith.constant 0 : i32
        %get3A_1955 = tpu.memref_slice %arg8[%scan3A_791, %get3A_1953, %get3A_1954] : memref<4x200x64xf32, #tpu.memory_space<vmem>> -> memref<1x200x64xf32, #tpu.memory_space<vmem>>
        %get3A_1956 = tpu.memref_squeeze %get3A_1955 : memref<1x200x64xf32, #tpu.memory_space<vmem>> -> memref<200x64xf32, #tpu.memory_space<vmem>>
        %get3A_1957 = arith.index_cast %scan3A_1948 : i32 to index
        %get3A_1958 = arith.constant 0 : index
        %get3A_1959 = tpu.vector_load %get3A_1956[%get3A_1957, %get3A_1958] {strides = array<i32>} : memref<200x64xf32, #tpu.memory_space<vmem>>, vector<1x16xf32>,
        %get3A_1960 = vector.shape_cast %get3A_1959 : vector<1x16xf32> to vector<16xf32>
        %max3A = arith.maximumf %scan3A_1949, %get3A_1960 : vector<16xf32>
        %get3A_1961 = arith.constant 0 : i32
        %get3A_1962 = arith.constant 0 : i32
        %get3A_1963 = tpu.memref_slice %arg8[%scan3A_791, %get3A_1961, %get3A_1962] : memref<4x200x64xf32, #tpu.memory_space<vmem>> -> memref<1x200x64xf32, #tpu.memory_space<vmem>>
        %get3A_1964 = tpu.memref_squeeze %get3A_1963 : memref<1x200x64xf32, #tpu.memory_space<vmem>> -> memref<200x64xf32, #tpu.memory_space<vmem>>
        %get3A_1965 = arith.index_cast %scan3A_1948 : i32 to index
        %get3A_1966 = arith.constant 16 : index
        %get3A_1967 = tpu.vector_load %get3A_1964[%get3A_1965, %get3A_1966] {strides = array<i32>} : memref<200x64xf32, #tpu.memory_space<vmem>>, vector<1x16xf32>,
        %get3A_1968 = vector.shape_cast %get3A_1967 : vector<1x16xf32> to vector<16xf32>
        %max3A_1969 = arith.maximumf %scan3A_1950, %get3A_1968 : vector<16xf32>
        %get3A_1970 = arith.constant 0 : i32
        %get3A_1971 = arith.constant 0 : i32
        %get3A_1972 = tpu.memref_slice %arg8[%scan3A_791, %get3A_1970, %get3A_1971] : memref<4x200x64xf32, #tpu.memory_space<vmem>> -> memref<1x200x64xf32, #tpu.memory_space<vmem>>
        %get3A_1973 = tpu.memref_squeeze %get3A_1972 : memref<1x200x64xf32, #tpu.memory_space<vmem>> -> memref<200x64xf32, #tpu.memory_space<vmem>>
        %get3A_1974 = arith.index_cast %scan3A_1948 : i32 to index
        %get3A_1975 = arith.constant 32 : index
        %get3A_1976 = tpu.vector_load %get3A_1973[%get3A_1974, %get3A_1975] {strides = array<i32>} : memref<200x64xf32, #tpu.memory_space<vmem>>, vector<1x16xf32>,
        %get3A_1977 = vector.shape_cast %get3A_1976 : vector<1x16xf32> to vector<16xf32>
        %max3A_1978 = arith.maximumf %scan3A_1951, %get3A_1977 : vector<16xf32>
        %get3A_1979 = arith.constant 0 : i32
        %get3A_1980 = arith.constant 0 : i32
        %get3A_1981 = tpu.memref_slice %arg8[%scan3A_791, %get3A_1979, %get3A_1980] : memref<4x200x64xf32, #tpu.memory_space<vmem>> -> memref<1x200x64xf32, #tpu.memory_space<vmem>>
        %get3A_1982 = tpu.memref_squeeze %get3A_1981 : memref<1x200x64xf32, #tpu.memory_space<vmem>> -> memref<200x64xf32, #tpu.memory_space<vmem>>
        %get3A_1983 = arith.index_cast %scan3A_1948 : i32 to index
        %get3A_1984 = arith.constant 48 : index
        %get3A_1985 = tpu.vector_load %get3A_1982[%get3A_1983, %get3A_1984] {strides = array<i32>} : memref<200x64xf32, #tpu.memory_space<vmem>>, vector<1x16xf32>,
        %get3A_1986 = vector.shape_cast %get3A_1985 : vector<1x16xf32> to vector<16xf32>
        %max3A_1987 = arith.maximumf %scan3A_1952, %get3A_1986 : vector<16xf32>
        %scan3A_1988 = arith.constant 1 : i32
        %scan3A_1989 = arith.addi %scan3A_1948, %scan3A_1988 : i32
        %get3A_1990 = arith.constant 0 : i32
        %get3A_1991 = arith.constant 0 : i32
        %get3A_1992 = tpu.memref_slice %arg8[%scan3A_791, %get3A_1990, %get3A_1991] : memref<4x200x64xf32, #tpu.memory_space<vmem>> -> memref<1x200x64xf32, #tpu.memory_space<vmem>>
        %get3A_1993 = tpu.memref_squeeze %get3A_1992 : memref<1x200x64xf32, #tpu.memory_space<vmem>> -> memref<200x64xf32, #tpu.memory_space<vmem>>
        %get3A_1994 = arith.index_cast %scan3A_1989 : i32 to index
        %get3A_1995 = arith.constant 0 : index
        %get3A_1996 = tpu.vector_load %get3A_1993[%get3A_1994, %get3A_1995] {strides = array<i32>} : memref<200x64xf32, #tpu.memory_space<vmem>>, vector<1x16xf32>,
        %get3A_1997 = vector.shape_cast %get3A_1996 : vector<1x16xf32> to vector<16xf32>
        %max3A_1998 = arith.maximumf %max3A, %get3A_1997 : vector<16xf32>
        %get3A_1999 = arith.constant 0 : i32
        %get3A_2000 = arith.constant 0 : i32
        %get3A_2001 = tpu.memref_slice %arg8[%scan3A_791, %get3A_1999, %get3A_2000] : memref<4x200x64xf32, #tpu.memory_space<vmem>> -> memref<1x200x64xf32, #tpu.memory_space<vmem>>
        %get3A_2002 = tpu.memref_squeeze %get3A_2001 : memref<1x200x64xf32, #tpu.memory_space<vmem>> -> memref<200x64xf32, #tpu.memory_space<vmem>>
        %get3A_2003 = arith.index_cast %scan3A_1989 : i32 to index
        %get3A_2004 = arith.constant 16 : index
        %get3A_2005 = tpu.vector_load %get3A_2002[%get3A_2003, %get3A_2004] {strides = array<i32>} : memref<200x64xf32, #tpu.memory_space<vmem>>, vector<1x16xf32>,
        %get3A_2006 = vector.shape_cast %get3A_2005 : vector<1x16xf32> to vector<16xf32>
        %max3A_2007 = arith.maximumf %max3A_1969, %get3A_2006 : vector<16xf32>
        %get3A_2008 = arith.constant 0 : i32
        %get3A_2009 = arith.constant 0 : i32
        %get3A_2010 = tpu.memref_slice %arg8[%scan3A_791, %get3A_2008, %get3A_2009] : memref<4x200x64xf32, #tpu.memory_space<vmem>> -> memref<1x200x64xf32, #tpu.memory_space<vmem>>
        %get3A_2011 = tpu.memref_squeeze %get3A_2010 : memref<1x200x64xf32, #tpu.memory_space<vmem>> -> memref<200x64xf32, #tpu.memory_space<vmem>>
        %get3A_2012 = arith.index_cast %scan3A_1989 : i32 to index
        %get3A_2013 = arith.constant 32 : index
        %get3A_2014 = tpu.vector_load %get3A_2011[%get3A_2012, %get3A_2013] {strides = array<i32>} : memref<200x64xf32, #tpu.memory_space<vmem>>, vector<1x16xf32>,
        %get3A_2015 = vector.shape_cast %get3A_2014 : vector<1x16xf32> to vector<16xf32>
        %max3A_2016 = arith.maximumf %max3A_1978, %get3A_2015 : vector<16xf32>
        %get3A_2017 = arith.constant 0 : i32
        %get3A_2018 = arith.constant 0 : i32
        %get3A_2019 = tpu.memref_slice %arg8[%scan3A_791, %get3A_2017, %get3A_2018] : memref<4x200x64xf32, #tpu.memory_space<vmem>> -> memref<1x200x64xf32, #tpu.memory_space<vmem>>
        %get3A_2020 = tpu.memref_squeeze %get3A_2019 : memref<1x200x64xf32, #tpu.memory_space<vmem>> -> memref<200x64xf32, #tpu.memory_space<vmem>>
        %get3A_2021 = arith.index_cast %scan3A_1989 : i32 to index
        %get3A_2022 = arith.constant 48 : index
        %get3A_2023 = tpu.vector_load %get3A_2020[%get3A_2021, %get3A_2022] {strides = array<i32>} : memref<200x64xf32, #tpu.memory_space<vmem>>, vector<1x16xf32>,
        %get3A_2024 = vector.shape_cast %get3A_2023 : vector<1x16xf32> to vector<16xf32>
        %max3A_2025 = arith.maximumf %max3A_1987, %get3A_2024 : vector<16xf32>
        %scan3A_2026 = arith.constant 2 : i32
        %scan3A_2027 = arith.addi %scan3A_1948, %scan3A_2026 : i32
        %get3A_2028 = arith.constant 0 : i32
        %get3A_2029 = arith.constant 0 : i32
        %get3A_2030 = tpu.memref_slice %arg8[%scan3A_791, %get3A_2028, %get3A_2029] : memref<4x200x64xf32, #tpu.memory_space<vmem>> -> memref<1x200x64xf32, #tpu.memory_space<vmem>>
        %get3A_2031 = tpu.memref_squeeze %get3A_2030 : memref<1x200x64xf32, #tpu.memory_space<vmem>> -> memref<200x64xf32, #tpu.memory_space<vmem>>
        %get3A_2032 = arith.index_cast %scan3A_2027 : i32 to index
        %get3A_2033 = arith.constant 0 : index
        %get3A_2034 = tpu.vector_load %get3A_2031[%get3A_2032, %get3A_2033] {strides = array<i32>} : memref<200x64xf32, #tpu.memory_space<vmem>>, vector<1x16xf32>,
        %get3A_2035 = vector.shape_cast %get3A_2034 : vector<1x16xf32> to vector<16xf32>
        %max3A_2036 = arith.maximumf %max3A_1998, %get3A_2035 : vector<16xf32>
        %get3A_2037 = arith.constant 0 : i32
        %get3A_2038 = arith.constant 0 : i32
        %get3A_2039 = tpu.memref_slice %arg8[%scan3A_791, %get3A_2037, %get3A_2038] : memref<4x200x64xf32, #tpu.memory_space<vmem>> -> memref<1x200x64xf32, #tpu.memory_space<vmem>>
        %get3A_2040 = tpu.memref_squeeze %get3A_2039 : memref<1x200x64xf32, #tpu.memory_space<vmem>> -> memref<200x64xf32, #tpu.memory_space<vmem>>
        %get3A_2041 = arith.index_cast %scan3A_2027 : i32 to index
        %get3A_2042 = arith.constant 16 : index
        %get3A_2043 = tpu.vector_load %get3A_2040[%get3A_2041, %get3A_2042] {strides = array<i32>} : memref<200x64xf32, #tpu.memory_space<vmem>>, vector<1x16xf32>,
        %get3A_2044 = vector.shape_cast %get3A_2043 : vector<1x16xf32> to vector<16xf32>
        %max3A_2045 = arith.maximumf %max3A_2007, %get3A_2044 : vector<16xf32>
        %get3A_2046 = arith.constant 0 : i32
        %get3A_2047 = arith.constant 0 : i32
        %get3A_2048 = tpu.memref_slice %arg8[%scan3A_791, %get3A_2046, %get3A_2047] : memref<4x200x64xf32, #tpu.memory_space<vmem>> -> memref<1x200x64xf32, #tpu.memory_space<vmem>>
        %get3A_2049 = tpu.memref_squeeze %get3A_2048 : memref<1x200x64xf32, #tpu.memory_space<vmem>> -> memref<200x64xf32, #tpu.memory_space<vmem>>
        %get3A_2050 = arith.index_cast %scan3A_2027 : i32 to index
        %get3A_2051 = arith.constant 32 : index
        %get3A_2052 = tpu.vector_load %get3A_2049[%get3A_2050, %get3A_2051] {strides = array<i32>} : memref<200x64xf32, #tpu.memory_space<vmem>>, vector<1x16xf32>,
        %get3A_2053 = vector.shape_cast %get3A_2052 : vector<1x16xf32> to vector<16xf32>
        %max3A_2054 = arith.maximumf %max3A_2016, %get3A_2053 : vector<16xf32>
        %get3A_2055 = arith.constant 0 : i32
        %get3A_2056 = arith.constant 0 : i32
        %get3A_2057 = tpu.memref_slice %arg8[%scan3A_791, %get3A_2055, %get3A_2056] : memref<4x200x64xf32, #tpu.memory_space<vmem>> -> memref<1x200x64xf32, #tpu.memory_space<vmem>>
        %get3A_2058 = tpu.memref_squeeze %get3A_2057 : memref<1x200x64xf32, #tpu.memory_space<vmem>> -> memref<200x64xf32, #tpu.memory_space<vmem>>
        %get3A_2059 = arith.index_cast %scan3A_2027 : i32 to index
        %get3A_2060 = arith.constant 48 : index
        %get3A_2061 = tpu.vector_load %get3A_2058[%get3A_2059, %get3A_2060] {strides = array<i32>} : memref<200x64xf32, #tpu.memory_space<vmem>>, vector<1x16xf32>,
        %get3A_2062 = vector.shape_cast %get3A_2061 : vector<1x16xf32> to vector<16xf32>
        %max3A_2063 = arith.maximumf %max3A_2025, %get3A_2062 : vector<16xf32>
        %scan3A_2064 = arith.constant 3 : i32
        %scan3A_2065 = arith.addi %scan3A_1948, %scan3A_2064 : i32
        %get3A_2066 = arith.constant 0 : i32
        %get3A_2067 = arith.constant 0 : i32
        %get3A_2068 = tpu.memref_slice %arg8[%scan3A_791, %get3A_2066, %get3A_2067] : memref<4x200x64xf32, #tpu.memory_space<vmem>> -> memref<1x200x64xf32, #tpu.memory_space<vmem>>
        %get3A_2069 = tpu.memref_squeeze %get3A_2068 : memref<1x200x64xf32, #tpu.memory_space<vmem>> -> memref<200x64xf32, #tpu.memory_space<vmem>>
        %get3A_2070 = arith.index_cast %scan3A_2065 : i32 to index
        %get3A_2071 = arith.constant 0 : index
        %get3A_2072 = tpu.vector_load %get3A_2069[%get3A_2070, %get3A_2071] {strides = array<i32>} : memref<200x64xf32, #tpu.memory_space<vmem>>, vector<1x16xf32>,
        %get3A_2073 = vector.shape_cast %get3A_2072 : vector<1x16xf32> to vector<16xf32>
        %max3A_2074 = arith.maximumf %max3A_2036, %get3A_2073 : vector<16xf32>
        %get3A_2075 = arith.constant 0 : i32
        %get3A_2076 = arith.constant 0 : i32
        %get3A_2077 = tpu.memref_slice %arg8[%scan3A_791, %get3A_2075, %get3A_2076] : memref<4x200x64xf32, #tpu.memory_space<vmem>> -> memref<1x200x64xf32, #tpu.memory_space<vmem>>
        %get3A_2078 = tpu.memref_squeeze %get3A_2077 : memref<1x200x64xf32, #tpu.memory_space<vmem>> -> memref<200x64xf32, #tpu.memory_space<vmem>>
        %get3A_2079 = arith.index_cast %scan3A_2065 : i32 to index
        %get3A_2080 = arith.constant 16 : index
        %get3A_2081 = tpu.vector_load %get3A_2078[%get3A_2079, %get3A_2080] {strides = array<i32>} : memref<200x64xf32, #tpu.memory_space<vmem>>, vector<1x16xf32>,
        %get3A_2082 = vector.shape_cast %get3A_2081 : vector<1x16xf32> to vector<16xf32>
        %max3A_2083 = arith.maximumf %max3A_2045, %get3A_2082 : vector<16xf32>
        %get3A_2084 = arith.constant 0 : i32
        %get3A_2085 = arith.constant 0 : i32
        %get3A_2086 = tpu.memref_slice %arg8[%scan3A_791, %get3A_2084, %get3A_2085] : memref<4x200x64xf32, #tpu.memory_space<vmem>> -> memref<1x200x64xf32, #tpu.memory_space<vmem>>
        %get3A_2087 = tpu.memref_squeeze %get3A_2086 : memref<1x200x64xf32, #tpu.memory_space<vmem>> -> memref<200x64xf32, #tpu.memory_space<vmem>>
        %get3A_2088 = arith.index_cast %scan3A_2065 : i32 to index
        %get3A_2089 = arith.constant 32 : index
        %get3A_2090 = tpu.vector_load %get3A_2087[%get3A_2088, %get3A_2089] {strides = array<i32>} : memref<200x64xf32, #tpu.memory_space<vmem>>, vector<1x16xf32>,
        %get3A_2091 = vector.shape_cast %get3A_2090 : vector<1x16xf32> to vector<16xf32>
        %max3A_2092 = arith.maximumf %max3A_2054, %get3A_2091 : vector<16xf32>
        %get3A_2093 = arith.constant 0 : i32
        %get3A_2094 = arith.constant 0 : i32
        %get3A_2095 = tpu.memref_slice %arg8[%scan3A_791, %get3A_2093, %get3A_2094] : memref<4x200x64xf32, #tpu.memory_space<vmem>> -> memref<1x200x64xf32, #tpu.memory_space<vmem>>
        %get3A_2096 = tpu.memref_squeeze %get3A_2095 : memref<1x200x64xf32, #tpu.memory_space<vmem>> -> memref<200x64xf32, #tpu.memory_space<vmem>>
        %get3A_2097 = arith.index_cast %scan3A_2065 : i32 to index
        %get3A_2098 = arith.constant 48 : index
        %get3A_2099 = tpu.vector_load %get3A_2096[%get3A_2097, %get3A_2098] {strides = array<i32>} : memref<200x64xf32, #tpu.memory_space<vmem>>, vector<1x16xf32>,
        %get3A_2100 = vector.shape_cast %get3A_2099 : vector<1x16xf32> to vector<16xf32>
        %max3A_2101 = arith.maximumf %max3A_2063, %get3A_2100 : vector<16xf32>
        %scan3A_2102 = arith.constant 4 : i32
        %scan3A_2103 = arith.addi %scan3A_1948, %scan3A_2102 : i32
        %get3A_2104 = arith.constant 0 : i32
        %get3A_2105 = arith.constant 0 : i32
        %get3A_2106 = tpu.memref_slice %arg8[%scan3A_791, %get3A_2104, %get3A_2105] : memref<4x200x64xf32, #tpu.memory_space<vmem>> -> memref<1x200x64xf32, #tpu.memory_space<vmem>>
        %get3A_2107 = tpu.memref_squeeze %get3A_2106 : memref<1x200x64xf32, #tpu.memory_space<vmem>> -> memref<200x64xf32, #tpu.memory_space<vmem>>
        %get3A_2108 = arith.index_cast %scan3A_2103 : i32 to index
        %get3A_2109 = arith.constant 0 : index
        %get3A_2110 = tpu.vector_load %get3A_2107[%get3A_2108, %get3A_2109] {strides = array<i32>} : memref<200x64xf32, #tpu.memory_space<vmem>>, vector<1x16xf32>,
        %get3A_2111 = vector.shape_cast %get3A_2110 : vector<1x16xf32> to vector<16xf32>
        %max3A_2112 = arith.maximumf %max3A_2074, %get3A_2111 : vector<16xf32>
        %get3A_2113 = arith.constant 0 : i32
        %get3A_2114 = arith.constant 0 : i32
        %get3A_2115 = tpu.memref_slice %arg8[%scan3A_791, %get3A_2113, %get3A_2114] : memref<4x200x64xf32, #tpu.memory_space<vmem>> -> memref<1x200x64xf32, #tpu.memory_space<vmem>>
        %get3A_2116 = tpu.memref_squeeze %get3A_2115 : memref<1x200x64xf32, #tpu.memory_space<vmem>> -> memref<200x64xf32, #tpu.memory_space<vmem>>
        %get3A_2117 = arith.index_cast %scan3A_2103 : i32 to index
        %get3A_2118 = arith.constant 16 : index
        %get3A_2119 = tpu.vector_load %get3A_2116[%get3A_2117, %get3A_2118] {strides = array<i32>} : memref<200x64xf32, #tpu.memory_space<vmem>>, vector<1x16xf32>,
        %get3A_2120 = vector.shape_cast %get3A_2119 : vector<1x16xf32> to vector<16xf32>
        %max3A_2121 = arith.maximumf %max3A_2083, %get3A_2120 : vector<16xf32>
        %get3A_2122 = arith.constant 0 : i32
        %get3A_2123 = arith.constant 0 : i32
        %get3A_2124 = tpu.memref_slice %arg8[%scan3A_791, %get3A_2122, %get3A_2123] : memref<4x200x64xf32, #tpu.memory_space<vmem>> -> memref<1x200x64xf32, #tpu.memory_space<vmem>>
        %get3A_2125 = tpu.memref_squeeze %get3A_2124 : memref<1x200x64xf32, #tpu.memory_space<vmem>> -> memref<200x64xf32, #tpu.memory_space<vmem>>
        %get3A_2126 = arith.index_cast %scan3A_2103 : i32 to index
        %get3A_2127 = arith.constant 32 : index
        %get3A_2128 = tpu.vector_load %get3A_2125[%get3A_2126, %get3A_2127] {strides = array<i32>} : memref<200x64xf32, #tpu.memory_space<vmem>>, vector<1x16xf32>,
        %get3A_2129 = vector.shape_cast %get3A_2128 : vector<1x16xf32> to vector<16xf32>
        %max3A_2130 = arith.maximumf %max3A_2092, %get3A_2129 : vector<16xf32>
        %get3A_2131 = arith.constant 0 : i32
        %get3A_2132 = arith.constant 0 : i32
        %get3A_2133 = tpu.memref_slice %arg8[%scan3A_791, %get3A_2131, %get3A_2132] : memref<4x200x64xf32, #tpu.memory_space<vmem>> -> memref<1x200x64xf32, #tpu.memory_space<vmem>>
        %get3A_2134 = tpu.memref_squeeze %get3A_2133 : memref<1x200x64xf32, #tpu.memory_space<vmem>> -> memref<200x64xf32, #tpu.memory_space<vmem>>
        %get3A_2135 = arith.index_cast %scan3A_2103 : i32 to index
        %get3A_2136 = arith.constant 48 : index
        %get3A_2137 = tpu.vector_load %get3A_2134[%get3A_2135, %get3A_2136] {strides = array<i32>} : memref<200x64xf32, #tpu.memory_space<vmem>>, vector<1x16xf32>,
        %get3A_2138 = vector.shape_cast %get3A_2137 : vector<1x16xf32> to vector<16xf32>
        %max3A_2139 = arith.maximumf %max3A_2101, %get3A_2138 : vector<16xf32>
        %scan3A_2140 = arith.constant 5 : i32
        %scan3A_2141 = arith.addi %scan3A_1948, %scan3A_2140 : i32
        %get3A_2142 = arith.constant 0 : i32
        %get3A_2143 = arith.constant 0 : i32
        %get3A_2144 = tpu.memref_slice %arg8[%scan3A_791, %get3A_2142, %get3A_2143] : memref<4x200x64xf32, #tpu.memory_space<vmem>> -> memref<1x200x64xf32, #tpu.memory_space<vmem>>
        %get3A_2145 = tpu.memref_squeeze %get3A_2144 : memref<1x200x64xf32, #tpu.memory_space<vmem>> -> memref<200x64xf32, #tpu.memory_space<vmem>>
        %get3A_2146 = arith.index_cast %scan3A_2141 : i32 to index
        %get3A_2147 = arith.constant 0 : index
        %get3A_2148 = tpu.vector_load %get3A_2145[%get3A_2146, %get3A_2147] {strides = array<i32>} : memref<200x64xf32, #tpu.memory_space<vmem>>, vector<1x16xf32>,
        %get3A_2149 = vector.shape_cast %get3A_2148 : vector<1x16xf32> to vector<16xf32>
        %max3A_2150 = arith.maximumf %max3A_2112, %get3A_2149 : vector<16xf32>
        %get3A_2151 = arith.constant 0 : i32
        %get3A_2152 = arith.constant 0 : i32
        %get3A_2153 = tpu.memref_slice %arg8[%scan3A_791, %get3A_2151, %get3A_2152] : memref<4x200x64xf32, #tpu.memory_space<vmem>> -> memref<1x200x64xf32, #tpu.memory_space<vmem>>
        %get3A_2154 = tpu.memref_squeeze %get3A_2153 : memref<1x200x64xf32, #tpu.memory_space<vmem>> -> memref<200x64xf32, #tpu.memory_space<vmem>>
        %get3A_2155 = arith.index_cast %scan3A_2141 : i32 to index
        %get3A_2156 = arith.constant 16 : index
        %get3A_2157 = tpu.vector_load %get3A_2154[%get3A_2155, %get3A_2156] {strides = array<i32>} : memref<200x64xf32, #tpu.memory_space<vmem>>, vector<1x16xf32>,
        %get3A_2158 = vector.shape_cast %get3A_2157 : vector<1x16xf32> to vector<16xf32>
        %max3A_2159 = arith.maximumf %max3A_2121, %get3A_2158 : vector<16xf32>
        %get3A_2160 = arith.constant 0 : i32
        %get3A_2161 = arith.constant 0 : i32
        %get3A_2162 = tpu.memref_slice %arg8[%scan3A_791, %get3A_2160, %get3A_2161] : memref<4x200x64xf32, #tpu.memory_space<vmem>> -> memref<1x200x64xf32, #tpu.memory_space<vmem>>
        %get3A_2163 = tpu.memref_squeeze %get3A_2162 : memref<1x200x64xf32, #tpu.memory_space<vmem>> -> memref<200x64xf32, #tpu.memory_space<vmem>>
        %get3A_2164 = arith.index_cast %scan3A_2141 : i32 to index
        %get3A_2165 = arith.constant 32 : index
        %get3A_2166 = tpu.vector_load %get3A_2163[%get3A_2164, %get3A_2165] {strides = array<i32>} : memref<200x64xf32, #tpu.memory_space<vmem>>, vector<1x16xf32>,
        %get3A_2167 = vector.shape_cast %get3A_2166 : vector<1x16xf32> to vector<16xf32>
        %max3A_2168 = arith.maximumf %max3A_2130, %get3A_2167 : vector<16xf32>
        %get3A_2169 = arith.constant 0 : i32
        %get3A_2170 = arith.constant 0 : i32
        %get3A_2171 = tpu.memref_slice %arg8[%scan3A_791, %get3A_2169, %get3A_2170] : memref<4x200x64xf32, #tpu.memory_space<vmem>> -> memref<1x200x64xf32, #tpu.memory_space<vmem>>
        %get3A_2172 = tpu.memref_squeeze %get3A_2171 : memref<1x200x64xf32, #tpu.memory_space<vmem>> -> memref<200x64xf32, #tpu.memory_space<vmem>>
        %get3A_2173 = arith.index_cast %scan3A_2141 : i32 to index
        %get3A_2174 = arith.constant 48 : index
        %get3A_2175 = tpu.vector_load %get3A_2172[%get3A_2173, %get3A_2174] {strides = array<i32>} : memref<200x64xf32, #tpu.memory_space<vmem>>, vector<1x16xf32>,
        %get3A_2176 = vector.shape_cast %get3A_2175 : vector<1x16xf32> to vector<16xf32>
        %max3A_2177 = arith.maximumf %max3A_2139, %get3A_2176 : vector<16xf32>
        %scan3A_2178 = arith.constant 6 : i32
        %scan3A_2179 = arith.addi %scan3A_1948, %scan3A_2178 : i32
        %get3A_2180 = arith.constant 0 : i32
        %get3A_2181 = arith.constant 0 : i32
        %get3A_2182 = tpu.memref_slice %arg8[%scan3A_791, %get3A_2180, %get3A_2181] : memref<4x200x64xf32, #tpu.memory_space<vmem>> -> memref<1x200x64xf32, #tpu.memory_space<vmem>>
        %get3A_2183 = tpu.memref_squeeze %get3A_2182 : memref<1x200x64xf32, #tpu.memory_space<vmem>> -> memref<200x64xf32, #tpu.memory_space<vmem>>
        %get3A_2184 = arith.index_cast %scan3A_2179 : i32 to index
        %get3A_2185 = arith.constant 0 : index
        %get3A_2186 = tpu.vector_load %get3A_2183[%get3A_2184, %get3A_2185] {strides = array<i32>} : memref<200x64xf32, #tpu.memory_space<vmem>>, vector<1x16xf32>,
        %get3A_2187 = vector.shape_cast %get3A_2186 : vector<1x16xf32> to vector<16xf32>
        %max3A_2188 = arith.maximumf %max3A_2150, %get3A_2187 : vector<16xf32>
        %get3A_2189 = arith.constant 0 : i32
        %get3A_2190 = arith.constant 0 : i32
        %get3A_2191 = tpu.memref_slice %arg8[%scan3A_791, %get3A_2189, %get3A_2190] : memref<4x200x64xf32, #tpu.memory_space<vmem>> -> memref<1x200x64xf32, #tpu.memory_space<vmem>>
        %get3A_2192 = tpu.memref_squeeze %get3A_2191 : memref<1x200x64xf32, #tpu.memory_space<vmem>> -> memref<200x64xf32, #tpu.memory_space<vmem>>
        %get3A_2193 = arith.index_cast %scan3A_2179 : i32 to index
        %get3A_2194 = arith.constant 16 : index
        %get3A_2195 = tpu.vector_load %get3A_2192[%get3A_2193, %get3A_2194] {strides = array<i32>} : memref<200x64xf32, #tpu.memory_space<vmem>>, vector<1x16xf32>,
        %get3A_2196 = vector.shape_cast %get3A_2195 : vector<1x16xf32> to vector<16xf32>
        %max3A_2197 = arith.maximumf %max3A_2159, %get3A_2196 : vector<16xf32>
        %get3A_2198 = arith.constant 0 : i32
        %get3A_2199 = arith.constant 0 : i32
        %get3A_2200 = tpu.memref_slice %arg8[%scan3A_791, %get3A_2198, %get3A_2199] : memref<4x200x64xf32, #tpu.memory_space<vmem>> -> memref<1x200x64xf32, #tpu.memory_space<vmem>>
        %get3A_2201 = tpu.memref_squeeze %get3A_2200 : memref<1x200x64xf32, #tpu.memory_space<vmem>> -> memref<200x64xf32, #tpu.memory_space<vmem>>
        %get3A_2202 = arith.index_cast %scan3A_2179 : i32 to index
        %get3A_2203 = arith.constant 32 : index
        %get3A_2204 = tpu.vector_load %get3A_2201[%get3A_2202, %get3A_2203] {strides = array<i32>} : memref<200x64xf32, #tpu.memory_space<vmem>>, vector<1x16xf32>,
        %get3A_2205 = vector.shape_cast %get3A_2204 : vector<1x16xf32> to vector<16xf32>
        %max3A_2206 = arith.maximumf %max3A_2168, %get3A_2205 : vector<16xf32>
        %get3A_2207 = arith.constant 0 : i32
        %get3A_2208 = arith.constant 0 : i32
        %get3A_2209 = tpu.memref_slice %arg8[%scan3A_791, %get3A_2207, %get3A_2208] : memref<4x200x64xf32, #tpu.memory_space<vmem>> -> memref<1x200x64xf32, #tpu.memory_space<vmem>>
        %get3A_2210 = tpu.memref_squeeze %get3A_2209 : memref<1x200x64xf32, #tpu.memory_space<vmem>> -> memref<200x64xf32, #tpu.memory_space<vmem>>
        %get3A_2211 = arith.index_cast %scan3A_2179 : i32 to index
        %get3A_2212 = arith.constant 48 : index
        %get3A_2213 = tpu.vector_load %get3A_2210[%get3A_2211, %get3A_2212] {strides = array<i32>} : memref<200x64xf32, #tpu.memory_space<vmem>>, vector<1x16xf32>,
        %get3A_2214 = vector.shape_cast %get3A_2213 : vector<1x16xf32> to vector<16xf32>
        %max3A_2215 = arith.maximumf %max3A_2177, %get3A_2214 : vector<16xf32>
        %scan3A_2216 = arith.constant 7 : i32
        %scan3A_2217 = arith.addi %scan3A_1948, %scan3A_2216 : i32
        %get3A_2218 = arith.constant 0 : i32
        %get3A_2219 = arith.constant 0 : i32
        %get3A_2220 = tpu.memref_slice %arg8[%scan3A_791, %get3A_2218, %get3A_2219] : memref<4x200x64xf32, #tpu.memory_space<vmem>> -> memref<1x200x64xf32, #tpu.memory_space<vmem>>
        %get3A_2221 = tpu.memref_squeeze %get3A_2220 : memref<1x200x64xf32, #tpu.memory_space<vmem>> -> memref<200x64xf32, #tpu.memory_space<vmem>>
        %get3A_2222 = arith.index_cast %scan3A_2217 : i32 to index
        %get3A_2223 = arith.constant 0 : index
        %get3A_2224 = tpu.vector_load %get3A_2221[%get3A_2222, %get3A_2223] {strides = array<i32>} : memref<200x64xf32, #tpu.memory_space<vmem>>, vector<1x16xf32>,
        %get3A_2225 = vector.shape_cast %get3A_2224 : vector<1x16xf32> to vector<16xf32>
        %max3A_2226 = arith.maximumf %max3A_2188, %get3A_2225 : vector<16xf32>
        %get3A_2227 = arith.constant 0 : i32
        %get3A_2228 = arith.constant 0 : i32
        %get3A_2229 = tpu.memref_slice %arg8[%scan3A_791, %get3A_2227, %get3A_2228] : memref<4x200x64xf32, #tpu.memory_space<vmem>> -> memref<1x200x64xf32, #tpu.memory_space<vmem>>
        %get3A_2230 = tpu.memref_squeeze %get3A_2229 : memref<1x200x64xf32, #tpu.memory_space<vmem>> -> memref<200x64xf32, #tpu.memory_space<vmem>>
        %get3A_2231 = arith.index_cast %scan3A_2217 : i32 to index
        %get3A_2232 = arith.constant 16 : index
        %get3A_2233 = tpu.vector_load %get3A_2230[%get3A_2231, %get3A_2232] {strides = array<i32>} : memref<200x64xf32, #tpu.memory_space<vmem>>, vector<1x16xf32>,
        %get3A_2234 = vector.shape_cast %get3A_2233 : vector<1x16xf32> to vector<16xf32>
        %max3A_2235 = arith.maximumf %max3A_2197, %get3A_2234 : vector<16xf32>
        %get3A_2236 = arith.constant 0 : i32
        %get3A_2237 = arith.constant 0 : i32
        %get3A_2238 = tpu.memref_slice %arg8[%scan3A_791, %get3A_2236, %get3A_2237] : memref<4x200x64xf32, #tpu.memory_space<vmem>> -> memref<1x200x64xf32, #tpu.memory_space<vmem>>
        %get3A_2239 = tpu.memref_squeeze %get3A_2238 : memref<1x200x64xf32, #tpu.memory_space<vmem>> -> memref<200x64xf32, #tpu.memory_space<vmem>>
        %get3A_2240 = arith.index_cast %scan3A_2217 : i32 to index
        %get3A_2241 = arith.constant 32 : index
        %get3A_2242 = tpu.vector_load %get3A_2239[%get3A_2240, %get3A_2241] {strides = array<i32>} : memref<200x64xf32, #tpu.memory_space<vmem>>, vector<1x16xf32>,
        %get3A_2243 = vector.shape_cast %get3A_2242 : vector<1x16xf32> to vector<16xf32>
        %max3A_2244 = arith.maximumf %max3A_2206, %get3A_2243 : vector<16xf32>
        %get3A_2245 = arith.constant 0 : i32
        %get3A_2246 = arith.constant 0 : i32
        %get3A_2247 = tpu.memref_slice %arg8[%scan3A_791, %get3A_2245, %get3A_2246] : memref<4x200x64xf32, #tpu.memory_space<vmem>> -> memref<1x200x64xf32, #tpu.memory_space<vmem>>
        %get3A_2248 = tpu.memref_squeeze %get3A_2247 : memref<1x200x64xf32, #tpu.memory_space<vmem>> -> memref<200x64xf32, #tpu.memory_space<vmem>>
        %get3A_2249 = arith.index_cast %scan3A_2217 : i32 to index
        %get3A_2250 = arith.constant 48 : index
        %get3A_2251 = tpu.vector_load %get3A_2248[%get3A_2249, %get3A_2250] {strides = array<i32>} : memref<200x64xf32, #tpu.memory_space<vmem>>, vector<1x16xf32>,
        %get3A_2252 = vector.shape_cast %get3A_2251 : vector<1x16xf32> to vector<16xf32>
        %max3A_2253 = arith.maximumf %max3A_2215, %get3A_2252 : vector<16xf32>
        scf.yield %max3A_2226, %max3A_2235, %max3A_2244, %max3A_2253 : vector<16xf32>, vector<16xf32>, vector<16xf32>, vector<16xf32>
      }
      %scan3A_797 = arith.constant 200 : i32
      %get3A_798 = arith.constant 0 : i32
      %get3A_799 = arith.index_cast %get3A_798 : i32 to index
      %get3A_800 = arith.constant 0 : index
      %get3A_801 = tpu.vector_load %arg9[%get3A_799, %get3A_800] {strides = array<i32>} : memref<2x64xf32, #tpu.memory_space<vmem>>, vector<1x16xf32>,
      %get3A_802 = vector.shape_cast %get3A_801 : vector<1x16xf32> to vector<16xf32>
      %mul3A_803 = arith.mulf %scan3A_796#0, %get3A_802 : vector<16xf32>
      %get3A_804 = arith.constant 0 : i32
      %get3A_805 = arith.index_cast %get3A_804 : i32 to index
      %get3A_806 = arith.constant 16 : index
      %get3A_807 = tpu.vector_load %arg9[%get3A_805, %get3A_806] {strides = array<i32>} : memref<2x64xf32, #tpu.memory_space<vmem>>, vector<1x16xf32>,
      %get3A_808 = vector.shape_cast %get3A_807 : vector<1x16xf32> to vector<16xf32>
      %mul3A_809 = arith.mulf %scan3A_796#1, %get3A_808 : vector<16xf32>
      %add3A_810 = arith.addf %mul3A_803, %mul3A_809 : vector<16xf32>
      %get3A_811 = arith.constant 0 : i32
      %get3A_812 = arith.index_cast %get3A_811 : i32 to index
      %get3A_813 = arith.constant 32 : index
      %get3A_814 = tpu.vector_load %arg9[%get3A_812, %get3A_813] {strides = array<i32>} : memref<2x64xf32, #tpu.memory_space<vmem>>, vector<1x16xf32>,
      %get3A_815 = vector.shape_cast %get3A_814 : vector<1x16xf32> to vector<16xf32>
      %mul3A_816 = arith.mulf %scan3A_796#2, %get3A_815 : vector<16xf32>
      %add3A_817 = arith.addf %add3A_810, %mul3A_816 : vector<16xf32>
      %get3A_818 = arith.constant 0 : i32
      %get3A_819 = arith.index_cast %get3A_818 : i32 to index
      %get3A_820 = arith.constant 48 : index
      %get3A_821 = tpu.vector_load %arg9[%get3A_819, %get3A_820] {strides = array<i32>} : memref<2x64xf32, #tpu.memory_space<vmem>>, vector<1x16xf32>,
      %get3A_822 = vector.shape_cast %get3A_821 : vector<1x16xf32> to vector<16xf32>
      %mul3A_823 = arith.mulf %scan3A_796#3, %get3A_822 : vector<16xf32>
      %add3A_824 = arith.addf %add3A_817, %mul3A_823 : vector<16xf32>
      %xor3A_825 = arith.constant 8 : i32
      %xor3A_826 = vector.broadcast %xor3A_825 : i32 to vector<16xi32>
      %xor3A_827 = arith.xori %iota3A, %xor3A_826 : vector<16xi32>
      %reshape3A_828 = vector.shape_cast %xor3A_827 : vector<16xi32> to vector<16x1xi32>
      %gather3A_829 = vector.shape_cast %reshape3A_828 : vector<16x1xi32> to vector<16xi32>
      %gather3A_830 = tpu.dynamic_gather %add3A_824[%gather3A_829] in [0] : vector<16xf32>, vector<16xi32> -> vector<16xf32>
      %add3A_831 = arith.addf %add3A_824, %gather3A_830 : vector<16xf32>
      %xor3A_832 = arith.constant 4 : i32
      %xor3A_833 = vector.broadcast %xor3A_832 : i32 to vector<16xi32>
      %xor3A_834 = arith.xori %iota3A, %xor3A_833 : vector<16xi32>
      %reshape3A_835 = vector.shape_cast %xor3A_834 : vector<16xi32> to vector<16x1xi32>
      %gather3A_836 = vector.shape_cast %reshape3A_835 : vector<16x1xi32> to vector<16xi32>
      %gather3A_837 = tpu.dynamic_gather %add3A_831[%gather3A_836] in [0] : vector<16xf32>, vector<16xi32> -> vector<16xf32>
      %add3A_838 = arith.addf %add3A_831, %gather3A_837 : vector<16xf32>
      %xor3A_839 = arith.constant 2 : i32
      %xor3A_840 = vector.broadcast %xor3A_839 : i32 to vector<16xi32>
      %xor3A_841 = arith.xori %iota3A, %xor3A_840 : vector<16xi32>
      %reshape3A_842 = vector.shape_cast %xor3A_841 : vector<16xi32> to vector<16x1xi32>
      %gather3A_843 = vector.shape_cast %reshape3A_842 : vector<16x1xi32> to vector<16xi32>
      %gather3A_844 = tpu.dynamic_gather %add3A_838[%gather3A_843] in [0] : vector<16xf32>, vector<16xi32> -> vector<16xf32>
      %add3A_845 = arith.addf %add3A_838, %gather3A_844 : vector<16xf32>
      %xor3A_846 = arith.constant 1 : i32
      %xor3A_847 = vector.broadcast %xor3A_846 : i32 to vector<16xi32>
      %xor3A_848 = arith.xori %iota3A, %xor3A_847 : vector<16xi32>
      %reshape3A_849 = vector.shape_cast %xor3A_848 : vector<16xi32> to vector<16x1xi32>
      %gather3A_850 = vector.shape_cast %reshape3A_849 : vector<16x1xi32> to vector<16xi32>
      %gather3A_851 = tpu.dynamic_gather %add3A_845[%gather3A_850] in [0] : vector<16xf32>, vector<16xi32> -> vector<16xf32>
      %add3A_852 = arith.addf %add3A_845, %gather3A_851 : vector<16xf32>
      %eq3A_853 = arith.constant 2 : i32
      %eq3A_854 = vector.broadcast %eq3A_853 : i32 to vector<16xi32>
      %eq3A_855 = arith.cmpi eq, %iota3A, %eq3A_854 : vector<16xi32>
      %select_n3A_856 = arith.select %eq3A_855, %add3A_852, %select_n3A_726 : vector<16xi1>, vector<16xf32>
      %get3A_857 = arith.constant 1 : i32
      %get3A_858 = arith.index_cast %get3A_857 : i32 to index
      %get3A_859 = arith.constant 0 : index
      %get3A_860 = tpu.vector_load %arg9[%get3A_858, %get3A_859] {strides = array<i32>} : memref<2x64xf32, #tpu.memory_space<vmem>>, vector<1x16xf32>,
      %get3A_861 = vector.shape_cast %get3A_860 : vector<1x16xf32> to vector<16xf32>
      %mul3A_862 = arith.mulf %scan3A_796#0, %get3A_861 : vector<16xf32>
      %get3A_863 = arith.constant 1 : i32
      %get3A_864 = arith.index_cast %get3A_863 : i32 to index
      %get3A_865 = arith.constant 16 : index
      %get3A_866 = tpu.vector_load %arg9[%get3A_864, %get3A_865] {strides = array<i32>} : memref<2x64xf32, #tpu.memory_space<vmem>>, vector<1x16xf32>,
      %get3A_867 = vector.shape_cast %get3A_866 : vector<1x16xf32> to vector<16xf32>
      %mul3A_868 = arith.mulf %scan3A_796#1, %get3A_867 : vector<16xf32>
      %add3A_869 = arith.addf %mul3A_862, %mul3A_868 : vector<16xf32>
      %get3A_870 = arith.constant 1 : i32
      %get3A_871 = arith.index_cast %get3A_870 : i32 to index
      %get3A_872 = arith.constant 32 : index
      %get3A_873 = tpu.vector_load %arg9[%get3A_871, %get3A_872] {strides = array<i32>} : memref<2x64xf32, #tpu.memory_space<vmem>>, vector<1x16xf32>,
      %get3A_874 = vector.shape_cast %get3A_873 : vector<1x16xf32> to vector<16xf32>
      %mul3A_875 = arith.mulf %scan3A_796#2, %get3A_874 : vector<16xf32>
      %add3A_876 = arith.addf %add3A_869, %mul3A_875 : vector<16xf32>
      %get3A_877 = arith.constant 1 : i32
      %get3A_878 = arith.index_cast %get3A_877 : i32 to index
      %get3A_879 = arith.constant 48 : index
      %get3A_880 = tpu.vector_load %arg9[%get3A_878, %get3A_879] {strides = array<i32>} : memref<2x64xf32, #tpu.memory_space<vmem>>, vector<1x16xf32>,
      %get3A_881 = vector.shape_cast %get3A_880 : vector<1x16xf32> to vector<16xf32>
      %mul3A_882 = arith.mulf %scan3A_796#3, %get3A_881 : vector<16xf32>
      %add3A_883 = arith.addf %add3A_876, %mul3A_882 : vector<16xf32>
      %xor3A_884 = arith.constant 8 : i32
      %xor3A_885 = vector.broadcast %xor3A_884 : i32 to vector<16xi32>
      %xor3A_886 = arith.xori %iota3A, %xor3A_885 : vector<16xi32>
      %reshape3A_887 = vector.shape_cast %xor3A_886 : vector<16xi32> to vector<16x1xi32>
      %gather3A_888 = vector.shape_cast %reshape3A_887 : vector<16x1xi32> to vector<16xi32>
      %gather3A_889 = tpu.dynamic_gather %add3A_883[%gather3A_888] in [0] : vector<16xf32>, vector<16xi32> -> vector<16xf32>
      %add3A_890 = arith.addf %add3A_883, %gather3A_889 : vector<16xf32>
      %xor3A_891 = arith.constant 4 : i32
      %xor3A_892 = vector.broadcast %xor3A_891 : i32 to vector<16xi32>
      %xor3A_893 = arith.xori %iota3A, %xor3A_892 : vector<16xi32>
      %reshape3A_894 = vector.shape_cast %xor3A_893 : vector<16xi32> to vector<16x1xi32>
      %gather3A_895 = vector.shape_cast %reshape3A_894 : vector<16x1xi32> to vector<16xi32>
      %gather3A_896 = tpu.dynamic_gather %add3A_890[%gather3A_895] in [0] : vector<16xf32>, vector<16xi32> -> vector<16xf32>
      %add3A_897 = arith.addf %add3A_890, %gather3A_896 : vector<16xf32>
      %xor3A_898 = arith.constant 2 : i32
      %xor3A_899 = vector.broadcast %xor3A_898 : i32 to vector<16xi32>
      %xor3A_900 = arith.xori %iota3A, %xor3A_899 : vector<16xi32>
      %reshape3A_901 = vector.shape_cast %xor3A_900 : vector<16xi32> to vector<16x1xi32>
      %gather3A_902 = vector.shape_cast %reshape3A_901 : vector<16x1xi32> to vector<16xi32>
      %gather3A_903 = tpu.dynamic_gather %add3A_897[%gather3A_902] in [0] : vector<16xf32>, vector<16xi32> -> vector<16xf32>
      %add3A_904 = arith.addf %add3A_897, %gather3A_903 : vector<16xf32>
      %xor3A_905 = arith.constant 1 : i32
      %xor3A_906 = vector.broadcast %xor3A_905 : i32 to vector<16xi32>
      %xor3A_907 = arith.xori %iota3A, %xor3A_906 : vector<16xi32>
      %reshape3A_908 = vector.shape_cast %xor3A_907 : vector<16xi32> to vector<16x1xi32>
      %gather3A_909 = vector.shape_cast %reshape3A_908 : vector<16x1xi32> to vector<16xi32>
      %gather3A_910 = tpu.dynamic_gather %add3A_904[%gather3A_909] in [0] : vector<16xf32>, vector<16xi32> -> vector<16xf32>
      %add3A_911 = arith.addf %add3A_904, %gather3A_910 : vector<16xf32>
      %eq3A_912 = arith.constant 3 : i32
      %eq3A_913 = vector.broadcast %eq3A_912 : i32 to vector<16xi32>
      %eq3A_914 = arith.cmpi eq, %iota3A, %eq3A_913 : vector<16xi32>
      %select_n3A_915 = arith.select %eq3A_914, %add3A_911, %select_n3A_856 : vector<16xi1>, vector<16xf32>
      %add3A_916 = arith.constant 1 : i32
      %add3A_917 = arith.addi %mul3A_442, %add3A_916 : i32
      %add3A_918 = arith.constant 4 : i32
      %add3A_919 = arith.addi %add3A_917, %add3A_918 : i32
      %mul3A_920 = arith.constant 2 : i32
      %mul3A_921 = arith.muli %mul3A_920, %add3A_919 : i32
      %dma_start3A_922 = arith.constant 1 : i32
      %dma_start3A_923 = arith.constant 1 : i32
      %dma_start3A_924 = arith.constant 0 : i32
      %dma_start3A_925 = arith.constant 0 : i32
      %dma_start3A_926 = tpu.memref_slice %arg8[%dma_start3A_922, %dma_start3A_924, %dma_start3A_925] : memref<4x200x64xf32, #tpu.memory_space<vmem>> -> memref<1x100x64xf32, #tpu.memory_space<vmem>>
      %dma_start3A_927 = tpu.memref_squeeze %dma_start3A_926 : memref<1x100x64xf32, #tpu.memory_space<vmem>> -> memref<100x64xf32, #tpu.memory_space<vmem>>
      %dma_start3A_928 = arith.constant 0 : i32
      %dma_start3A_929 = tpu.memref_slice %arg7[%mul3A_921, %dma_start3A_928] : memref<256x100xi32, #tpu.memory_space<vmem>> -> memref<1x100xi32, #tpu.memory_space<vmem>>
      %dma_start3A_930 = tpu.memref_squeeze %dma_start3A_929 : memref<1x100xi32, #tpu.memory_space<vmem>> -> memref<100xi32, #tpu.memory_space<vmem>>
      %dma_start3A_931 = arith.constant 0 : i32
      %dma_start3A_932 = arith.constant 0 : i32
      %dma_start3A_933 = tpu.memref_slice %arg3[%dma_start3A_931, %dma_start3A_932] : memref<1000000x64xf32, #tpu.memory_space<hbm>> -> memref<1000000x64xf32, #tpu.memory_space<hbm>>
      %dma_start3A_934 = tpu.memref_slice %arg12[%dma_start3A_923] : memref<4x!tpu.dma_semaphore, #tpu.memory_space<semaphore_mem>> -> memref<1x!tpu.dma_semaphore, #tpu.memory_space<semaphore_mem>>
      %dma_start3A_935 = tpu.memref_squeeze %dma_start3A_934 : memref<1x!tpu.dma_semaphore, #tpu.memory_space<semaphore_mem>> -> memref<!tpu.dma_semaphore, #tpu.memory_space<semaphore_mem>>
      tpu.enqueue_indirect_dma source(%dma_start3A_933 : memref<1000000x64xf32, #tpu.memory_space<hbm>>) target(%dma_start3A_927 : memref<100x64xf32, #tpu.memory_space<vmem>>) offsets(%dma_start3A_930 : memref<100xi32, #tpu.memory_space<vmem>>) semaphore(%dma_start3A_935 : memref<!tpu.dma_semaphore, #tpu.memory_space<semaphore_mem>>)
      %add3A_936 = arith.constant 1 : i32
      %add3A_937 = arith.addi %mul3A_921, %add3A_936 : i32
      %dma_start3A_938 = arith.constant 1 : i32
      %dma_start3A_939 = arith.constant 1 : i32
      %dma_start3A_940 = arith.constant 100 : i32
      %dma_start3A_941 = arith.constant 0 : i32
      %dma_start3A_942 = tpu.memref_slice %arg8[%dma_start3A_938, %dma_start3A_940, %dma_start3A_941] : memref<4x200x64xf32, #tpu.memory_space<vmem>> -> memref<1x100x64xf32, #tpu.memory_space<vmem>>
      %dma_start3A_943 = tpu.memref_squeeze %dma_start3A_942 : memref<1x100x64xf32, #tpu.memory_space<vmem>> -> memref<100x64xf32, #tpu.memory_space<vmem>>
      %dma_start3A_944 = arith.constant 0 : i32
      %dma_start3A_945 = tpu.memref_slice %arg7[%add3A_937, %dma_start3A_944] : memref<256x100xi32, #tpu.memory_space<vmem>> -> memref<1x100xi32, #tpu.memory_space<vmem>>
      %dma_start3A_946 = tpu.memref_squeeze %dma_start3A_945 : memref<1x100xi32, #tpu.memory_space<vmem>> -> memref<100xi32, #tpu.memory_space<vmem>>
      %dma_start3A_947 = arith.constant 0 : i32
      %dma_start3A_948 = arith.constant 0 : i32
      %dma_start3A_949 = tpu.memref_slice %arg3[%dma_start3A_947, %dma_start3A_948] : memref<1000000x64xf32, #tpu.memory_space<hbm>> -> memref<1000000x64xf32, #tpu.memory_space<hbm>>
      %dma_start3A_950 = tpu.memref_slice %arg12[%dma_start3A_939] : memref<4x!tpu.dma_semaphore, #tpu.memory_space<semaphore_mem>> -> memref<1x!tpu.dma_semaphore, #tpu.memory_space<semaphore_mem>>
      %dma_start3A_951 = tpu.memref_squeeze %dma_start3A_950 : memref<1x!tpu.dma_semaphore, #tpu.memory_space<semaphore_mem>> -> memref<!tpu.dma_semaphore, #tpu.memory_space<semaphore_mem>>
      tpu.enqueue_indirect_dma source(%dma_start3A_949 : memref<1000000x64xf32, #tpu.memory_space<hbm>>) target(%dma_start3A_943 : memref<100x64xf32, #tpu.memory_space<vmem>>) offsets(%dma_start3A_946 : memref<100xi32, #tpu.memory_space<vmem>>) semaphore(%dma_start3A_951 : memref<!tpu.dma_semaphore, #tpu.memory_space<semaphore_mem>>)
      %dma_wait3A_952 = arith.constant 2 : i32
      %dma_wait3A_953 = arith.constant 2 : i32
      %dma_wait3A_954 = arith.constant 0 : i32
      %dma_wait3A_955 = arith.constant 0 : i32
      %dma_wait3A_956 = tpu.memref_slice %arg8[%dma_wait3A_952, %dma_wait3A_954, %dma_wait3A_955] : memref<4x200x64xf32, #tpu.memory_space<vmem>> -> memref<1x100x64xf32, #tpu.memory_space<vmem>>
      %dma_wait3A_957 = tpu.memref_squeeze %dma_wait3A_956 : memref<1x100x64xf32, #tpu.memory_space<vmem>> -> memref<100x64xf32, #tpu.memory_space<vmem>>
      %dma_wait3A_958 = arith.constant 0 : i32
      %dma_wait3A_959 = tpu.memref_slice %arg7[%mul3A_513, %dma_wait3A_958] : memref<256x100xi32, #tpu.memory_space<vmem>> -> memref<1x100xi32, #tpu.memory_space<vmem>>
      %dma_wait3A_960 = tpu.memref_squeeze %dma_wait3A_959 : memref<1x100xi32, #tpu.memory_space<vmem>> -> memref<100xi32, #tpu.memory_space<vmem>>
      %dma_wait3A_961 = arith.constant 0 : i32
      %dma_wait3A_962 = arith.constant 0 : i32
      %dma_wait3A_963 = tpu.memref_slice %arg3[%dma_wait3A_961, %dma_wait3A_962] : memref<1000000x64xf32, #tpu.memory_space<hbm>> -> memref<1000000x64xf32, #tpu.memory_space<hbm>>
      %dma_wait3A_964 = tpu.memref_slice %arg12[%dma_wait3A_953] : memref<4x!tpu.dma_semaphore, #tpu.memory_space<semaphore_mem>> -> memref<1x!tpu.dma_semaphore, #tpu.memory_space<semaphore_mem>>
      %dma_wait3A_965 = tpu.memref_squeeze %dma_wait3A_964 : memref<1x!tpu.dma_semaphore, #tpu.memory_space<semaphore_mem>> -> memref<!tpu.dma_semaphore, #tpu.memory_space<semaphore_mem>>
      tpu.wait_indirect_dma semaphore(%dma_wait3A_965 : memref<!tpu.dma_semaphore, #tpu.memory_space<semaphore_mem>>) src(%dma_wait3A_963 : memref<1000000x64xf32, #tpu.memory_space<hbm>>) dst(%dma_wait3A_957 : memref<100x64xf32, #tpu.memory_space<vmem>>)
      %dma_wait3A_966 = arith.constant 2 : i32
      %dma_wait3A_967 = arith.constant 2 : i32
      %dma_wait3A_968 = arith.constant 100 : i32
      %dma_wait3A_969 = arith.constant 0 : i32
      %dma_wait3A_970 = tpu.memref_slice %arg8[%dma_wait3A_966, %dma_wait3A_968, %dma_wait3A_969] : memref<4x200x64xf32, #tpu.memory_space<vmem>> -> memref<1x100x64xf32, #tpu.memory_space<vmem>>
      %dma_wait3A_971 = tpu.memref_squeeze %dma_wait3A_970 : memref<1x100x64xf32, #tpu.memory_space<vmem>> -> memref<100x64xf32, #tpu.memory_space<vmem>>
      %dma_wait3A_972 = arith.constant 0 : i32
      %dma_wait3A_973 = tpu.memref_slice %arg7[%add3A_529, %dma_wait3A_972] : memref<256x100xi32, #tpu.memory_space<vmem>> -> memref<1x100xi32, #tpu.memory_space<vmem>>
      %dma_wait3A_974 = tpu.memref_squeeze %dma_wait3A_973 : memref<1x100xi32, #tpu.memory_space<vmem>> -> memref<100xi32, #tpu.memory_space<vmem>>
      %dma_wait3A_975 = arith.constant 0 : i32
      %dma_wait3A_976 = arith.constant 0 : i32
      %dma_wait3A_977 = tpu.memref_slice %arg3[%dma_wait3A_975, %dma_wait3A_976] : memref<1000000x64xf32, #tpu.memory_space<hbm>> -> memref<1000000x64xf32, #tpu.memory_space<hbm>>
      %dma_wait3A_978 = tpu.memref_slice %arg12[%dma_wait3A_967] : memref<4x!tpu.dma_semaphore, #tpu.memory_space<semaphore_mem>> -> memref<1x!tpu.dma_semaphore, #tpu.memory_space<semaphore_mem>>
      %dma_wait3A_979 = tpu.memref_squeeze %dma_wait3A_978 : memref<1x!tpu.dma_semaphore, #tpu.memory_space<semaphore_mem>> -> memref<!tpu.dma_semaphore, #tpu.memory_space<semaphore_mem>>
      tpu.wait_indirect_dma semaphore(%dma_wait3A_979 : memref<!tpu.dma_semaphore, #tpu.memory_space<semaphore_mem>>) src(%dma_wait3A_977 : memref<1000000x64xf32, #tpu.memory_space<hbm>>) dst(%dma_wait3A_971 : memref<100x64xf32, #tpu.memory_space<vmem>>)
      %scan3A_980 = arith.constant 2 : i32
      %scan3A_981 = arith.constant 0 : i32
      %scan3A_982 = arith.constant 200 : i32
      %scan3A_983 = arith.addi %scan3A_981, %scan3A_982 : i32
      %scan3A_984 = arith.constant 8 : i32
      %scan3A_985:4 = scf.for %scan3A_1948 = %scan3A_981 to %scan3A_983 step %scan3A_984 iter_args(%scan3A_1949 = %broadcast_in_dim3A_5, %scan3A_1950 = %broadcast_in_dim3A_5, %scan3A_1951 = %broadcast_in_dim3A_5, %scan3A_1952 = %broadcast_in_dim3A_5) -> (vector<16xf32>, vector<16xf32>, vector<16xf32>, vector<16xf32>)  : i32 {
        %get3A_1953 = arith.constant 0 : i32
        %get3A_1954 = arith.constant 0 : i32
        %get3A_1955 = tpu.memref_slice %arg8[%scan3A_980, %get3A_1953, %get3A_1954] : memref<4x200x64xf32, #tpu.memory_space<vmem>> -> memref<1x200x64xf32, #tpu.memory_space<vmem>>
        %get3A_1956 = tpu.memref_squeeze %get3A_1955 : memref<1x200x64xf32, #tpu.memory_space<vmem>> -> memref<200x64xf32, #tpu.memory_space<vmem>>
        %get3A_1957 = arith.index_cast %scan3A_1948 : i32 to index
        %get3A_1958 = arith.constant 0 : index
        %get3A_1959 = tpu.vector_load %get3A_1956[%get3A_1957, %get3A_1958] {strides = array<i32>} : memref<200x64xf32, #tpu.memory_space<vmem>>, vector<1x16xf32>,
        %get3A_1960 = vector.shape_cast %get3A_1959 : vector<1x16xf32> to vector<16xf32>
        %max3A = arith.maximumf %scan3A_1949, %get3A_1960 : vector<16xf32>
        %get3A_1961 = arith.constant 0 : i32
        %get3A_1962 = arith.constant 0 : i32
        %get3A_1963 = tpu.memref_slice %arg8[%scan3A_980, %get3A_1961, %get3A_1962] : memref<4x200x64xf32, #tpu.memory_space<vmem>> -> memref<1x200x64xf32, #tpu.memory_space<vmem>>
        %get3A_1964 = tpu.memref_squeeze %get3A_1963 : memref<1x200x64xf32, #tpu.memory_space<vmem>> -> memref<200x64xf32, #tpu.memory_space<vmem>>
        %get3A_1965 = arith.index_cast %scan3A_1948 : i32 to index
        %get3A_1966 = arith.constant 16 : index
        %get3A_1967 = tpu.vector_load %get3A_1964[%get3A_1965, %get3A_1966] {strides = array<i32>} : memref<200x64xf32, #tpu.memory_space<vmem>>, vector<1x16xf32>,
        %get3A_1968 = vector.shape_cast %get3A_1967 : vector<1x16xf32> to vector<16xf32>
        %max3A_1969 = arith.maximumf %scan3A_1950, %get3A_1968 : vector<16xf32>
        %get3A_1970 = arith.constant 0 : i32
        %get3A_1971 = arith.constant 0 : i32
        %get3A_1972 = tpu.memref_slice %arg8[%scan3A_980, %get3A_1970, %get3A_1971] : memref<4x200x64xf32, #tpu.memory_space<vmem>> -> memref<1x200x64xf32, #tpu.memory_space<vmem>>
        %get3A_1973 = tpu.memref_squeeze %get3A_1972 : memref<1x200x64xf32, #tpu.memory_space<vmem>> -> memref<200x64xf32, #tpu.memory_space<vmem>>
        %get3A_1974 = arith.index_cast %scan3A_1948 : i32 to index
        %get3A_1975 = arith.constant 32 : index
        %get3A_1976 = tpu.vector_load %get3A_1973[%get3A_1974, %get3A_1975] {strides = array<i32>} : memref<200x64xf32, #tpu.memory_space<vmem>>, vector<1x16xf32>,
        %get3A_1977 = vector.shape_cast %get3A_1976 : vector<1x16xf32> to vector<16xf32>
        %max3A_1978 = arith.maximumf %scan3A_1951, %get3A_1977 : vector<16xf32>
        %get3A_1979 = arith.constant 0 : i32
        %get3A_1980 = arith.constant 0 : i32
        %get3A_1981 = tpu.memref_slice %arg8[%scan3A_980, %get3A_1979, %get3A_1980] : memref<4x200x64xf32, #tpu.memory_space<vmem>> -> memref<1x200x64xf32, #tpu.memory_space<vmem>>
        %get3A_1982 = tpu.memref_squeeze %get3A_1981 : memref<1x200x64xf32, #tpu.memory_space<vmem>> -> memref<200x64xf32, #tpu.memory_space<vmem>>
        %get3A_1983 = arith.index_cast %scan3A_1948 : i32 to index
        %get3A_1984 = arith.constant 48 : index
        %get3A_1985 = tpu.vector_load %get3A_1982[%get3A_1983, %get3A_1984] {strides = array<i32>} : memref<200x64xf32, #tpu.memory_space<vmem>>, vector<1x16xf32>,
        %get3A_1986 = vector.shape_cast %get3A_1985 : vector<1x16xf32> to vector<16xf32>
        %max3A_1987 = arith.maximumf %scan3A_1952, %get3A_1986 : vector<16xf32>
        %scan3A_1988 = arith.constant 1 : i32
        %scan3A_1989 = arith.addi %scan3A_1948, %scan3A_1988 : i32
        %get3A_1990 = arith.constant 0 : i32
        %get3A_1991 = arith.constant 0 : i32
        %get3A_1992 = tpu.memref_slice %arg8[%scan3A_980, %get3A_1990, %get3A_1991] : memref<4x200x64xf32, #tpu.memory_space<vmem>> -> memref<1x200x64xf32, #tpu.memory_space<vmem>>
        %get3A_1993 = tpu.memref_squeeze %get3A_1992 : memref<1x200x64xf32, #tpu.memory_space<vmem>> -> memref<200x64xf32, #tpu.memory_space<vmem>>
        %get3A_1994 = arith.index_cast %scan3A_1989 : i32 to index
        %get3A_1995 = arith.constant 0 : index
        %get3A_1996 = tpu.vector_load %get3A_1993[%get3A_1994, %get3A_1995] {strides = array<i32>} : memref<200x64xf32, #tpu.memory_space<vmem>>, vector<1x16xf32>,
        %get3A_1997 = vector.shape_cast %get3A_1996 : vector<1x16xf32> to vector<16xf32>
        %max3A_1998 = arith.maximumf %max3A, %get3A_1997 : vector<16xf32>
        %get3A_1999 = arith.constant 0 : i32
        %get3A_2000 = arith.constant 0 : i32
        %get3A_2001 = tpu.memref_slice %arg8[%scan3A_980, %get3A_1999, %get3A_2000] : memref<4x200x64xf32, #tpu.memory_space<vmem>> -> memref<1x200x64xf32, #tpu.memory_space<vmem>>
        %get3A_2002 = tpu.memref_squeeze %get3A_2001 : memref<1x200x64xf32, #tpu.memory_space<vmem>> -> memref<200x64xf32, #tpu.memory_space<vmem>>
        %get3A_2003 = arith.index_cast %scan3A_1989 : i32 to index
        %get3A_2004 = arith.constant 16 : index
        %get3A_2005 = tpu.vector_load %get3A_2002[%get3A_2003, %get3A_2004] {strides = array<i32>} : memref<200x64xf32, #tpu.memory_space<vmem>>, vector<1x16xf32>,
        %get3A_2006 = vector.shape_cast %get3A_2005 : vector<1x16xf32> to vector<16xf32>
        %max3A_2007 = arith.maximumf %max3A_1969, %get3A_2006 : vector<16xf32>
        %get3A_2008 = arith.constant 0 : i32
        %get3A_2009 = arith.constant 0 : i32
        %get3A_2010 = tpu.memref_slice %arg8[%scan3A_980, %get3A_2008, %get3A_2009] : memref<4x200x64xf32, #tpu.memory_space<vmem>> -> memref<1x200x64xf32, #tpu.memory_space<vmem>>
        %get3A_2011 = tpu.memref_squeeze %get3A_2010 : memref<1x200x64xf32, #tpu.memory_space<vmem>> -> memref<200x64xf32, #tpu.memory_space<vmem>>
        %get3A_2012 = arith.index_cast %scan3A_1989 : i32 to index
        %get3A_2013 = arith.constant 32 : index
        %get3A_2014 = tpu.vector_load %get3A_2011[%get3A_2012, %get3A_2013] {strides = array<i32>} : memref<200x64xf32, #tpu.memory_space<vmem>>, vector<1x16xf32>,
        %get3A_2015 = vector.shape_cast %get3A_2014 : vector<1x16xf32> to vector<16xf32>
        %max3A_2016 = arith.maximumf %max3A_1978, %get3A_2015 : vector<16xf32>
        %get3A_2017 = arith.constant 0 : i32
        %get3A_2018 = arith.constant 0 : i32
        %get3A_2019 = tpu.memref_slice %arg8[%scan3A_980, %get3A_2017, %get3A_2018] : memref<4x200x64xf32, #tpu.memory_space<vmem>> -> memref<1x200x64xf32, #tpu.memory_space<vmem>>
        %get3A_2020 = tpu.memref_squeeze %get3A_2019 : memref<1x200x64xf32, #tpu.memory_space<vmem>> -> memref<200x64xf32, #tpu.memory_space<vmem>>
        %get3A_2021 = arith.index_cast %scan3A_1989 : i32 to index
        %get3A_2022 = arith.constant 48 : index
        %get3A_2023 = tpu.vector_load %get3A_2020[%get3A_2021, %get3A_2022] {strides = array<i32>} : memref<200x64xf32, #tpu.memory_space<vmem>>, vector<1x16xf32>,
        %get3A_2024 = vector.shape_cast %get3A_2023 : vector<1x16xf32> to vector<16xf32>
        %max3A_2025 = arith.maximumf %max3A_1987, %get3A_2024 : vector<16xf32>
        %scan3A_2026 = arith.constant 2 : i32
        %scan3A_2027 = arith.addi %scan3A_1948, %scan3A_2026 : i32
        %get3A_2028 = arith.constant 0 : i32
        %get3A_2029 = arith.constant 0 : i32
        %get3A_2030 = tpu.memref_slice %arg8[%scan3A_980, %get3A_2028, %get3A_2029] : memref<4x200x64xf32, #tpu.memory_space<vmem>> -> memref<1x200x64xf32, #tpu.memory_space<vmem>>
        %get3A_2031 = tpu.memref_squeeze %get3A_2030 : memref<1x200x64xf32, #tpu.memory_space<vmem>> -> memref<200x64xf32, #tpu.memory_space<vmem>>
        %get3A_2032 = arith.index_cast %scan3A_2027 : i32 to index
        %get3A_2033 = arith.constant 0 : index
        %get3A_2034 = tpu.vector_load %get3A_2031[%get3A_2032, %get3A_2033] {strides = array<i32>} : memref<200x64xf32, #tpu.memory_space<vmem>>, vector<1x16xf32>,
        %get3A_2035 = vector.shape_cast %get3A_2034 : vector<1x16xf32> to vector<16xf32>
        %max3A_2036 = arith.maximumf %max3A_1998, %get3A_2035 : vector<16xf32>
        %get3A_2037 = arith.constant 0 : i32
        %get3A_2038 = arith.constant 0 : i32
        %get3A_2039 = tpu.memref_slice %arg8[%scan3A_980, %get3A_2037, %get3A_2038] : memref<4x200x64xf32, #tpu.memory_space<vmem>> -> memref<1x200x64xf32, #tpu.memory_space<vmem>>
        %get3A_2040 = tpu.memref_squeeze %get3A_2039 : memref<1x200x64xf32, #tpu.memory_space<vmem>> -> memref<200x64xf32, #tpu.memory_space<vmem>>
        %get3A_2041 = arith.index_cast %scan3A_2027 : i32 to index
        %get3A_2042 = arith.constant 16 : index
        %get3A_2043 = tpu.vector_load %get3A_2040[%get3A_2041, %get3A_2042] {strides = array<i32>} : memref<200x64xf32, #tpu.memory_space<vmem>>, vector<1x16xf32>,
        %get3A_2044 = vector.shape_cast %get3A_2043 : vector<1x16xf32> to vector<16xf32>
        %max3A_2045 = arith.maximumf %max3A_2007, %get3A_2044 : vector<16xf32>
        %get3A_2046 = arith.constant 0 : i32
        %get3A_2047 = arith.constant 0 : i32
        %get3A_2048 = tpu.memref_slice %arg8[%scan3A_980, %get3A_2046, %get3A_2047] : memref<4x200x64xf32, #tpu.memory_space<vmem>> -> memref<1x200x64xf32, #tpu.memory_space<vmem>>
        %get3A_2049 = tpu.memref_squeeze %get3A_2048 : memref<1x200x64xf32, #tpu.memory_space<vmem>> -> memref<200x64xf32, #tpu.memory_space<vmem>>
        %get3A_2050 = arith.index_cast %scan3A_2027 : i32 to index
        %get3A_2051 = arith.constant 32 : index
        %get3A_2052 = tpu.vector_load %get3A_2049[%get3A_2050, %get3A_2051] {strides = array<i32>} : memref<200x64xf32, #tpu.memory_space<vmem>>, vector<1x16xf32>,
        %get3A_2053 = vector.shape_cast %get3A_2052 : vector<1x16xf32> to vector<16xf32>
        %max3A_2054 = arith.maximumf %max3A_2016, %get3A_2053 : vector<16xf32>
        %get3A_2055 = arith.constant 0 : i32
        %get3A_2056 = arith.constant 0 : i32
        %get3A_2057 = tpu.memref_slice %arg8[%scan3A_980, %get3A_2055, %get3A_2056] : memref<4x200x64xf32, #tpu.memory_space<vmem>> -> memref<1x200x64xf32, #tpu.memory_space<vmem>>
        %get3A_2058 = tpu.memref_squeeze %get3A_2057 : memref<1x200x64xf32, #tpu.memory_space<vmem>> -> memref<200x64xf32, #tpu.memory_space<vmem>>
        %get3A_2059 = arith.index_cast %scan3A_2027 : i32 to index
        %get3A_2060 = arith.constant 48 : index
        %get3A_2061 = tpu.vector_load %get3A_2058[%get3A_2059, %get3A_2060] {strides = array<i32>} : memref<200x64xf32, #tpu.memory_space<vmem>>, vector<1x16xf32>,
        %get3A_2062 = vector.shape_cast %get3A_2061 : vector<1x16xf32> to vector<16xf32>
        %max3A_2063 = arith.maximumf %max3A_2025, %get3A_2062 : vector<16xf32>
        %scan3A_2064 = arith.constant 3 : i32
        %scan3A_2065 = arith.addi %scan3A_1948, %scan3A_2064 : i32
        %get3A_2066 = arith.constant 0 : i32
        %get3A_2067 = arith.constant 0 : i32
        %get3A_2068 = tpu.memref_slice %arg8[%scan3A_980, %get3A_2066, %get3A_2067] : memref<4x200x64xf32, #tpu.memory_space<vmem>> -> memref<1x200x64xf32, #tpu.memory_space<vmem>>
        %get3A_2069 = tpu.memref_squeeze %get3A_2068 : memref<1x200x64xf32, #tpu.memory_space<vmem>> -> memref<200x64xf32, #tpu.memory_space<vmem>>
        %get3A_2070 = arith.index_cast %scan3A_2065 : i32 to index
        %get3A_2071 = arith.constant 0 : index
        %get3A_2072 = tpu.vector_load %get3A_2069[%get3A_2070, %get3A_2071] {strides = array<i32>} : memref<200x64xf32, #tpu.memory_space<vmem>>, vector<1x16xf32>,
        %get3A_2073 = vector.shape_cast %get3A_2072 : vector<1x16xf32> to vector<16xf32>
        %max3A_2074 = arith.maximumf %max3A_2036, %get3A_2073 : vector<16xf32>
        %get3A_2075 = arith.constant 0 : i32
        %get3A_2076 = arith.constant 0 : i32
        %get3A_2077 = tpu.memref_slice %arg8[%scan3A_980, %get3A_2075, %get3A_2076] : memref<4x200x64xf32, #tpu.memory_space<vmem>> -> memref<1x200x64xf32, #tpu.memory_space<vmem>>
        %get3A_2078 = tpu.memref_squeeze %get3A_2077 : memref<1x200x64xf32, #tpu.memory_space<vmem>> -> memref<200x64xf32, #tpu.memory_space<vmem>>
        %get3A_2079 = arith.index_cast %scan3A_2065 : i32 to index
        %get3A_2080 = arith.constant 16 : index
        %get3A_2081 = tpu.vector_load %get3A_2078[%get3A_2079, %get3A_2080] {strides = array<i32>} : memref<200x64xf32, #tpu.memory_space<vmem>>, vector<1x16xf32>,
        %get3A_2082 = vector.shape_cast %get3A_2081 : vector<1x16xf32> to vector<16xf32>
        %max3A_2083 = arith.maximumf %max3A_2045, %get3A_2082 : vector<16xf32>
        %get3A_2084 = arith.constant 0 : i32
        %get3A_2085 = arith.constant 0 : i32
        %get3A_2086 = tpu.memref_slice %arg8[%scan3A_980, %get3A_2084, %get3A_2085] : memref<4x200x64xf32, #tpu.memory_space<vmem>> -> memref<1x200x64xf32, #tpu.memory_space<vmem>>
        %get3A_2087 = tpu.memref_squeeze %get3A_2086 : memref<1x200x64xf32, #tpu.memory_space<vmem>> -> memref<200x64xf32, #tpu.memory_space<vmem>>
        %get3A_2088 = arith.index_cast %scan3A_2065 : i32 to index
        %get3A_2089 = arith.constant 32 : index
        %get3A_2090 = tpu.vector_load %get3A_2087[%get3A_2088, %get3A_2089] {strides = array<i32>} : memref<200x64xf32, #tpu.memory_space<vmem>>, vector<1x16xf32>,
        %get3A_2091 = vector.shape_cast %get3A_2090 : vector<1x16xf32> to vector<16xf32>
        %max3A_2092 = arith.maximumf %max3A_2054, %get3A_2091 : vector<16xf32>
        %get3A_2093 = arith.constant 0 : i32
        %get3A_2094 = arith.constant 0 : i32
        %get3A_2095 = tpu.memref_slice %arg8[%scan3A_980, %get3A_2093, %get3A_2094] : memref<4x200x64xf32, #tpu.memory_space<vmem>> -> memref<1x200x64xf32, #tpu.memory_space<vmem>>
        %get3A_2096 = tpu.memref_squeeze %get3A_2095 : memref<1x200x64xf32, #tpu.memory_space<vmem>> -> memref<200x64xf32, #tpu.memory_space<vmem>>
        %get3A_2097 = arith.index_cast %scan3A_2065 : i32 to index
        %get3A_2098 = arith.constant 48 : index
        %get3A_2099 = tpu.vector_load %get3A_2096[%get3A_2097, %get3A_2098] {strides = array<i32>} : memref<200x64xf32, #tpu.memory_space<vmem>>, vector<1x16xf32>,
        %get3A_2100 = vector.shape_cast %get3A_2099 : vector<1x16xf32> to vector<16xf32>
        %max3A_2101 = arith.maximumf %max3A_2063, %get3A_2100 : vector<16xf32>
        %scan3A_2102 = arith.constant 4 : i32
        %scan3A_2103 = arith.addi %scan3A_1948, %scan3A_2102 : i32
        %get3A_2104 = arith.constant 0 : i32
        %get3A_2105 = arith.constant 0 : i32
        %get3A_2106 = tpu.memref_slice %arg8[%scan3A_980, %get3A_2104, %get3A_2105] : memref<4x200x64xf32, #tpu.memory_space<vmem>> -> memref<1x200x64xf32, #tpu.memory_space<vmem>>
        %get3A_2107 = tpu.memref_squeeze %get3A_2106 : memref<1x200x64xf32, #tpu.memory_space<vmem>> -> memref<200x64xf32, #tpu.memory_space<vmem>>
        %get3A_2108 = arith.index_cast %scan3A_2103 : i32 to index
        %get3A_2109 = arith.constant 0 : index
        %get3A_2110 = tpu.vector_load %get3A_2107[%get3A_2108, %get3A_2109] {strides = array<i32>} : memref<200x64xf32, #tpu.memory_space<vmem>>, vector<1x16xf32>,
        %get3A_2111 = vector.shape_cast %get3A_2110 : vector<1x16xf32> to vector<16xf32>
        %max3A_2112 = arith.maximumf %max3A_2074, %get3A_2111 : vector<16xf32>
        %get3A_2113 = arith.constant 0 : i32
        %get3A_2114 = arith.constant 0 : i32
        %get3A_2115 = tpu.memref_slice %arg8[%scan3A_980, %get3A_2113, %get3A_2114] : memref<4x200x64xf32, #tpu.memory_space<vmem>> -> memref<1x200x64xf32, #tpu.memory_space<vmem>>
        %get3A_2116 = tpu.memref_squeeze %get3A_2115 : memref<1x200x64xf32, #tpu.memory_space<vmem>> -> memref<200x64xf32, #tpu.memory_space<vmem>>
        %get3A_2117 = arith.index_cast %scan3A_2103 : i32 to index
        %get3A_2118 = arith.constant 16 : index
        %get3A_2119 = tpu.vector_load %get3A_2116[%get3A_2117, %get3A_2118] {strides = array<i32>} : memref<200x64xf32, #tpu.memory_space<vmem>>, vector<1x16xf32>,
        %get3A_2120 = vector.shape_cast %get3A_2119 : vector<1x16xf32> to vector<16xf32>
        %max3A_2121 = arith.maximumf %max3A_2083, %get3A_2120 : vector<16xf32>
        %get3A_2122 = arith.constant 0 : i32
        %get3A_2123 = arith.constant 0 : i32
        %get3A_2124 = tpu.memref_slice %arg8[%scan3A_980, %get3A_2122, %get3A_2123] : memref<4x200x64xf32, #tpu.memory_space<vmem>> -> memref<1x200x64xf32, #tpu.memory_space<vmem>>
        %get3A_2125 = tpu.memref_squeeze %get3A_2124 : memref<1x200x64xf32, #tpu.memory_space<vmem>> -> memref<200x64xf32, #tpu.memory_space<vmem>>
        %get3A_2126 = arith.index_cast %scan3A_2103 : i32 to index
        %get3A_2127 = arith.constant 32 : index
        %get3A_2128 = tpu.vector_load %get3A_2125[%get3A_2126, %get3A_2127] {strides = array<i32>} : memref<200x64xf32, #tpu.memory_space<vmem>>, vector<1x16xf32>,
        %get3A_2129 = vector.shape_cast %get3A_2128 : vector<1x16xf32> to vector<16xf32>
        %max3A_2130 = arith.maximumf %max3A_2092, %get3A_2129 : vector<16xf32>
        %get3A_2131 = arith.constant 0 : i32
        %get3A_2132 = arith.constant 0 : i32
        %get3A_2133 = tpu.memref_slice %arg8[%scan3A_980, %get3A_2131, %get3A_2132] : memref<4x200x64xf32, #tpu.memory_space<vmem>> -> memref<1x200x64xf32, #tpu.memory_space<vmem>>
        %get3A_2134 = tpu.memref_squeeze %get3A_2133 : memref<1x200x64xf32, #tpu.memory_space<vmem>> -> memref<200x64xf32, #tpu.memory_space<vmem>>
        %get3A_2135 = arith.index_cast %scan3A_2103 : i32 to index
        %get3A_2136 = arith.constant 48 : index
        %get3A_2137 = tpu.vector_load %get3A_2134[%get3A_2135, %get3A_2136] {strides = array<i32>} : memref<200x64xf32, #tpu.memory_space<vmem>>, vector<1x16xf32>,
        %get3A_2138 = vector.shape_cast %get3A_2137 : vector<1x16xf32> to vector<16xf32>
        %max3A_2139 = arith.maximumf %max3A_2101, %get3A_2138 : vector<16xf32>
        %scan3A_2140 = arith.constant 5 : i32
        %scan3A_2141 = arith.addi %scan3A_1948, %scan3A_2140 : i32
        %get3A_2142 = arith.constant 0 : i32
        %get3A_2143 = arith.constant 0 : i32
        %get3A_2144 = tpu.memref_slice %arg8[%scan3A_980, %get3A_2142, %get3A_2143] : memref<4x200x64xf32, #tpu.memory_space<vmem>> -> memref<1x200x64xf32, #tpu.memory_space<vmem>>
        %get3A_2145 = tpu.memref_squeeze %get3A_2144 : memref<1x200x64xf32, #tpu.memory_space<vmem>> -> memref<200x64xf32, #tpu.memory_space<vmem>>
        %get3A_2146 = arith.index_cast %scan3A_2141 : i32 to index
        %get3A_2147 = arith.constant 0 : index
        %get3A_2148 = tpu.vector_load %get3A_2145[%get3A_2146, %get3A_2147] {strides = array<i32>} : memref<200x64xf32, #tpu.memory_space<vmem>>, vector<1x16xf32>,
        %get3A_2149 = vector.shape_cast %get3A_2148 : vector<1x16xf32> to vector<16xf32>
        %max3A_2150 = arith.maximumf %max3A_2112, %get3A_2149 : vector<16xf32>
        %get3A_2151 = arith.constant 0 : i32
        %get3A_2152 = arith.constant 0 : i32
        %get3A_2153 = tpu.memref_slice %arg8[%scan3A_980, %get3A_2151, %get3A_2152] : memref<4x200x64xf32, #tpu.memory_space<vmem>> -> memref<1x200x64xf32, #tpu.memory_space<vmem>>
        %get3A_2154 = tpu.memref_squeeze %get3A_2153 : memref<1x200x64xf32, #tpu.memory_space<vmem>> -> memref<200x64xf32, #tpu.memory_space<vmem>>
        %get3A_2155 = arith.index_cast %scan3A_2141 : i32 to index
        %get3A_2156 = arith.constant 16 : index
        %get3A_2157 = tpu.vector_load %get3A_2154[%get3A_2155, %get3A_2156] {strides = array<i32>} : memref<200x64xf32, #tpu.memory_space<vmem>>, vector<1x16xf32>,
        %get3A_2158 = vector.shape_cast %get3A_2157 : vector<1x16xf32> to vector<16xf32>
        %max3A_2159 = arith.maximumf %max3A_2121, %get3A_2158 : vector<16xf32>
        %get3A_2160 = arith.constant 0 : i32
        %get3A_2161 = arith.constant 0 : i32
        %get3A_2162 = tpu.memref_slice %arg8[%scan3A_980, %get3A_2160, %get3A_2161] : memref<4x200x64xf32, #tpu.memory_space<vmem>> -> memref<1x200x64xf32, #tpu.memory_space<vmem>>
        %get3A_2163 = tpu.memref_squeeze %get3A_2162 : memref<1x200x64xf32, #tpu.memory_space<vmem>> -> memref<200x64xf32, #tpu.memory_space<vmem>>
        %get3A_2164 = arith.index_cast %scan3A_2141 : i32 to index
        %get3A_2165 = arith.constant 32 : index
        %get3A_2166 = tpu.vector_load %get3A_2163[%get3A_2164, %get3A_2165] {strides = array<i32>} : memref<200x64xf32, #tpu.memory_space<vmem>>, vector<1x16xf32>,
        %get3A_2167 = vector.shape_cast %get3A_2166 : vector<1x16xf32> to vector<16xf32>
        %max3A_2168 = arith.maximumf %max3A_2130, %get3A_2167 : vector<16xf32>
        %get3A_2169 = arith.constant 0 : i32
        %get3A_2170 = arith.constant 0 : i32
        %get3A_2171 = tpu.memref_slice %arg8[%scan3A_980, %get3A_2169, %get3A_2170] : memref<4x200x64xf32, #tpu.memory_space<vmem>> -> memref<1x200x64xf32, #tpu.memory_space<vmem>>
        %get3A_2172 = tpu.memref_squeeze %get3A_2171 : memref<1x200x64xf32, #tpu.memory_space<vmem>> -> memref<200x64xf32, #tpu.memory_space<vmem>>
        %get3A_2173 = arith.index_cast %scan3A_2141 : i32 to index
        %get3A_2174 = arith.constant 48 : index
        %get3A_2175 = tpu.vector_load %get3A_2172[%get3A_2173, %get3A_2174] {strides = array<i32>} : memref<200x64xf32, #tpu.memory_space<vmem>>, vector<1x16xf32>,
        %get3A_2176 = vector.shape_cast %get3A_2175 : vector<1x16xf32> to vector<16xf32>
        %max3A_2177 = arith.maximumf %max3A_2139, %get3A_2176 : vector<16xf32>
        %scan3A_2178 = arith.constant 6 : i32
        %scan3A_2179 = arith.addi %scan3A_1948, %scan3A_2178 : i32
        %get3A_2180 = arith.constant 0 : i32
        %get3A_2181 = arith.constant 0 : i32
        %get3A_2182 = tpu.memref_slice %arg8[%scan3A_980, %get3A_2180, %get3A_2181] : memref<4x200x64xf32, #tpu.memory_space<vmem>> -> memref<1x200x64xf32, #tpu.memory_space<vmem>>
        %get3A_2183 = tpu.memref_squeeze %get3A_2182 : memref<1x200x64xf32, #tpu.memory_space<vmem>> -> memref<200x64xf32, #tpu.memory_space<vmem>>
        %get3A_2184 = arith.index_cast %scan3A_2179 : i32 to index
        %get3A_2185 = arith.constant 0 : index
        %get3A_2186 = tpu.vector_load %get3A_2183[%get3A_2184, %get3A_2185] {strides = array<i32>} : memref<200x64xf32, #tpu.memory_space<vmem>>, vector<1x16xf32>,
        %get3A_2187 = vector.shape_cast %get3A_2186 : vector<1x16xf32> to vector<16xf32>
        %max3A_2188 = arith.maximumf %max3A_2150, %get3A_2187 : vector<16xf32>
        %get3A_2189 = arith.constant 0 : i32
        %get3A_2190 = arith.constant 0 : i32
        %get3A_2191 = tpu.memref_slice %arg8[%scan3A_980, %get3A_2189, %get3A_2190] : memref<4x200x64xf32, #tpu.memory_space<vmem>> -> memref<1x200x64xf32, #tpu.memory_space<vmem>>
        %get3A_2192 = tpu.memref_squeeze %get3A_2191 : memref<1x200x64xf32, #tpu.memory_space<vmem>> -> memref<200x64xf32, #tpu.memory_space<vmem>>
        %get3A_2193 = arith.index_cast %scan3A_2179 : i32 to index
        %get3A_2194 = arith.constant 16 : index
        %get3A_2195 = tpu.vector_load %get3A_2192[%get3A_2193, %get3A_2194] {strides = array<i32>} : memref<200x64xf32, #tpu.memory_space<vmem>>, vector<1x16xf32>,
        %get3A_2196 = vector.shape_cast %get3A_2195 : vector<1x16xf32> to vector<16xf32>
        %max3A_2197 = arith.maximumf %max3A_2159, %get3A_2196 : vector<16xf32>
        %get3A_2198 = arith.constant 0 : i32
        %get3A_2199 = arith.constant 0 : i32
        %get3A_2200 = tpu.memref_slice %arg8[%scan3A_980, %get3A_2198, %get3A_2199] : memref<4x200x64xf32, #tpu.memory_space<vmem>> -> memref<1x200x64xf32, #tpu.memory_space<vmem>>
        %get3A_2201 = tpu.memref_squeeze %get3A_2200 : memref<1x200x64xf32, #tpu.memory_space<vmem>> -> memref<200x64xf32, #tpu.memory_space<vmem>>
        %get3A_2202 = arith.index_cast %scan3A_2179 : i32 to index
        %get3A_2203 = arith.constant 32 : index
        %get3A_2204 = tpu.vector_load %get3A_2201[%get3A_2202, %get3A_2203] {strides = array<i32>} : memref<200x64xf32, #tpu.memory_space<vmem>>, vector<1x16xf32>,
        %get3A_2205 = vector.shape_cast %get3A_2204 : vector<1x16xf32> to vector<16xf32>
        %max3A_2206 = arith.maximumf %max3A_2168, %get3A_2205 : vector<16xf32>
        %get3A_2207 = arith.constant 0 : i32
        %get3A_2208 = arith.constant 0 : i32
        %get3A_2209 = tpu.memref_slice %arg8[%scan3A_980, %get3A_2207, %get3A_2208] : memref<4x200x64xf32, #tpu.memory_space<vmem>> -> memref<1x200x64xf32, #tpu.memory_space<vmem>>
        %get3A_2210 = tpu.memref_squeeze %get3A_2209 : memref<1x200x64xf32, #tpu.memory_space<vmem>> -> memref<200x64xf32, #tpu.memory_space<vmem>>
        %get3A_2211 = arith.index_cast %scan3A_2179 : i32 to index
        %get3A_2212 = arith.constant 48 : index
        %get3A_2213 = tpu.vector_load %get3A_2210[%get3A_2211, %get3A_2212] {strides = array<i32>} : memref<200x64xf32, #tpu.memory_space<vmem>>, vector<1x16xf32>,
        %get3A_2214 = vector.shape_cast %get3A_2213 : vector<1x16xf32> to vector<16xf32>
        %max3A_2215 = arith.maximumf %max3A_2177, %get3A_2214 : vector<16xf32>
        %scan3A_2216 = arith.constant 7 : i32
        %scan3A_2217 = arith.addi %scan3A_1948, %scan3A_2216 : i32
        %get3A_2218 = arith.constant 0 : i32
        %get3A_2219 = arith.constant 0 : i32
        %get3A_2220 = tpu.memref_slice %arg8[%scan3A_980, %get3A_2218, %get3A_2219] : memref<4x200x64xf32, #tpu.memory_space<vmem>> -> memref<1x200x64xf32, #tpu.memory_space<vmem>>
        %get3A_2221 = tpu.memref_squeeze %get3A_2220 : memref<1x200x64xf32, #tpu.memory_space<vmem>> -> memref<200x64xf32, #tpu.memory_space<vmem>>
        %get3A_2222 = arith.index_cast %scan3A_2217 : i32 to index
        %get3A_2223 = arith.constant 0 : index
        %get3A_2224 = tpu.vector_load %get3A_2221[%get3A_2222, %get3A_2223] {strides = array<i32>} : memref<200x64xf32, #tpu.memory_space<vmem>>, vector<1x16xf32>,
        %get3A_2225 = vector.shape_cast %get3A_2224 : vector<1x16xf32> to vector<16xf32>
        %max3A_2226 = arith.maximumf %max3A_2188, %get3A_2225 : vector<16xf32>
        %get3A_2227 = arith.constant 0 : i32
        %get3A_2228 = arith.constant 0 : i32
        %get3A_2229 = tpu.memref_slice %arg8[%scan3A_980, %get3A_2227, %get3A_2228] : memref<4x200x64xf32, #tpu.memory_space<vmem>> -> memref<1x200x64xf32, #tpu.memory_space<vmem>>
        %get3A_2230 = tpu.memref_squeeze %get3A_2229 : memref<1x200x64xf32, #tpu.memory_space<vmem>> -> memref<200x64xf32, #tpu.memory_space<vmem>>
        %get3A_2231 = arith.index_cast %scan3A_2217 : i32 to index
        %get3A_2232 = arith.constant 16 : index
        %get3A_2233 = tpu.vector_load %get3A_2230[%get3A_2231, %get3A_2232] {strides = array<i32>} : memref<200x64xf32, #tpu.memory_space<vmem>>, vector<1x16xf32>,
        %get3A_2234 = vector.shape_cast %get3A_2233 : vector<1x16xf32> to vector<16xf32>
        %max3A_2235 = arith.maximumf %max3A_2197, %get3A_2234 : vector<16xf32>
        %get3A_2236 = arith.constant 0 : i32
        %get3A_2237 = arith.constant 0 : i32
        %get3A_2238 = tpu.memref_slice %arg8[%scan3A_980, %get3A_2236, %get3A_2237] : memref<4x200x64xf32, #tpu.memory_space<vmem>> -> memref<1x200x64xf32, #tpu.memory_space<vmem>>
        %get3A_2239 = tpu.memref_squeeze %get3A_2238 : memref<1x200x64xf32, #tpu.memory_space<vmem>> -> memref<200x64xf32, #tpu.memory_space<vmem>>
        %get3A_2240 = arith.index_cast %scan3A_2217 : i32 to index
        %get3A_2241 = arith.constant 32 : index
        %get3A_2242 = tpu.vector_load %get3A_2239[%get3A_2240, %get3A_2241] {strides = array<i32>} : memref<200x64xf32, #tpu.memory_space<vmem>>, vector<1x16xf32>,
        %get3A_2243 = vector.shape_cast %get3A_2242 : vector<1x16xf32> to vector<16xf32>
        %max3A_2244 = arith.maximumf %max3A_2206, %get3A_2243 : vector<16xf32>
        %get3A_2245 = arith.constant 0 : i32
        %get3A_2246 = arith.constant 0 : i32
        %get3A_2247 = tpu.memref_slice %arg8[%scan3A_980, %get3A_2245, %get3A_2246] : memref<4x200x64xf32, #tpu.memory_space<vmem>> -> memref<1x200x64xf32, #tpu.memory_space<vmem>>
        %get3A_2248 = tpu.memref_squeeze %get3A_2247 : memref<1x200x64xf32, #tpu.memory_space<vmem>> -> memref<200x64xf32, #tpu.memory_space<vmem>>
        %get3A_2249 = arith.index_cast %scan3A_2217 : i32 to index
        %get3A_2250 = arith.constant 48 : index
        %get3A_2251 = tpu.vector_load %get3A_2248[%get3A_2249, %get3A_2250] {strides = array<i32>} : memref<200x64xf32, #tpu.memory_space<vmem>>, vector<1x16xf32>,
        %get3A_2252 = vector.shape_cast %get3A_2251 : vector<1x16xf32> to vector<16xf32>
        %max3A_2253 = arith.maximumf %max3A_2215, %get3A_2252 : vector<16xf32>
        scf.yield %max3A_2226, %max3A_2235, %max3A_2244, %max3A_2253 : vector<16xf32>, vector<16xf32>, vector<16xf32>, vector<16xf32>
      }
      %scan3A_986 = arith.constant 200 : i32
      %get3A_987 = arith.constant 0 : i32
      %get3A_988 = arith.index_cast %get3A_987 : i32 to index
      %get3A_989 = arith.constant 0 : index
      %get3A_990 = tpu.vector_load %arg9[%get3A_988, %get3A_989] {strides = array<i32>} : memref<2x64xf32, #tpu.memory_space<vmem>>, vector<1x16xf32>,
      %get3A_991 = vector.shape_cast %get3A_990 : vector<1x16xf32> to vector<16xf32>
      %mul3A_992 = arith.mulf %scan3A_985#0, %get3A_991 : vector<16xf32>
      %get3A_993 = arith.constant 0 : i32
      %get3A_994 = arith.index_cast %get3A_993 : i32 to index
      %get3A_995 = arith.constant 16 : index
      %get3A_996 = tpu.vector_load %arg9[%get3A_994, %get3A_995] {strides = array<i32>} : memref<2x64xf32, #tpu.memory_space<vmem>>, vector<1x16xf32>,
      %get3A_997 = vector.shape_cast %get3A_996 : vector<1x16xf32> to vector<16xf32>
      %mul3A_998 = arith.mulf %scan3A_985#1, %get3A_997 : vector<16xf32>
      %add3A_999 = arith.addf %mul3A_992, %mul3A_998 : vector<16xf32>
      %get3A_1000 = arith.constant 0 : i32
      %get3A_1001 = arith.index_cast %get3A_1000 : i32 to index
      %get3A_1002 = arith.constant 32 : index
      %get3A_1003 = tpu.vector_load %arg9[%get3A_1001, %get3A_1002] {strides = array<i32>} : memref<2x64xf32, #tpu.memory_space<vmem>>, vector<1x16xf32>,
      %get3A_1004 = vector.shape_cast %get3A_1003 : vector<1x16xf32> to vector<16xf32>
      %mul3A_1005 = arith.mulf %scan3A_985#2, %get3A_1004 : vector<16xf32>
      %add3A_1006 = arith.addf %add3A_999, %mul3A_1005 : vector<16xf32>
      %get3A_1007 = arith.constant 0 : i32
      %get3A_1008 = arith.index_cast %get3A_1007 : i32 to index
      %get3A_1009 = arith.constant 48 : index
      %get3A_1010 = tpu.vector_load %arg9[%get3A_1008, %get3A_1009] {strides = array<i32>} : memref<2x64xf32, #tpu.memory_space<vmem>>, vector<1x16xf32>,
      %get3A_1011 = vector.shape_cast %get3A_1010 : vector<1x16xf32> to vector<16xf32>
      %mul3A_1012 = arith.mulf %scan3A_985#3, %get3A_1011 : vector<16xf32>
      %add3A_1013 = arith.addf %add3A_1006, %mul3A_1012 : vector<16xf32>
      %xor3A_1014 = arith.constant 8 : i32
      %xor3A_1015 = vector.broadcast %xor3A_1014 : i32 to vector<16xi32>
      %xor3A_1016 = arith.xori %iota3A, %xor3A_1015 : vector<16xi32>
      %reshape3A_1017 = vector.shape_cast %xor3A_1016 : vector<16xi32> to vector<16x1xi32>
      %gather3A_1018 = vector.shape_cast %reshape3A_1017 : vector<16x1xi32> to vector<16xi32>
      %gather3A_1019 = tpu.dynamic_gather %add3A_1013[%gather3A_1018] in [0] : vector<16xf32>, vector<16xi32> -> vector<16xf32>
      %add3A_1020 = arith.addf %add3A_1013, %gather3A_1019 : vector<16xf32>
      %xor3A_1021 = arith.constant 4 : i32
      %xor3A_1022 = vector.broadcast %xor3A_1021 : i32 to vector<16xi32>
      %xor3A_1023 = arith.xori %iota3A, %xor3A_1022 : vector<16xi32>
      %reshape3A_1024 = vector.shape_cast %xor3A_1023 : vector<16xi32> to vector<16x1xi32>
      %gather3A_1025 = vector.shape_cast %reshape3A_1024 : vector<16x1xi32> to vector<16xi32>
      %gather3A_1026 = tpu.dynamic_gather %add3A_1020[%gather3A_1025] in [0] : vector<16xf32>, vector<16xi32> -> vector<16xf32>
      %add3A_1027 = arith.addf %add3A_1020, %gather3A_1026 : vector<16xf32>
      %xor3A_1028 = arith.constant 2 : i32
      %xor3A_1029 = vector.broadcast %xor3A_1028 : i32 to vector<16xi32>
      %xor3A_1030 = arith.xori %iota3A, %xor3A_1029 : vector<16xi32>
      %reshape3A_1031 = vector.shape_cast %xor3A_1030 : vector<16xi32> to vector<16x1xi32>
      %gather3A_1032 = vector.shape_cast %reshape3A_1031 : vector<16x1xi32> to vector<16xi32>
      %gather3A_1033 = tpu.dynamic_gather %add3A_1027[%gather3A_1032] in [0] : vector<16xf32>, vector<16xi32> -> vector<16xf32>
      %add3A_1034 = arith.addf %add3A_1027, %gather3A_1033 : vector<16xf32>
      %xor3A_1035 = arith.constant 1 : i32
      %xor3A_1036 = vector.broadcast %xor3A_1035 : i32 to vector<16xi32>
      %xor3A_1037 = arith.xori %iota3A, %xor3A_1036 : vector<16xi32>
      %reshape3A_1038 = vector.shape_cast %xor3A_1037 : vector<16xi32> to vector<16x1xi32>
      %gather3A_1039 = vector.shape_cast %reshape3A_1038 : vector<16x1xi32> to vector<16xi32>
      %gather3A_1040 = tpu.dynamic_gather %add3A_1034[%gather3A_1039] in [0] : vector<16xf32>, vector<16xi32> -> vector<16xf32>
      %add3A_1041 = arith.addf %add3A_1034, %gather3A_1040 : vector<16xf32>
      %eq3A_1042 = arith.constant 4 : i32
      %eq3A_1043 = vector.broadcast %eq3A_1042 : i32 to vector<16xi32>
      %eq3A_1044 = arith.cmpi eq, %iota3A, %eq3A_1043 : vector<16xi32>
      %select_n3A_1045 = arith.select %eq3A_1044, %add3A_1041, %select_n3A_915 : vector<16xi1>, vector<16xf32>
      %get3A_1046 = arith.constant 1 : i32
      %get3A_1047 = arith.index_cast %get3A_1046 : i32 to index
      %get3A_1048 = arith.constant 0 : index
      %get3A_1049 = tpu.vector_load %arg9[%get3A_1047, %get3A_1048] {strides = array<i32>} : memref<2x64xf32, #tpu.memory_space<vmem>>, vector<1x16xf32>,
      %get3A_1050 = vector.shape_cast %get3A_1049 : vector<1x16xf32> to vector<16xf32>
      %mul3A_1051 = arith.mulf %scan3A_985#0, %get3A_1050 : vector<16xf32>
      %get3A_1052 = arith.constant 1 : i32
      %get3A_1053 = arith.index_cast %get3A_1052 : i32 to index
      %get3A_1054 = arith.constant 16 : index
      %get3A_1055 = tpu.vector_load %arg9[%get3A_1053, %get3A_1054] {strides = array<i32>} : memref<2x64xf32, #tpu.memory_space<vmem>>, vector<1x16xf32>,
      %get3A_1056 = vector.shape_cast %get3A_1055 : vector<1x16xf32> to vector<16xf32>
      %mul3A_1057 = arith.mulf %scan3A_985#1, %get3A_1056 : vector<16xf32>
      %add3A_1058 = arith.addf %mul3A_1051, %mul3A_1057 : vector<16xf32>
      %get3A_1059 = arith.constant 1 : i32
      %get3A_1060 = arith.index_cast %get3A_1059 : i32 to index
      %get3A_1061 = arith.constant 32 : index
      %get3A_1062 = tpu.vector_load %arg9[%get3A_1060, %get3A_1061] {strides = array<i32>} : memref<2x64xf32, #tpu.memory_space<vmem>>, vector<1x16xf32>,
      %get3A_1063 = vector.shape_cast %get3A_1062 : vector<1x16xf32> to vector<16xf32>
      %mul3A_1064 = arith.mulf %scan3A_985#2, %get3A_1063 : vector<16xf32>
      %add3A_1065 = arith.addf %add3A_1058, %mul3A_1064 : vector<16xf32>
      %get3A_1066 = arith.constant 1 : i32
      %get3A_1067 = arith.index_cast %get3A_1066 : i32 to index
      %get3A_1068 = arith.constant 48 : index
      %get3A_1069 = tpu.vector_load %arg9[%get3A_1067, %get3A_1068] {strides = array<i32>} : memref<2x64xf32, #tpu.memory_space<vmem>>, vector<1x16xf32>,
      %get3A_1070 = vector.shape_cast %get3A_1069 : vector<1x16xf32> to vector<16xf32>
      %mul3A_1071 = arith.mulf %scan3A_985#3, %get3A_1070 : vector<16xf32>
      %add3A_1072 = arith.addf %add3A_1065, %mul3A_1071 : vector<16xf32>
      %xor3A_1073 = arith.constant 8 : i32
      %xor3A_1074 = vector.broadcast %xor3A_1073 : i32 to vector<16xi32>
      %xor3A_1075 = arith.xori %iota3A, %xor3A_1074 : vector<16xi32>
      %reshape3A_1076 = vector.shape_cast %xor3A_1075 : vector<16xi32> to vector<16x1xi32>
      %gather3A_1077 = vector.shape_cast %reshape3A_1076 : vector<16x1xi32> to vector<16xi32>
      %gather3A_1078 = tpu.dynamic_gather %add3A_1072[%gather3A_1077] in [0] : vector<16xf32>, vector<16xi32> -> vector<16xf32>
      %add3A_1079 = arith.addf %add3A_1072, %gather3A_1078 : vector<16xf32>
      %xor3A_1080 = arith.constant 4 : i32
      %xor3A_1081 = vector.broadcast %xor3A_1080 : i32 to vector<16xi32>
      %xor3A_1082 = arith.xori %iota3A, %xor3A_1081 : vector<16xi32>
      %reshape3A_1083 = vector.shape_cast %xor3A_1082 : vector<16xi32> to vector<16x1xi32>
      %gather3A_1084 = vector.shape_cast %reshape3A_1083 : vector<16x1xi32> to vector<16xi32>
      %gather3A_1085 = tpu.dynamic_gather %add3A_1079[%gather3A_1084] in [0] : vector<16xf32>, vector<16xi32> -> vector<16xf32>
      %add3A_1086 = arith.addf %add3A_1079, %gather3A_1085 : vector<16xf32>
      %xor3A_1087 = arith.constant 2 : i32
      %xor3A_1088 = vector.broadcast %xor3A_1087 : i32 to vector<16xi32>
      %xor3A_1089 = arith.xori %iota3A, %xor3A_1088 : vector<16xi32>
      %reshape3A_1090 = vector.shape_cast %xor3A_1089 : vector<16xi32> to vector<16x1xi32>
      %gather3A_1091 = vector.shape_cast %reshape3A_1090 : vector<16x1xi32> to vector<16xi32>
      %gather3A_1092 = tpu.dynamic_gather %add3A_1086[%gather3A_1091] in [0] : vector<16xf32>, vector<16xi32> -> vector<16xf32>
      %add3A_1093 = arith.addf %add3A_1086, %gather3A_1092 : vector<16xf32>
      %xor3A_1094 = arith.constant 1 : i32
      %xor3A_1095 = vector.broadcast %xor3A_1094 : i32 to vector<16xi32>
      %xor3A_1096 = arith.xori %iota3A, %xor3A_1095 : vector<16xi32>
      %reshape3A_1097 = vector.shape_cast %xor3A_1096 : vector<16xi32> to vector<16x1xi32>
      %gather3A_1098 = vector.shape_cast %reshape3A_1097 : vector<16x1xi32> to vector<16xi32>
      %gather3A_1099 = tpu.dynamic_gather %add3A_1093[%gather3A_1098] in [0] : vector<16xf32>, vector<16xi32> -> vector<16xf32>
      %add3A_1100 = arith.addf %add3A_1093, %gather3A_1099 : vector<16xf32>
      %eq3A_1101 = arith.constant 5 : i32
      %eq3A_1102 = vector.broadcast %eq3A_1101 : i32 to vector<16xi32>
      %eq3A_1103 = arith.cmpi eq, %iota3A, %eq3A_1102 : vector<16xi32>
      %select_n3A_1104 = arith.select %eq3A_1103, %add3A_1100, %select_n3A_1045 : vector<16xi1>, vector<16xf32>
      %add3A_1105 = arith.constant 2 : i32
      %add3A_1106 = arith.addi %mul3A_442, %add3A_1105 : i32
      %add3A_1107 = arith.constant 4 : i32
      %add3A_1108 = arith.addi %add3A_1106, %add3A_1107 : i32
      %mul3A_1109 = arith.constant 2 : i32
      %mul3A_1110 = arith.muli %mul3A_1109, %add3A_1108 : i32
      %dma_start3A_1111 = arith.constant 2 : i32
      %dma_start3A_1112 = arith.constant 2 : i32
      %dma_start3A_1113 = arith.constant 0 : i32
      %dma_start3A_1114 = arith.constant 0 : i32
      %dma_start3A_1115 = tpu.memref_slice %arg8[%dma_start3A_1111, %dma_start3A_1113, %dma_start3A_1114] : memref<4x200x64xf32, #tpu.memory_space<vmem>> -> memref<1x100x64xf32, #tpu.memory_space<vmem>>
      %dma_start3A_1116 = tpu.memref_squeeze %dma_start3A_1115 : memref<1x100x64xf32, #tpu.memory_space<vmem>> -> memref<100x64xf32, #tpu.memory_space<vmem>>
      %dma_start3A_1117 = arith.constant 0 : i32
      %dma_start3A_1118 = tpu.memref_slice %arg7[%mul3A_1110, %dma_start3A_1117] : memref<256x100xi32, #tpu.memory_space<vmem>> -> memref<1x100xi32, #tpu.memory_space<vmem>>
      %dma_start3A_1119 = tpu.memref_squeeze %dma_start3A_1118 : memref<1x100xi32, #tpu.memory_space<vmem>> -> memref<100xi32, #tpu.memory_space<vmem>>
      %dma_start3A_1120 = arith.constant 0 : i32
      %dma_start3A_1121 = arith.constant 0 : i32
      %dma_start3A_1122 = tpu.memref_slice %arg3[%dma_start3A_1120, %dma_start3A_1121] : memref<1000000x64xf32, #tpu.memory_space<hbm>> -> memref<1000000x64xf32, #tpu.memory_space<hbm>>
      %dma_start3A_1123 = tpu.memref_slice %arg12[%dma_start3A_1112] : memref<4x!tpu.dma_semaphore, #tpu.memory_space<semaphore_mem>> -> memref<1x!tpu.dma_semaphore, #tpu.memory_space<semaphore_mem>>
      %dma_start3A_1124 = tpu.memref_squeeze %dma_start3A_1123 : memref<1x!tpu.dma_semaphore, #tpu.memory_space<semaphore_mem>> -> memref<!tpu.dma_semaphore, #tpu.memory_space<semaphore_mem>>
      tpu.enqueue_indirect_dma source(%dma_start3A_1122 : memref<1000000x64xf32, #tpu.memory_space<hbm>>) target(%dma_start3A_1116 : memref<100x64xf32, #tpu.memory_space<vmem>>) offsets(%dma_start3A_1119 : memref<100xi32, #tpu.memory_space<vmem>>) semaphore(%dma_start3A_1124 : memref<!tpu.dma_semaphore, #tpu.memory_space<semaphore_mem>>)
      %add3A_1125 = arith.constant 1 : i32
      %add3A_1126 = arith.addi %mul3A_1110, %add3A_1125 : i32
      %dma_start3A_1127 = arith.constant 2 : i32
      %dma_start3A_1128 = arith.constant 2 : i32
      %dma_start3A_1129 = arith.constant 100 : i32
      %dma_start3A_1130 = arith.constant 0 : i32
      %dma_start3A_1131 = tpu.memref_slice %arg8[%dma_start3A_1127, %dma_start3A_1129, %dma_start3A_1130] : memref<4x200x64xf32, #tpu.memory_space<vmem>> -> memref<1x100x64xf32, #tpu.memory_space<vmem>>
      %dma_start3A_1132 = tpu.memref_squeeze %dma_start3A_1131 : memref<1x100x64xf32, #tpu.memory_space<vmem>> -> memref<100x64xf32, #tpu.memory_space<vmem>>
      %dma_start3A_1133 = arith.constant 0 : i32
      %dma_start3A_1134 = tpu.memref_slice %arg7[%add3A_1126, %dma_start3A_1133] : memref<256x100xi32, #tpu.memory_space<vmem>> -> memref<1x100xi32, #tpu.memory_space<vmem>>
      %dma_start3A_1135 = tpu.memref_squeeze %dma_start3A_1134 : memref<1x100xi32, #tpu.memory_space<vmem>> -> memref<100xi32, #tpu.memory_space<vmem>>
      %dma_start3A_1136 = arith.constant 0 : i32
      %dma_start3A_1137 = arith.constant 0 : i32
      %dma_start3A_1138 = tpu.memref_slice %arg3[%dma_start3A_1136, %dma_start3A_1137] : memref<1000000x64xf32, #tpu.memory_space<hbm>> -> memref<1000000x64xf32, #tpu.memory_space<hbm>>
      %dma_start3A_1139 = tpu.memref_slice %arg12[%dma_start3A_1128] : memref<4x!tpu.dma_semaphore, #tpu.memory_space<semaphore_mem>> -> memref<1x!tpu.dma_semaphore, #tpu.memory_space<semaphore_mem>>
      %dma_start3A_1140 = tpu.memref_squeeze %dma_start3A_1139 : memref<1x!tpu.dma_semaphore, #tpu.memory_space<semaphore_mem>> -> memref<!tpu.dma_semaphore, #tpu.memory_space<semaphore_mem>>
      tpu.enqueue_indirect_dma source(%dma_start3A_1138 : memref<1000000x64xf32, #tpu.memory_space<hbm>>) target(%dma_start3A_1132 : memref<100x64xf32, #tpu.memory_space<vmem>>) offsets(%dma_start3A_1135 : memref<100xi32, #tpu.memory_space<vmem>>) semaphore(%dma_start3A_1140 : memref<!tpu.dma_semaphore, #tpu.memory_space<semaphore_mem>>)
      %dma_wait3A_1141 = arith.constant 3 : i32
      %dma_wait3A_1142 = arith.constant 3 : i32
      %dma_wait3A_1143 = arith.constant 0 : i32
      %dma_wait3A_1144 = arith.constant 0 : i32
      %dma_wait3A_1145 = tpu.memref_slice %arg8[%dma_wait3A_1141, %dma_wait3A_1143, %dma_wait3A_1144] : memref<4x200x64xf32, #tpu.memory_space<vmem>> -> memref<1x100x64xf32, #tpu.memory_space<vmem>>
      %dma_wait3A_1146 = tpu.memref_squeeze %dma_wait3A_1145 : memref<1x100x64xf32, #tpu.memory_space<vmem>> -> memref<100x64xf32, #tpu.memory_space<vmem>>
      %dma_wait3A_1147 = arith.constant 0 : i32
      %dma_wait3A_1148 = tpu.memref_slice %arg7[%mul3A_547, %dma_wait3A_1147] : memref<256x100xi32, #tpu.memory_space<vmem>> -> memref<1x100xi32, #tpu.memory_space<vmem>>
      %dma_wait3A_1149 = tpu.memref_squeeze %dma_wait3A_1148 : memref<1x100xi32, #tpu.memory_space<vmem>> -> memref<100xi32, #tpu.memory_space<vmem>>
      %dma_wait3A_1150 = arith.constant 0 : i32
      %dma_wait3A_1151 = arith.constant 0 : i32
      %dma_wait3A_1152 = tpu.memref_slice %arg3[%dma_wait3A_1150, %dma_wait3A_1151] : memref<1000000x64xf32, #tpu.memory_space<hbm>> -> memref<1000000x64xf32, #tpu.memory_space<hbm>>
      %dma_wait3A_1153 = tpu.memref_slice %arg12[%dma_wait3A_1142] : memref<4x!tpu.dma_semaphore, #tpu.memory_space<semaphore_mem>> -> memref<1x!tpu.dma_semaphore, #tpu.memory_space<semaphore_mem>>
      %dma_wait3A_1154 = tpu.memref_squeeze %dma_wait3A_1153 : memref<1x!tpu.dma_semaphore, #tpu.memory_space<semaphore_mem>> -> memref<!tpu.dma_semaphore, #tpu.memory_space<semaphore_mem>>
      tpu.wait_indirect_dma semaphore(%dma_wait3A_1154 : memref<!tpu.dma_semaphore, #tpu.memory_space<semaphore_mem>>) src(%dma_wait3A_1152 : memref<1000000x64xf32, #tpu.memory_space<hbm>>) dst(%dma_wait3A_1146 : memref<100x64xf32, #tpu.memory_space<vmem>>)
      %dma_wait3A_1155 = arith.constant 3 : i32
      %dma_wait3A_1156 = arith.constant 3 : i32
      %dma_wait3A_1157 = arith.constant 100 : i32
      %dma_wait3A_1158 = arith.constant 0 : i32
      %dma_wait3A_1159 = tpu.memref_slice %arg8[%dma_wait3A_1155, %dma_wait3A_1157, %dma_wait3A_1158] : memref<4x200x64xf32, #tpu.memory_space<vmem>> -> memref<1x100x64xf32, #tpu.memory_space<vmem>>
      %dma_wait3A_1160 = tpu.memref_squeeze %dma_wait3A_1159 : memref<1x100x64xf32, #tpu.memory_space<vmem>> -> memref<100x64xf32, #tpu.memory_space<vmem>>
      %dma_wait3A_1161 = arith.constant 0 : i32
      %dma_wait3A_1162 = tpu.memref_slice %arg7[%add3A_563, %dma_wait3A_1161] : memref<256x100xi32, #tpu.memory_space<vmem>> -> memref<1x100xi32, #tpu.memory_space<vmem>>
      %dma_wait3A_1163 = tpu.memref_squeeze %dma_wait3A_1162 : memref<1x100xi32, #tpu.memory_space<vmem>> -> memref<100xi32, #tpu.memory_space<vmem>>
      %dma_wait3A_1164 = arith.constant 0 : i32
      %dma_wait3A_1165 = arith.constant 0 : i32
      %dma_wait3A_1166 = tpu.memref_slice %arg3[%dma_wait3A_1164, %dma_wait3A_1165] : memref<1000000x64xf32, #tpu.memory_space<hbm>> -> memref<1000000x64xf32, #tpu.memory_space<hbm>>
      %dma_wait3A_1167 = tpu.memref_slice %arg12[%dma_wait3A_1156] : memref<4x!tpu.dma_semaphore, #tpu.memory_space<semaphore_mem>> -> memref<1x!tpu.dma_semaphore, #tpu.memory_space<semaphore_mem>>
      %dma_wait3A_1168 = tpu.memref_squeeze %dma_wait3A_1167 : memref<1x!tpu.dma_semaphore, #tpu.memory_space<semaphore_mem>> -> memref<!tpu.dma_semaphore, #tpu.memory_space<semaphore_mem>>
      tpu.wait_indirect_dma semaphore(%dma_wait3A_1168 : memref<!tpu.dma_semaphore, #tpu.memory_space<semaphore_mem>>) src(%dma_wait3A_1166 : memref<1000000x64xf32, #tpu.memory_space<hbm>>) dst(%dma_wait3A_1160 : memref<100x64xf32, #tpu.memory_space<vmem>>)
      %scan3A_1169 = arith.constant 3 : i32
      %scan3A_1170 = arith.constant 0 : i32
      %scan3A_1171 = arith.constant 200 : i32
      %scan3A_1172 = arith.addi %scan3A_1170, %scan3A_1171 : i32
      %scan3A_1173 = arith.constant 8 : i32
      %scan3A_1174:4 = scf.for %scan3A_1948 = %scan3A_1170 to %scan3A_1172 step %scan3A_1173 iter_args(%scan3A_1949 = %broadcast_in_dim3A_5, %scan3A_1950 = %broadcast_in_dim3A_5, %scan3A_1951 = %broadcast_in_dim3A_5, %scan3A_1952 = %broadcast_in_dim3A_5) -> (vector<16xf32>, vector<16xf32>, vector<16xf32>, vector<16xf32>)  : i32 {
        %get3A_1953 = arith.constant 0 : i32
        %get3A_1954 = arith.constant 0 : i32
        %get3A_1955 = tpu.memref_slice %arg8[%scan3A_1169, %get3A_1953, %get3A_1954] : memref<4x200x64xf32, #tpu.memory_space<vmem>> -> memref<1x200x64xf32, #tpu.memory_space<vmem>>
        %get3A_1956 = tpu.memref_squeeze %get3A_1955 : memref<1x200x64xf32, #tpu.memory_space<vmem>> -> memref<200x64xf32, #tpu.memory_space<vmem>>
        %get3A_1957 = arith.index_cast %scan3A_1948 : i32 to index
        %get3A_1958 = arith.constant 0 : index
        %get3A_1959 = tpu.vector_load %get3A_1956[%get3A_1957, %get3A_1958] {strides = array<i32>} : memref<200x64xf32, #tpu.memory_space<vmem>>, vector<1x16xf32>,
        %get3A_1960 = vector.shape_cast %get3A_1959 : vector<1x16xf32> to vector<16xf32>
        %max3A = arith.maximumf %scan3A_1949, %get3A_1960 : vector<16xf32>
        %get3A_1961 = arith.constant 0 : i32
        %get3A_1962 = arith.constant 0 : i32
        %get3A_1963 = tpu.memref_slice %arg8[%scan3A_1169, %get3A_1961, %get3A_1962] : memref<4x200x64xf32, #tpu.memory_space<vmem>> -> memref<1x200x64xf32, #tpu.memory_space<vmem>>
        %get3A_1964 = tpu.memref_squeeze %get3A_1963 : memref<1x200x64xf32, #tpu.memory_space<vmem>> -> memref<200x64xf32, #tpu.memory_space<vmem>>
        %get3A_1965 = arith.index_cast %scan3A_1948 : i32 to index
        %get3A_1966 = arith.constant 16 : index
        %get3A_1967 = tpu.vector_load %get3A_1964[%get3A_1965, %get3A_1966] {strides = array<i32>} : memref<200x64xf32, #tpu.memory_space<vmem>>, vector<1x16xf32>,
        %get3A_1968 = vector.shape_cast %get3A_1967 : vector<1x16xf32> to vector<16xf32>
        %max3A_1969 = arith.maximumf %scan3A_1950, %get3A_1968 : vector<16xf32>
        %get3A_1970 = arith.constant 0 : i32
        %get3A_1971 = arith.constant 0 : i32
        %get3A_1972 = tpu.memref_slice %arg8[%scan3A_1169, %get3A_1970, %get3A_1971] : memref<4x200x64xf32, #tpu.memory_space<vmem>> -> memref<1x200x64xf32, #tpu.memory_space<vmem>>
        %get3A_1973 = tpu.memref_squeeze %get3A_1972 : memref<1x200x64xf32, #tpu.memory_space<vmem>> -> memref<200x64xf32, #tpu.memory_space<vmem>>
        %get3A_1974 = arith.index_cast %scan3A_1948 : i32 to index
        %get3A_1975 = arith.constant 32 : index
        %get3A_1976 = tpu.vector_load %get3A_1973[%get3A_1974, %get3A_1975] {strides = array<i32>} : memref<200x64xf32, #tpu.memory_space<vmem>>, vector<1x16xf32>,
        %get3A_1977 = vector.shape_cast %get3A_1976 : vector<1x16xf32> to vector<16xf32>
        %max3A_1978 = arith.maximumf %scan3A_1951, %get3A_1977 : vector<16xf32>
        %get3A_1979 = arith.constant 0 : i32
        %get3A_1980 = arith.constant 0 : i32
        %get3A_1981 = tpu.memref_slice %arg8[%scan3A_1169, %get3A_1979, %get3A_1980] : memref<4x200x64xf32, #tpu.memory_space<vmem>> -> memref<1x200x64xf32, #tpu.memory_space<vmem>>
        %get3A_1982 = tpu.memref_squeeze %get3A_1981 : memref<1x200x64xf32, #tpu.memory_space<vmem>> -> memref<200x64xf32, #tpu.memory_space<vmem>>
        %get3A_1983 = arith.index_cast %scan3A_1948 : i32 to index
        %get3A_1984 = arith.constant 48 : index
        %get3A_1985 = tpu.vector_load %get3A_1982[%get3A_1983, %get3A_1984] {strides = array<i32>} : memref<200x64xf32, #tpu.memory_space<vmem>>, vector<1x16xf32>,
        %get3A_1986 = vector.shape_cast %get3A_1985 : vector<1x16xf32> to vector<16xf32>
        %max3A_1987 = arith.maximumf %scan3A_1952, %get3A_1986 : vector<16xf32>
        %scan3A_1988 = arith.constant 1 : i32
        %scan3A_1989 = arith.addi %scan3A_1948, %scan3A_1988 : i32
        %get3A_1990 = arith.constant 0 : i32
        %get3A_1991 = arith.constant 0 : i32
        %get3A_1992 = tpu.memref_slice %arg8[%scan3A_1169, %get3A_1990, %get3A_1991] : memref<4x200x64xf32, #tpu.memory_space<vmem>> -> memref<1x200x64xf32, #tpu.memory_space<vmem>>
        %get3A_1993 = tpu.memref_squeeze %get3A_1992 : memref<1x200x64xf32, #tpu.memory_space<vmem>> -> memref<200x64xf32, #tpu.memory_space<vmem>>
        %get3A_1994 = arith.index_cast %scan3A_1989 : i32 to index
        %get3A_1995 = arith.constant 0 : index
        %get3A_1996 = tpu.vector_load %get3A_1993[%get3A_1994, %get3A_1995] {strides = array<i32>} : memref<200x64xf32, #tpu.memory_space<vmem>>, vector<1x16xf32>,
        %get3A_1997 = vector.shape_cast %get3A_1996 : vector<1x16xf32> to vector<16xf32>
        %max3A_1998 = arith.maximumf %max3A, %get3A_1997 : vector<16xf32>
        %get3A_1999 = arith.constant 0 : i32
        %get3A_2000 = arith.constant 0 : i32
        %get3A_2001 = tpu.memref_slice %arg8[%scan3A_1169, %get3A_1999, %get3A_2000] : memref<4x200x64xf32, #tpu.memory_space<vmem>> -> memref<1x200x64xf32, #tpu.memory_space<vmem>>
        %get3A_2002 = tpu.memref_squeeze %get3A_2001 : memref<1x200x64xf32, #tpu.memory_space<vmem>> -> memref<200x64xf32, #tpu.memory_space<vmem>>
        %get3A_2003 = arith.index_cast %scan3A_1989 : i32 to index
        %get3A_2004 = arith.constant 16 : index
        %get3A_2005 = tpu.vector_load %get3A_2002[%get3A_2003, %get3A_2004] {strides = array<i32>} : memref<200x64xf32, #tpu.memory_space<vmem>>, vector<1x16xf32>,
        %get3A_2006 = vector.shape_cast %get3A_2005 : vector<1x16xf32> to vector<16xf32>
        %max3A_2007 = arith.maximumf %max3A_1969, %get3A_2006 : vector<16xf32>
        %get3A_2008 = arith.constant 0 : i32
        %get3A_2009 = arith.constant 0 : i32
        %get3A_2010 = tpu.memref_slice %arg8[%scan3A_1169, %get3A_2008, %get3A_2009] : memref<4x200x64xf32, #tpu.memory_space<vmem>> -> memref<1x200x64xf32, #tpu.memory_space<vmem>>
        %get3A_2011 = tpu.memref_squeeze %get3A_2010 : memref<1x200x64xf32, #tpu.memory_space<vmem>> -> memref<200x64xf32, #tpu.memory_space<vmem>>
        %get3A_2012 = arith.index_cast %scan3A_1989 : i32 to index
        %get3A_2013 = arith.constant 32 : index
        %get3A_2014 = tpu.vector_load %get3A_2011[%get3A_2012, %get3A_2013] {strides = array<i32>} : memref<200x64xf32, #tpu.memory_space<vmem>>, vector<1x16xf32>,
        %get3A_2015 = vector.shape_cast %get3A_2014 : vector<1x16xf32> to vector<16xf32>
        %max3A_2016 = arith.maximumf %max3A_1978, %get3A_2015 : vector<16xf32>
        %get3A_2017 = arith.constant 0 : i32
        %get3A_2018 = arith.constant 0 : i32
        %get3A_2019 = tpu.memref_slice %arg8[%scan3A_1169, %get3A_2017, %get3A_2018] : memref<4x200x64xf32, #tpu.memory_space<vmem>> -> memref<1x200x64xf32, #tpu.memory_space<vmem>>
        %get3A_2020 = tpu.memref_squeeze %get3A_2019 : memref<1x200x64xf32, #tpu.memory_space<vmem>> -> memref<200x64xf32, #tpu.memory_space<vmem>>
        %get3A_2021 = arith.index_cast %scan3A_1989 : i32 to index
        %get3A_2022 = arith.constant 48 : index
        %get3A_2023 = tpu.vector_load %get3A_2020[%get3A_2021, %get3A_2022] {strides = array<i32>} : memref<200x64xf32, #tpu.memory_space<vmem>>, vector<1x16xf32>,
        %get3A_2024 = vector.shape_cast %get3A_2023 : vector<1x16xf32> to vector<16xf32>
        %max3A_2025 = arith.maximumf %max3A_1987, %get3A_2024 : vector<16xf32>
        %scan3A_2026 = arith.constant 2 : i32
        %scan3A_2027 = arith.addi %scan3A_1948, %scan3A_2026 : i32
        %get3A_2028 = arith.constant 0 : i32
        %get3A_2029 = arith.constant 0 : i32
        %get3A_2030 = tpu.memref_slice %arg8[%scan3A_1169, %get3A_2028, %get3A_2029] : memref<4x200x64xf32, #tpu.memory_space<vmem>> -> memref<1x200x64xf32, #tpu.memory_space<vmem>>
        %get3A_2031 = tpu.memref_squeeze %get3A_2030 : memref<1x200x64xf32, #tpu.memory_space<vmem>> -> memref<200x64xf32, #tpu.memory_space<vmem>>
        %get3A_2032 = arith.index_cast %scan3A_2027 : i32 to index
        %get3A_2033 = arith.constant 0 : index
        %get3A_2034 = tpu.vector_load %get3A_2031[%get3A_2032, %get3A_2033] {strides = array<i32>} : memref<200x64xf32, #tpu.memory_space<vmem>>, vector<1x16xf32>,
        %get3A_2035 = vector.shape_cast %get3A_2034 : vector<1x16xf32> to vector<16xf32>
        %max3A_2036 = arith.maximumf %max3A_1998, %get3A_2035 : vector<16xf32>
        %get3A_2037 = arith.constant 0 : i32
        %get3A_2038 = arith.constant 0 : i32
        %get3A_2039 = tpu.memref_slice %arg8[%scan3A_1169, %get3A_2037, %get3A_2038] : memref<4x200x64xf32, #tpu.memory_space<vmem>> -> memref<1x200x64xf32, #tpu.memory_space<vmem>>
        %get3A_2040 = tpu.memref_squeeze %get3A_2039 : memref<1x200x64xf32, #tpu.memory_space<vmem>> -> memref<200x64xf32, #tpu.memory_space<vmem>>
        %get3A_2041 = arith.index_cast %scan3A_2027 : i32 to index
        %get3A_2042 = arith.constant 16 : index
        %get3A_2043 = tpu.vector_load %get3A_2040[%get3A_2041, %get3A_2042] {strides = array<i32>} : memref<200x64xf32, #tpu.memory_space<vmem>>, vector<1x16xf32>,
        %get3A_2044 = vector.shape_cast %get3A_2043 : vector<1x16xf32> to vector<16xf32>
        %max3A_2045 = arith.maximumf %max3A_2007, %get3A_2044 : vector<16xf32>
        %get3A_2046 = arith.constant 0 : i32
        %get3A_2047 = arith.constant 0 : i32
        %get3A_2048 = tpu.memref_slice %arg8[%scan3A_1169, %get3A_2046, %get3A_2047] : memref<4x200x64xf32, #tpu.memory_space<vmem>> -> memref<1x200x64xf32, #tpu.memory_space<vmem>>
        %get3A_2049 = tpu.memref_squeeze %get3A_2048 : memref<1x200x64xf32, #tpu.memory_space<vmem>> -> memref<200x64xf32, #tpu.memory_space<vmem>>
        %get3A_2050 = arith.index_cast %scan3A_2027 : i32 to index
        %get3A_2051 = arith.constant 32 : index
        %get3A_2052 = tpu.vector_load %get3A_2049[%get3A_2050, %get3A_2051] {strides = array<i32>} : memref<200x64xf32, #tpu.memory_space<vmem>>, vector<1x16xf32>,
        %get3A_2053 = vector.shape_cast %get3A_2052 : vector<1x16xf32> to vector<16xf32>
        %max3A_2054 = arith.maximumf %max3A_2016, %get3A_2053 : vector<16xf32>
        %get3A_2055 = arith.constant 0 : i32
        %get3A_2056 = arith.constant 0 : i32
        %get3A_2057 = tpu.memref_slice %arg8[%scan3A_1169, %get3A_2055, %get3A_2056] : memref<4x200x64xf32, #tpu.memory_space<vmem>> -> memref<1x200x64xf32, #tpu.memory_space<vmem>>
        %get3A_2058 = tpu.memref_squeeze %get3A_2057 : memref<1x200x64xf32, #tpu.memory_space<vmem>> -> memref<200x64xf32, #tpu.memory_space<vmem>>
        %get3A_2059 = arith.index_cast %scan3A_2027 : i32 to index
        %get3A_2060 = arith.constant 48 : index
        %get3A_2061 = tpu.vector_load %get3A_2058[%get3A_2059, %get3A_2060] {strides = array<i32>} : memref<200x64xf32, #tpu.memory_space<vmem>>, vector<1x16xf32>,
        %get3A_2062 = vector.shape_cast %get3A_2061 : vector<1x16xf32> to vector<16xf32>
        %max3A_2063 = arith.maximumf %max3A_2025, %get3A_2062 : vector<16xf32>
        %scan3A_2064 = arith.constant 3 : i32
        %scan3A_2065 = arith.addi %scan3A_1948, %scan3A_2064 : i32
        %get3A_2066 = arith.constant 0 : i32
        %get3A_2067 = arith.constant 0 : i32
        %get3A_2068 = tpu.memref_slice %arg8[%scan3A_1169, %get3A_2066, %get3A_2067] : memref<4x200x64xf32, #tpu.memory_space<vmem>> -> memref<1x200x64xf32, #tpu.memory_space<vmem>>
        %get3A_2069 = tpu.memref_squeeze %get3A_2068 : memref<1x200x64xf32, #tpu.memory_space<vmem>> -> memref<200x64xf32, #tpu.memory_space<vmem>>
        %get3A_2070 = arith.index_cast %scan3A_2065 : i32 to index
        %get3A_2071 = arith.constant 0 : index
        %get3A_2072 = tpu.vector_load %get3A_2069[%get3A_2070, %get3A_2071] {strides = array<i32>} : memref<200x64xf32, #tpu.memory_space<vmem>>, vector<1x16xf32>,
        %get3A_2073 = vector.shape_cast %get3A_2072 : vector<1x16xf32> to vector<16xf32>
        %max3A_2074 = arith.maximumf %max3A_2036, %get3A_2073 : vector<16xf32>
        %get3A_2075 = arith.constant 0 : i32
        %get3A_2076 = arith.constant 0 : i32
        %get3A_2077 = tpu.memref_slice %arg8[%scan3A_1169, %get3A_2075, %get3A_2076] : memref<4x200x64xf32, #tpu.memory_space<vmem>> -> memref<1x200x64xf32, #tpu.memory_space<vmem>>
        %get3A_2078 = tpu.memref_squeeze %get3A_2077 : memref<1x200x64xf32, #tpu.memory_space<vmem>> -> memref<200x64xf32, #tpu.memory_space<vmem>>
        %get3A_2079 = arith.index_cast %scan3A_2065 : i32 to index
        %get3A_2080 = arith.constant 16 : index
        %get3A_2081 = tpu.vector_load %get3A_2078[%get3A_2079, %get3A_2080] {strides = array<i32>} : memref<200x64xf32, #tpu.memory_space<vmem>>, vector<1x16xf32>,
        %get3A_2082 = vector.shape_cast %get3A_2081 : vector<1x16xf32> to vector<16xf32>
        %max3A_2083 = arith.maximumf %max3A_2045, %get3A_2082 : vector<16xf32>
        %get3A_2084 = arith.constant 0 : i32
        %get3A_2085 = arith.constant 0 : i32
        %get3A_2086 = tpu.memref_slice %arg8[%scan3A_1169, %get3A_2084, %get3A_2085] : memref<4x200x64xf32, #tpu.memory_space<vmem>> -> memref<1x200x64xf32, #tpu.memory_space<vmem>>
        %get3A_2087 = tpu.memref_squeeze %get3A_2086 : memref<1x200x64xf32, #tpu.memory_space<vmem>> -> memref<200x64xf32, #tpu.memory_space<vmem>>
        %get3A_2088 = arith.index_cast %scan3A_2065 : i32 to index
        %get3A_2089 = arith.constant 32 : index
        %get3A_2090 = tpu.vector_load %get3A_2087[%get3A_2088, %get3A_2089] {strides = array<i32>} : memref<200x64xf32, #tpu.memory_space<vmem>>, vector<1x16xf32>,
        %get3A_2091 = vector.shape_cast %get3A_2090 : vector<1x16xf32> to vector<16xf32>
        %max3A_2092 = arith.maximumf %max3A_2054, %get3A_2091 : vector<16xf32>
        %get3A_2093 = arith.constant 0 : i32
        %get3A_2094 = arith.constant 0 : i32
        %get3A_2095 = tpu.memref_slice %arg8[%scan3A_1169, %get3A_2093, %get3A_2094] : memref<4x200x64xf32, #tpu.memory_space<vmem>> -> memref<1x200x64xf32, #tpu.memory_space<vmem>>
        %get3A_2096 = tpu.memref_squeeze %get3A_2095 : memref<1x200x64xf32, #tpu.memory_space<vmem>> -> memref<200x64xf32, #tpu.memory_space<vmem>>
        %get3A_2097 = arith.index_cast %scan3A_2065 : i32 to index
        %get3A_2098 = arith.constant 48 : index
        %get3A_2099 = tpu.vector_load %get3A_2096[%get3A_2097, %get3A_2098] {strides = array<i32>} : memref<200x64xf32, #tpu.memory_space<vmem>>, vector<1x16xf32>,
        %get3A_2100 = vector.shape_cast %get3A_2099 : vector<1x16xf32> to vector<16xf32>
        %max3A_2101 = arith.maximumf %max3A_2063, %get3A_2100 : vector<16xf32>
        %scan3A_2102 = arith.constant 4 : i32
        %scan3A_2103 = arith.addi %scan3A_1948, %scan3A_2102 : i32
        %get3A_2104 = arith.constant 0 : i32
        %get3A_2105 = arith.constant 0 : i32
        %get3A_2106 = tpu.memref_slice %arg8[%scan3A_1169, %get3A_2104, %get3A_2105] : memref<4x200x64xf32, #tpu.memory_space<vmem>> -> memref<1x200x64xf32, #tpu.memory_space<vmem>>
        %get3A_2107 = tpu.memref_squeeze %get3A_2106 : memref<1x200x64xf32, #tpu.memory_space<vmem>> -> memref<200x64xf32, #tpu.memory_space<vmem>>
        %get3A_2108 = arith.index_cast %scan3A_2103 : i32 to index
        %get3A_2109 = arith.constant 0 : index
        %get3A_2110 = tpu.vector_load %get3A_2107[%get3A_2108, %get3A_2109] {strides = array<i32>} : memref<200x64xf32, #tpu.memory_space<vmem>>, vector<1x16xf32>,
        %get3A_2111 = vector.shape_cast %get3A_2110 : vector<1x16xf32> to vector<16xf32>
        %max3A_2112 = arith.maximumf %max3A_2074, %get3A_2111 : vector<16xf32>
        %get3A_2113 = arith.constant 0 : i32
        %get3A_2114 = arith.constant 0 : i32
        %get3A_2115 = tpu.memref_slice %arg8[%scan3A_1169, %get3A_2113, %get3A_2114] : memref<4x200x64xf32, #tpu.memory_space<vmem>> -> memref<1x200x64xf32, #tpu.memory_space<vmem>>
        %get3A_2116 = tpu.memref_squeeze %get3A_2115 : memref<1x200x64xf32, #tpu.memory_space<vmem>> -> memref<200x64xf32, #tpu.memory_space<vmem>>
        %get3A_2117 = arith.index_cast %scan3A_2103 : i32 to index
        %get3A_2118 = arith.constant 16 : index
        %get3A_2119 = tpu.vector_load %get3A_2116[%get3A_2117, %get3A_2118] {strides = array<i32>} : memref<200x64xf32, #tpu.memory_space<vmem>>, vector<1x16xf32>,
        %get3A_2120 = vector.shape_cast %get3A_2119 : vector<1x16xf32> to vector<16xf32>
        %max3A_2121 = arith.maximumf %max3A_2083, %get3A_2120 : vector<16xf32>
        %get3A_2122 = arith.constant 0 : i32
        %get3A_2123 = arith.constant 0 : i32
        %get3A_2124 = tpu.memref_slice %arg8[%scan3A_1169, %get3A_2122, %get3A_2123] : memref<4x200x64xf32, #tpu.memory_space<vmem>> -> memref<1x200x64xf32, #tpu.memory_space<vmem>>
        %get3A_2125 = tpu.memref_squeeze %get3A_2124 : memref<1x200x64xf32, #tpu.memory_space<vmem>> -> memref<200x64xf32, #tpu.memory_space<vmem>>
        %get3A_2126 = arith.index_cast %scan3A_2103 : i32 to index
        %get3A_2127 = arith.constant 32 : index
        %get3A_2128 = tpu.vector_load %get3A_2125[%get3A_2126, %get3A_2127] {strides = array<i32>} : memref<200x64xf32, #tpu.memory_space<vmem>>, vector<1x16xf32>,
        %get3A_2129 = vector.shape_cast %get3A_2128 : vector<1x16xf32> to vector<16xf32>
        %max3A_2130 = arith.maximumf %max3A_2092, %get3A_2129 : vector<16xf32>
        %get3A_2131 = arith.constant 0 : i32
        %get3A_2132 = arith.constant 0 : i32
        %get3A_2133 = tpu.memref_slice %arg8[%scan3A_1169, %get3A_2131, %get3A_2132] : memref<4x200x64xf32, #tpu.memory_space<vmem>> -> memref<1x200x64xf32, #tpu.memory_space<vmem>>
        %get3A_2134 = tpu.memref_squeeze %get3A_2133 : memref<1x200x64xf32, #tpu.memory_space<vmem>> -> memref<200x64xf32, #tpu.memory_space<vmem>>
        %get3A_2135 = arith.index_cast %scan3A_2103 : i32 to index
        %get3A_2136 = arith.constant 48 : index
        %get3A_2137 = tpu.vector_load %get3A_2134[%get3A_2135, %get3A_2136] {strides = array<i32>} : memref<200x64xf32, #tpu.memory_space<vmem>>, vector<1x16xf32>,
        %get3A_2138 = vector.shape_cast %get3A_2137 : vector<1x16xf32> to vector<16xf32>
        %max3A_2139 = arith.maximumf %max3A_2101, %get3A_2138 : vector<16xf32>
        %scan3A_2140 = arith.constant 5 : i32
        %scan3A_2141 = arith.addi %scan3A_1948, %scan3A_2140 : i32
        %get3A_2142 = arith.constant 0 : i32
        %get3A_2143 = arith.constant 0 : i32
        %get3A_2144 = tpu.memref_slice %arg8[%scan3A_1169, %get3A_2142, %get3A_2143] : memref<4x200x64xf32, #tpu.memory_space<vmem>> -> memref<1x200x64xf32, #tpu.memory_space<vmem>>
        %get3A_2145 = tpu.memref_squeeze %get3A_2144 : memref<1x200x64xf32, #tpu.memory_space<vmem>> -> memref<200x64xf32, #tpu.memory_space<vmem>>
        %get3A_2146 = arith.index_cast %scan3A_2141 : i32 to index
        %get3A_2147 = arith.constant 0 : index
        %get3A_2148 = tpu.vector_load %get3A_2145[%get3A_2146, %get3A_2147] {strides = array<i32>} : memref<200x64xf32, #tpu.memory_space<vmem>>, vector<1x16xf32>,
        %get3A_2149 = vector.shape_cast %get3A_2148 : vector<1x16xf32> to vector<16xf32>
        %max3A_2150 = arith.maximumf %max3A_2112, %get3A_2149 : vector<16xf32>
        %get3A_2151 = arith.constant 0 : i32
        %get3A_2152 = arith.constant 0 : i32
        %get3A_2153 = tpu.memref_slice %arg8[%scan3A_1169, %get3A_2151, %get3A_2152] : memref<4x200x64xf32, #tpu.memory_space<vmem>> -> memref<1x200x64xf32, #tpu.memory_space<vmem>>
        %get3A_2154 = tpu.memref_squeeze %get3A_2153 : memref<1x200x64xf32, #tpu.memory_space<vmem>> -> memref<200x64xf32, #tpu.memory_space<vmem>>
        %get3A_2155 = arith.index_cast %scan3A_2141 : i32 to index
        %get3A_2156 = arith.constant 16 : index
        %get3A_2157 = tpu.vector_load %get3A_2154[%get3A_2155, %get3A_2156] {strides = array<i32>} : memref<200x64xf32, #tpu.memory_space<vmem>>, vector<1x16xf32>,
        %get3A_2158 = vector.shape_cast %get3A_2157 : vector<1x16xf32> to vector<16xf32>
        %max3A_2159 = arith.maximumf %max3A_2121, %get3A_2158 : vector<16xf32>
        %get3A_2160 = arith.constant 0 : i32
        %get3A_2161 = arith.constant 0 : i32
        %get3A_2162 = tpu.memref_slice %arg8[%scan3A_1169, %get3A_2160, %get3A_2161] : memref<4x200x64xf32, #tpu.memory_space<vmem>> -> memref<1x200x64xf32, #tpu.memory_space<vmem>>
        %get3A_2163 = tpu.memref_squeeze %get3A_2162 : memref<1x200x64xf32, #tpu.memory_space<vmem>> -> memref<200x64xf32, #tpu.memory_space<vmem>>
        %get3A_2164 = arith.index_cast %scan3A_2141 : i32 to index
        %get3A_2165 = arith.constant 32 : index
        %get3A_2166 = tpu.vector_load %get3A_2163[%get3A_2164, %get3A_2165] {strides = array<i32>} : memref<200x64xf32, #tpu.memory_space<vmem>>, vector<1x16xf32>,
        %get3A_2167 = vector.shape_cast %get3A_2166 : vector<1x16xf32> to vector<16xf32>
        %max3A_2168 = arith.maximumf %max3A_2130, %get3A_2167 : vector<16xf32>
        %get3A_2169 = arith.constant 0 : i32
        %get3A_2170 = arith.constant 0 : i32
        %get3A_2171 = tpu.memref_slice %arg8[%scan3A_1169, %get3A_2169, %get3A_2170] : memref<4x200x64xf32, #tpu.memory_space<vmem>> -> memref<1x200x64xf32, #tpu.memory_space<vmem>>
        %get3A_2172 = tpu.memref_squeeze %get3A_2171 : memref<1x200x64xf32, #tpu.memory_space<vmem>> -> memref<200x64xf32, #tpu.memory_space<vmem>>
        %get3A_2173 = arith.index_cast %scan3A_2141 : i32 to index
        %get3A_2174 = arith.constant 48 : index
        %get3A_2175 = tpu.vector_load %get3A_2172[%get3A_2173, %get3A_2174] {strides = array<i32>} : memref<200x64xf32, #tpu.memory_space<vmem>>, vector<1x16xf32>,
        %get3A_2176 = vector.shape_cast %get3A_2175 : vector<1x16xf32> to vector<16xf32>
        %max3A_2177 = arith.maximumf %max3A_2139, %get3A_2176 : vector<16xf32>
        %scan3A_2178 = arith.constant 6 : i32
        %scan3A_2179 = arith.addi %scan3A_1948, %scan3A_2178 : i32
        %get3A_2180 = arith.constant 0 : i32
        %get3A_2181 = arith.constant 0 : i32
        %get3A_2182 = tpu.memref_slice %arg8[%scan3A_1169, %get3A_2180, %get3A_2181] : memref<4x200x64xf32, #tpu.memory_space<vmem>> -> memref<1x200x64xf32, #tpu.memory_space<vmem>>
        %get3A_2183 = tpu.memref_squeeze %get3A_2182 : memref<1x200x64xf32, #tpu.memory_space<vmem>> -> memref<200x64xf32, #tpu.memory_space<vmem>>
        %get3A_2184 = arith.index_cast %scan3A_2179 : i32 to index
        %get3A_2185 = arith.constant 0 : index
        %get3A_2186 = tpu.vector_load %get3A_2183[%get3A_2184, %get3A_2185] {strides = array<i32>} : memref<200x64xf32, #tpu.memory_space<vmem>>, vector<1x16xf32>,
        %get3A_2187 = vector.shape_cast %get3A_2186 : vector<1x16xf32> to vector<16xf32>
        %max3A_2188 = arith.maximumf %max3A_2150, %get3A_2187 : vector<16xf32>
        %get3A_2189 = arith.constant 0 : i32
        %get3A_2190 = arith.constant 0 : i32
        %get3A_2191 = tpu.memref_slice %arg8[%scan3A_1169, %get3A_2189, %get3A_2190] : memref<4x200x64xf32, #tpu.memory_space<vmem>> -> memref<1x200x64xf32, #tpu.memory_space<vmem>>
        %get3A_2192 = tpu.memref_squeeze %get3A_2191 : memref<1x200x64xf32, #tpu.memory_space<vmem>> -> memref<200x64xf32, #tpu.memory_space<vmem>>
        %get3A_2193 = arith.index_cast %scan3A_2179 : i32 to index
        %get3A_2194 = arith.constant 16 : index
        %get3A_2195 = tpu.vector_load %get3A_2192[%get3A_2193, %get3A_2194] {strides = array<i32>} : memref<200x64xf32, #tpu.memory_space<vmem>>, vector<1x16xf32>,
        %get3A_2196 = vector.shape_cast %get3A_2195 : vector<1x16xf32> to vector<16xf32>
        %max3A_2197 = arith.maximumf %max3A_2159, %get3A_2196 : vector<16xf32>
        %get3A_2198 = arith.constant 0 : i32
        %get3A_2199 = arith.constant 0 : i32
        %get3A_2200 = tpu.memref_slice %arg8[%scan3A_1169, %get3A_2198, %get3A_2199] : memref<4x200x64xf32, #tpu.memory_space<vmem>> -> memref<1x200x64xf32, #tpu.memory_space<vmem>>
        %get3A_2201 = tpu.memref_squeeze %get3A_2200 : memref<1x200x64xf32, #tpu.memory_space<vmem>> -> memref<200x64xf32, #tpu.memory_space<vmem>>
        %get3A_2202 = arith.index_cast %scan3A_2179 : i32 to index
        %get3A_2203 = arith.constant 32 : index
        %get3A_2204 = tpu.vector_load %get3A_2201[%get3A_2202, %get3A_2203] {strides = array<i32>} : memref<200x64xf32, #tpu.memory_space<vmem>>, vector<1x16xf32>,
        %get3A_2205 = vector.shape_cast %get3A_2204 : vector<1x16xf32> to vector<16xf32>
        %max3A_2206 = arith.maximumf %max3A_2168, %get3A_2205 : vector<16xf32>
        %get3A_2207 = arith.constant 0 : i32
        %get3A_2208 = arith.constant 0 : i32
        %get3A_2209 = tpu.memref_slice %arg8[%scan3A_1169, %get3A_2207, %get3A_2208] : memref<4x200x64xf32, #tpu.memory_space<vmem>> -> memref<1x200x64xf32, #tpu.memory_space<vmem>>
        %get3A_2210 = tpu.memref_squeeze %get3A_2209 : memref<1x200x64xf32, #tpu.memory_space<vmem>> -> memref<200x64xf32, #tpu.memory_space<vmem>>
        %get3A_2211 = arith.index_cast %scan3A_2179 : i32 to index
        %get3A_2212 = arith.constant 48 : index
        %get3A_2213 = tpu.vector_load %get3A_2210[%get3A_2211, %get3A_2212] {strides = array<i32>} : memref<200x64xf32, #tpu.memory_space<vmem>>, vector<1x16xf32>,
        %get3A_2214 = vector.shape_cast %get3A_2213 : vector<1x16xf32> to vector<16xf32>
        %max3A_2215 = arith.maximumf %max3A_2177, %get3A_2214 : vector<16xf32>
        %scan3A_2216 = arith.constant 7 : i32
        %scan3A_2217 = arith.addi %scan3A_1948, %scan3A_2216 : i32
        %get3A_2218 = arith.constant 0 : i32
        %get3A_2219 = arith.constant 0 : i32
        %get3A_2220 = tpu.memref_slice %arg8[%scan3A_1169, %get3A_2218, %get3A_2219] : memref<4x200x64xf32, #tpu.memory_space<vmem>> -> memref<1x200x64xf32, #tpu.memory_space<vmem>>
        %get3A_2221 = tpu.memref_squeeze %get3A_2220 : memref<1x200x64xf32, #tpu.memory_space<vmem>> -> memref<200x64xf32, #tpu.memory_space<vmem>>
        %get3A_2222 = arith.index_cast %scan3A_2217 : i32 to index
        %get3A_2223 = arith.constant 0 : index
        %get3A_2224 = tpu.vector_load %get3A_2221[%get3A_2222, %get3A_2223] {strides = array<i32>} : memref<200x64xf32, #tpu.memory_space<vmem>>, vector<1x16xf32>,
        %get3A_2225 = vector.shape_cast %get3A_2224 : vector<1x16xf32> to vector<16xf32>
        %max3A_2226 = arith.maximumf %max3A_2188, %get3A_2225 : vector<16xf32>
        %get3A_2227 = arith.constant 0 : i32
        %get3A_2228 = arith.constant 0 : i32
        %get3A_2229 = tpu.memref_slice %arg8[%scan3A_1169, %get3A_2227, %get3A_2228] : memref<4x200x64xf32, #tpu.memory_space<vmem>> -> memref<1x200x64xf32, #tpu.memory_space<vmem>>
        %get3A_2230 = tpu.memref_squeeze %get3A_2229 : memref<1x200x64xf32, #tpu.memory_space<vmem>> -> memref<200x64xf32, #tpu.memory_space<vmem>>
        %get3A_2231 = arith.index_cast %scan3A_2217 : i32 to index
        %get3A_2232 = arith.constant 16 : index
        %get3A_2233 = tpu.vector_load %get3A_2230[%get3A_2231, %get3A_2232] {strides = array<i32>} : memref<200x64xf32, #tpu.memory_space<vmem>>, vector<1x16xf32>,
        %get3A_2234 = vector.shape_cast %get3A_2233 : vector<1x16xf32> to vector<16xf32>
        %max3A_2235 = arith.maximumf %max3A_2197, %get3A_2234 : vector<16xf32>
        %get3A_2236 = arith.constant 0 : i32
        %get3A_2237 = arith.constant 0 : i32
        %get3A_2238 = tpu.memref_slice %arg8[%scan3A_1169, %get3A_2236, %get3A_2237] : memref<4x200x64xf32, #tpu.memory_space<vmem>> -> memref<1x200x64xf32, #tpu.memory_space<vmem>>
        %get3A_2239 = tpu.memref_squeeze %get3A_2238 : memref<1x200x64xf32, #tpu.memory_space<vmem>> -> memref<200x64xf32, #tpu.memory_space<vmem>>
        %get3A_2240 = arith.index_cast %scan3A_2217 : i32 to index
        %get3A_2241 = arith.constant 32 : index
        %get3A_2242 = tpu.vector_load %get3A_2239[%get3A_2240, %get3A_2241] {strides = array<i32>} : memref<200x64xf32, #tpu.memory_space<vmem>>, vector<1x16xf32>,
        %get3A_2243 = vector.shape_cast %get3A_2242 : vector<1x16xf32> to vector<16xf32>
        %max3A_2244 = arith.maximumf %max3A_2206, %get3A_2243 : vector<16xf32>
        %get3A_2245 = arith.constant 0 : i32
        %get3A_2246 = arith.constant 0 : i32
        %get3A_2247 = tpu.memref_slice %arg8[%scan3A_1169, %get3A_2245, %get3A_2246] : memref<4x200x64xf32, #tpu.memory_space<vmem>> -> memref<1x200x64xf32, #tpu.memory_space<vmem>>
        %get3A_2248 = tpu.memref_squeeze %get3A_2247 : memref<1x200x64xf32, #tpu.memory_space<vmem>> -> memref<200x64xf32, #tpu.memory_space<vmem>>
        %get3A_2249 = arith.index_cast %scan3A_2217 : i32 to index
        %get3A_2250 = arith.constant 48 : index
        %get3A_2251 = tpu.vector_load %get3A_2248[%get3A_2249, %get3A_2250] {strides = array<i32>} : memref<200x64xf32, #tpu.memory_space<vmem>>, vector<1x16xf32>,
        %get3A_2252 = vector.shape_cast %get3A_2251 : vector<1x16xf32> to vector<16xf32>
        %max3A_2253 = arith.maximumf %max3A_2215, %get3A_2252 : vector<16xf32>
        scf.yield %max3A_2226, %max3A_2235, %max3A_2244, %max3A_2253 : vector<16xf32>, vector<16xf32>, vector<16xf32>, vector<16xf32>
      }
      %scan3A_1175 = arith.constant 200 : i32
      %get3A_1176 = arith.constant 0 : i32
      %get3A_1177 = arith.index_cast %get3A_1176 : i32 to index
      %get3A_1178 = arith.constant 0 : index
      %get3A_1179 = tpu.vector_load %arg9[%get3A_1177, %get3A_1178] {strides = array<i32>} : memref<2x64xf32, #tpu.memory_space<vmem>>, vector<1x16xf32>,
      %get3A_1180 = vector.shape_cast %get3A_1179 : vector<1x16xf32> to vector<16xf32>
      %mul3A_1181 = arith.mulf %scan3A_1174#0, %get3A_1180 : vector<16xf32>
      %get3A_1182 = arith.constant 0 : i32
      %get3A_1183 = arith.index_cast %get3A_1182 : i32 to index
      %get3A_1184 = arith.constant 16 : index
      %get3A_1185 = tpu.vector_load %arg9[%get3A_1183, %get3A_1184] {strides = array<i32>} : memref<2x64xf32, #tpu.memory_space<vmem>>, vector<1x16xf32>,
      %get3A_1186 = vector.shape_cast %get3A_1185 : vector<1x16xf32> to vector<16xf32>
      %mul3A_1187 = arith.mulf %scan3A_1174#1, %get3A_1186 : vector<16xf32>
      %add3A_1188 = arith.addf %mul3A_1181, %mul3A_1187 : vector<16xf32>
      %get3A_1189 = arith.constant 0 : i32
      %get3A_1190 = arith.index_cast %get3A_1189 : i32 to index
      %get3A_1191 = arith.constant 32 : index
      %get3A_1192 = tpu.vector_load %arg9[%get3A_1190, %get3A_1191] {strides = array<i32>} : memref<2x64xf32, #tpu.memory_space<vmem>>, vector<1x16xf32>,
      %get3A_1193 = vector.shape_cast %get3A_1192 : vector<1x16xf32> to vector<16xf32>
      %mul3A_1194 = arith.mulf %scan3A_1174#2, %get3A_1193 : vector<16xf32>
      %add3A_1195 = arith.addf %add3A_1188, %mul3A_1194 : vector<16xf32>
      %get3A_1196 = arith.constant 0 : i32
      %get3A_1197 = arith.index_cast %get3A_1196 : i32 to index
      %get3A_1198 = arith.constant 48 : index
      %get3A_1199 = tpu.vector_load %arg9[%get3A_1197, %get3A_1198] {strides = array<i32>} : memref<2x64xf32, #tpu.memory_space<vmem>>, vector<1x16xf32>,
      %get3A_1200 = vector.shape_cast %get3A_1199 : vector<1x16xf32> to vector<16xf32>
      %mul3A_1201 = arith.mulf %scan3A_1174#3, %get3A_1200 : vector<16xf32>
      %add3A_1202 = arith.addf %add3A_1195, %mul3A_1201 : vector<16xf32>
      %xor3A_1203 = arith.constant 8 : i32
      %xor3A_1204 = vector.broadcast %xor3A_1203 : i32 to vector<16xi32>
      %xor3A_1205 = arith.xori %iota3A, %xor3A_1204 : vector<16xi32>
      %reshape3A_1206 = vector.shape_cast %xor3A_1205 : vector<16xi32> to vector<16x1xi32>
      %gather3A_1207 = vector.shape_cast %reshape3A_1206 : vector<16x1xi32> to vector<16xi32>
      %gather3A_1208 = tpu.dynamic_gather %add3A_1202[%gather3A_1207] in [0] : vector<16xf32>, vector<16xi32> -> vector<16xf32>
      %add3A_1209 = arith.addf %add3A_1202, %gather3A_1208 : vector<16xf32>
      %xor3A_1210 = arith.constant 4 : i32
      %xor3A_1211 = vector.broadcast %xor3A_1210 : i32 to vector<16xi32>
      %xor3A_1212 = arith.xori %iota3A, %xor3A_1211 : vector<16xi32>
      %reshape3A_1213 = vector.shape_cast %xor3A_1212 : vector<16xi32> to vector<16x1xi32>
      %gather3A_1214 = vector.shape_cast %reshape3A_1213 : vector<16x1xi32> to vector<16xi32>
      %gather3A_1215 = tpu.dynamic_gather %add3A_1209[%gather3A_1214] in [0] : vector<16xf32>, vector<16xi32> -> vector<16xf32>
      %add3A_1216 = arith.addf %add3A_1209, %gather3A_1215 : vector<16xf32>
      %xor3A_1217 = arith.constant 2 : i32
      %xor3A_1218 = vector.broadcast %xor3A_1217 : i32 to vector<16xi32>
      %xor3A_1219 = arith.xori %iota3A, %xor3A_1218 : vector<16xi32>
      %reshape3A_1220 = vector.shape_cast %xor3A_1219 : vector<16xi32> to vector<16x1xi32>
      %gather3A_1221 = vector.shape_cast %reshape3A_1220 : vector<16x1xi32> to vector<16xi32>
      %gather3A_1222 = tpu.dynamic_gather %add3A_1216[%gather3A_1221] in [0] : vector<16xf32>, vector<16xi32> -> vector<16xf32>
      %add3A_1223 = arith.addf %add3A_1216, %gather3A_1222 : vector<16xf32>
      %xor3A_1224 = arith.constant 1 : i32
      %xor3A_1225 = vector.broadcast %xor3A_1224 : i32 to vector<16xi32>
      %xor3A_1226 = arith.xori %iota3A, %xor3A_1225 : vector<16xi32>
      %reshape3A_1227 = vector.shape_cast %xor3A_1226 : vector<16xi32> to vector<16x1xi32>
      %gather3A_1228 = vector.shape_cast %reshape3A_1227 : vector<16x1xi32> to vector<16xi32>
      %gather3A_1229 = tpu.dynamic_gather %add3A_1223[%gather3A_1228] in [0] : vector<16xf32>, vector<16xi32> -> vector<16xf32>
      %add3A_1230 = arith.addf %add3A_1223, %gather3A_1229 : vector<16xf32>
      %eq3A_1231 = arith.constant 6 : i32
      %eq3A_1232 = vector.broadcast %eq3A_1231 : i32 to vector<16xi32>
      %eq3A_1233 = arith.cmpi eq, %iota3A, %eq3A_1232 : vector<16xi32>
      %select_n3A_1234 = arith.select %eq3A_1233, %add3A_1230, %select_n3A_1104 : vector<16xi1>, vector<16xf32>
      %get3A_1235 = arith.constant 1 : i32
      %get3A_1236 = arith.index_cast %get3A_1235 : i32 to index
      %get3A_1237 = arith.constant 0 : index
      %get3A_1238 = tpu.vector_load %arg9[%get3A_1236, %get3A_1237] {strides = array<i32>} : memref<2x64xf32, #tpu.memory_space<vmem>>, vector<1x16xf32>,
      %get3A_1239 = vector.shape_cast %get3A_1238 : vector<1x16xf32> to vector<16xf32>
      %mul3A_1240 = arith.mulf %scan3A_1174#0, %get3A_1239 : vector<16xf32>
      %get3A_1241 = arith.constant 1 : i32
      %get3A_1242 = arith.index_cast %get3A_1241 : i32 to index
      %get3A_1243 = arith.constant 16 : index
      %get3A_1244 = tpu.vector_load %arg9[%get3A_1242, %get3A_1243] {strides = array<i32>} : memref<2x64xf32, #tpu.memory_space<vmem>>, vector<1x16xf32>,
      %get3A_1245 = vector.shape_cast %get3A_1244 : vector<1x16xf32> to vector<16xf32>
      %mul3A_1246 = arith.mulf %scan3A_1174#1, %get3A_1245 : vector<16xf32>
      %add3A_1247 = arith.addf %mul3A_1240, %mul3A_1246 : vector<16xf32>
      %get3A_1248 = arith.constant 1 : i32
      %get3A_1249 = arith.index_cast %get3A_1248 : i32 to index
      %get3A_1250 = arith.constant 32 : index
      %get3A_1251 = tpu.vector_load %arg9[%get3A_1249, %get3A_1250] {strides = array<i32>} : memref<2x64xf32, #tpu.memory_space<vmem>>, vector<1x16xf32>,
      %get3A_1252 = vector.shape_cast %get3A_1251 : vector<1x16xf32> to vector<16xf32>
      %mul3A_1253 = arith.mulf %scan3A_1174#2, %get3A_1252 : vector<16xf32>
      %add3A_1254 = arith.addf %add3A_1247, %mul3A_1253 : vector<16xf32>
      %get3A_1255 = arith.constant 1 : i32
      %get3A_1256 = arith.index_cast %get3A_1255 : i32 to index
      %get3A_1257 = arith.constant 48 : index
      %get3A_1258 = tpu.vector_load %arg9[%get3A_1256, %get3A_1257] {strides = array<i32>} : memref<2x64xf32, #tpu.memory_space<vmem>>, vector<1x16xf32>,
      %get3A_1259 = vector.shape_cast %get3A_1258 : vector<1x16xf32> to vector<16xf32>
      %mul3A_1260 = arith.mulf %scan3A_1174#3, %get3A_1259 : vector<16xf32>
      %add3A_1261 = arith.addf %add3A_1254, %mul3A_1260 : vector<16xf32>
      %xor3A_1262 = arith.constant 8 : i32
      %xor3A_1263 = vector.broadcast %xor3A_1262 : i32 to vector<16xi32>
      %xor3A_1264 = arith.xori %iota3A, %xor3A_1263 : vector<16xi32>
      %reshape3A_1265 = vector.shape_cast %xor3A_1264 : vector<16xi32> to vector<16x1xi32>
      %gather3A_1266 = vector.shape_cast %reshape3A_1265 : vector<16x1xi32> to vector<16xi32>
      %gather3A_1267 = tpu.dynamic_gather %add3A_1261[%gather3A_1266] in [0] : vector<16xf32>, vector<16xi32> -> vector<16xf32>
      %add3A_1268 = arith.addf %add3A_1261, %gather3A_1267 : vector<16xf32>
      %xor3A_1269 = arith.constant 4 : i32
      %xor3A_1270 = vector.broadcast %xor3A_1269 : i32 to vector<16xi32>
      %xor3A_1271 = arith.xori %iota3A, %xor3A_1270 : vector<16xi32>
      %reshape3A_1272 = vector.shape_cast %xor3A_1271 : vector<16xi32> to vector<16x1xi32>
      %gather3A_1273 = vector.shape_cast %reshape3A_1272 : vector<16x1xi32> to vector<16xi32>
      %gather3A_1274 = tpu.dynamic_gather %add3A_1268[%gather3A_1273] in [0] : vector<16xf32>, vector<16xi32> -> vector<16xf32>
      %add3A_1275 = arith.addf %add3A_1268, %gather3A_1274 : vector<16xf32>
      %xor3A_1276 = arith.constant 2 : i32
      %xor3A_1277 = vector.broadcast %xor3A_1276 : i32 to vector<16xi32>
      %xor3A_1278 = arith.xori %iota3A, %xor3A_1277 : vector<16xi32>
      %reshape3A_1279 = vector.shape_cast %xor3A_1278 : vector<16xi32> to vector<16x1xi32>
      %gather3A_1280 = vector.shape_cast %reshape3A_1279 : vector<16x1xi32> to vector<16xi32>
      %gather3A_1281 = tpu.dynamic_gather %add3A_1275[%gather3A_1280] in [0] : vector<16xf32>, vector<16xi32> -> vector<16xf32>
      %add3A_1282 = arith.addf %add3A_1275, %gather3A_1281 : vector<16xf32>
      %xor3A_1283 = arith.constant 1 : i32
      %xor3A_1284 = vector.broadcast %xor3A_1283 : i32 to vector<16xi32>
      %xor3A_1285 = arith.xori %iota3A, %xor3A_1284 : vector<16xi32>
      %reshape3A_1286 = vector.shape_cast %xor3A_1285 : vector<16xi32> to vector<16x1xi32>
      %gather3A_1287 = vector.shape_cast %reshape3A_1286 : vector<16x1xi32> to vector<16xi32>
      %gather3A_1288 = tpu.dynamic_gather %add3A_1282[%gather3A_1287] in [0] : vector<16xf32>, vector<16xi32> -> vector<16xf32>
      %add3A_1289 = arith.addf %add3A_1282, %gather3A_1288 : vector<16xf32>
      %eq3A_1290 = arith.constant 7 : i32
      %eq3A_1291 = vector.broadcast %eq3A_1290 : i32 to vector<16xi32>
      %eq3A_1292 = arith.cmpi eq, %iota3A, %eq3A_1291 : vector<16xi32>
      %select_n3A_1293 = arith.select %eq3A_1292, %add3A_1289, %select_n3A_1234 : vector<16xi1>, vector<16xf32>
      %add3A_1294 = arith.constant 3 : i32
      %add3A_1295 = arith.addi %mul3A_442, %add3A_1294 : i32
      %add3A_1296 = arith.constant 4 : i32
      %add3A_1297 = arith.addi %add3A_1295, %add3A_1296 : i32
      %mul3A_1298 = arith.constant 2 : i32
      %mul3A_1299 = arith.muli %mul3A_1298, %add3A_1297 : i32
      %dma_start3A_1300 = arith.constant 3 : i32
      %dma_start3A_1301 = arith.constant 3 : i32
      %dma_start3A_1302 = arith.constant 0 : i32
      %dma_start3A_1303 = arith.constant 0 : i32
      %dma_start3A_1304 = tpu.memref_slice %arg8[%dma_start3A_1300, %dma_start3A_1302, %dma_start3A_1303] : memref<4x200x64xf32, #tpu.memory_space<vmem>> -> memref<1x100x64xf32, #tpu.memory_space<vmem>>
      %dma_start3A_1305 = tpu.memref_squeeze %dma_start3A_1304 : memref<1x100x64xf32, #tpu.memory_space<vmem>> -> memref<100x64xf32, #tpu.memory_space<vmem>>
      %dma_start3A_1306 = arith.constant 0 : i32
      %dma_start3A_1307 = tpu.memref_slice %arg7[%mul3A_1299, %dma_start3A_1306] : memref<256x100xi32, #tpu.memory_space<vmem>> -> memref<1x100xi32, #tpu.memory_space<vmem>>
      %dma_start3A_1308 = tpu.memref_squeeze %dma_start3A_1307 : memref<1x100xi32, #tpu.memory_space<vmem>> -> memref<100xi32, #tpu.memory_space<vmem>>
      %dma_start3A_1309 = arith.constant 0 : i32
      %dma_start3A_1310 = arith.constant 0 : i32
      %dma_start3A_1311 = tpu.memref_slice %arg3[%dma_start3A_1309, %dma_start3A_1310] : memref<1000000x64xf32, #tpu.memory_space<hbm>> -> memref<1000000x64xf32, #tpu.memory_space<hbm>>
      %dma_start3A_1312 = tpu.memref_slice %arg12[%dma_start3A_1301] : memref<4x!tpu.dma_semaphore, #tpu.memory_space<semaphore_mem>> -> memref<1x!tpu.dma_semaphore, #tpu.memory_space<semaphore_mem>>
      %dma_start3A_1313 = tpu.memref_squeeze %dma_start3A_1312 : memref<1x!tpu.dma_semaphore, #tpu.memory_space<semaphore_mem>> -> memref<!tpu.dma_semaphore, #tpu.memory_space<semaphore_mem>>
      tpu.enqueue_indirect_dma source(%dma_start3A_1311 : memref<1000000x64xf32, #tpu.memory_space<hbm>>) target(%dma_start3A_1305 : memref<100x64xf32, #tpu.memory_space<vmem>>) offsets(%dma_start3A_1308 : memref<100xi32, #tpu.memory_space<vmem>>) semaphore(%dma_start3A_1313 : memref<!tpu.dma_semaphore, #tpu.memory_space<semaphore_mem>>)
      %add3A_1314 = arith.constant 1 : i32
      %add3A_1315 = arith.addi %mul3A_1299, %add3A_1314 : i32
      %dma_start3A_1316 = arith.constant 3 : i32
      %dma_start3A_1317 = arith.constant 3 : i32
      %dma_start3A_1318 = arith.constant 100 : i32
      %dma_start3A_1319 = arith.constant 0 : i32
      %dma_start3A_1320 = tpu.memref_slice %arg8[%dma_start3A_1316, %dma_start3A_1318, %dma_start3A_1319] : memref<4x200x64xf32, #tpu.memory_space<vmem>> -> memref<1x100x64xf32, #tpu.memory_space<vmem>>
      %dma_start3A_1321 = tpu.memref_squeeze %dma_start3A_1320 : memref<1x100x64xf32, #tpu.memory_space<vmem>> -> memref<100x64xf32, #tpu.memory_space<vmem>>
      %dma_start3A_1322 = arith.constant 0 : i32
      %dma_start3A_1323 = tpu.memref_slice %arg7[%add3A_1315, %dma_start3A_1322] : memref<256x100xi32, #tpu.memory_space<vmem>> -> memref<1x100xi32, #tpu.memory_space<vmem>>
      %dma_start3A_1324 = tpu.memref_squeeze %dma_start3A_1323 : memref<1x100xi32, #tpu.memory_space<vmem>> -> memref<100xi32, #tpu.memory_space<vmem>>
      %dma_start3A_1325 = arith.constant 0 : i32
      %dma_start3A_1326 = arith.constant 0 : i32
      %dma_start3A_1327 = tpu.memref_slice %arg3[%dma_start3A_1325, %dma_start3A_1326] : memref<1000000x64xf32, #tpu.memory_space<hbm>> -> memref<1000000x64xf32, #tpu.memory_space<hbm>>
      %dma_start3A_1328 = tpu.memref_slice %arg12[%dma_start3A_1317] : memref<4x!tpu.dma_semaphore, #tpu.memory_space<semaphore_mem>> -> memref<1x!tpu.dma_semaphore, #tpu.memory_space<semaphore_mem>>
      %dma_start3A_1329 = tpu.memref_squeeze %dma_start3A_1328 : memref<1x!tpu.dma_semaphore, #tpu.memory_space<semaphore_mem>> -> memref<!tpu.dma_semaphore, #tpu.memory_space<semaphore_mem>>
      tpu.enqueue_indirect_dma source(%dma_start3A_1327 : memref<1000000x64xf32, #tpu.memory_space<hbm>>) target(%dma_start3A_1321 : memref<100x64xf32, #tpu.memory_space<vmem>>) offsets(%dma_start3A_1324 : memref<100xi32, #tpu.memory_space<vmem>>) semaphore(%dma_start3A_1329 : memref<!tpu.dma_semaphore, #tpu.memory_space<semaphore_mem>>)
      %dma_wait3A_1330 = arith.constant 0 : i32
      %dma_wait3A_1331 = arith.constant 0 : i32
      %dma_wait3A_1332 = arith.constant 0 : i32
      %dma_wait3A_1333 = arith.constant 0 : i32
      %dma_wait3A_1334 = tpu.memref_slice %arg8[%dma_wait3A_1330, %dma_wait3A_1332, %dma_wait3A_1333] : memref<4x200x64xf32, #tpu.memory_space<vmem>> -> memref<1x100x64xf32, #tpu.memory_space<vmem>>
      %dma_wait3A_1335 = tpu.memref_squeeze %dma_wait3A_1334 : memref<1x100x64xf32, #tpu.memory_space<vmem>> -> memref<100x64xf32, #tpu.memory_space<vmem>>
      %dma_wait3A_1336 = arith.constant 0 : i32
      %dma_wait3A_1337 = tpu.memref_slice %arg7[%mul3A_732, %dma_wait3A_1336] : memref<256x100xi32, #tpu.memory_space<vmem>> -> memref<1x100xi32, #tpu.memory_space<vmem>>
      %dma_wait3A_1338 = tpu.memref_squeeze %dma_wait3A_1337 : memref<1x100xi32, #tpu.memory_space<vmem>> -> memref<100xi32, #tpu.memory_space<vmem>>
      %dma_wait3A_1339 = arith.constant 0 : i32
      %dma_wait3A_1340 = arith.constant 0 : i32
      %dma_wait3A_1341 = tpu.memref_slice %arg3[%dma_wait3A_1339, %dma_wait3A_1340] : memref<1000000x64xf32, #tpu.memory_space<hbm>> -> memref<1000000x64xf32, #tpu.memory_space<hbm>>
      %dma_wait3A_1342 = tpu.memref_slice %arg12[%dma_wait3A_1331] : memref<4x!tpu.dma_semaphore, #tpu.memory_space<semaphore_mem>> -> memref<1x!tpu.dma_semaphore, #tpu.memory_space<semaphore_mem>>
      %dma_wait3A_1343 = tpu.memref_squeeze %dma_wait3A_1342 : memref<1x!tpu.dma_semaphore, #tpu.memory_space<semaphore_mem>> -> memref<!tpu.dma_semaphore, #tpu.memory_space<semaphore_mem>>
      tpu.wait_indirect_dma semaphore(%dma_wait3A_1343 : memref<!tpu.dma_semaphore, #tpu.memory_space<semaphore_mem>>) src(%dma_wait3A_1341 : memref<1000000x64xf32, #tpu.memory_space<hbm>>) dst(%dma_wait3A_1335 : memref<100x64xf32, #tpu.memory_space<vmem>>)
      %dma_wait3A_1344 = arith.constant 0 : i32
      %dma_wait3A_1345 = arith.constant 0 : i32
      %dma_wait3A_1346 = arith.constant 100 : i32
      %dma_wait3A_1347 = arith.constant 0 : i32
      %dma_wait3A_1348 = tpu.memref_slice %arg8[%dma_wait3A_1344, %dma_wait3A_1346, %dma_wait3A_1347] : memref<4x200x64xf32, #tpu.memory_space<vmem>> -> memref<1x100x64xf32, #tpu.memory_space<vmem>>
      %dma_wait3A_1349 = tpu.memref_squeeze %dma_wait3A_1348 : memref<1x100x64xf32, #tpu.memory_space<vmem>> -> memref<100x64xf32, #tpu.memory_space<vmem>>
      %dma_wait3A_1350 = arith.constant 0 : i32
      %dma_wait3A_1351 = tpu.memref_slice %arg7[%add3A_748, %dma_wait3A_1350] : memref<256x100xi32, #tpu.memory_space<vmem>> -> memref<1x100xi32, #tpu.memory_space<vmem>>
      %dma_wait3A_1352 = tpu.memref_squeeze %dma_wait3A_1351 : memref<1x100xi32, #tpu.memory_space<vmem>> -> memref<100xi32, #tpu.memory_space<vmem>>
      %dma_wait3A_1353 = arith.constant 0 : i32
      %dma_wait3A_1354 = arith.constant 0 : i32
      %dma_wait3A_1355 = tpu.memref_slice %arg3[%dma_wait3A_1353, %dma_wait3A_1354] : memref<1000000x64xf32, #tpu.memory_space<hbm>> -> memref<1000000x64xf32, #tpu.memory_space<hbm>>
      %dma_wait3A_1356 = tpu.memref_slice %arg12[%dma_wait3A_1345] : memref<4x!tpu.dma_semaphore, #tpu.memory_space<semaphore_mem>> -> memref<1x!tpu.dma_semaphore, #tpu.memory_space<semaphore_mem>>
      %dma_wait3A_1357 = tpu.memref_squeeze %dma_wait3A_1356 : memref<1x!tpu.dma_semaphore, #tpu.memory_space<semaphore_mem>> -> memref<!tpu.dma_semaphore, #tpu.memory_space<semaphore_mem>>
      tpu.wait_indirect_dma semaphore(%dma_wait3A_1357 : memref<!tpu.dma_semaphore, #tpu.memory_space<semaphore_mem>>) src(%dma_wait3A_1355 : memref<1000000x64xf32, #tpu.memory_space<hbm>>) dst(%dma_wait3A_1349 : memref<100x64xf32, #tpu.memory_space<vmem>>)
      %scan3A_1358 = arith.constant 0 : i32
      %scan3A_1359 = arith.constant 0 : i32
      %scan3A_1360 = arith.constant 200 : i32
      %scan3A_1361 = arith.addi %scan3A_1359, %scan3A_1360 : i32
      %scan3A_1362 = arith.constant 8 : i32
      %scan3A_1363:4 = scf.for %scan3A_1948 = %scan3A_1359 to %scan3A_1361 step %scan3A_1362 iter_args(%scan3A_1949 = %broadcast_in_dim3A_5, %scan3A_1950 = %broadcast_in_dim3A_5, %scan3A_1951 = %broadcast_in_dim3A_5, %scan3A_1952 = %broadcast_in_dim3A_5) -> (vector<16xf32>, vector<16xf32>, vector<16xf32>, vector<16xf32>)  : i32 {
        %get3A_1953 = arith.constant 0 : i32
        %get3A_1954 = arith.constant 0 : i32
        %get3A_1955 = tpu.memref_slice %arg8[%scan3A_1358, %get3A_1953, %get3A_1954] : memref<4x200x64xf32, #tpu.memory_space<vmem>> -> memref<1x200x64xf32, #tpu.memory_space<vmem>>
        %get3A_1956 = tpu.memref_squeeze %get3A_1955 : memref<1x200x64xf32, #tpu.memory_space<vmem>> -> memref<200x64xf32, #tpu.memory_space<vmem>>
        %get3A_1957 = arith.index_cast %scan3A_1948 : i32 to index
        %get3A_1958 = arith.constant 0 : index
        %get3A_1959 = tpu.vector_load %get3A_1956[%get3A_1957, %get3A_1958] {strides = array<i32>} : memref<200x64xf32, #tpu.memory_space<vmem>>, vector<1x16xf32>,
        %get3A_1960 = vector.shape_cast %get3A_1959 : vector<1x16xf32> to vector<16xf32>
        %max3A = arith.maximumf %scan3A_1949, %get3A_1960 : vector<16xf32>
        %get3A_1961 = arith.constant 0 : i32
        %get3A_1962 = arith.constant 0 : i32
        %get3A_1963 = tpu.memref_slice %arg8[%scan3A_1358, %get3A_1961, %get3A_1962] : memref<4x200x64xf32, #tpu.memory_space<vmem>> -> memref<1x200x64xf32, #tpu.memory_space<vmem>>
        %get3A_1964 = tpu.memref_squeeze %get3A_1963 : memref<1x200x64xf32, #tpu.memory_space<vmem>> -> memref<200x64xf32, #tpu.memory_space<vmem>>
        %get3A_1965 = arith.index_cast %scan3A_1948 : i32 to index
        %get3A_1966 = arith.constant 16 : index
        %get3A_1967 = tpu.vector_load %get3A_1964[%get3A_1965, %get3A_1966] {strides = array<i32>} : memref<200x64xf32, #tpu.memory_space<vmem>>, vector<1x16xf32>,
        %get3A_1968 = vector.shape_cast %get3A_1967 : vector<1x16xf32> to vector<16xf32>
        %max3A_1969 = arith.maximumf %scan3A_1950, %get3A_1968 : vector<16xf32>
        %get3A_1970 = arith.constant 0 : i32
        %get3A_1971 = arith.constant 0 : i32
        %get3A_1972 = tpu.memref_slice %arg8[%scan3A_1358, %get3A_1970, %get3A_1971] : memref<4x200x64xf32, #tpu.memory_space<vmem>> -> memref<1x200x64xf32, #tpu.memory_space<vmem>>
        %get3A_1973 = tpu.memref_squeeze %get3A_1972 : memref<1x200x64xf32, #tpu.memory_space<vmem>> -> memref<200x64xf32, #tpu.memory_space<vmem>>
        %get3A_1974 = arith.index_cast %scan3A_1948 : i32 to index
        %get3A_1975 = arith.constant 32 : index
        %get3A_1976 = tpu.vector_load %get3A_1973[%get3A_1974, %get3A_1975] {strides = array<i32>} : memref<200x64xf32, #tpu.memory_space<vmem>>, vector<1x16xf32>,
        %get3A_1977 = vector.shape_cast %get3A_1976 : vector<1x16xf32> to vector<16xf32>
        %max3A_1978 = arith.maximumf %scan3A_1951, %get3A_1977 : vector<16xf32>
        %get3A_1979 = arith.constant 0 : i32
        %get3A_1980 = arith.constant 0 : i32
        %get3A_1981 = tpu.memref_slice %arg8[%scan3A_1358, %get3A_1979, %get3A_1980] : memref<4x200x64xf32, #tpu.memory_space<vmem>> -> memref<1x200x64xf32, #tpu.memory_space<vmem>>
        %get3A_1982 = tpu.memref_squeeze %get3A_1981 : memref<1x200x64xf32, #tpu.memory_space<vmem>> -> memref<200x64xf32, #tpu.memory_space<vmem>>
        %get3A_1983 = arith.index_cast %scan3A_1948 : i32 to index
        %get3A_1984 = arith.constant 48 : index
        %get3A_1985 = tpu.vector_load %get3A_1982[%get3A_1983, %get3A_1984] {strides = array<i32>} : memref<200x64xf32, #tpu.memory_space<vmem>>, vector<1x16xf32>,
        %get3A_1986 = vector.shape_cast %get3A_1985 : vector<1x16xf32> to vector<16xf32>
        %max3A_1987 = arith.maximumf %scan3A_1952, %get3A_1986 : vector<16xf32>
        %scan3A_1988 = arith.constant 1 : i32
        %scan3A_1989 = arith.addi %scan3A_1948, %scan3A_1988 : i32
        %get3A_1990 = arith.constant 0 : i32
        %get3A_1991 = arith.constant 0 : i32
        %get3A_1992 = tpu.memref_slice %arg8[%scan3A_1358, %get3A_1990, %get3A_1991] : memref<4x200x64xf32, #tpu.memory_space<vmem>> -> memref<1x200x64xf32, #tpu.memory_space<vmem>>
        %get3A_1993 = tpu.memref_squeeze %get3A_1992 : memref<1x200x64xf32, #tpu.memory_space<vmem>> -> memref<200x64xf32, #tpu.memory_space<vmem>>
        %get3A_1994 = arith.index_cast %scan3A_1989 : i32 to index
        %get3A_1995 = arith.constant 0 : index
        %get3A_1996 = tpu.vector_load %get3A_1993[%get3A_1994, %get3A_1995] {strides = array<i32>} : memref<200x64xf32, #tpu.memory_space<vmem>>, vector<1x16xf32>,
        %get3A_1997 = vector.shape_cast %get3A_1996 : vector<1x16xf32> to vector<16xf32>
        %max3A_1998 = arith.maximumf %max3A, %get3A_1997 : vector<16xf32>
        %get3A_1999 = arith.constant 0 : i32
        %get3A_2000 = arith.constant 0 : i32
        %get3A_2001 = tpu.memref_slice %arg8[%scan3A_1358, %get3A_1999, %get3A_2000] : memref<4x200x64xf32, #tpu.memory_space<vmem>> -> memref<1x200x64xf32, #tpu.memory_space<vmem>>
        %get3A_2002 = tpu.memref_squeeze %get3A_2001 : memref<1x200x64xf32, #tpu.memory_space<vmem>> -> memref<200x64xf32, #tpu.memory_space<vmem>>
        %get3A_2003 = arith.index_cast %scan3A_1989 : i32 to index
        %get3A_2004 = arith.constant 16 : index
        %get3A_2005 = tpu.vector_load %get3A_2002[%get3A_2003, %get3A_2004] {strides = array<i32>} : memref<200x64xf32, #tpu.memory_space<vmem>>, vector<1x16xf32>,
        %get3A_2006 = vector.shape_cast %get3A_2005 : vector<1x16xf32> to vector<16xf32>
        %max3A_2007 = arith.maximumf %max3A_1969, %get3A_2006 : vector<16xf32>
        %get3A_2008 = arith.constant 0 : i32
        %get3A_2009 = arith.constant 0 : i32
        %get3A_2010 = tpu.memref_slice %arg8[%scan3A_1358, %get3A_2008, %get3A_2009] : memref<4x200x64xf32, #tpu.memory_space<vmem>> -> memref<1x200x64xf32, #tpu.memory_space<vmem>>
        %get3A_2011 = tpu.memref_squeeze %get3A_2010 : memref<1x200x64xf32, #tpu.memory_space<vmem>> -> memref<200x64xf32, #tpu.memory_space<vmem>>
        %get3A_2012 = arith.index_cast %scan3A_1989 : i32 to index
        %get3A_2013 = arith.constant 32 : index
        %get3A_2014 = tpu.vector_load %get3A_2011[%get3A_2012, %get3A_2013] {strides = array<i32>} : memref<200x64xf32, #tpu.memory_space<vmem>>, vector<1x16xf32>,
        %get3A_2015 = vector.shape_cast %get3A_2014 : vector<1x16xf32> to vector<16xf32>
        %max3A_2016 = arith.maximumf %max3A_1978, %get3A_2015 : vector<16xf32>
        %get3A_2017 = arith.constant 0 : i32
        %get3A_2018 = arith.constant 0 : i32
        %get3A_2019 = tpu.memref_slice %arg8[%scan3A_1358, %get3A_2017, %get3A_2018] : memref<4x200x64xf32, #tpu.memory_space<vmem>> -> memref<1x200x64xf32, #tpu.memory_space<vmem>>
        %get3A_2020 = tpu.memref_squeeze %get3A_2019 : memref<1x200x64xf32, #tpu.memory_space<vmem>> -> memref<200x64xf32, #tpu.memory_space<vmem>>
        %get3A_2021 = arith.index_cast %scan3A_1989 : i32 to index
        %get3A_2022 = arith.constant 48 : index
        %get3A_2023 = tpu.vector_load %get3A_2020[%get3A_2021, %get3A_2022] {strides = array<i32>} : memref<200x64xf32, #tpu.memory_space<vmem>>, vector<1x16xf32>,
        %get3A_2024 = vector.shape_cast %get3A_2023 : vector<1x16xf32> to vector<16xf32>
        %max3A_2025 = arith.maximumf %max3A_1987, %get3A_2024 : vector<16xf32>
        %scan3A_2026 = arith.constant 2 : i32
        %scan3A_2027 = arith.addi %scan3A_1948, %scan3A_2026 : i32
        %get3A_2028 = arith.constant 0 : i32
        %get3A_2029 = arith.constant 0 : i32
        %get3A_2030 = tpu.memref_slice %arg8[%scan3A_1358, %get3A_2028, %get3A_2029] : memref<4x200x64xf32, #tpu.memory_space<vmem>> -> memref<1x200x64xf32, #tpu.memory_space<vmem>>
        %get3A_2031 = tpu.memref_squeeze %get3A_2030 : memref<1x200x64xf32, #tpu.memory_space<vmem>> -> memref<200x64xf32, #tpu.memory_space<vmem>>
        %get3A_2032 = arith.index_cast %scan3A_2027 : i32 to index
        %get3A_2033 = arith.constant 0 : index
        %get3A_2034 = tpu.vector_load %get3A_2031[%get3A_2032, %get3A_2033] {strides = array<i32>} : memref<200x64xf32, #tpu.memory_space<vmem>>, vector<1x16xf32>,
        %get3A_2035 = vector.shape_cast %get3A_2034 : vector<1x16xf32> to vector<16xf32>
        %max3A_2036 = arith.maximumf %max3A_1998, %get3A_2035 : vector<16xf32>
        %get3A_2037 = arith.constant 0 : i32
        %get3A_2038 = arith.constant 0 : i32
        %get3A_2039 = tpu.memref_slice %arg8[%scan3A_1358, %get3A_2037, %get3A_2038] : memref<4x200x64xf32, #tpu.memory_space<vmem>> -> memref<1x200x64xf32, #tpu.memory_space<vmem>>
        %get3A_2040 = tpu.memref_squeeze %get3A_2039 : memref<1x200x64xf32, #tpu.memory_space<vmem>> -> memref<200x64xf32, #tpu.memory_space<vmem>>
        %get3A_2041 = arith.index_cast %scan3A_2027 : i32 to index
        %get3A_2042 = arith.constant 16 : index
        %get3A_2043 = tpu.vector_load %get3A_2040[%get3A_2041, %get3A_2042] {strides = array<i32>} : memref<200x64xf32, #tpu.memory_space<vmem>>, vector<1x16xf32>,
        %get3A_2044 = vector.shape_cast %get3A_2043 : vector<1x16xf32> to vector<16xf32>
        %max3A_2045 = arith.maximumf %max3A_2007, %get3A_2044 : vector<16xf32>
        %get3A_2046 = arith.constant 0 : i32
        %get3A_2047 = arith.constant 0 : i32
        %get3A_2048 = tpu.memref_slice %arg8[%scan3A_1358, %get3A_2046, %get3A_2047] : memref<4x200x64xf32, #tpu.memory_space<vmem>> -> memref<1x200x64xf32, #tpu.memory_space<vmem>>
        %get3A_2049 = tpu.memref_squeeze %get3A_2048 : memref<1x200x64xf32, #tpu.memory_space<vmem>> -> memref<200x64xf32, #tpu.memory_space<vmem>>
        %get3A_2050 = arith.index_cast %scan3A_2027 : i32 to index
        %get3A_2051 = arith.constant 32 : index
        %get3A_2052 = tpu.vector_load %get3A_2049[%get3A_2050, %get3A_2051] {strides = array<i32>} : memref<200x64xf32, #tpu.memory_space<vmem>>, vector<1x16xf32>,
        %get3A_2053 = vector.shape_cast %get3A_2052 : vector<1x16xf32> to vector<16xf32>
        %max3A_2054 = arith.maximumf %max3A_2016, %get3A_2053 : vector<16xf32>
        %get3A_2055 = arith.constant 0 : i32
        %get3A_2056 = arith.constant 0 : i32
        %get3A_2057 = tpu.memref_slice %arg8[%scan3A_1358, %get3A_2055, %get3A_2056] : memref<4x200x64xf32, #tpu.memory_space<vmem>> -> memref<1x200x64xf32, #tpu.memory_space<vmem>>
        %get3A_2058 = tpu.memref_squeeze %get3A_2057 : memref<1x200x64xf32, #tpu.memory_space<vmem>> -> memref<200x64xf32, #tpu.memory_space<vmem>>
        %get3A_2059 = arith.index_cast %scan3A_2027 : i32 to index
        %get3A_2060 = arith.constant 48 : index
        %get3A_2061 = tpu.vector_load %get3A_2058[%get3A_2059, %get3A_2060] {strides = array<i32>} : memref<200x64xf32, #tpu.memory_space<vmem>>, vector<1x16xf32>,
        %get3A_2062 = vector.shape_cast %get3A_2061 : vector<1x16xf32> to vector<16xf32>
        %max3A_2063 = arith.maximumf %max3A_2025, %get3A_2062 : vector<16xf32>
        %scan3A_2064 = arith.constant 3 : i32
        %scan3A_2065 = arith.addi %scan3A_1948, %scan3A_2064 : i32
        %get3A_2066 = arith.constant 0 : i32
        %get3A_2067 = arith.constant 0 : i32
        %get3A_2068 = tpu.memref_slice %arg8[%scan3A_1358, %get3A_2066, %get3A_2067] : memref<4x200x64xf32, #tpu.memory_space<vmem>> -> memref<1x200x64xf32, #tpu.memory_space<vmem>>
        %get3A_2069 = tpu.memref_squeeze %get3A_2068 : memref<1x200x64xf32, #tpu.memory_space<vmem>> -> memref<200x64xf32, #tpu.memory_space<vmem>>
        %get3A_2070 = arith.index_cast %scan3A_2065 : i32 to index
        %get3A_2071 = arith.constant 0 : index
        %get3A_2072 = tpu.vector_load %get3A_2069[%get3A_2070, %get3A_2071] {strides = array<i32>} : memref<200x64xf32, #tpu.memory_space<vmem>>, vector<1x16xf32>,
        %get3A_2073 = vector.shape_cast %get3A_2072 : vector<1x16xf32> to vector<16xf32>
        %max3A_2074 = arith.maximumf %max3A_2036, %get3A_2073 : vector<16xf32>
        %get3A_2075 = arith.constant 0 : i32
        %get3A_2076 = arith.constant 0 : i32
        %get3A_2077 = tpu.memref_slice %arg8[%scan3A_1358, %get3A_2075, %get3A_2076] : memref<4x200x64xf32, #tpu.memory_space<vmem>> -> memref<1x200x64xf32, #tpu.memory_space<vmem>>
        %get3A_2078 = tpu.memref_squeeze %get3A_2077 : memref<1x200x64xf32, #tpu.memory_space<vmem>> -> memref<200x64xf32, #tpu.memory_space<vmem>>
        %get3A_2079 = arith.index_cast %scan3A_2065 : i32 to index
        %get3A_2080 = arith.constant 16 : index
        %get3A_2081 = tpu.vector_load %get3A_2078[%get3A_2079, %get3A_2080] {strides = array<i32>} : memref<200x64xf32, #tpu.memory_space<vmem>>, vector<1x16xf32>,
        %get3A_2082 = vector.shape_cast %get3A_2081 : vector<1x16xf32> to vector<16xf32>
        %max3A_2083 = arith.maximumf %max3A_2045, %get3A_2082 : vector<16xf32>
        %get3A_2084 = arith.constant 0 : i32
        %get3A_2085 = arith.constant 0 : i32
        %get3A_2086 = tpu.memref_slice %arg8[%scan3A_1358, %get3A_2084, %get3A_2085] : memref<4x200x64xf32, #tpu.memory_space<vmem>> -> memref<1x200x64xf32, #tpu.memory_space<vmem>>
        %get3A_2087 = tpu.memref_squeeze %get3A_2086 : memref<1x200x64xf32, #tpu.memory_space<vmem>> -> memref<200x64xf32, #tpu.memory_space<vmem>>
        %get3A_2088 = arith.index_cast %scan3A_2065 : i32 to index
        %get3A_2089 = arith.constant 32 : index
        %get3A_2090 = tpu.vector_load %get3A_2087[%get3A_2088, %get3A_2089] {strides = array<i32>} : memref<200x64xf32, #tpu.memory_space<vmem>>, vector<1x16xf32>,
        %get3A_2091 = vector.shape_cast %get3A_2090 : vector<1x16xf32> to vector<16xf32>
        %max3A_2092 = arith.maximumf %max3A_2054, %get3A_2091 : vector<16xf32>
        %get3A_2093 = arith.constant 0 : i32
        %get3A_2094 = arith.constant 0 : i32
        %get3A_2095 = tpu.memref_slice %arg8[%scan3A_1358, %get3A_2093, %get3A_2094] : memref<4x200x64xf32, #tpu.memory_space<vmem>> -> memref<1x200x64xf32, #tpu.memory_space<vmem>>
        %get3A_2096 = tpu.memref_squeeze %get3A_2095 : memref<1x200x64xf32, #tpu.memory_space<vmem>> -> memref<200x64xf32, #tpu.memory_space<vmem>>
        %get3A_2097 = arith.index_cast %scan3A_2065 : i32 to index
        %get3A_2098 = arith.constant 48 : index
        %get3A_2099 = tpu.vector_load %get3A_2096[%get3A_2097, %get3A_2098] {strides = array<i32>} : memref<200x64xf32, #tpu.memory_space<vmem>>, vector<1x16xf32>,
        %get3A_2100 = vector.shape_cast %get3A_2099 : vector<1x16xf32> to vector<16xf32>
        %max3A_2101 = arith.maximumf %max3A_2063, %get3A_2100 : vector<16xf32>
        %scan3A_2102 = arith.constant 4 : i32
        %scan3A_2103 = arith.addi %scan3A_1948, %scan3A_2102 : i32
        %get3A_2104 = arith.constant 0 : i32
        %get3A_2105 = arith.constant 0 : i32
        %get3A_2106 = tpu.memref_slice %arg8[%scan3A_1358, %get3A_2104, %get3A_2105] : memref<4x200x64xf32, #tpu.memory_space<vmem>> -> memref<1x200x64xf32, #tpu.memory_space<vmem>>
        %get3A_2107 = tpu.memref_squeeze %get3A_2106 : memref<1x200x64xf32, #tpu.memory_space<vmem>> -> memref<200x64xf32, #tpu.memory_space<vmem>>
        %get3A_2108 = arith.index_cast %scan3A_2103 : i32 to index
        %get3A_2109 = arith.constant 0 : index
        %get3A_2110 = tpu.vector_load %get3A_2107[%get3A_2108, %get3A_2109] {strides = array<i32>} : memref<200x64xf32, #tpu.memory_space<vmem>>, vector<1x16xf32>,
        %get3A_2111 = vector.shape_cast %get3A_2110 : vector<1x16xf32> to vector<16xf32>
        %max3A_2112 = arith.maximumf %max3A_2074, %get3A_2111 : vector<16xf32>
        %get3A_2113 = arith.constant 0 : i32
        %get3A_2114 = arith.constant 0 : i32
        %get3A_2115 = tpu.memref_slice %arg8[%scan3A_1358, %get3A_2113, %get3A_2114] : memref<4x200x64xf32, #tpu.memory_space<vmem>> -> memref<1x200x64xf32, #tpu.memory_space<vmem>>
        %get3A_2116 = tpu.memref_squeeze %get3A_2115 : memref<1x200x64xf32, #tpu.memory_space<vmem>> -> memref<200x64xf32, #tpu.memory_space<vmem>>
        %get3A_2117 = arith.index_cast %scan3A_2103 : i32 to index
        %get3A_2118 = arith.constant 16 : index
        %get3A_2119 = tpu.vector_load %get3A_2116[%get3A_2117, %get3A_2118] {strides = array<i32>} : memref<200x64xf32, #tpu.memory_space<vmem>>, vector<1x16xf32>,
        %get3A_2120 = vector.shape_cast %get3A_2119 : vector<1x16xf32> to vector<16xf32>
        %max3A_2121 = arith.maximumf %max3A_2083, %get3A_2120 : vector<16xf32>
        %get3A_2122 = arith.constant 0 : i32
        %get3A_2123 = arith.constant 0 : i32
        %get3A_2124 = tpu.memref_slice %arg8[%scan3A_1358, %get3A_2122, %get3A_2123] : memref<4x200x64xf32, #tpu.memory_space<vmem>> -> memref<1x200x64xf32, #tpu.memory_space<vmem>>
        %get3A_2125 = tpu.memref_squeeze %get3A_2124 : memref<1x200x64xf32, #tpu.memory_space<vmem>> -> memref<200x64xf32, #tpu.memory_space<vmem>>
        %get3A_2126 = arith.index_cast %scan3A_2103 : i32 to index
        %get3A_2127 = arith.constant 32 : index
        %get3A_2128 = tpu.vector_load %get3A_2125[%get3A_2126, %get3A_2127] {strides = array<i32>} : memref<200x64xf32, #tpu.memory_space<vmem>>, vector<1x16xf32>,
        %get3A_2129 = vector.shape_cast %get3A_2128 : vector<1x16xf32> to vector<16xf32>
        %max3A_2130 = arith.maximumf %max3A_2092, %get3A_2129 : vector<16xf32>
        %get3A_2131 = arith.constant 0 : i32
        %get3A_2132 = arith.constant 0 : i32
        %get3A_2133 = tpu.memref_slice %arg8[%scan3A_1358, %get3A_2131, %get3A_2132] : memref<4x200x64xf32, #tpu.memory_space<vmem>> -> memref<1x200x64xf32, #tpu.memory_space<vmem>>
        %get3A_2134 = tpu.memref_squeeze %get3A_2133 : memref<1x200x64xf32, #tpu.memory_space<vmem>> -> memref<200x64xf32, #tpu.memory_space<vmem>>
        %get3A_2135 = arith.index_cast %scan3A_2103 : i32 to index
        %get3A_2136 = arith.constant 48 : index
        %get3A_2137 = tpu.vector_load %get3A_2134[%get3A_2135, %get3A_2136] {strides = array<i32>} : memref<200x64xf32, #tpu.memory_space<vmem>>, vector<1x16xf32>,
        %get3A_2138 = vector.shape_cast %get3A_2137 : vector<1x16xf32> to vector<16xf32>
        %max3A_2139 = arith.maximumf %max3A_2101, %get3A_2138 : vector<16xf32>
        %scan3A_2140 = arith.constant 5 : i32
        %scan3A_2141 = arith.addi %scan3A_1948, %scan3A_2140 : i32
        %get3A_2142 = arith.constant 0 : i32
        %get3A_2143 = arith.constant 0 : i32
        %get3A_2144 = tpu.memref_slice %arg8[%scan3A_1358, %get3A_2142, %get3A_2143] : memref<4x200x64xf32, #tpu.memory_space<vmem>> -> memref<1x200x64xf32, #tpu.memory_space<vmem>>
        %get3A_2145 = tpu.memref_squeeze %get3A_2144 : memref<1x200x64xf32, #tpu.memory_space<vmem>> -> memref<200x64xf32, #tpu.memory_space<vmem>>
        %get3A_2146 = arith.index_cast %scan3A_2141 : i32 to index
        %get3A_2147 = arith.constant 0 : index
        %get3A_2148 = tpu.vector_load %get3A_2145[%get3A_2146, %get3A_2147] {strides = array<i32>} : memref<200x64xf32, #tpu.memory_space<vmem>>, vector<1x16xf32>,
        %get3A_2149 = vector.shape_cast %get3A_2148 : vector<1x16xf32> to vector<16xf32>
        %max3A_2150 = arith.maximumf %max3A_2112, %get3A_2149 : vector<16xf32>
        %get3A_2151 = arith.constant 0 : i32
        %get3A_2152 = arith.constant 0 : i32
        %get3A_2153 = tpu.memref_slice %arg8[%scan3A_1358, %get3A_2151, %get3A_2152] : memref<4x200x64xf32, #tpu.memory_space<vmem>> -> memref<1x200x64xf32, #tpu.memory_space<vmem>>
        %get3A_2154 = tpu.memref_squeeze %get3A_2153 : memref<1x200x64xf32, #tpu.memory_space<vmem>> -> memref<200x64xf32, #tpu.memory_space<vmem>>
        %get3A_2155 = arith.index_cast %scan3A_2141 : i32 to index
        %get3A_2156 = arith.constant 16 : index
        %get3A_2157 = tpu.vector_load %get3A_2154[%get3A_2155, %get3A_2156] {strides = array<i32>} : memref<200x64xf32, #tpu.memory_space<vmem>>, vector<1x16xf32>,
        %get3A_2158 = vector.shape_cast %get3A_2157 : vector<1x16xf32> to vector<16xf32>
        %max3A_2159 = arith.maximumf %max3A_2121, %get3A_2158 : vector<16xf32>
        %get3A_2160 = arith.constant 0 : i32
        %get3A_2161 = arith.constant 0 : i32
        %get3A_2162 = tpu.memref_slice %arg8[%scan3A_1358, %get3A_2160, %get3A_2161] : memref<4x200x64xf32, #tpu.memory_space<vmem>> -> memref<1x200x64xf32, #tpu.memory_space<vmem>>
        %get3A_2163 = tpu.memref_squeeze %get3A_2162 : memref<1x200x64xf32, #tpu.memory_space<vmem>> -> memref<200x64xf32, #tpu.memory_space<vmem>>
        %get3A_2164 = arith.index_cast %scan3A_2141 : i32 to index
        %get3A_2165 = arith.constant 32 : index
        %get3A_2166 = tpu.vector_load %get3A_2163[%get3A_2164, %get3A_2165] {strides = array<i32>} : memref<200x64xf32, #tpu.memory_space<vmem>>, vector<1x16xf32>,
        %get3A_2167 = vector.shape_cast %get3A_2166 : vector<1x16xf32> to vector<16xf32>
        %max3A_2168 = arith.maximumf %max3A_2130, %get3A_2167 : vector<16xf32>
        %get3A_2169 = arith.constant 0 : i32
        %get3A_2170 = arith.constant 0 : i32
        %get3A_2171 = tpu.memref_slice %arg8[%scan3A_1358, %get3A_2169, %get3A_2170] : memref<4x200x64xf32, #tpu.memory_space<vmem>> -> memref<1x200x64xf32, #tpu.memory_space<vmem>>
        %get3A_2172 = tpu.memref_squeeze %get3A_2171 : memref<1x200x64xf32, #tpu.memory_space<vmem>> -> memref<200x64xf32, #tpu.memory_space<vmem>>
        %get3A_2173 = arith.index_cast %scan3A_2141 : i32 to index
        %get3A_2174 = arith.constant 48 : index
        %get3A_2175 = tpu.vector_load %get3A_2172[%get3A_2173, %get3A_2174] {strides = array<i32>} : memref<200x64xf32, #tpu.memory_space<vmem>>, vector<1x16xf32>,
        %get3A_2176 = vector.shape_cast %get3A_2175 : vector<1x16xf32> to vector<16xf32>
        %max3A_2177 = arith.maximumf %max3A_2139, %get3A_2176 : vector<16xf32>
        %scan3A_2178 = arith.constant 6 : i32
        %scan3A_2179 = arith.addi %scan3A_1948, %scan3A_2178 : i32
        %get3A_2180 = arith.constant 0 : i32
        %get3A_2181 = arith.constant 0 : i32
        %get3A_2182 = tpu.memref_slice %arg8[%scan3A_1358, %get3A_2180, %get3A_2181] : memref<4x200x64xf32, #tpu.memory_space<vmem>> -> memref<1x200x64xf32, #tpu.memory_space<vmem>>
        %get3A_2183 = tpu.memref_squeeze %get3A_2182 : memref<1x200x64xf32, #tpu.memory_space<vmem>> -> memref<200x64xf32, #tpu.memory_space<vmem>>
        %get3A_2184 = arith.index_cast %scan3A_2179 : i32 to index
        %get3A_2185 = arith.constant 0 : index
        %get3A_2186 = tpu.vector_load %get3A_2183[%get3A_2184, %get3A_2185] {strides = array<i32>} : memref<200x64xf32, #tpu.memory_space<vmem>>, vector<1x16xf32>,
        %get3A_2187 = vector.shape_cast %get3A_2186 : vector<1x16xf32> to vector<16xf32>
        %max3A_2188 = arith.maximumf %max3A_2150, %get3A_2187 : vector<16xf32>
        %get3A_2189 = arith.constant 0 : i32
        %get3A_2190 = arith.constant 0 : i32
        %get3A_2191 = tpu.memref_slice %arg8[%scan3A_1358, %get3A_2189, %get3A_2190] : memref<4x200x64xf32, #tpu.memory_space<vmem>> -> memref<1x200x64xf32, #tpu.memory_space<vmem>>
        %get3A_2192 = tpu.memref_squeeze %get3A_2191 : memref<1x200x64xf32, #tpu.memory_space<vmem>> -> memref<200x64xf32, #tpu.memory_space<vmem>>
        %get3A_2193 = arith.index_cast %scan3A_2179 : i32 to index
        %get3A_2194 = arith.constant 16 : index
        %get3A_2195 = tpu.vector_load %get3A_2192[%get3A_2193, %get3A_2194] {strides = array<i32>} : memref<200x64xf32, #tpu.memory_space<vmem>>, vector<1x16xf32>,
        %get3A_2196 = vector.shape_cast %get3A_2195 : vector<1x16xf32> to vector<16xf32>
        %max3A_2197 = arith.maximumf %max3A_2159, %get3A_2196 : vector<16xf32>
        %get3A_2198 = arith.constant 0 : i32
        %get3A_2199 = arith.constant 0 : i32
        %get3A_2200 = tpu.memref_slice %arg8[%scan3A_1358, %get3A_2198, %get3A_2199] : memref<4x200x64xf32, #tpu.memory_space<vmem>> -> memref<1x200x64xf32, #tpu.memory_space<vmem>>
        %get3A_2201 = tpu.memref_squeeze %get3A_2200 : memref<1x200x64xf32, #tpu.memory_space<vmem>> -> memref<200x64xf32, #tpu.memory_space<vmem>>
        %get3A_2202 = arith.index_cast %scan3A_2179 : i32 to index
        %get3A_2203 = arith.constant 32 : index
        %get3A_2204 = tpu.vector_load %get3A_2201[%get3A_2202, %get3A_2203] {strides = array<i32>} : memref<200x64xf32, #tpu.memory_space<vmem>>, vector<1x16xf32>,
        %get3A_2205 = vector.shape_cast %get3A_2204 : vector<1x16xf32> to vector<16xf32>
        %max3A_2206 = arith.maximumf %max3A_2168, %get3A_2205 : vector<16xf32>
        %get3A_2207 = arith.constant 0 : i32
        %get3A_2208 = arith.constant 0 : i32
        %get3A_2209 = tpu.memref_slice %arg8[%scan3A_1358, %get3A_2207, %get3A_2208] : memref<4x200x64xf32, #tpu.memory_space<vmem>> -> memref<1x200x64xf32, #tpu.memory_space<vmem>>
        %get3A_2210 = tpu.memref_squeeze %get3A_2209 : memref<1x200x64xf32, #tpu.memory_space<vmem>> -> memref<200x64xf32, #tpu.memory_space<vmem>>
        %get3A_2211 = arith.index_cast %scan3A_2179 : i32 to index
        %get3A_2212 = arith.constant 48 : index
        %get3A_2213 = tpu.vector_load %get3A_2210[%get3A_2211, %get3A_2212] {strides = array<i32>} : memref<200x64xf32, #tpu.memory_space<vmem>>, vector<1x16xf32>,
        %get3A_2214 = vector.shape_cast %get3A_2213 : vector<1x16xf32> to vector<16xf32>
        %max3A_2215 = arith.maximumf %max3A_2177, %get3A_2214 : vector<16xf32>
        %scan3A_2216 = arith.constant 7 : i32
        %scan3A_2217 = arith.addi %scan3A_1948, %scan3A_2216 : i32
        %get3A_2218 = arith.constant 0 : i32
        %get3A_2219 = arith.constant 0 : i32
        %get3A_2220 = tpu.memref_slice %arg8[%scan3A_1358, %get3A_2218, %get3A_2219] : memref<4x200x64xf32, #tpu.memory_space<vmem>> -> memref<1x200x64xf32, #tpu.memory_space<vmem>>
        %get3A_2221 = tpu.memref_squeeze %get3A_2220 : memref<1x200x64xf32, #tpu.memory_space<vmem>> -> memref<200x64xf32, #tpu.memory_space<vmem>>
        %get3A_2222 = arith.index_cast %scan3A_2217 : i32 to index
        %get3A_2223 = arith.constant 0 : index
        %get3A_2224 = tpu.vector_load %get3A_2221[%get3A_2222, %get3A_2223] {strides = array<i32>} : memref<200x64xf32, #tpu.memory_space<vmem>>, vector<1x16xf32>,
        %get3A_2225 = vector.shape_cast %get3A_2224 : vector<1x16xf32> to vector<16xf32>
        %max3A_2226 = arith.maximumf %max3A_2188, %get3A_2225 : vector<16xf32>
        %get3A_2227 = arith.constant 0 : i32
        %get3A_2228 = arith.constant 0 : i32
        %get3A_2229 = tpu.memref_slice %arg8[%scan3A_1358, %get3A_2227, %get3A_2228] : memref<4x200x64xf32, #tpu.memory_space<vmem>> -> memref<1x200x64xf32, #tpu.memory_space<vmem>>
        %get3A_2230 = tpu.memref_squeeze %get3A_2229 : memref<1x200x64xf32, #tpu.memory_space<vmem>> -> memref<200x64xf32, #tpu.memory_space<vmem>>
        %get3A_2231 = arith.index_cast %scan3A_2217 : i32 to index
        %get3A_2232 = arith.constant 16 : index
        %get3A_2233 = tpu.vector_load %get3A_2230[%get3A_2231, %get3A_2232] {strides = array<i32>} : memref<200x64xf32, #tpu.memory_space<vmem>>, vector<1x16xf32>,
        %get3A_2234 = vector.shape_cast %get3A_2233 : vector<1x16xf32> to vector<16xf32>
        %max3A_2235 = arith.maximumf %max3A_2197, %get3A_2234 : vector<16xf32>
        %get3A_2236 = arith.constant 0 : i32
        %get3A_2237 = arith.constant 0 : i32
        %get3A_2238 = tpu.memref_slice %arg8[%scan3A_1358, %get3A_2236, %get3A_2237] : memref<4x200x64xf32, #tpu.memory_space<vmem>> -> memref<1x200x64xf32, #tpu.memory_space<vmem>>
        %get3A_2239 = tpu.memref_squeeze %get3A_2238 : memref<1x200x64xf32, #tpu.memory_space<vmem>> -> memref<200x64xf32, #tpu.memory_space<vmem>>
        %get3A_2240 = arith.index_cast %scan3A_2217 : i32 to index
        %get3A_2241 = arith.constant 32 : index
        %get3A_2242 = tpu.vector_load %get3A_2239[%get3A_2240, %get3A_2241] {strides = array<i32>} : memref<200x64xf32, #tpu.memory_space<vmem>>, vector<1x16xf32>,
        %get3A_2243 = vector.shape_cast %get3A_2242 : vector<1x16xf32> to vector<16xf32>
        %max3A_2244 = arith.maximumf %max3A_2206, %get3A_2243 : vector<16xf32>
        %get3A_2245 = arith.constant 0 : i32
        %get3A_2246 = arith.constant 0 : i32
        %get3A_2247 = tpu.memref_slice %arg8[%scan3A_1358, %get3A_2245, %get3A_2246] : memref<4x200x64xf32, #tpu.memory_space<vmem>> -> memref<1x200x64xf32, #tpu.memory_space<vmem>>
        %get3A_2248 = tpu.memref_squeeze %get3A_2247 : memref<1x200x64xf32, #tpu.memory_space<vmem>> -> memref<200x64xf32, #tpu.memory_space<vmem>>
        %get3A_2249 = arith.index_cast %scan3A_2217 : i32 to index
        %get3A_2250 = arith.constant 48 : index
        %get3A_2251 = tpu.vector_load %get3A_2248[%get3A_2249, %get3A_2250] {strides = array<i32>} : memref<200x64xf32, #tpu.memory_space<vmem>>, vector<1x16xf32>,
        %get3A_2252 = vector.shape_cast %get3A_2251 : vector<1x16xf32> to vector<16xf32>
        %max3A_2253 = arith.maximumf %max3A_2215, %get3A_2252 : vector<16xf32>
        scf.yield %max3A_2226, %max3A_2235, %max3A_2244, %max3A_2253 : vector<16xf32>, vector<16xf32>, vector<16xf32>, vector<16xf32>
      }
      %scan3A_1364 = arith.constant 200 : i32
      %get3A_1365 = arith.constant 0 : i32
      %get3A_1366 = arith.index_cast %get3A_1365 : i32 to index
      %get3A_1367 = arith.constant 0 : index
      %get3A_1368 = tpu.vector_load %arg9[%get3A_1366, %get3A_1367] {strides = array<i32>} : memref<2x64xf32, #tpu.memory_space<vmem>>, vector<1x16xf32>,
      %get3A_1369 = vector.shape_cast %get3A_1368 : vector<1x16xf32> to vector<16xf32>
      %mul3A_1370 = arith.mulf %scan3A_1363#0, %get3A_1369 : vector<16xf32>
      %get3A_1371 = arith.constant 0 : i32
      %get3A_1372 = arith.index_cast %get3A_1371 : i32 to index
      %get3A_1373 = arith.constant 16 : index
      %get3A_1374 = tpu.vector_load %arg9[%get3A_1372, %get3A_1373] {strides = array<i32>} : memref<2x64xf32, #tpu.memory_space<vmem>>, vector<1x16xf32>,
      %get3A_1375 = vector.shape_cast %get3A_1374 : vector<1x16xf32> to vector<16xf32>
      %mul3A_1376 = arith.mulf %scan3A_1363#1, %get3A_1375 : vector<16xf32>
      %add3A_1377 = arith.addf %mul3A_1370, %mul3A_1376 : vector<16xf32>
      %get3A_1378 = arith.constant 0 : i32
      %get3A_1379 = arith.index_cast %get3A_1378 : i32 to index
      %get3A_1380 = arith.constant 32 : index
      %get3A_1381 = tpu.vector_load %arg9[%get3A_1379, %get3A_1380] {strides = array<i32>} : memref<2x64xf32, #tpu.memory_space<vmem>>, vector<1x16xf32>,
      %get3A_1382 = vector.shape_cast %get3A_1381 : vector<1x16xf32> to vector<16xf32>
      %mul3A_1383 = arith.mulf %scan3A_1363#2, %get3A_1382 : vector<16xf32>
      %add3A_1384 = arith.addf %add3A_1377, %mul3A_1383 : vector<16xf32>
      %get3A_1385 = arith.constant 0 : i32
      %get3A_1386 = arith.index_cast %get3A_1385 : i32 to index
      %get3A_1387 = arith.constant 48 : index
      %get3A_1388 = tpu.vector_load %arg9[%get3A_1386, %get3A_1387] {strides = array<i32>} : memref<2x64xf32, #tpu.memory_space<vmem>>, vector<1x16xf32>,
      %get3A_1389 = vector.shape_cast %get3A_1388 : vector<1x16xf32> to vector<16xf32>
      %mul3A_1390 = arith.mulf %scan3A_1363#3, %get3A_1389 : vector<16xf32>
      %add3A_1391 = arith.addf %add3A_1384, %mul3A_1390 : vector<16xf32>
      %xor3A_1392 = arith.constant 8 : i32
      %xor3A_1393 = vector.broadcast %xor3A_1392 : i32 to vector<16xi32>
      %xor3A_1394 = arith.xori %iota3A, %xor3A_1393 : vector<16xi32>
      %reshape3A_1395 = vector.shape_cast %xor3A_1394 : vector<16xi32> to vector<16x1xi32>
      %gather3A_1396 = vector.shape_cast %reshape3A_1395 : vector<16x1xi32> to vector<16xi32>
      %gather3A_1397 = tpu.dynamic_gather %add3A_1391[%gather3A_1396] in [0] : vector<16xf32>, vector<16xi32> -> vector<16xf32>
      %add3A_1398 = arith.addf %add3A_1391, %gather3A_1397 : vector<16xf32>
      %xor3A_1399 = arith.constant 4 : i32
      %xor3A_1400 = vector.broadcast %xor3A_1399 : i32 to vector<16xi32>
      %xor3A_1401 = arith.xori %iota3A, %xor3A_1400 : vector<16xi32>
      %reshape3A_1402 = vector.shape_cast %xor3A_1401 : vector<16xi32> to vector<16x1xi32>
      %gather3A_1403 = vector.shape_cast %reshape3A_1402 : vector<16x1xi32> to vector<16xi32>
      %gather3A_1404 = tpu.dynamic_gather %add3A_1398[%gather3A_1403] in [0] : vector<16xf32>, vector<16xi32> -> vector<16xf32>
      %add3A_1405 = arith.addf %add3A_1398, %gather3A_1404 : vector<16xf32>
      %xor3A_1406 = arith.constant 2 : i32
      %xor3A_1407 = vector.broadcast %xor3A_1406 : i32 to vector<16xi32>
      %xor3A_1408 = arith.xori %iota3A, %xor3A_1407 : vector<16xi32>
      %reshape3A_1409 = vector.shape_cast %xor3A_1408 : vector<16xi32> to vector<16x1xi32>
      %gather3A_1410 = vector.shape_cast %reshape3A_1409 : vector<16x1xi32> to vector<16xi32>
      %gather3A_1411 = tpu.dynamic_gather %add3A_1405[%gather3A_1410] in [0] : vector<16xf32>, vector<16xi32> -> vector<16xf32>
      %add3A_1412 = arith.addf %add3A_1405, %gather3A_1411 : vector<16xf32>
      %xor3A_1413 = arith.constant 1 : i32
      %xor3A_1414 = vector.broadcast %xor3A_1413 : i32 to vector<16xi32>
      %xor3A_1415 = arith.xori %iota3A, %xor3A_1414 : vector<16xi32>
      %reshape3A_1416 = vector.shape_cast %xor3A_1415 : vector<16xi32> to vector<16x1xi32>
      %gather3A_1417 = vector.shape_cast %reshape3A_1416 : vector<16x1xi32> to vector<16xi32>
      %gather3A_1418 = tpu.dynamic_gather %add3A_1412[%gather3A_1417] in [0] : vector<16xf32>, vector<16xi32> -> vector<16xf32>
      %add3A_1419 = arith.addf %add3A_1412, %gather3A_1418 : vector<16xf32>
      %eq3A_1420 = arith.constant 8 : i32
      %eq3A_1421 = vector.broadcast %eq3A_1420 : i32 to vector<16xi32>
      %eq3A_1422 = arith.cmpi eq, %iota3A, %eq3A_1421 : vector<16xi32>
      %select_n3A_1423 = arith.select %eq3A_1422, %add3A_1419, %select_n3A_1293 : vector<16xi1>, vector<16xf32>
      %get3A_1424 = arith.constant 1 : i32
      %get3A_1425 = arith.index_cast %get3A_1424 : i32 to index
      %get3A_1426 = arith.constant 0 : index
      %get3A_1427 = tpu.vector_load %arg9[%get3A_1425, %get3A_1426] {strides = array<i32>} : memref<2x64xf32, #tpu.memory_space<vmem>>, vector<1x16xf32>,
      %get3A_1428 = vector.shape_cast %get3A_1427 : vector<1x16xf32> to vector<16xf32>
      %mul3A_1429 = arith.mulf %scan3A_1363#0, %get3A_1428 : vector<16xf32>
      %get3A_1430 = arith.constant 1 : i32
      %get3A_1431 = arith.index_cast %get3A_1430 : i32 to index
      %get3A_1432 = arith.constant 16 : index
      %get3A_1433 = tpu.vector_load %arg9[%get3A_1431, %get3A_1432] {strides = array<i32>} : memref<2x64xf32, #tpu.memory_space<vmem>>, vector<1x16xf32>,
      %get3A_1434 = vector.shape_cast %get3A_1433 : vector<1x16xf32> to vector<16xf32>
      %mul3A_1435 = arith.mulf %scan3A_1363#1, %get3A_1434 : vector<16xf32>
      %add3A_1436 = arith.addf %mul3A_1429, %mul3A_1435 : vector<16xf32>
      %get3A_1437 = arith.constant 1 : i32
      %get3A_1438 = arith.index_cast %get3A_1437 : i32 to index
      %get3A_1439 = arith.constant 32 : index
      %get3A_1440 = tpu.vector_load %arg9[%get3A_1438, %get3A_1439] {strides = array<i32>} : memref<2x64xf32, #tpu.memory_space<vmem>>, vector<1x16xf32>,
      %get3A_1441 = vector.shape_cast %get3A_1440 : vector<1x16xf32> to vector<16xf32>
      %mul3A_1442 = arith.mulf %scan3A_1363#2, %get3A_1441 : vector<16xf32>
      %add3A_1443 = arith.addf %add3A_1436, %mul3A_1442 : vector<16xf32>
      %get3A_1444 = arith.constant 1 : i32
      %get3A_1445 = arith.index_cast %get3A_1444 : i32 to index
      %get3A_1446 = arith.constant 48 : index
      %get3A_1447 = tpu.vector_load %arg9[%get3A_1445, %get3A_1446] {strides = array<i32>} : memref<2x64xf32, #tpu.memory_space<vmem>>, vector<1x16xf32>,
      %get3A_1448 = vector.shape_cast %get3A_1447 : vector<1x16xf32> to vector<16xf32>
      %mul3A_1449 = arith.mulf %scan3A_1363#3, %get3A_1448 : vector<16xf32>
      %add3A_1450 = arith.addf %add3A_1443, %mul3A_1449 : vector<16xf32>
      %xor3A_1451 = arith.constant 8 : i32
      %xor3A_1452 = vector.broadcast %xor3A_1451 : i32 to vector<16xi32>
      %xor3A_1453 = arith.xori %iota3A, %xor3A_1452 : vector<16xi32>
      %reshape3A_1454 = vector.shape_cast %xor3A_1453 : vector<16xi32> to vector<16x1xi32>
      %gather3A_1455 = vector.shape_cast %reshape3A_1454 : vector<16x1xi32> to vector<16xi32>
      %gather3A_1456 = tpu.dynamic_gather %add3A_1450[%gather3A_1455] in [0] : vector<16xf32>, vector<16xi32> -> vector<16xf32>
      %add3A_1457 = arith.addf %add3A_1450, %gather3A_1456 : vector<16xf32>
      %xor3A_1458 = arith.constant 4 : i32
      %xor3A_1459 = vector.broadcast %xor3A_1458 : i32 to vector<16xi32>
      %xor3A_1460 = arith.xori %iota3A, %xor3A_1459 : vector<16xi32>
      %reshape3A_1461 = vector.shape_cast %xor3A_1460 : vector<16xi32> to vector<16x1xi32>
      %gather3A_1462 = vector.shape_cast %reshape3A_1461 : vector<16x1xi32> to vector<16xi32>
      %gather3A_1463 = tpu.dynamic_gather %add3A_1457[%gather3A_1462] in [0] : vector<16xf32>, vector<16xi32> -> vector<16xf32>
      %add3A_1464 = arith.addf %add3A_1457, %gather3A_1463 : vector<16xf32>
      %xor3A_1465 = arith.constant 2 : i32
      %xor3A_1466 = vector.broadcast %xor3A_1465 : i32 to vector<16xi32>
      %xor3A_1467 = arith.xori %iota3A, %xor3A_1466 : vector<16xi32>
      %reshape3A_1468 = vector.shape_cast %xor3A_1467 : vector<16xi32> to vector<16x1xi32>
      %gather3A_1469 = vector.shape_cast %reshape3A_1468 : vector<16x1xi32> to vector<16xi32>
      %gather3A_1470 = tpu.dynamic_gather %add3A_1464[%gather3A_1469] in [0] : vector<16xf32>, vector<16xi32> -> vector<16xf32>
      %add3A_1471 = arith.addf %add3A_1464, %gather3A_1470 : vector<16xf32>
      %xor3A_1472 = arith.constant 1 : i32
      %xor3A_1473 = vector.broadcast %xor3A_1472 : i32 to vector<16xi32>
      %xor3A_1474 = arith.xori %iota3A, %xor3A_1473 : vector<16xi32>
      %reshape3A_1475 = vector.shape_cast %xor3A_1474 : vector<16xi32> to vector<16x1xi32>
      %gather3A_1476 = vector.shape_cast %reshape3A_1475 : vector<16x1xi32> to vector<16xi32>
      %gather3A_1477 = tpu.dynamic_gather %add3A_1471[%gather3A_1476] in [0] : vector<16xf32>, vector<16xi32> -> vector<16xf32>
      %add3A_1478 = arith.addf %add3A_1471, %gather3A_1477 : vector<16xf32>
      %eq3A_1479 = arith.constant 9 : i32
      %eq3A_1480 = vector.broadcast %eq3A_1479 : i32 to vector<16xi32>
      %eq3A_1481 = arith.cmpi eq, %iota3A, %eq3A_1480 : vector<16xi32>
      %select_n3A_1482 = arith.select %eq3A_1481, %add3A_1478, %select_n3A_1423 : vector<16xi1>, vector<16xf32>
      %dma_wait3A_1483 = arith.constant 1 : i32
      %dma_wait3A_1484 = arith.constant 1 : i32
      %dma_wait3A_1485 = arith.constant 0 : i32
      %dma_wait3A_1486 = arith.constant 0 : i32
      %dma_wait3A_1487 = tpu.memref_slice %arg8[%dma_wait3A_1483, %dma_wait3A_1485, %dma_wait3A_1486] : memref<4x200x64xf32, #tpu.memory_space<vmem>> -> memref<1x100x64xf32, #tpu.memory_space<vmem>>
      %dma_wait3A_1488 = tpu.memref_squeeze %dma_wait3A_1487 : memref<1x100x64xf32, #tpu.memory_space<vmem>> -> memref<100x64xf32, #tpu.memory_space<vmem>>
      %dma_wait3A_1489 = arith.constant 0 : i32
      %dma_wait3A_1490 = tpu.memref_slice %arg7[%mul3A_921, %dma_wait3A_1489] : memref<256x100xi32, #tpu.memory_space<vmem>> -> memref<1x100xi32, #tpu.memory_space<vmem>>
      %dma_wait3A_1491 = tpu.memref_squeeze %dma_wait3A_1490 : memref<1x100xi32, #tpu.memory_space<vmem>> -> memref<100xi32, #tpu.memory_space<vmem>>
      %dma_wait3A_1492 = arith.constant 0 : i32
      %dma_wait3A_1493 = arith.constant 0 : i32
      %dma_wait3A_1494 = tpu.memref_slice %arg3[%dma_wait3A_1492, %dma_wait3A_1493] : memref<1000000x64xf32, #tpu.memory_space<hbm>> -> memref<1000000x64xf32, #tpu.memory_space<hbm>>
      %dma_wait3A_1495 = tpu.memref_slice %arg12[%dma_wait3A_1484] : memref<4x!tpu.dma_semaphore, #tpu.memory_space<semaphore_mem>> -> memref<1x!tpu.dma_semaphore, #tpu.memory_space<semaphore_mem>>
      %dma_wait3A_1496 = tpu.memref_squeeze %dma_wait3A_1495 : memref<1x!tpu.dma_semaphore, #tpu.memory_space<semaphore_mem>> -> memref<!tpu.dma_semaphore, #tpu.memory_space<semaphore_mem>>
      tpu.wait_indirect_dma semaphore(%dma_wait3A_1496 : memref<!tpu.dma_semaphore, #tpu.memory_space<semaphore_mem>>) src(%dma_wait3A_1494 : memref<1000000x64xf32, #tpu.memory_space<hbm>>) dst(%dma_wait3A_1488 : memref<100x64xf32, #tpu.memory_space<vmem>>)
      %dma_wait3A_1497 = arith.constant 1 : i32
      %dma_wait3A_1498 = arith.constant 1 : i32
      %dma_wait3A_1499 = arith.constant 100 : i32
      %dma_wait3A_1500 = arith.constant 0 : i32
      %dma_wait3A_1501 = tpu.memref_slice %arg8[%dma_wait3A_1497, %dma_wait3A_1499, %dma_wait3A_1500] : memref<4x200x64xf32, #tpu.memory_space<vmem>> -> memref<1x100x64xf32, #tpu.memory_space<vmem>>
      %dma_wait3A_1502 = tpu.memref_squeeze %dma_wait3A_1501 : memref<1x100x64xf32, #tpu.memory_space<vmem>> -> memref<100x64xf32, #tpu.memory_space<vmem>>
      %dma_wait3A_1503 = arith.constant 0 : i32
      %dma_wait3A_1504 = tpu.memref_slice %arg7[%add3A_937, %dma_wait3A_1503] : memref<256x100xi32, #tpu.memory_space<vmem>> -> memref<1x100xi32, #tpu.memory_space<vmem>>
      %dma_wait3A_1505 = tpu.memref_squeeze %dma_wait3A_1504 : memref<1x100xi32, #tpu.memory_space<vmem>> -> memref<100xi32, #tpu.memory_space<vmem>>
      %dma_wait3A_1506 = arith.constant 0 : i32
      %dma_wait3A_1507 = arith.constant 0 : i32
      %dma_wait3A_1508 = tpu.memref_slice %arg3[%dma_wait3A_1506, %dma_wait3A_1507] : memref<1000000x64xf32, #tpu.memory_space<hbm>> -> memref<1000000x64xf32, #tpu.memory_space<hbm>>
      %dma_wait3A_1509 = tpu.memref_slice %arg12[%dma_wait3A_1498] : memref<4x!tpu.dma_semaphore, #tpu.memory_space<semaphore_mem>> -> memref<1x!tpu.dma_semaphore, #tpu.memory_space<semaphore_mem>>
      %dma_wait3A_1510 = tpu.memref_squeeze %dma_wait3A_1509 : memref<1x!tpu.dma_semaphore, #tpu.memory_space<semaphore_mem>> -> memref<!tpu.dma_semaphore, #tpu.memory_space<semaphore_mem>>
      tpu.wait_indirect_dma semaphore(%dma_wait3A_1510 : memref<!tpu.dma_semaphore, #tpu.memory_space<semaphore_mem>>) src(%dma_wait3A_1508 : memref<1000000x64xf32, #tpu.memory_space<hbm>>) dst(%dma_wait3A_1502 : memref<100x64xf32, #tpu.memory_space<vmem>>)
      %scan3A_1511 = arith.constant 1 : i32
      %scan3A_1512 = arith.constant 0 : i32
      %scan3A_1513 = arith.constant 200 : i32
      %scan3A_1514 = arith.addi %scan3A_1512, %scan3A_1513 : i32
      %scan3A_1515 = arith.constant 8 : i32
      %scan3A_1516:4 = scf.for %scan3A_1948 = %scan3A_1512 to %scan3A_1514 step %scan3A_1515 iter_args(%scan3A_1949 = %broadcast_in_dim3A_5, %scan3A_1950 = %broadcast_in_dim3A_5, %scan3A_1951 = %broadcast_in_dim3A_5, %scan3A_1952 = %broadcast_in_dim3A_5) -> (vector<16xf32>, vector<16xf32>, vector<16xf32>, vector<16xf32>)  : i32 {
        %get3A_1953 = arith.constant 0 : i32
        %get3A_1954 = arith.constant 0 : i32
        %get3A_1955 = tpu.memref_slice %arg8[%scan3A_1511, %get3A_1953, %get3A_1954] : memref<4x200x64xf32, #tpu.memory_space<vmem>> -> memref<1x200x64xf32, #tpu.memory_space<vmem>>
        %get3A_1956 = tpu.memref_squeeze %get3A_1955 : memref<1x200x64xf32, #tpu.memory_space<vmem>> -> memref<200x64xf32, #tpu.memory_space<vmem>>
        %get3A_1957 = arith.index_cast %scan3A_1948 : i32 to index
        %get3A_1958 = arith.constant 0 : index
        %get3A_1959 = tpu.vector_load %get3A_1956[%get3A_1957, %get3A_1958] {strides = array<i32>} : memref<200x64xf32, #tpu.memory_space<vmem>>, vector<1x16xf32>,
        %get3A_1960 = vector.shape_cast %get3A_1959 : vector<1x16xf32> to vector<16xf32>
        %max3A = arith.maximumf %scan3A_1949, %get3A_1960 : vector<16xf32>
        %get3A_1961 = arith.constant 0 : i32
        %get3A_1962 = arith.constant 0 : i32
        %get3A_1963 = tpu.memref_slice %arg8[%scan3A_1511, %get3A_1961, %get3A_1962] : memref<4x200x64xf32, #tpu.memory_space<vmem>> -> memref<1x200x64xf32, #tpu.memory_space<vmem>>
        %get3A_1964 = tpu.memref_squeeze %get3A_1963 : memref<1x200x64xf32, #tpu.memory_space<vmem>> -> memref<200x64xf32, #tpu.memory_space<vmem>>
        %get3A_1965 = arith.index_cast %scan3A_1948 : i32 to index
        %get3A_1966 = arith.constant 16 : index
        %get3A_1967 = tpu.vector_load %get3A_1964[%get3A_1965, %get3A_1966] {strides = array<i32>} : memref<200x64xf32, #tpu.memory_space<vmem>>, vector<1x16xf32>,
        %get3A_1968 = vector.shape_cast %get3A_1967 : vector<1x16xf32> to vector<16xf32>
        %max3A_1969 = arith.maximumf %scan3A_1950, %get3A_1968 : vector<16xf32>
        %get3A_1970 = arith.constant 0 : i32
        %get3A_1971 = arith.constant 0 : i32
        %get3A_1972 = tpu.memref_slice %arg8[%scan3A_1511, %get3A_1970, %get3A_1971] : memref<4x200x64xf32, #tpu.memory_space<vmem>> -> memref<1x200x64xf32, #tpu.memory_space<vmem>>
        %get3A_1973 = tpu.memref_squeeze %get3A_1972 : memref<1x200x64xf32, #tpu.memory_space<vmem>> -> memref<200x64xf32, #tpu.memory_space<vmem>>
        %get3A_1974 = arith.index_cast %scan3A_1948 : i32 to index
        %get3A_1975 = arith.constant 32 : index
        %get3A_1976 = tpu.vector_load %get3A_1973[%get3A_1974, %get3A_1975] {strides = array<i32>} : memref<200x64xf32, #tpu.memory_space<vmem>>, vector<1x16xf32>,
        %get3A_1977 = vector.shape_cast %get3A_1976 : vector<1x16xf32> to vector<16xf32>
        %max3A_1978 = arith.maximumf %scan3A_1951, %get3A_1977 : vector<16xf32>
        %get3A_1979 = arith.constant 0 : i32
        %get3A_1980 = arith.constant 0 : i32
        %get3A_1981 = tpu.memref_slice %arg8[%scan3A_1511, %get3A_1979, %get3A_1980] : memref<4x200x64xf32, #tpu.memory_space<vmem>> -> memref<1x200x64xf32, #tpu.memory_space<vmem>>
        %get3A_1982 = tpu.memref_squeeze %get3A_1981 : memref<1x200x64xf32, #tpu.memory_space<vmem>> -> memref<200x64xf32, #tpu.memory_space<vmem>>
        %get3A_1983 = arith.index_cast %scan3A_1948 : i32 to index
        %get3A_1984 = arith.constant 48 : index
        %get3A_1985 = tpu.vector_load %get3A_1982[%get3A_1983, %get3A_1984] {strides = array<i32>} : memref<200x64xf32, #tpu.memory_space<vmem>>, vector<1x16xf32>,
        %get3A_1986 = vector.shape_cast %get3A_1985 : vector<1x16xf32> to vector<16xf32>
        %max3A_1987 = arith.maximumf %scan3A_1952, %get3A_1986 : vector<16xf32>
        %scan3A_1988 = arith.constant 1 : i32
        %scan3A_1989 = arith.addi %scan3A_1948, %scan3A_1988 : i32
        %get3A_1990 = arith.constant 0 : i32
        %get3A_1991 = arith.constant 0 : i32
        %get3A_1992 = tpu.memref_slice %arg8[%scan3A_1511, %get3A_1990, %get3A_1991] : memref<4x200x64xf32, #tpu.memory_space<vmem>> -> memref<1x200x64xf32, #tpu.memory_space<vmem>>
        %get3A_1993 = tpu.memref_squeeze %get3A_1992 : memref<1x200x64xf32, #tpu.memory_space<vmem>> -> memref<200x64xf32, #tpu.memory_space<vmem>>
        %get3A_1994 = arith.index_cast %scan3A_1989 : i32 to index
        %get3A_1995 = arith.constant 0 : index
        %get3A_1996 = tpu.vector_load %get3A_1993[%get3A_1994, %get3A_1995] {strides = array<i32>} : memref<200x64xf32, #tpu.memory_space<vmem>>, vector<1x16xf32>,
        %get3A_1997 = vector.shape_cast %get3A_1996 : vector<1x16xf32> to vector<16xf32>
        %max3A_1998 = arith.maximumf %max3A, %get3A_1997 : vector<16xf32>
        %get3A_1999 = arith.constant 0 : i32
        %get3A_2000 = arith.constant 0 : i32
        %get3A_2001 = tpu.memref_slice %arg8[%scan3A_1511, %get3A_1999, %get3A_2000] : memref<4x200x64xf32, #tpu.memory_space<vmem>> -> memref<1x200x64xf32, #tpu.memory_space<vmem>>
        %get3A_2002 = tpu.memref_squeeze %get3A_2001 : memref<1x200x64xf32, #tpu.memory_space<vmem>> -> memref<200x64xf32, #tpu.memory_space<vmem>>
        %get3A_2003 = arith.index_cast %scan3A_1989 : i32 to index
        %get3A_2004 = arith.constant 16 : index
        %get3A_2005 = tpu.vector_load %get3A_2002[%get3A_2003, %get3A_2004] {strides = array<i32>} : memref<200x64xf32, #tpu.memory_space<vmem>>, vector<1x16xf32>,
        %get3A_2006 = vector.shape_cast %get3A_2005 : vector<1x16xf32> to vector<16xf32>
        %max3A_2007 = arith.maximumf %max3A_1969, %get3A_2006 : vector<16xf32>
        %get3A_2008 = arith.constant 0 : i32
        %get3A_2009 = arith.constant 0 : i32
        %get3A_2010 = tpu.memref_slice %arg8[%scan3A_1511, %get3A_2008, %get3A_2009] : memref<4x200x64xf32, #tpu.memory_space<vmem>> -> memref<1x200x64xf32, #tpu.memory_space<vmem>>
        %get3A_2011 = tpu.memref_squeeze %get3A_2010 : memref<1x200x64xf32, #tpu.memory_space<vmem>> -> memref<200x64xf32, #tpu.memory_space<vmem>>
        %get3A_2012 = arith.index_cast %scan3A_1989 : i32 to index
        %get3A_2013 = arith.constant 32 : index
        %get3A_2014 = tpu.vector_load %get3A_2011[%get3A_2012, %get3A_2013] {strides = array<i32>} : memref<200x64xf32, #tpu.memory_space<vmem>>, vector<1x16xf32>,
        %get3A_2015 = vector.shape_cast %get3A_2014 : vector<1x16xf32> to vector<16xf32>
        %max3A_2016 = arith.maximumf %max3A_1978, %get3A_2015 : vector<16xf32>
        %get3A_2017 = arith.constant 0 : i32
        %get3A_2018 = arith.constant 0 : i32
        %get3A_2019 = tpu.memref_slice %arg8[%scan3A_1511, %get3A_2017, %get3A_2018] : memref<4x200x64xf32, #tpu.memory_space<vmem>> -> memref<1x200x64xf32, #tpu.memory_space<vmem>>
        %get3A_2020 = tpu.memref_squeeze %get3A_2019 : memref<1x200x64xf32, #tpu.memory_space<vmem>> -> memref<200x64xf32, #tpu.memory_space<vmem>>
        %get3A_2021 = arith.index_cast %scan3A_1989 : i32 to index
        %get3A_2022 = arith.constant 48 : index
        %get3A_2023 = tpu.vector_load %get3A_2020[%get3A_2021, %get3A_2022] {strides = array<i32>} : memref<200x64xf32, #tpu.memory_space<vmem>>, vector<1x16xf32>,
        %get3A_2024 = vector.shape_cast %get3A_2023 : vector<1x16xf32> to vector<16xf32>
        %max3A_2025 = arith.maximumf %max3A_1987, %get3A_2024 : vector<16xf32>
        %scan3A_2026 = arith.constant 2 : i32
        %scan3A_2027 = arith.addi %scan3A_1948, %scan3A_2026 : i32
        %get3A_2028 = arith.constant 0 : i32
        %get3A_2029 = arith.constant 0 : i32
        %get3A_2030 = tpu.memref_slice %arg8[%scan3A_1511, %get3A_2028, %get3A_2029] : memref<4x200x64xf32, #tpu.memory_space<vmem>> -> memref<1x200x64xf32, #tpu.memory_space<vmem>>
        %get3A_2031 = tpu.memref_squeeze %get3A_2030 : memref<1x200x64xf32, #tpu.memory_space<vmem>> -> memref<200x64xf32, #tpu.memory_space<vmem>>
        %get3A_2032 = arith.index_cast %scan3A_2027 : i32 to index
        %get3A_2033 = arith.constant 0 : index
        %get3A_2034 = tpu.vector_load %get3A_2031[%get3A_2032, %get3A_2033] {strides = array<i32>} : memref<200x64xf32, #tpu.memory_space<vmem>>, vector<1x16xf32>,
        %get3A_2035 = vector.shape_cast %get3A_2034 : vector<1x16xf32> to vector<16xf32>
        %max3A_2036 = arith.maximumf %max3A_1998, %get3A_2035 : vector<16xf32>
        %get3A_2037 = arith.constant 0 : i32
        %get3A_2038 = arith.constant 0 : i32
        %get3A_2039 = tpu.memref_slice %arg8[%scan3A_1511, %get3A_2037, %get3A_2038] : memref<4x200x64xf32, #tpu.memory_space<vmem>> -> memref<1x200x64xf32, #tpu.memory_space<vmem>>
        %get3A_2040 = tpu.memref_squeeze %get3A_2039 : memref<1x200x64xf32, #tpu.memory_space<vmem>> -> memref<200x64xf32, #tpu.memory_space<vmem>>
        %get3A_2041 = arith.index_cast %scan3A_2027 : i32 to index
        %get3A_2042 = arith.constant 16 : index
        %get3A_2043 = tpu.vector_load %get3A_2040[%get3A_2041, %get3A_2042] {strides = array<i32>} : memref<200x64xf32, #tpu.memory_space<vmem>>, vector<1x16xf32>,
        %get3A_2044 = vector.shape_cast %get3A_2043 : vector<1x16xf32> to vector<16xf32>
        %max3A_2045 = arith.maximumf %max3A_2007, %get3A_2044 : vector<16xf32>
        %get3A_2046 = arith.constant 0 : i32
        %get3A_2047 = arith.constant 0 : i32
        %get3A_2048 = tpu.memref_slice %arg8[%scan3A_1511, %get3A_2046, %get3A_2047] : memref<4x200x64xf32, #tpu.memory_space<vmem>> -> memref<1x200x64xf32, #tpu.memory_space<vmem>>
        %get3A_2049 = tpu.memref_squeeze %get3A_2048 : memref<1x200x64xf32, #tpu.memory_space<vmem>> -> memref<200x64xf32, #tpu.memory_space<vmem>>
        %get3A_2050 = arith.index_cast %scan3A_2027 : i32 to index
        %get3A_2051 = arith.constant 32 : index
        %get3A_2052 = tpu.vector_load %get3A_2049[%get3A_2050, %get3A_2051] {strides = array<i32>} : memref<200x64xf32, #tpu.memory_space<vmem>>, vector<1x16xf32>,
        %get3A_2053 = vector.shape_cast %get3A_2052 : vector<1x16xf32> to vector<16xf32>
        %max3A_2054 = arith.maximumf %max3A_2016, %get3A_2053 : vector<16xf32>
        %get3A_2055 = arith.constant 0 : i32
        %get3A_2056 = arith.constant 0 : i32
        %get3A_2057 = tpu.memref_slice %arg8[%scan3A_1511, %get3A_2055, %get3A_2056] : memref<4x200x64xf32, #tpu.memory_space<vmem>> -> memref<1x200x64xf32, #tpu.memory_space<vmem>>
        %get3A_2058 = tpu.memref_squeeze %get3A_2057 : memref<1x200x64xf32, #tpu.memory_space<vmem>> -> memref<200x64xf32, #tpu.memory_space<vmem>>
        %get3A_2059 = arith.index_cast %scan3A_2027 : i32 to index
        %get3A_2060 = arith.constant 48 : index
        %get3A_2061 = tpu.vector_load %get3A_2058[%get3A_2059, %get3A_2060] {strides = array<i32>} : memref<200x64xf32, #tpu.memory_space<vmem>>, vector<1x16xf32>,
        %get3A_2062 = vector.shape_cast %get3A_2061 : vector<1x16xf32> to vector<16xf32>
        %max3A_2063 = arith.maximumf %max3A_2025, %get3A_2062 : vector<16xf32>
        %scan3A_2064 = arith.constant 3 : i32
        %scan3A_2065 = arith.addi %scan3A_1948, %scan3A_2064 : i32
        %get3A_2066 = arith.constant 0 : i32
        %get3A_2067 = arith.constant 0 : i32
        %get3A_2068 = tpu.memref_slice %arg8[%scan3A_1511, %get3A_2066, %get3A_2067] : memref<4x200x64xf32, #tpu.memory_space<vmem>> -> memref<1x200x64xf32, #tpu.memory_space<vmem>>
        %get3A_2069 = tpu.memref_squeeze %get3A_2068 : memref<1x200x64xf32, #tpu.memory_space<vmem>> -> memref<200x64xf32, #tpu.memory_space<vmem>>
        %get3A_2070 = arith.index_cast %scan3A_2065 : i32 to index
        %get3A_2071 = arith.constant 0 : index
        %get3A_2072 = tpu.vector_load %get3A_2069[%get3A_2070, %get3A_2071] {strides = array<i32>} : memref<200x64xf32, #tpu.memory_space<vmem>>, vector<1x16xf32>,
        %get3A_2073 = vector.shape_cast %get3A_2072 : vector<1x16xf32> to vector<16xf32>
        %max3A_2074 = arith.maximumf %max3A_2036, %get3A_2073 : vector<16xf32>
        %get3A_2075 = arith.constant 0 : i32
        %get3A_2076 = arith.constant 0 : i32
        %get3A_2077 = tpu.memref_slice %arg8[%scan3A_1511, %get3A_2075, %get3A_2076] : memref<4x200x64xf32, #tpu.memory_space<vmem>> -> memref<1x200x64xf32, #tpu.memory_space<vmem>>
        %get3A_2078 = tpu.memref_squeeze %get3A_2077 : memref<1x200x64xf32, #tpu.memory_space<vmem>> -> memref<200x64xf32, #tpu.memory_space<vmem>>
        %get3A_2079 = arith.index_cast %scan3A_2065 : i32 to index
        %get3A_2080 = arith.constant 16 : index
        %get3A_2081 = tpu.vector_load %get3A_2078[%get3A_2079, %get3A_2080] {strides = array<i32>} : memref<200x64xf32, #tpu.memory_space<vmem>>, vector<1x16xf32>,
        %get3A_2082 = vector.shape_cast %get3A_2081 : vector<1x16xf32> to vector<16xf32>
        %max3A_2083 = arith.maximumf %max3A_2045, %get3A_2082 : vector<16xf32>
        %get3A_2084 = arith.constant 0 : i32
        %get3A_2085 = arith.constant 0 : i32
        %get3A_2086 = tpu.memref_slice %arg8[%scan3A_1511, %get3A_2084, %get3A_2085] : memref<4x200x64xf32, #tpu.memory_space<vmem>> -> memref<1x200x64xf32, #tpu.memory_space<vmem>>
        %get3A_2087 = tpu.memref_squeeze %get3A_2086 : memref<1x200x64xf32, #tpu.memory_space<vmem>> -> memref<200x64xf32, #tpu.memory_space<vmem>>
        %get3A_2088 = arith.index_cast %scan3A_2065 : i32 to index
        %get3A_2089 = arith.constant 32 : index
        %get3A_2090 = tpu.vector_load %get3A_2087[%get3A_2088, %get3A_2089] {strides = array<i32>} : memref<200x64xf32, #tpu.memory_space<vmem>>, vector<1x16xf32>,
        %get3A_2091 = vector.shape_cast %get3A_2090 : vector<1x16xf32> to vector<16xf32>
        %max3A_2092 = arith.maximumf %max3A_2054, %get3A_2091 : vector<16xf32>
        %get3A_2093 = arith.constant 0 : i32
        %get3A_2094 = arith.constant 0 : i32
        %get3A_2095 = tpu.memref_slice %arg8[%scan3A_1511, %get3A_2093, %get3A_2094] : memref<4x200x64xf32, #tpu.memory_space<vmem>> -> memref<1x200x64xf32, #tpu.memory_space<vmem>>
        %get3A_2096 = tpu.memref_squeeze %get3A_2095 : memref<1x200x64xf32, #tpu.memory_space<vmem>> -> memref<200x64xf32, #tpu.memory_space<vmem>>
        %get3A_2097 = arith.index_cast %scan3A_2065 : i32 to index
        %get3A_2098 = arith.constant 48 : index
        %get3A_2099 = tpu.vector_load %get3A_2096[%get3A_2097, %get3A_2098] {strides = array<i32>} : memref<200x64xf32, #tpu.memory_space<vmem>>, vector<1x16xf32>,
        %get3A_2100 = vector.shape_cast %get3A_2099 : vector<1x16xf32> to vector<16xf32>
        %max3A_2101 = arith.maximumf %max3A_2063, %get3A_2100 : vector<16xf32>
        %scan3A_2102 = arith.constant 4 : i32
        %scan3A_2103 = arith.addi %scan3A_1948, %scan3A_2102 : i32
        %get3A_2104 = arith.constant 0 : i32
        %get3A_2105 = arith.constant 0 : i32
        %get3A_2106 = tpu.memref_slice %arg8[%scan3A_1511, %get3A_2104, %get3A_2105] : memref<4x200x64xf32, #tpu.memory_space<vmem>> -> memref<1x200x64xf32, #tpu.memory_space<vmem>>
        %get3A_2107 = tpu.memref_squeeze %get3A_2106 : memref<1x200x64xf32, #tpu.memory_space<vmem>> -> memref<200x64xf32, #tpu.memory_space<vmem>>
        %get3A_2108 = arith.index_cast %scan3A_2103 : i32 to index
        %get3A_2109 = arith.constant 0 : index
        %get3A_2110 = tpu.vector_load %get3A_2107[%get3A_2108, %get3A_2109] {strides = array<i32>} : memref<200x64xf32, #tpu.memory_space<vmem>>, vector<1x16xf32>,
        %get3A_2111 = vector.shape_cast %get3A_2110 : vector<1x16xf32> to vector<16xf32>
        %max3A_2112 = arith.maximumf %max3A_2074, %get3A_2111 : vector<16xf32>
        %get3A_2113 = arith.constant 0 : i32
        %get3A_2114 = arith.constant 0 : i32
        %get3A_2115 = tpu.memref_slice %arg8[%scan3A_1511, %get3A_2113, %get3A_2114] : memref<4x200x64xf32, #tpu.memory_space<vmem>> -> memref<1x200x64xf32, #tpu.memory_space<vmem>>
        %get3A_2116 = tpu.memref_squeeze %get3A_2115 : memref<1x200x64xf32, #tpu.memory_space<vmem>> -> memref<200x64xf32, #tpu.memory_space<vmem>>
        %get3A_2117 = arith.index_cast %scan3A_2103 : i32 to index
        %get3A_2118 = arith.constant 16 : index
        %get3A_2119 = tpu.vector_load %get3A_2116[%get3A_2117, %get3A_2118] {strides = array<i32>} : memref<200x64xf32, #tpu.memory_space<vmem>>, vector<1x16xf32>,
        %get3A_2120 = vector.shape_cast %get3A_2119 : vector<1x16xf32> to vector<16xf32>
        %max3A_2121 = arith.maximumf %max3A_2083, %get3A_2120 : vector<16xf32>
        %get3A_2122 = arith.constant 0 : i32
        %get3A_2123 = arith.constant 0 : i32
        %get3A_2124 = tpu.memref_slice %arg8[%scan3A_1511, %get3A_2122, %get3A_2123] : memref<4x200x64xf32, #tpu.memory_space<vmem>> -> memref<1x200x64xf32, #tpu.memory_space<vmem>>
        %get3A_2125 = tpu.memref_squeeze %get3A_2124 : memref<1x200x64xf32, #tpu.memory_space<vmem>> -> memref<200x64xf32, #tpu.memory_space<vmem>>
        %get3A_2126 = arith.index_cast %scan3A_2103 : i32 to index
        %get3A_2127 = arith.constant 32 : index
        %get3A_2128 = tpu.vector_load %get3A_2125[%get3A_2126, %get3A_2127] {strides = array<i32>} : memref<200x64xf32, #tpu.memory_space<vmem>>, vector<1x16xf32>,
        %get3A_2129 = vector.shape_cast %get3A_2128 : vector<1x16xf32> to vector<16xf32>
        %max3A_2130 = arith.maximumf %max3A_2092, %get3A_2129 : vector<16xf32>
        %get3A_2131 = arith.constant 0 : i32
        %get3A_2132 = arith.constant 0 : i32
        %get3A_2133 = tpu.memref_slice %arg8[%scan3A_1511, %get3A_2131, %get3A_2132] : memref<4x200x64xf32, #tpu.memory_space<vmem>> -> memref<1x200x64xf32, #tpu.memory_space<vmem>>
        %get3A_2134 = tpu.memref_squeeze %get3A_2133 : memref<1x200x64xf32, #tpu.memory_space<vmem>> -> memref<200x64xf32, #tpu.memory_space<vmem>>
        %get3A_2135 = arith.index_cast %scan3A_2103 : i32 to index
        %get3A_2136 = arith.constant 48 : index
        %get3A_2137 = tpu.vector_load %get3A_2134[%get3A_2135, %get3A_2136] {strides = array<i32>} : memref<200x64xf32, #tpu.memory_space<vmem>>, vector<1x16xf32>,
        %get3A_2138 = vector.shape_cast %get3A_2137 : vector<1x16xf32> to vector<16xf32>
        %max3A_2139 = arith.maximumf %max3A_2101, %get3A_2138 : vector<16xf32>
        %scan3A_2140 = arith.constant 5 : i32
        %scan3A_2141 = arith.addi %scan3A_1948, %scan3A_2140 : i32
        %get3A_2142 = arith.constant 0 : i32
        %get3A_2143 = arith.constant 0 : i32
        %get3A_2144 = tpu.memref_slice %arg8[%scan3A_1511, %get3A_2142, %get3A_2143] : memref<4x200x64xf32, #tpu.memory_space<vmem>> -> memref<1x200x64xf32, #tpu.memory_space<vmem>>
        %get3A_2145 = tpu.memref_squeeze %get3A_2144 : memref<1x200x64xf32, #tpu.memory_space<vmem>> -> memref<200x64xf32, #tpu.memory_space<vmem>>
        %get3A_2146 = arith.index_cast %scan3A_2141 : i32 to index
        %get3A_2147 = arith.constant 0 : index
        %get3A_2148 = tpu.vector_load %get3A_2145[%get3A_2146, %get3A_2147] {strides = array<i32>} : memref<200x64xf32, #tpu.memory_space<vmem>>, vector<1x16xf32>,
        %get3A_2149 = vector.shape_cast %get3A_2148 : vector<1x16xf32> to vector<16xf32>
        %max3A_2150 = arith.maximumf %max3A_2112, %get3A_2149 : vector<16xf32>
        %get3A_2151 = arith.constant 0 : i32
        %get3A_2152 = arith.constant 0 : i32
        %get3A_2153 = tpu.memref_slice %arg8[%scan3A_1511, %get3A_2151, %get3A_2152] : memref<4x200x64xf32, #tpu.memory_space<vmem>> -> memref<1x200x64xf32, #tpu.memory_space<vmem>>
        %get3A_2154 = tpu.memref_squeeze %get3A_2153 : memref<1x200x64xf32, #tpu.memory_space<vmem>> -> memref<200x64xf32, #tpu.memory_space<vmem>>
        %get3A_2155 = arith.index_cast %scan3A_2141 : i32 to index
        %get3A_2156 = arith.constant 16 : index
        %get3A_2157 = tpu.vector_load %get3A_2154[%get3A_2155, %get3A_2156] {strides = array<i32>} : memref<200x64xf32, #tpu.memory_space<vmem>>, vector<1x16xf32>,
        %get3A_2158 = vector.shape_cast %get3A_2157 : vector<1x16xf32> to vector<16xf32>
        %max3A_2159 = arith.maximumf %max3A_2121, %get3A_2158 : vector<16xf32>
        %get3A_2160 = arith.constant 0 : i32
        %get3A_2161 = arith.constant 0 : i32
        %get3A_2162 = tpu.memref_slice %arg8[%scan3A_1511, %get3A_2160, %get3A_2161] : memref<4x200x64xf32, #tpu.memory_space<vmem>> -> memref<1x200x64xf32, #tpu.memory_space<vmem>>
        %get3A_2163 = tpu.memref_squeeze %get3A_2162 : memref<1x200x64xf32, #tpu.memory_space<vmem>> -> memref<200x64xf32, #tpu.memory_space<vmem>>
        %get3A_2164 = arith.index_cast %scan3A_2141 : i32 to index
        %get3A_2165 = arith.constant 32 : index
        %get3A_2166 = tpu.vector_load %get3A_2163[%get3A_2164, %get3A_2165] {strides = array<i32>} : memref<200x64xf32, #tpu.memory_space<vmem>>, vector<1x16xf32>,
        %get3A_2167 = vector.shape_cast %get3A_2166 : vector<1x16xf32> to vector<16xf32>
        %max3A_2168 = arith.maximumf %max3A_2130, %get3A_2167 : vector<16xf32>
        %get3A_2169 = arith.constant 0 : i32
        %get3A_2170 = arith.constant 0 : i32
        %get3A_2171 = tpu.memref_slice %arg8[%scan3A_1511, %get3A_2169, %get3A_2170] : memref<4x200x64xf32, #tpu.memory_space<vmem>> -> memref<1x200x64xf32, #tpu.memory_space<vmem>>
        %get3A_2172 = tpu.memref_squeeze %get3A_2171 : memref<1x200x64xf32, #tpu.memory_space<vmem>> -> memref<200x64xf32, #tpu.memory_space<vmem>>
        %get3A_2173 = arith.index_cast %scan3A_2141 : i32 to index
        %get3A_2174 = arith.constant 48 : index
        %get3A_2175 = tpu.vector_load %get3A_2172[%get3A_2173, %get3A_2174] {strides = array<i32>} : memref<200x64xf32, #tpu.memory_space<vmem>>, vector<1x16xf32>,
        %get3A_2176 = vector.shape_cast %get3A_2175 : vector<1x16xf32> to vector<16xf32>
        %max3A_2177 = arith.maximumf %max3A_2139, %get3A_2176 : vector<16xf32>
        %scan3A_2178 = arith.constant 6 : i32
        %scan3A_2179 = arith.addi %scan3A_1948, %scan3A_2178 : i32
        %get3A_2180 = arith.constant 0 : i32
        %get3A_2181 = arith.constant 0 : i32
        %get3A_2182 = tpu.memref_slice %arg8[%scan3A_1511, %get3A_2180, %get3A_2181] : memref<4x200x64xf32, #tpu.memory_space<vmem>> -> memref<1x200x64xf32, #tpu.memory_space<vmem>>
        %get3A_2183 = tpu.memref_squeeze %get3A_2182 : memref<1x200x64xf32, #tpu.memory_space<vmem>> -> memref<200x64xf32, #tpu.memory_space<vmem>>
        %get3A_2184 = arith.index_cast %scan3A_2179 : i32 to index
        %get3A_2185 = arith.constant 0 : index
        %get3A_2186 = tpu.vector_load %get3A_2183[%get3A_2184, %get3A_2185] {strides = array<i32>} : memref<200x64xf32, #tpu.memory_space<vmem>>, vector<1x16xf32>,
        %get3A_2187 = vector.shape_cast %get3A_2186 : vector<1x16xf32> to vector<16xf32>
        %max3A_2188 = arith.maximumf %max3A_2150, %get3A_2187 : vector<16xf32>
        %get3A_2189 = arith.constant 0 : i32
        %get3A_2190 = arith.constant 0 : i32
        %get3A_2191 = tpu.memref_slice %arg8[%scan3A_1511, %get3A_2189, %get3A_2190] : memref<4x200x64xf32, #tpu.memory_space<vmem>> -> memref<1x200x64xf32, #tpu.memory_space<vmem>>
        %get3A_2192 = tpu.memref_squeeze %get3A_2191 : memref<1x200x64xf32, #tpu.memory_space<vmem>> -> memref<200x64xf32, #tpu.memory_space<vmem>>
        %get3A_2193 = arith.index_cast %scan3A_2179 : i32 to index
        %get3A_2194 = arith.constant 16 : index
        %get3A_2195 = tpu.vector_load %get3A_2192[%get3A_2193, %get3A_2194] {strides = array<i32>} : memref<200x64xf32, #tpu.memory_space<vmem>>, vector<1x16xf32>,
        %get3A_2196 = vector.shape_cast %get3A_2195 : vector<1x16xf32> to vector<16xf32>
        %max3A_2197 = arith.maximumf %max3A_2159, %get3A_2196 : vector<16xf32>
        %get3A_2198 = arith.constant 0 : i32
        %get3A_2199 = arith.constant 0 : i32
        %get3A_2200 = tpu.memref_slice %arg8[%scan3A_1511, %get3A_2198, %get3A_2199] : memref<4x200x64xf32, #tpu.memory_space<vmem>> -> memref<1x200x64xf32, #tpu.memory_space<vmem>>
        %get3A_2201 = tpu.memref_squeeze %get3A_2200 : memref<1x200x64xf32, #tpu.memory_space<vmem>> -> memref<200x64xf32, #tpu.memory_space<vmem>>
        %get3A_2202 = arith.index_cast %scan3A_2179 : i32 to index
        %get3A_2203 = arith.constant 32 : index
        %get3A_2204 = tpu.vector_load %get3A_2201[%get3A_2202, %get3A_2203] {strides = array<i32>} : memref<200x64xf32, #tpu.memory_space<vmem>>, vector<1x16xf32>,
        %get3A_2205 = vector.shape_cast %get3A_2204 : vector<1x16xf32> to vector<16xf32>
        %max3A_2206 = arith.maximumf %max3A_2168, %get3A_2205 : vector<16xf32>
        %get3A_2207 = arith.constant 0 : i32
        %get3A_2208 = arith.constant 0 : i32
        %get3A_2209 = tpu.memref_slice %arg8[%scan3A_1511, %get3A_2207, %get3A_2208] : memref<4x200x64xf32, #tpu.memory_space<vmem>> -> memref<1x200x64xf32, #tpu.memory_space<vmem>>
        %get3A_2210 = tpu.memref_squeeze %get3A_2209 : memref<1x200x64xf32, #tpu.memory_space<vmem>> -> memref<200x64xf32, #tpu.memory_space<vmem>>
        %get3A_2211 = arith.index_cast %scan3A_2179 : i32 to index
        %get3A_2212 = arith.constant 48 : index
        %get3A_2213 = tpu.vector_load %get3A_2210[%get3A_2211, %get3A_2212] {strides = array<i32>} : memref<200x64xf32, #tpu.memory_space<vmem>>, vector<1x16xf32>,
        %get3A_2214 = vector.shape_cast %get3A_2213 : vector<1x16xf32> to vector<16xf32>
        %max3A_2215 = arith.maximumf %max3A_2177, %get3A_2214 : vector<16xf32>
        %scan3A_2216 = arith.constant 7 : i32
        %scan3A_2217 = arith.addi %scan3A_1948, %scan3A_2216 : i32
        %get3A_2218 = arith.constant 0 : i32
        %get3A_2219 = arith.constant 0 : i32
        %get3A_2220 = tpu.memref_slice %arg8[%scan3A_1511, %get3A_2218, %get3A_2219] : memref<4x200x64xf32, #tpu.memory_space<vmem>> -> memref<1x200x64xf32, #tpu.memory_space<vmem>>
        %get3A_2221 = tpu.memref_squeeze %get3A_2220 : memref<1x200x64xf32, #tpu.memory_space<vmem>> -> memref<200x64xf32, #tpu.memory_space<vmem>>
        %get3A_2222 = arith.index_cast %scan3A_2217 : i32 to index
        %get3A_2223 = arith.constant 0 : index
        %get3A_2224 = tpu.vector_load %get3A_2221[%get3A_2222, %get3A_2223] {strides = array<i32>} : memref<200x64xf32, #tpu.memory_space<vmem>>, vector<1x16xf32>,
        %get3A_2225 = vector.shape_cast %get3A_2224 : vector<1x16xf32> to vector<16xf32>
        %max3A_2226 = arith.maximumf %max3A_2188, %get3A_2225 : vector<16xf32>
        %get3A_2227 = arith.constant 0 : i32
        %get3A_2228 = arith.constant 0 : i32
        %get3A_2229 = tpu.memref_slice %arg8[%scan3A_1511, %get3A_2227, %get3A_2228] : memref<4x200x64xf32, #tpu.memory_space<vmem>> -> memref<1x200x64xf32, #tpu.memory_space<vmem>>
        %get3A_2230 = tpu.memref_squeeze %get3A_2229 : memref<1x200x64xf32, #tpu.memory_space<vmem>> -> memref<200x64xf32, #tpu.memory_space<vmem>>
        %get3A_2231 = arith.index_cast %scan3A_2217 : i32 to index
        %get3A_2232 = arith.constant 16 : index
        %get3A_2233 = tpu.vector_load %get3A_2230[%get3A_2231, %get3A_2232] {strides = array<i32>} : memref<200x64xf32, #tpu.memory_space<vmem>>, vector<1x16xf32>,
        %get3A_2234 = vector.shape_cast %get3A_2233 : vector<1x16xf32> to vector<16xf32>
        %max3A_2235 = arith.maximumf %max3A_2197, %get3A_2234 : vector<16xf32>
        %get3A_2236 = arith.constant 0 : i32
        %get3A_2237 = arith.constant 0 : i32
        %get3A_2238 = tpu.memref_slice %arg8[%scan3A_1511, %get3A_2236, %get3A_2237] : memref<4x200x64xf32, #tpu.memory_space<vmem>> -> memref<1x200x64xf32, #tpu.memory_space<vmem>>
        %get3A_2239 = tpu.memref_squeeze %get3A_2238 : memref<1x200x64xf32, #tpu.memory_space<vmem>> -> memref<200x64xf32, #tpu.memory_space<vmem>>
        %get3A_2240 = arith.index_cast %scan3A_2217 : i32 to index
        %get3A_2241 = arith.constant 32 : index
        %get3A_2242 = tpu.vector_load %get3A_2239[%get3A_2240, %get3A_2241] {strides = array<i32>} : memref<200x64xf32, #tpu.memory_space<vmem>>, vector<1x16xf32>,
        %get3A_2243 = vector.shape_cast %get3A_2242 : vector<1x16xf32> to vector<16xf32>
        %max3A_2244 = arith.maximumf %max3A_2206, %get3A_2243 : vector<16xf32>
        %get3A_2245 = arith.constant 0 : i32
        %get3A_2246 = arith.constant 0 : i32
        %get3A_2247 = tpu.memref_slice %arg8[%scan3A_1511, %get3A_2245, %get3A_2246] : memref<4x200x64xf32, #tpu.memory_space<vmem>> -> memref<1x200x64xf32, #tpu.memory_space<vmem>>
        %get3A_2248 = tpu.memref_squeeze %get3A_2247 : memref<1x200x64xf32, #tpu.memory_space<vmem>> -> memref<200x64xf32, #tpu.memory_space<vmem>>
        %get3A_2249 = arith.index_cast %scan3A_2217 : i32 to index
        %get3A_2250 = arith.constant 48 : index
        %get3A_2251 = tpu.vector_load %get3A_2248[%get3A_2249, %get3A_2250] {strides = array<i32>} : memref<200x64xf32, #tpu.memory_space<vmem>>, vector<1x16xf32>,
        %get3A_2252 = vector.shape_cast %get3A_2251 : vector<1x16xf32> to vector<16xf32>
        %max3A_2253 = arith.maximumf %max3A_2215, %get3A_2252 : vector<16xf32>
        scf.yield %max3A_2226, %max3A_2235, %max3A_2244, %max3A_2253 : vector<16xf32>, vector<16xf32>, vector<16xf32>, vector<16xf32>
      }
      %scan3A_1517 = arith.constant 200 : i32
      %get3A_1518 = arith.constant 0 : i32
      %get3A_1519 = arith.index_cast %get3A_1518 : i32 to index
      %get3A_1520 = arith.constant 0 : index
      %get3A_1521 = tpu.vector_load %arg9[%get3A_1519, %get3A_1520] {strides = array<i32>} : memref<2x64xf32, #tpu.memory_space<vmem>>, vector<1x16xf32>,
      %get3A_1522 = vector.shape_cast %get3A_1521 : vector<1x16xf32> to vector<16xf32>
      %mul3A_1523 = arith.mulf %scan3A_1516#0, %get3A_1522 : vector<16xf32>
      %get3A_1524 = arith.constant 0 : i32
      %get3A_1525 = arith.index_cast %get3A_1524 : i32 to index
      %get3A_1526 = arith.constant 16 : index
      %get3A_1527 = tpu.vector_load %arg9[%get3A_1525, %get3A_1526] {strides = array<i32>} : memref<2x64xf32, #tpu.memory_space<vmem>>, vector<1x16xf32>,
      %get3A_1528 = vector.shape_cast %get3A_1527 : vector<1x16xf32> to vector<16xf32>
      %mul3A_1529 = arith.mulf %scan3A_1516#1, %get3A_1528 : vector<16xf32>
      %add3A_1530 = arith.addf %mul3A_1523, %mul3A_1529 : vector<16xf32>
      %get3A_1531 = arith.constant 0 : i32
      %get3A_1532 = arith.index_cast %get3A_1531 : i32 to index
      %get3A_1533 = arith.constant 32 : index
      %get3A_1534 = tpu.vector_load %arg9[%get3A_1532, %get3A_1533] {strides = array<i32>} : memref<2x64xf32, #tpu.memory_space<vmem>>, vector<1x16xf32>,
      %get3A_1535 = vector.shape_cast %get3A_1534 : vector<1x16xf32> to vector<16xf32>
      %mul3A_1536 = arith.mulf %scan3A_1516#2, %get3A_1535 : vector<16xf32>
      %add3A_1537 = arith.addf %add3A_1530, %mul3A_1536 : vector<16xf32>
      %get3A_1538 = arith.constant 0 : i32
      %get3A_1539 = arith.index_cast %get3A_1538 : i32 to index
      %get3A_1540 = arith.constant 48 : index
      %get3A_1541 = tpu.vector_load %arg9[%get3A_1539, %get3A_1540] {strides = array<i32>} : memref<2x64xf32, #tpu.memory_space<vmem>>, vector<1x16xf32>,
      %get3A_1542 = vector.shape_cast %get3A_1541 : vector<1x16xf32> to vector<16xf32>
      %mul3A_1543 = arith.mulf %scan3A_1516#3, %get3A_1542 : vector<16xf32>
      %add3A_1544 = arith.addf %add3A_1537, %mul3A_1543 : vector<16xf32>
      %xor3A_1545 = arith.constant 8 : i32
      %xor3A_1546 = vector.broadcast %xor3A_1545 : i32 to vector<16xi32>
      %xor3A_1547 = arith.xori %iota3A, %xor3A_1546 : vector<16xi32>
      %reshape3A_1548 = vector.shape_cast %xor3A_1547 : vector<16xi32> to vector<16x1xi32>
      %gather3A_1549 = vector.shape_cast %reshape3A_1548 : vector<16x1xi32> to vector<16xi32>
      %gather3A_1550 = tpu.dynamic_gather %add3A_1544[%gather3A_1549] in [0] : vector<16xf32>, vector<16xi32> -> vector<16xf32>
      %add3A_1551 = arith.addf %add3A_1544, %gather3A_1550 : vector<16xf32>
      %xor3A_1552 = arith.constant 4 : i32
      %xor3A_1553 = vector.broadcast %xor3A_1552 : i32 to vector<16xi32>
      %xor3A_1554 = arith.xori %iota3A, %xor3A_1553 : vector<16xi32>
      %reshape3A_1555 = vector.shape_cast %xor3A_1554 : vector<16xi32> to vector<16x1xi32>
      %gather3A_1556 = vector.shape_cast %reshape3A_1555 : vector<16x1xi32> to vector<16xi32>
      %gather3A_1557 = tpu.dynamic_gather %add3A_1551[%gather3A_1556] in [0] : vector<16xf32>, vector<16xi32> -> vector<16xf32>
      %add3A_1558 = arith.addf %add3A_1551, %gather3A_1557 : vector<16xf32>
      %xor3A_1559 = arith.constant 2 : i32
      %xor3A_1560 = vector.broadcast %xor3A_1559 : i32 to vector<16xi32>
      %xor3A_1561 = arith.xori %iota3A, %xor3A_1560 : vector<16xi32>
      %reshape3A_1562 = vector.shape_cast %xor3A_1561 : vector<16xi32> to vector<16x1xi32>
      %gather3A_1563 = vector.shape_cast %reshape3A_1562 : vector<16x1xi32> to vector<16xi32>
      %gather3A_1564 = tpu.dynamic_gather %add3A_1558[%gather3A_1563] in [0] : vector<16xf32>, vector<16xi32> -> vector<16xf32>
      %add3A_1565 = arith.addf %add3A_1558, %gather3A_1564 : vector<16xf32>
      %xor3A_1566 = arith.constant 1 : i32
      %xor3A_1567 = vector.broadcast %xor3A_1566 : i32 to vector<16xi32>
      %xor3A_1568 = arith.xori %iota3A, %xor3A_1567 : vector<16xi32>
      %reshape3A_1569 = vector.shape_cast %xor3A_1568 : vector<16xi32> to vector<16x1xi32>
      %gather3A_1570 = vector.shape_cast %reshape3A_1569 : vector<16x1xi32> to vector<16xi32>
      %gather3A_1571 = tpu.dynamic_gather %add3A_1565[%gather3A_1570] in [0] : vector<16xf32>, vector<16xi32> -> vector<16xf32>
      %add3A_1572 = arith.addf %add3A_1565, %gather3A_1571 : vector<16xf32>
      %eq3A_1573 = arith.constant 10 : i32
      %eq3A_1574 = vector.broadcast %eq3A_1573 : i32 to vector<16xi32>
      %eq3A_1575 = arith.cmpi eq, %iota3A, %eq3A_1574 : vector<16xi32>
      %select_n3A_1576 = arith.select %eq3A_1575, %add3A_1572, %select_n3A_1482 : vector<16xi1>, vector<16xf32>
      %get3A_1577 = arith.constant 1 : i32
      %get3A_1578 = arith.index_cast %get3A_1577 : i32 to index
      %get3A_1579 = arith.constant 0 : index
      %get3A_1580 = tpu.vector_load %arg9[%get3A_1578, %get3A_1579] {strides = array<i32>} : memref<2x64xf32, #tpu.memory_space<vmem>>, vector<1x16xf32>,
      %get3A_1581 = vector.shape_cast %get3A_1580 : vector<1x16xf32> to vector<16xf32>
      %mul3A_1582 = arith.mulf %scan3A_1516#0, %get3A_1581 : vector<16xf32>
      %get3A_1583 = arith.constant 1 : i32
      %get3A_1584 = arith.index_cast %get3A_1583 : i32 to index
      %get3A_1585 = arith.constant 16 : index
      %get3A_1586 = tpu.vector_load %arg9[%get3A_1584, %get3A_1585] {strides = array<i32>} : memref<2x64xf32, #tpu.memory_space<vmem>>, vector<1x16xf32>,
      %get3A_1587 = vector.shape_cast %get3A_1586 : vector<1x16xf32> to vector<16xf32>
      %mul3A_1588 = arith.mulf %scan3A_1516#1, %get3A_1587 : vector<16xf32>
      %add3A_1589 = arith.addf %mul3A_1582, %mul3A_1588 : vector<16xf32>
      %get3A_1590 = arith.constant 1 : i32
      %get3A_1591 = arith.index_cast %get3A_1590 : i32 to index
      %get3A_1592 = arith.constant 32 : index
      %get3A_1593 = tpu.vector_load %arg9[%get3A_1591, %get3A_1592] {strides = array<i32>} : memref<2x64xf32, #tpu.memory_space<vmem>>, vector<1x16xf32>,
      %get3A_1594 = vector.shape_cast %get3A_1593 : vector<1x16xf32> to vector<16xf32>
      %mul3A_1595 = arith.mulf %scan3A_1516#2, %get3A_1594 : vector<16xf32>
      %add3A_1596 = arith.addf %add3A_1589, %mul3A_1595 : vector<16xf32>
      %get3A_1597 = arith.constant 1 : i32
      %get3A_1598 = arith.index_cast %get3A_1597 : i32 to index
      %get3A_1599 = arith.constant 48 : index
      %get3A_1600 = tpu.vector_load %arg9[%get3A_1598, %get3A_1599] {strides = array<i32>} : memref<2x64xf32, #tpu.memory_space<vmem>>, vector<1x16xf32>,
      %get3A_1601 = vector.shape_cast %get3A_1600 : vector<1x16xf32> to vector<16xf32>
      %mul3A_1602 = arith.mulf %scan3A_1516#3, %get3A_1601 : vector<16xf32>
      %add3A_1603 = arith.addf %add3A_1596, %mul3A_1602 : vector<16xf32>
      %xor3A_1604 = arith.constant 8 : i32
      %xor3A_1605 = vector.broadcast %xor3A_1604 : i32 to vector<16xi32>
      %xor3A_1606 = arith.xori %iota3A, %xor3A_1605 : vector<16xi32>
      %reshape3A_1607 = vector.shape_cast %xor3A_1606 : vector<16xi32> to vector<16x1xi32>
      %gather3A_1608 = vector.shape_cast %reshape3A_1607 : vector<16x1xi32> to vector<16xi32>
      %gather3A_1609 = tpu.dynamic_gather %add3A_1603[%gather3A_1608] in [0] : vector<16xf32>, vector<16xi32> -> vector<16xf32>
      %add3A_1610 = arith.addf %add3A_1603, %gather3A_1609 : vector<16xf32>
      %xor3A_1611 = arith.constant 4 : i32
      %xor3A_1612 = vector.broadcast %xor3A_1611 : i32 to vector<16xi32>
      %xor3A_1613 = arith.xori %iota3A, %xor3A_1612 : vector<16xi32>
      %reshape3A_1614 = vector.shape_cast %xor3A_1613 : vector<16xi32> to vector<16x1xi32>
      %gather3A_1615 = vector.shape_cast %reshape3A_1614 : vector<16x1xi32> to vector<16xi32>
      %gather3A_1616 = tpu.dynamic_gather %add3A_1610[%gather3A_1615] in [0] : vector<16xf32>, vector<16xi32> -> vector<16xf32>
      %add3A_1617 = arith.addf %add3A_1610, %gather3A_1616 : vector<16xf32>
      %xor3A_1618 = arith.constant 2 : i32
      %xor3A_1619 = vector.broadcast %xor3A_1618 : i32 to vector<16xi32>
      %xor3A_1620 = arith.xori %iota3A, %xor3A_1619 : vector<16xi32>
      %reshape3A_1621 = vector.shape_cast %xor3A_1620 : vector<16xi32> to vector<16x1xi32>
      %gather3A_1622 = vector.shape_cast %reshape3A_1621 : vector<16x1xi32> to vector<16xi32>
      %gather3A_1623 = tpu.dynamic_gather %add3A_1617[%gather3A_1622] in [0] : vector<16xf32>, vector<16xi32> -> vector<16xf32>
      %add3A_1624 = arith.addf %add3A_1617, %gather3A_1623 : vector<16xf32>
      %xor3A_1625 = arith.constant 1 : i32
      %xor3A_1626 = vector.broadcast %xor3A_1625 : i32 to vector<16xi32>
      %xor3A_1627 = arith.xori %iota3A, %xor3A_1626 : vector<16xi32>
      %reshape3A_1628 = vector.shape_cast %xor3A_1627 : vector<16xi32> to vector<16x1xi32>
      %gather3A_1629 = vector.shape_cast %reshape3A_1628 : vector<16x1xi32> to vector<16xi32>
      %gather3A_1630 = tpu.dynamic_gather %add3A_1624[%gather3A_1629] in [0] : vector<16xf32>, vector<16xi32> -> vector<16xf32>
      %add3A_1631 = arith.addf %add3A_1624, %gather3A_1630 : vector<16xf32>
      %eq3A_1632 = arith.constant 11 : i32
      %eq3A_1633 = vector.broadcast %eq3A_1632 : i32 to vector<16xi32>
      %eq3A_1634 = arith.cmpi eq, %iota3A, %eq3A_1633 : vector<16xi32>
      %select_n3A_1635 = arith.select %eq3A_1634, %add3A_1631, %select_n3A_1576 : vector<16xi1>, vector<16xf32>
      %dma_wait3A_1636 = arith.constant 2 : i32
      %dma_wait3A_1637 = arith.constant 2 : i32
      %dma_wait3A_1638 = arith.constant 0 : i32
      %dma_wait3A_1639 = arith.constant 0 : i32
      %dma_wait3A_1640 = tpu.memref_slice %arg8[%dma_wait3A_1636, %dma_wait3A_1638, %dma_wait3A_1639] : memref<4x200x64xf32, #tpu.memory_space<vmem>> -> memref<1x100x64xf32, #tpu.memory_space<vmem>>
      %dma_wait3A_1641 = tpu.memref_squeeze %dma_wait3A_1640 : memref<1x100x64xf32, #tpu.memory_space<vmem>> -> memref<100x64xf32, #tpu.memory_space<vmem>>
      %dma_wait3A_1642 = arith.constant 0 : i32
      %dma_wait3A_1643 = tpu.memref_slice %arg7[%mul3A_1110, %dma_wait3A_1642] : memref<256x100xi32, #tpu.memory_space<vmem>> -> memref<1x100xi32, #tpu.memory_space<vmem>>
      %dma_wait3A_1644 = tpu.memref_squeeze %dma_wait3A_1643 : memref<1x100xi32, #tpu.memory_space<vmem>> -> memref<100xi32, #tpu.memory_space<vmem>>
      %dma_wait3A_1645 = arith.constant 0 : i32
      %dma_wait3A_1646 = arith.constant 0 : i32
      %dma_wait3A_1647 = tpu.memref_slice %arg3[%dma_wait3A_1645, %dma_wait3A_1646] : memref<1000000x64xf32, #tpu.memory_space<hbm>> -> memref<1000000x64xf32, #tpu.memory_space<hbm>>
      %dma_wait3A_1648 = tpu.memref_slice %arg12[%dma_wait3A_1637] : memref<4x!tpu.dma_semaphore, #tpu.memory_space<semaphore_mem>> -> memref<1x!tpu.dma_semaphore, #tpu.memory_space<semaphore_mem>>
      %dma_wait3A_1649 = tpu.memref_squeeze %dma_wait3A_1648 : memref<1x!tpu.dma_semaphore, #tpu.memory_space<semaphore_mem>> -> memref<!tpu.dma_semaphore, #tpu.memory_space<semaphore_mem>>
      tpu.wait_indirect_dma semaphore(%dma_wait3A_1649 : memref<!tpu.dma_semaphore, #tpu.memory_space<semaphore_mem>>) src(%dma_wait3A_1647 : memref<1000000x64xf32, #tpu.memory_space<hbm>>) dst(%dma_wait3A_1641 : memref<100x64xf32, #tpu.memory_space<vmem>>)
      %dma_wait3A_1650 = arith.constant 2 : i32
      %dma_wait3A_1651 = arith.constant 2 : i32
      %dma_wait3A_1652 = arith.constant 100 : i32
      %dma_wait3A_1653 = arith.constant 0 : i32
      %dma_wait3A_1654 = tpu.memref_slice %arg8[%dma_wait3A_1650, %dma_wait3A_1652, %dma_wait3A_1653] : memref<4x200x64xf32, #tpu.memory_space<vmem>> -> memref<1x100x64xf32, #tpu.memory_space<vmem>>
      %dma_wait3A_1655 = tpu.memref_squeeze %dma_wait3A_1654 : memref<1x100x64xf32, #tpu.memory_space<vmem>> -> memref<100x64xf32, #tpu.memory_space<vmem>>
      %dma_wait3A_1656 = arith.constant 0 : i32
      %dma_wait3A_1657 = tpu.memref_slice %arg7[%add3A_1126, %dma_wait3A_1656] : memref<256x100xi32, #tpu.memory_space<vmem>> -> memref<1x100xi32, #tpu.memory_space<vmem>>
      %dma_wait3A_1658 = tpu.memref_squeeze %dma_wait3A_1657 : memref<1x100xi32, #tpu.memory_space<vmem>> -> memref<100xi32, #tpu.memory_space<vmem>>
      %dma_wait3A_1659 = arith.constant 0 : i32
      %dma_wait3A_1660 = arith.constant 0 : i32
      %dma_wait3A_1661 = tpu.memref_slice %arg3[%dma_wait3A_1659, %dma_wait3A_1660] : memref<1000000x64xf32, #tpu.memory_space<hbm>> -> memref<1000000x64xf32, #tpu.memory_space<hbm>>
      %dma_wait3A_1662 = tpu.memref_slice %arg12[%dma_wait3A_1651] : memref<4x!tpu.dma_semaphore, #tpu.memory_space<semaphore_mem>> -> memref<1x!tpu.dma_semaphore, #tpu.memory_space<semaphore_mem>>
      %dma_wait3A_1663 = tpu.memref_squeeze %dma_wait3A_1662 : memref<1x!tpu.dma_semaphore, #tpu.memory_space<semaphore_mem>> -> memref<!tpu.dma_semaphore, #tpu.memory_space<semaphore_mem>>
      tpu.wait_indirect_dma semaphore(%dma_wait3A_1663 : memref<!tpu.dma_semaphore, #tpu.memory_space<semaphore_mem>>) src(%dma_wait3A_1661 : memref<1000000x64xf32, #tpu.memory_space<hbm>>) dst(%dma_wait3A_1655 : memref<100x64xf32, #tpu.memory_space<vmem>>)
      %scan3A_1664 = arith.constant 2 : i32
      %scan3A_1665 = arith.constant 0 : i32
      %scan3A_1666 = arith.constant 200 : i32
      %scan3A_1667 = arith.addi %scan3A_1665, %scan3A_1666 : i32
      %scan3A_1668 = arith.constant 8 : i32
      %scan3A_1669:4 = scf.for %scan3A_1948 = %scan3A_1665 to %scan3A_1667 step %scan3A_1668 iter_args(%scan3A_1949 = %broadcast_in_dim3A_5, %scan3A_1950 = %broadcast_in_dim3A_5, %scan3A_1951 = %broadcast_in_dim3A_5, %scan3A_1952 = %broadcast_in_dim3A_5) -> (vector<16xf32>, vector<16xf32>, vector<16xf32>, vector<16xf32>)  : i32 {
        %get3A_1953 = arith.constant 0 : i32
        %get3A_1954 = arith.constant 0 : i32
        %get3A_1955 = tpu.memref_slice %arg8[%scan3A_1664, %get3A_1953, %get3A_1954] : memref<4x200x64xf32, #tpu.memory_space<vmem>> -> memref<1x200x64xf32, #tpu.memory_space<vmem>>
        %get3A_1956 = tpu.memref_squeeze %get3A_1955 : memref<1x200x64xf32, #tpu.memory_space<vmem>> -> memref<200x64xf32, #tpu.memory_space<vmem>>
        %get3A_1957 = arith.index_cast %scan3A_1948 : i32 to index
        %get3A_1958 = arith.constant 0 : index
        %get3A_1959 = tpu.vector_load %get3A_1956[%get3A_1957, %get3A_1958] {strides = array<i32>} : memref<200x64xf32, #tpu.memory_space<vmem>>, vector<1x16xf32>,
        %get3A_1960 = vector.shape_cast %get3A_1959 : vector<1x16xf32> to vector<16xf32>
        %max3A = arith.maximumf %scan3A_1949, %get3A_1960 : vector<16xf32>
        %get3A_1961 = arith.constant 0 : i32
        %get3A_1962 = arith.constant 0 : i32
        %get3A_1963 = tpu.memref_slice %arg8[%scan3A_1664, %get3A_1961, %get3A_1962] : memref<4x200x64xf32, #tpu.memory_space<vmem>> -> memref<1x200x64xf32, #tpu.memory_space<vmem>>
        %get3A_1964 = tpu.memref_squeeze %get3A_1963 : memref<1x200x64xf32, #tpu.memory_space<vmem>> -> memref<200x64xf32, #tpu.memory_space<vmem>>
        %get3A_1965 = arith.index_cast %scan3A_1948 : i32 to index
        %get3A_1966 = arith.constant 16 : index
        %get3A_1967 = tpu.vector_load %get3A_1964[%get3A_1965, %get3A_1966] {strides = array<i32>} : memref<200x64xf32, #tpu.memory_space<vmem>>, vector<1x16xf32>,
        %get3A_1968 = vector.shape_cast %get3A_1967 : vector<1x16xf32> to vector<16xf32>
        %max3A_1969 = arith.maximumf %scan3A_1950, %get3A_1968 : vector<16xf32>
        %get3A_1970 = arith.constant 0 : i32
        %get3A_1971 = arith.constant 0 : i32
        %get3A_1972 = tpu.memref_slice %arg8[%scan3A_1664, %get3A_1970, %get3A_1971] : memref<4x200x64xf32, #tpu.memory_space<vmem>> -> memref<1x200x64xf32, #tpu.memory_space<vmem>>
        %get3A_1973 = tpu.memref_squeeze %get3A_1972 : memref<1x200x64xf32, #tpu.memory_space<vmem>> -> memref<200x64xf32, #tpu.memory_space<vmem>>
        %get3A_1974 = arith.index_cast %scan3A_1948 : i32 to index
        %get3A_1975 = arith.constant 32 : index
        %get3A_1976 = tpu.vector_load %get3A_1973[%get3A_1974, %get3A_1975] {strides = array<i32>} : memref<200x64xf32, #tpu.memory_space<vmem>>, vector<1x16xf32>,
        %get3A_1977 = vector.shape_cast %get3A_1976 : vector<1x16xf32> to vector<16xf32>
        %max3A_1978 = arith.maximumf %scan3A_1951, %get3A_1977 : vector<16xf32>
        %get3A_1979 = arith.constant 0 : i32
        %get3A_1980 = arith.constant 0 : i32
        %get3A_1981 = tpu.memref_slice %arg8[%scan3A_1664, %get3A_1979, %get3A_1980] : memref<4x200x64xf32, #tpu.memory_space<vmem>> -> memref<1x200x64xf32, #tpu.memory_space<vmem>>
        %get3A_1982 = tpu.memref_squeeze %get3A_1981 : memref<1x200x64xf32, #tpu.memory_space<vmem>> -> memref<200x64xf32, #tpu.memory_space<vmem>>
        %get3A_1983 = arith.index_cast %scan3A_1948 : i32 to index
        %get3A_1984 = arith.constant 48 : index
        %get3A_1985 = tpu.vector_load %get3A_1982[%get3A_1983, %get3A_1984] {strides = array<i32>} : memref<200x64xf32, #tpu.memory_space<vmem>>, vector<1x16xf32>,
        %get3A_1986 = vector.shape_cast %get3A_1985 : vector<1x16xf32> to vector<16xf32>
        %max3A_1987 = arith.maximumf %scan3A_1952, %get3A_1986 : vector<16xf32>
        %scan3A_1988 = arith.constant 1 : i32
        %scan3A_1989 = arith.addi %scan3A_1948, %scan3A_1988 : i32
        %get3A_1990 = arith.constant 0 : i32
        %get3A_1991 = arith.constant 0 : i32
        %get3A_1992 = tpu.memref_slice %arg8[%scan3A_1664, %get3A_1990, %get3A_1991] : memref<4x200x64xf32, #tpu.memory_space<vmem>> -> memref<1x200x64xf32, #tpu.memory_space<vmem>>
        %get3A_1993 = tpu.memref_squeeze %get3A_1992 : memref<1x200x64xf32, #tpu.memory_space<vmem>> -> memref<200x64xf32, #tpu.memory_space<vmem>>
        %get3A_1994 = arith.index_cast %scan3A_1989 : i32 to index
        %get3A_1995 = arith.constant 0 : index
        %get3A_1996 = tpu.vector_load %get3A_1993[%get3A_1994, %get3A_1995] {strides = array<i32>} : memref<200x64xf32, #tpu.memory_space<vmem>>, vector<1x16xf32>,
        %get3A_1997 = vector.shape_cast %get3A_1996 : vector<1x16xf32> to vector<16xf32>
        %max3A_1998 = arith.maximumf %max3A, %get3A_1997 : vector<16xf32>
        %get3A_1999 = arith.constant 0 : i32
        %get3A_2000 = arith.constant 0 : i32
        %get3A_2001 = tpu.memref_slice %arg8[%scan3A_1664, %get3A_1999, %get3A_2000] : memref<4x200x64xf32, #tpu.memory_space<vmem>> -> memref<1x200x64xf32, #tpu.memory_space<vmem>>
        %get3A_2002 = tpu.memref_squeeze %get3A_2001 : memref<1x200x64xf32, #tpu.memory_space<vmem>> -> memref<200x64xf32, #tpu.memory_space<vmem>>
        %get3A_2003 = arith.index_cast %scan3A_1989 : i32 to index
        %get3A_2004 = arith.constant 16 : index
        %get3A_2005 = tpu.vector_load %get3A_2002[%get3A_2003, %get3A_2004] {strides = array<i32>} : memref<200x64xf32, #tpu.memory_space<vmem>>, vector<1x16xf32>,
        %get3A_2006 = vector.shape_cast %get3A_2005 : vector<1x16xf32> to vector<16xf32>
        %max3A_2007 = arith.maximumf %max3A_1969, %get3A_2006 : vector<16xf32>
        %get3A_2008 = arith.constant 0 : i32
        %get3A_2009 = arith.constant 0 : i32
        %get3A_2010 = tpu.memref_slice %arg8[%scan3A_1664, %get3A_2008, %get3A_2009] : memref<4x200x64xf32, #tpu.memory_space<vmem>> -> memref<1x200x64xf32, #tpu.memory_space<vmem>>
        %get3A_2011 = tpu.memref_squeeze %get3A_2010 : memref<1x200x64xf32, #tpu.memory_space<vmem>> -> memref<200x64xf32, #tpu.memory_space<vmem>>
        %get3A_2012 = arith.index_cast %scan3A_1989 : i32 to index
        %get3A_2013 = arith.constant 32 : index
        %get3A_2014 = tpu.vector_load %get3A_2011[%get3A_2012, %get3A_2013] {strides = array<i32>} : memref<200x64xf32, #tpu.memory_space<vmem>>, vector<1x16xf32>,
        %get3A_2015 = vector.shape_cast %get3A_2014 : vector<1x16xf32> to vector<16xf32>
        %max3A_2016 = arith.maximumf %max3A_1978, %get3A_2015 : vector<16xf32>
        %get3A_2017 = arith.constant 0 : i32
        %get3A_2018 = arith.constant 0 : i32
        %get3A_2019 = tpu.memref_slice %arg8[%scan3A_1664, %get3A_2017, %get3A_2018] : memref<4x200x64xf32, #tpu.memory_space<vmem>> -> memref<1x200x64xf32, #tpu.memory_space<vmem>>
        %get3A_2020 = tpu.memref_squeeze %get3A_2019 : memref<1x200x64xf32, #tpu.memory_space<vmem>> -> memref<200x64xf32, #tpu.memory_space<vmem>>
        %get3A_2021 = arith.index_cast %scan3A_1989 : i32 to index
        %get3A_2022 = arith.constant 48 : index
        %get3A_2023 = tpu.vector_load %get3A_2020[%get3A_2021, %get3A_2022] {strides = array<i32>} : memref<200x64xf32, #tpu.memory_space<vmem>>, vector<1x16xf32>,
        %get3A_2024 = vector.shape_cast %get3A_2023 : vector<1x16xf32> to vector<16xf32>
        %max3A_2025 = arith.maximumf %max3A_1987, %get3A_2024 : vector<16xf32>
        %scan3A_2026 = arith.constant 2 : i32
        %scan3A_2027 = arith.addi %scan3A_1948, %scan3A_2026 : i32
        %get3A_2028 = arith.constant 0 : i32
        %get3A_2029 = arith.constant 0 : i32
        %get3A_2030 = tpu.memref_slice %arg8[%scan3A_1664, %get3A_2028, %get3A_2029] : memref<4x200x64xf32, #tpu.memory_space<vmem>> -> memref<1x200x64xf32, #tpu.memory_space<vmem>>
        %get3A_2031 = tpu.memref_squeeze %get3A_2030 : memref<1x200x64xf32, #tpu.memory_space<vmem>> -> memref<200x64xf32, #tpu.memory_space<vmem>>
        %get3A_2032 = arith.index_cast %scan3A_2027 : i32 to index
        %get3A_2033 = arith.constant 0 : index
        %get3A_2034 = tpu.vector_load %get3A_2031[%get3A_2032, %get3A_2033] {strides = array<i32>} : memref<200x64xf32, #tpu.memory_space<vmem>>, vector<1x16xf32>,
        %get3A_2035 = vector.shape_cast %get3A_2034 : vector<1x16xf32> to vector<16xf32>
        %max3A_2036 = arith.maximumf %max3A_1998, %get3A_2035 : vector<16xf32>
        %get3A_2037 = arith.constant 0 : i32
        %get3A_2038 = arith.constant 0 : i32
        %get3A_2039 = tpu.memref_slice %arg8[%scan3A_1664, %get3A_2037, %get3A_2038] : memref<4x200x64xf32, #tpu.memory_space<vmem>> -> memref<1x200x64xf32, #tpu.memory_space<vmem>>
        %get3A_2040 = tpu.memref_squeeze %get3A_2039 : memref<1x200x64xf32, #tpu.memory_space<vmem>> -> memref<200x64xf32, #tpu.memory_space<vmem>>
        %get3A_2041 = arith.index_cast %scan3A_2027 : i32 to index
        %get3A_2042 = arith.constant 16 : index
        %get3A_2043 = tpu.vector_load %get3A_2040[%get3A_2041, %get3A_2042] {strides = array<i32>} : memref<200x64xf32, #tpu.memory_space<vmem>>, vector<1x16xf32>,
        %get3A_2044 = vector.shape_cast %get3A_2043 : vector<1x16xf32> to vector<16xf32>
        %max3A_2045 = arith.maximumf %max3A_2007, %get3A_2044 : vector<16xf32>
        %get3A_2046 = arith.constant 0 : i32
        %get3A_2047 = arith.constant 0 : i32
        %get3A_2048 = tpu.memref_slice %arg8[%scan3A_1664, %get3A_2046, %get3A_2047] : memref<4x200x64xf32, #tpu.memory_space<vmem>> -> memref<1x200x64xf32, #tpu.memory_space<vmem>>
        %get3A_2049 = tpu.memref_squeeze %get3A_2048 : memref<1x200x64xf32, #tpu.memory_space<vmem>> -> memref<200x64xf32, #tpu.memory_space<vmem>>
        %get3A_2050 = arith.index_cast %scan3A_2027 : i32 to index
        %get3A_2051 = arith.constant 32 : index
        %get3A_2052 = tpu.vector_load %get3A_2049[%get3A_2050, %get3A_2051] {strides = array<i32>} : memref<200x64xf32, #tpu.memory_space<vmem>>, vector<1x16xf32>,
        %get3A_2053 = vector.shape_cast %get3A_2052 : vector<1x16xf32> to vector<16xf32>
        %max3A_2054 = arith.maximumf %max3A_2016, %get3A_2053 : vector<16xf32>
        %get3A_2055 = arith.constant 0 : i32
        %get3A_2056 = arith.constant 0 : i32
        %get3A_2057 = tpu.memref_slice %arg8[%scan3A_1664, %get3A_2055, %get3A_2056] : memref<4x200x64xf32, #tpu.memory_space<vmem>> -> memref<1x200x64xf32, #tpu.memory_space<vmem>>
        %get3A_2058 = tpu.memref_squeeze %get3A_2057 : memref<1x200x64xf32, #tpu.memory_space<vmem>> -> memref<200x64xf32, #tpu.memory_space<vmem>>
        %get3A_2059 = arith.index_cast %scan3A_2027 : i32 to index
        %get3A_2060 = arith.constant 48 : index
        %get3A_2061 = tpu.vector_load %get3A_2058[%get3A_2059, %get3A_2060] {strides = array<i32>} : memref<200x64xf32, #tpu.memory_space<vmem>>, vector<1x16xf32>,
        %get3A_2062 = vector.shape_cast %get3A_2061 : vector<1x16xf32> to vector<16xf32>
        %max3A_2063 = arith.maximumf %max3A_2025, %get3A_2062 : vector<16xf32>
        %scan3A_2064 = arith.constant 3 : i32
        %scan3A_2065 = arith.addi %scan3A_1948, %scan3A_2064 : i32
        %get3A_2066 = arith.constant 0 : i32
        %get3A_2067 = arith.constant 0 : i32
        %get3A_2068 = tpu.memref_slice %arg8[%scan3A_1664, %get3A_2066, %get3A_2067] : memref<4x200x64xf32, #tpu.memory_space<vmem>> -> memref<1x200x64xf32, #tpu.memory_space<vmem>>
        %get3A_2069 = tpu.memref_squeeze %get3A_2068 : memref<1x200x64xf32, #tpu.memory_space<vmem>> -> memref<200x64xf32, #tpu.memory_space<vmem>>
        %get3A_2070 = arith.index_cast %scan3A_2065 : i32 to index
        %get3A_2071 = arith.constant 0 : index
        %get3A_2072 = tpu.vector_load %get3A_2069[%get3A_2070, %get3A_2071] {strides = array<i32>} : memref<200x64xf32, #tpu.memory_space<vmem>>, vector<1x16xf32>,
        %get3A_2073 = vector.shape_cast %get3A_2072 : vector<1x16xf32> to vector<16xf32>
        %max3A_2074 = arith.maximumf %max3A_2036, %get3A_2073 : vector<16xf32>
        %get3A_2075 = arith.constant 0 : i32
        %get3A_2076 = arith.constant 0 : i32
        %get3A_2077 = tpu.memref_slice %arg8[%scan3A_1664, %get3A_2075, %get3A_2076] : memref<4x200x64xf32, #tpu.memory_space<vmem>> -> memref<1x200x64xf32, #tpu.memory_space<vmem>>
        %get3A_2078 = tpu.memref_squeeze %get3A_2077 : memref<1x200x64xf32, #tpu.memory_space<vmem>> -> memref<200x64xf32, #tpu.memory_space<vmem>>
        %get3A_2079 = arith.index_cast %scan3A_2065 : i32 to index
        %get3A_2080 = arith.constant 16 : index
        %get3A_2081 = tpu.vector_load %get3A_2078[%get3A_2079, %get3A_2080] {strides = array<i32>} : memref<200x64xf32, #tpu.memory_space<vmem>>, vector<1x16xf32>,
        %get3A_2082 = vector.shape_cast %get3A_2081 : vector<1x16xf32> to vector<16xf32>
        %max3A_2083 = arith.maximumf %max3A_2045, %get3A_2082 : vector<16xf32>
        %get3A_2084 = arith.constant 0 : i32
        %get3A_2085 = arith.constant 0 : i32
        %get3A_2086 = tpu.memref_slice %arg8[%scan3A_1664, %get3A_2084, %get3A_2085] : memref<4x200x64xf32, #tpu.memory_space<vmem>> -> memref<1x200x64xf32, #tpu.memory_space<vmem>>
        %get3A_2087 = tpu.memref_squeeze %get3A_2086 : memref<1x200x64xf32, #tpu.memory_space<vmem>> -> memref<200x64xf32, #tpu.memory_space<vmem>>
        %get3A_2088 = arith.index_cast %scan3A_2065 : i32 to index
        %get3A_2089 = arith.constant 32 : index
        %get3A_2090 = tpu.vector_load %get3A_2087[%get3A_2088, %get3A_2089] {strides = array<i32>} : memref<200x64xf32, #tpu.memory_space<vmem>>, vector<1x16xf32>,
        %get3A_2091 = vector.shape_cast %get3A_2090 : vector<1x16xf32> to vector<16xf32>
        %max3A_2092 = arith.maximumf %max3A_2054, %get3A_2091 : vector<16xf32>
        %get3A_2093 = arith.constant 0 : i32
        %get3A_2094 = arith.constant 0 : i32
        %get3A_2095 = tpu.memref_slice %arg8[%scan3A_1664, %get3A_2093, %get3A_2094] : memref<4x200x64xf32, #tpu.memory_space<vmem>> -> memref<1x200x64xf32, #tpu.memory_space<vmem>>
        %get3A_2096 = tpu.memref_squeeze %get3A_2095 : memref<1x200x64xf32, #tpu.memory_space<vmem>> -> memref<200x64xf32, #tpu.memory_space<vmem>>
        %get3A_2097 = arith.index_cast %scan3A_2065 : i32 to index
        %get3A_2098 = arith.constant 48 : index
        %get3A_2099 = tpu.vector_load %get3A_2096[%get3A_2097, %get3A_2098] {strides = array<i32>} : memref<200x64xf32, #tpu.memory_space<vmem>>, vector<1x16xf32>,
        %get3A_2100 = vector.shape_cast %get3A_2099 : vector<1x16xf32> to vector<16xf32>
        %max3A_2101 = arith.maximumf %max3A_2063, %get3A_2100 : vector<16xf32>
        %scan3A_2102 = arith.constant 4 : i32
        %scan3A_2103 = arith.addi %scan3A_1948, %scan3A_2102 : i32
        %get3A_2104 = arith.constant 0 : i32
        %get3A_2105 = arith.constant 0 : i32
        %get3A_2106 = tpu.memref_slice %arg8[%scan3A_1664, %get3A_2104, %get3A_2105] : memref<4x200x64xf32, #tpu.memory_space<vmem>> -> memref<1x200x64xf32, #tpu.memory_space<vmem>>
        %get3A_2107 = tpu.memref_squeeze %get3A_2106 : memref<1x200x64xf32, #tpu.memory_space<vmem>> -> memref<200x64xf32, #tpu.memory_space<vmem>>
        %get3A_2108 = arith.index_cast %scan3A_2103 : i32 to index
        %get3A_2109 = arith.constant 0 : index
        %get3A_2110 = tpu.vector_load %get3A_2107[%get3A_2108, %get3A_2109] {strides = array<i32>} : memref<200x64xf32, #tpu.memory_space<vmem>>, vector<1x16xf32>,
        %get3A_2111 = vector.shape_cast %get3A_2110 : vector<1x16xf32> to vector<16xf32>
        %max3A_2112 = arith.maximumf %max3A_2074, %get3A_2111 : vector<16xf32>
        %get3A_2113 = arith.constant 0 : i32
        %get3A_2114 = arith.constant 0 : i32
        %get3A_2115 = tpu.memref_slice %arg8[%scan3A_1664, %get3A_2113, %get3A_2114] : memref<4x200x64xf32, #tpu.memory_space<vmem>> -> memref<1x200x64xf32, #tpu.memory_space<vmem>>
        %get3A_2116 = tpu.memref_squeeze %get3A_2115 : memref<1x200x64xf32, #tpu.memory_space<vmem>> -> memref<200x64xf32, #tpu.memory_space<vmem>>
        %get3A_2117 = arith.index_cast %scan3A_2103 : i32 to index
        %get3A_2118 = arith.constant 16 : index
        %get3A_2119 = tpu.vector_load %get3A_2116[%get3A_2117, %get3A_2118] {strides = array<i32>} : memref<200x64xf32, #tpu.memory_space<vmem>>, vector<1x16xf32>,
        %get3A_2120 = vector.shape_cast %get3A_2119 : vector<1x16xf32> to vector<16xf32>
        %max3A_2121 = arith.maximumf %max3A_2083, %get3A_2120 : vector<16xf32>
        %get3A_2122 = arith.constant 0 : i32
        %get3A_2123 = arith.constant 0 : i32
        %get3A_2124 = tpu.memref_slice %arg8[%scan3A_1664, %get3A_2122, %get3A_2123] : memref<4x200x64xf32, #tpu.memory_space<vmem>> -> memref<1x200x64xf32, #tpu.memory_space<vmem>>
        %get3A_2125 = tpu.memref_squeeze %get3A_2124 : memref<1x200x64xf32, #tpu.memory_space<vmem>> -> memref<200x64xf32, #tpu.memory_space<vmem>>
        %get3A_2126 = arith.index_cast %scan3A_2103 : i32 to index
        %get3A_2127 = arith.constant 32 : index
        %get3A_2128 = tpu.vector_load %get3A_2125[%get3A_2126, %get3A_2127] {strides = array<i32>} : memref<200x64xf32, #tpu.memory_space<vmem>>, vector<1x16xf32>,
        %get3A_2129 = vector.shape_cast %get3A_2128 : vector<1x16xf32> to vector<16xf32>
        %max3A_2130 = arith.maximumf %max3A_2092, %get3A_2129 : vector<16xf32>
        %get3A_2131 = arith.constant 0 : i32
        %get3A_2132 = arith.constant 0 : i32
        %get3A_2133 = tpu.memref_slice %arg8[%scan3A_1664, %get3A_2131, %get3A_2132] : memref<4x200x64xf32, #tpu.memory_space<vmem>> -> memref<1x200x64xf32, #tpu.memory_space<vmem>>
        %get3A_2134 = tpu.memref_squeeze %get3A_2133 : memref<1x200x64xf32, #tpu.memory_space<vmem>> -> memref<200x64xf32, #tpu.memory_space<vmem>>
        %get3A_2135 = arith.index_cast %scan3A_2103 : i32 to index
        %get3A_2136 = arith.constant 48 : index
        %get3A_2137 = tpu.vector_load %get3A_2134[%get3A_2135, %get3A_2136] {strides = array<i32>} : memref<200x64xf32, #tpu.memory_space<vmem>>, vector<1x16xf32>,
        %get3A_2138 = vector.shape_cast %get3A_2137 : vector<1x16xf32> to vector<16xf32>
        %max3A_2139 = arith.maximumf %max3A_2101, %get3A_2138 : vector<16xf32>
        %scan3A_2140 = arith.constant 5 : i32
        %scan3A_2141 = arith.addi %scan3A_1948, %scan3A_2140 : i32
        %get3A_2142 = arith.constant 0 : i32
        %get3A_2143 = arith.constant 0 : i32
        %get3A_2144 = tpu.memref_slice %arg8[%scan3A_1664, %get3A_2142, %get3A_2143] : memref<4x200x64xf32, #tpu.memory_space<vmem>> -> memref<1x200x64xf32, #tpu.memory_space<vmem>>
        %get3A_2145 = tpu.memref_squeeze %get3A_2144 : memref<1x200x64xf32, #tpu.memory_space<vmem>> -> memref<200x64xf32, #tpu.memory_space<vmem>>
        %get3A_2146 = arith.index_cast %scan3A_2141 : i32 to index
        %get3A_2147 = arith.constant 0 : index
        %get3A_2148 = tpu.vector_load %get3A_2145[%get3A_2146, %get3A_2147] {strides = array<i32>} : memref<200x64xf32, #tpu.memory_space<vmem>>, vector<1x16xf32>,
        %get3A_2149 = vector.shape_cast %get3A_2148 : vector<1x16xf32> to vector<16xf32>
        %max3A_2150 = arith.maximumf %max3A_2112, %get3A_2149 : vector<16xf32>
        %get3A_2151 = arith.constant 0 : i32
        %get3A_2152 = arith.constant 0 : i32
        %get3A_2153 = tpu.memref_slice %arg8[%scan3A_1664, %get3A_2151, %get3A_2152] : memref<4x200x64xf32, #tpu.memory_space<vmem>> -> memref<1x200x64xf32, #tpu.memory_space<vmem>>
        %get3A_2154 = tpu.memref_squeeze %get3A_2153 : memref<1x200x64xf32, #tpu.memory_space<vmem>> -> memref<200x64xf32, #tpu.memory_space<vmem>>
        %get3A_2155 = arith.index_cast %scan3A_2141 : i32 to index
        %get3A_2156 = arith.constant 16 : index
        %get3A_2157 = tpu.vector_load %get3A_2154[%get3A_2155, %get3A_2156] {strides = array<i32>} : memref<200x64xf32, #tpu.memory_space<vmem>>, vector<1x16xf32>,
        %get3A_2158 = vector.shape_cast %get3A_2157 : vector<1x16xf32> to vector<16xf32>
        %max3A_2159 = arith.maximumf %max3A_2121, %get3A_2158 : vector<16xf32>
        %get3A_2160 = arith.constant 0 : i32
        %get3A_2161 = arith.constant 0 : i32
        %get3A_2162 = tpu.memref_slice %arg8[%scan3A_1664, %get3A_2160, %get3A_2161] : memref<4x200x64xf32, #tpu.memory_space<vmem>> -> memref<1x200x64xf32, #tpu.memory_space<vmem>>
        %get3A_2163 = tpu.memref_squeeze %get3A_2162 : memref<1x200x64xf32, #tpu.memory_space<vmem>> -> memref<200x64xf32, #tpu.memory_space<vmem>>
        %get3A_2164 = arith.index_cast %scan3A_2141 : i32 to index
        %get3A_2165 = arith.constant 32 : index
        %get3A_2166 = tpu.vector_load %get3A_2163[%get3A_2164, %get3A_2165] {strides = array<i32>} : memref<200x64xf32, #tpu.memory_space<vmem>>, vector<1x16xf32>,
        %get3A_2167 = vector.shape_cast %get3A_2166 : vector<1x16xf32> to vector<16xf32>
        %max3A_2168 = arith.maximumf %max3A_2130, %get3A_2167 : vector<16xf32>
        %get3A_2169 = arith.constant 0 : i32
        %get3A_2170 = arith.constant 0 : i32
        %get3A_2171 = tpu.memref_slice %arg8[%scan3A_1664, %get3A_2169, %get3A_2170] : memref<4x200x64xf32, #tpu.memory_space<vmem>> -> memref<1x200x64xf32, #tpu.memory_space<vmem>>
        %get3A_2172 = tpu.memref_squeeze %get3A_2171 : memref<1x200x64xf32, #tpu.memory_space<vmem>> -> memref<200x64xf32, #tpu.memory_space<vmem>>
        %get3A_2173 = arith.index_cast %scan3A_2141 : i32 to index
        %get3A_2174 = arith.constant 48 : index
        %get3A_2175 = tpu.vector_load %get3A_2172[%get3A_2173, %get3A_2174] {strides = array<i32>} : memref<200x64xf32, #tpu.memory_space<vmem>>, vector<1x16xf32>,
        %get3A_2176 = vector.shape_cast %get3A_2175 : vector<1x16xf32> to vector<16xf32>
        %max3A_2177 = arith.maximumf %max3A_2139, %get3A_2176 : vector<16xf32>
        %scan3A_2178 = arith.constant 6 : i32
        %scan3A_2179 = arith.addi %scan3A_1948, %scan3A_2178 : i32
        %get3A_2180 = arith.constant 0 : i32
        %get3A_2181 = arith.constant 0 : i32
        %get3A_2182 = tpu.memref_slice %arg8[%scan3A_1664, %get3A_2180, %get3A_2181] : memref<4x200x64xf32, #tpu.memory_space<vmem>> -> memref<1x200x64xf32, #tpu.memory_space<vmem>>
        %get3A_2183 = tpu.memref_squeeze %get3A_2182 : memref<1x200x64xf32, #tpu.memory_space<vmem>> -> memref<200x64xf32, #tpu.memory_space<vmem>>
        %get3A_2184 = arith.index_cast %scan3A_2179 : i32 to index
        %get3A_2185 = arith.constant 0 : index
        %get3A_2186 = tpu.vector_load %get3A_2183[%get3A_2184, %get3A_2185] {strides = array<i32>} : memref<200x64xf32, #tpu.memory_space<vmem>>, vector<1x16xf32>,
        %get3A_2187 = vector.shape_cast %get3A_2186 : vector<1x16xf32> to vector<16xf32>
        %max3A_2188 = arith.maximumf %max3A_2150, %get3A_2187 : vector<16xf32>
        %get3A_2189 = arith.constant 0 : i32
        %get3A_2190 = arith.constant 0 : i32
        %get3A_2191 = tpu.memref_slice %arg8[%scan3A_1664, %get3A_2189, %get3A_2190] : memref<4x200x64xf32, #tpu.memory_space<vmem>> -> memref<1x200x64xf32, #tpu.memory_space<vmem>>
        %get3A_2192 = tpu.memref_squeeze %get3A_2191 : memref<1x200x64xf32, #tpu.memory_space<vmem>> -> memref<200x64xf32, #tpu.memory_space<vmem>>
        %get3A_2193 = arith.index_cast %scan3A_2179 : i32 to index
        %get3A_2194 = arith.constant 16 : index
        %get3A_2195 = tpu.vector_load %get3A_2192[%get3A_2193, %get3A_2194] {strides = array<i32>} : memref<200x64xf32, #tpu.memory_space<vmem>>, vector<1x16xf32>,
        %get3A_2196 = vector.shape_cast %get3A_2195 : vector<1x16xf32> to vector<16xf32>
        %max3A_2197 = arith.maximumf %max3A_2159, %get3A_2196 : vector<16xf32>
        %get3A_2198 = arith.constant 0 : i32
        %get3A_2199 = arith.constant 0 : i32
        %get3A_2200 = tpu.memref_slice %arg8[%scan3A_1664, %get3A_2198, %get3A_2199] : memref<4x200x64xf32, #tpu.memory_space<vmem>> -> memref<1x200x64xf32, #tpu.memory_space<vmem>>
        %get3A_2201 = tpu.memref_squeeze %get3A_2200 : memref<1x200x64xf32, #tpu.memory_space<vmem>> -> memref<200x64xf32, #tpu.memory_space<vmem>>
        %get3A_2202 = arith.index_cast %scan3A_2179 : i32 to index
        %get3A_2203 = arith.constant 32 : index
        %get3A_2204 = tpu.vector_load %get3A_2201[%get3A_2202, %get3A_2203] {strides = array<i32>} : memref<200x64xf32, #tpu.memory_space<vmem>>, vector<1x16xf32>,
        %get3A_2205 = vector.shape_cast %get3A_2204 : vector<1x16xf32> to vector<16xf32>
        %max3A_2206 = arith.maximumf %max3A_2168, %get3A_2205 : vector<16xf32>
        %get3A_2207 = arith.constant 0 : i32
        %get3A_2208 = arith.constant 0 : i32
        %get3A_2209 = tpu.memref_slice %arg8[%scan3A_1664, %get3A_2207, %get3A_2208] : memref<4x200x64xf32, #tpu.memory_space<vmem>> -> memref<1x200x64xf32, #tpu.memory_space<vmem>>
        %get3A_2210 = tpu.memref_squeeze %get3A_2209 : memref<1x200x64xf32, #tpu.memory_space<vmem>> -> memref<200x64xf32, #tpu.memory_space<vmem>>
        %get3A_2211 = arith.index_cast %scan3A_2179 : i32 to index
        %get3A_2212 = arith.constant 48 : index
        %get3A_2213 = tpu.vector_load %get3A_2210[%get3A_2211, %get3A_2212] {strides = array<i32>} : memref<200x64xf32, #tpu.memory_space<vmem>>, vector<1x16xf32>,
        %get3A_2214 = vector.shape_cast %get3A_2213 : vector<1x16xf32> to vector<16xf32>
        %max3A_2215 = arith.maximumf %max3A_2177, %get3A_2214 : vector<16xf32>
        %scan3A_2216 = arith.constant 7 : i32
        %scan3A_2217 = arith.addi %scan3A_1948, %scan3A_2216 : i32
        %get3A_2218 = arith.constant 0 : i32
        %get3A_2219 = arith.constant 0 : i32
        %get3A_2220 = tpu.memref_slice %arg8[%scan3A_1664, %get3A_2218, %get3A_2219] : memref<4x200x64xf32, #tpu.memory_space<vmem>> -> memref<1x200x64xf32, #tpu.memory_space<vmem>>
        %get3A_2221 = tpu.memref_squeeze %get3A_2220 : memref<1x200x64xf32, #tpu.memory_space<vmem>> -> memref<200x64xf32, #tpu.memory_space<vmem>>
        %get3A_2222 = arith.index_cast %scan3A_2217 : i32 to index
        %get3A_2223 = arith.constant 0 : index
        %get3A_2224 = tpu.vector_load %get3A_2221[%get3A_2222, %get3A_2223] {strides = array<i32>} : memref<200x64xf32, #tpu.memory_space<vmem>>, vector<1x16xf32>,
        %get3A_2225 = vector.shape_cast %get3A_2224 : vector<1x16xf32> to vector<16xf32>
        %max3A_2226 = arith.maximumf %max3A_2188, %get3A_2225 : vector<16xf32>
        %get3A_2227 = arith.constant 0 : i32
        %get3A_2228 = arith.constant 0 : i32
        %get3A_2229 = tpu.memref_slice %arg8[%scan3A_1664, %get3A_2227, %get3A_2228] : memref<4x200x64xf32, #tpu.memory_space<vmem>> -> memref<1x200x64xf32, #tpu.memory_space<vmem>>
        %get3A_2230 = tpu.memref_squeeze %get3A_2229 : memref<1x200x64xf32, #tpu.memory_space<vmem>> -> memref<200x64xf32, #tpu.memory_space<vmem>>
        %get3A_2231 = arith.index_cast %scan3A_2217 : i32 to index
        %get3A_2232 = arith.constant 16 : index
        %get3A_2233 = tpu.vector_load %get3A_2230[%get3A_2231, %get3A_2232] {strides = array<i32>} : memref<200x64xf32, #tpu.memory_space<vmem>>, vector<1x16xf32>,
        %get3A_2234 = vector.shape_cast %get3A_2233 : vector<1x16xf32> to vector<16xf32>
        %max3A_2235 = arith.maximumf %max3A_2197, %get3A_2234 : vector<16xf32>
        %get3A_2236 = arith.constant 0 : i32
        %get3A_2237 = arith.constant 0 : i32
        %get3A_2238 = tpu.memref_slice %arg8[%scan3A_1664, %get3A_2236, %get3A_2237] : memref<4x200x64xf32, #tpu.memory_space<vmem>> -> memref<1x200x64xf32, #tpu.memory_space<vmem>>
        %get3A_2239 = tpu.memref_squeeze %get3A_2238 : memref<1x200x64xf32, #tpu.memory_space<vmem>> -> memref<200x64xf32, #tpu.memory_space<vmem>>
        %get3A_2240 = arith.index_cast %scan3A_2217 : i32 to index
        %get3A_2241 = arith.constant 32 : index
        %get3A_2242 = tpu.vector_load %get3A_2239[%get3A_2240, %get3A_2241] {strides = array<i32>} : memref<200x64xf32, #tpu.memory_space<vmem>>, vector<1x16xf32>,
        %get3A_2243 = vector.shape_cast %get3A_2242 : vector<1x16xf32> to vector<16xf32>
        %max3A_2244 = arith.maximumf %max3A_2206, %get3A_2243 : vector<16xf32>
        %get3A_2245 = arith.constant 0 : i32
        %get3A_2246 = arith.constant 0 : i32
        %get3A_2247 = tpu.memref_slice %arg8[%scan3A_1664, %get3A_2245, %get3A_2246] : memref<4x200x64xf32, #tpu.memory_space<vmem>> -> memref<1x200x64xf32, #tpu.memory_space<vmem>>
        %get3A_2248 = tpu.memref_squeeze %get3A_2247 : memref<1x200x64xf32, #tpu.memory_space<vmem>> -> memref<200x64xf32, #tpu.memory_space<vmem>>
        %get3A_2249 = arith.index_cast %scan3A_2217 : i32 to index
        %get3A_2250 = arith.constant 48 : index
        %get3A_2251 = tpu.vector_load %get3A_2248[%get3A_2249, %get3A_2250] {strides = array<i32>} : memref<200x64xf32, #tpu.memory_space<vmem>>, vector<1x16xf32>,
        %get3A_2252 = vector.shape_cast %get3A_2251 : vector<1x16xf32> to vector<16xf32>
        %max3A_2253 = arith.maximumf %max3A_2215, %get3A_2252 : vector<16xf32>
        scf.yield %max3A_2226, %max3A_2235, %max3A_2244, %max3A_2253 : vector<16xf32>, vector<16xf32>, vector<16xf32>, vector<16xf32>
      }
      %scan3A_1670 = arith.constant 200 : i32
      %get3A_1671 = arith.constant 0 : i32
      %get3A_1672 = arith.index_cast %get3A_1671 : i32 to index
      %get3A_1673 = arith.constant 0 : index
      %get3A_1674 = tpu.vector_load %arg9[%get3A_1672, %get3A_1673] {strides = array<i32>} : memref<2x64xf32, #tpu.memory_space<vmem>>, vector<1x16xf32>,
      %get3A_1675 = vector.shape_cast %get3A_1674 : vector<1x16xf32> to vector<16xf32>
      %mul3A_1676 = arith.mulf %scan3A_1669#0, %get3A_1675 : vector<16xf32>
      %get3A_1677 = arith.constant 0 : i32
      %get3A_1678 = arith.index_cast %get3A_1677 : i32 to index
      %get3A_1679 = arith.constant 16 : index
      %get3A_1680 = tpu.vector_load %arg9[%get3A_1678, %get3A_1679] {strides = array<i32>} : memref<2x64xf32, #tpu.memory_space<vmem>>, vector<1x16xf32>,
      %get3A_1681 = vector.shape_cast %get3A_1680 : vector<1x16xf32> to vector<16xf32>
      %mul3A_1682 = arith.mulf %scan3A_1669#1, %get3A_1681 : vector<16xf32>
      %add3A_1683 = arith.addf %mul3A_1676, %mul3A_1682 : vector<16xf32>
      %get3A_1684 = arith.constant 0 : i32
      %get3A_1685 = arith.index_cast %get3A_1684 : i32 to index
      %get3A_1686 = arith.constant 32 : index
      %get3A_1687 = tpu.vector_load %arg9[%get3A_1685, %get3A_1686] {strides = array<i32>} : memref<2x64xf32, #tpu.memory_space<vmem>>, vector<1x16xf32>,
      %get3A_1688 = vector.shape_cast %get3A_1687 : vector<1x16xf32> to vector<16xf32>
      %mul3A_1689 = arith.mulf %scan3A_1669#2, %get3A_1688 : vector<16xf32>
      %add3A_1690 = arith.addf %add3A_1683, %mul3A_1689 : vector<16xf32>
      %get3A_1691 = arith.constant 0 : i32
      %get3A_1692 = arith.index_cast %get3A_1691 : i32 to index
      %get3A_1693 = arith.constant 48 : index
      %get3A_1694 = tpu.vector_load %arg9[%get3A_1692, %get3A_1693] {strides = array<i32>} : memref<2x64xf32, #tpu.memory_space<vmem>>, vector<1x16xf32>,
      %get3A_1695 = vector.shape_cast %get3A_1694 : vector<1x16xf32> to vector<16xf32>
      %mul3A_1696 = arith.mulf %scan3A_1669#3, %get3A_1695 : vector<16xf32>
      %add3A_1697 = arith.addf %add3A_1690, %mul3A_1696 : vector<16xf32>
      %xor3A_1698 = arith.constant 8 : i32
      %xor3A_1699 = vector.broadcast %xor3A_1698 : i32 to vector<16xi32>
      %xor3A_1700 = arith.xori %iota3A, %xor3A_1699 : vector<16xi32>
      %reshape3A_1701 = vector.shape_cast %xor3A_1700 : vector<16xi32> to vector<16x1xi32>
      %gather3A_1702 = vector.shape_cast %reshape3A_1701 : vector<16x1xi32> to vector<16xi32>
      %gather3A_1703 = tpu.dynamic_gather %add3A_1697[%gather3A_1702] in [0] : vector<16xf32>, vector<16xi32> -> vector<16xf32>
      %add3A_1704 = arith.addf %add3A_1697, %gather3A_1703 : vector<16xf32>
      %xor3A_1705 = arith.constant 4 : i32
      %xor3A_1706 = vector.broadcast %xor3A_1705 : i32 to vector<16xi32>
      %xor3A_1707 = arith.xori %iota3A, %xor3A_1706 : vector<16xi32>
      %reshape3A_1708 = vector.shape_cast %xor3A_1707 : vector<16xi32> to vector<16x1xi32>
      %gather3A_1709 = vector.shape_cast %reshape3A_1708 : vector<16x1xi32> to vector<16xi32>
      %gather3A_1710 = tpu.dynamic_gather %add3A_1704[%gather3A_1709] in [0] : vector<16xf32>, vector<16xi32> -> vector<16xf32>
      %add3A_1711 = arith.addf %add3A_1704, %gather3A_1710 : vector<16xf32>
      %xor3A_1712 = arith.constant 2 : i32
      %xor3A_1713 = vector.broadcast %xor3A_1712 : i32 to vector<16xi32>
      %xor3A_1714 = arith.xori %iota3A, %xor3A_1713 : vector<16xi32>
      %reshape3A_1715 = vector.shape_cast %xor3A_1714 : vector<16xi32> to vector<16x1xi32>
      %gather3A_1716 = vector.shape_cast %reshape3A_1715 : vector<16x1xi32> to vector<16xi32>
      %gather3A_1717 = tpu.dynamic_gather %add3A_1711[%gather3A_1716] in [0] : vector<16xf32>, vector<16xi32> -> vector<16xf32>
      %add3A_1718 = arith.addf %add3A_1711, %gather3A_1717 : vector<16xf32>
      %xor3A_1719 = arith.constant 1 : i32
      %xor3A_1720 = vector.broadcast %xor3A_1719 : i32 to vector<16xi32>
      %xor3A_1721 = arith.xori %iota3A, %xor3A_1720 : vector<16xi32>
      %reshape3A_1722 = vector.shape_cast %xor3A_1721 : vector<16xi32> to vector<16x1xi32>
      %gather3A_1723 = vector.shape_cast %reshape3A_1722 : vector<16x1xi32> to vector<16xi32>
      %gather3A_1724 = tpu.dynamic_gather %add3A_1718[%gather3A_1723] in [0] : vector<16xf32>, vector<16xi32> -> vector<16xf32>
      %add3A_1725 = arith.addf %add3A_1718, %gather3A_1724 : vector<16xf32>
      %eq3A_1726 = arith.constant 12 : i32
      %eq3A_1727 = vector.broadcast %eq3A_1726 : i32 to vector<16xi32>
      %eq3A_1728 = arith.cmpi eq, %iota3A, %eq3A_1727 : vector<16xi32>
      %select_n3A_1729 = arith.select %eq3A_1728, %add3A_1725, %select_n3A_1635 : vector<16xi1>, vector<16xf32>
      %get3A_1730 = arith.constant 1 : i32
      %get3A_1731 = arith.index_cast %get3A_1730 : i32 to index
      %get3A_1732 = arith.constant 0 : index
      %get3A_1733 = tpu.vector_load %arg9[%get3A_1731, %get3A_1732] {strides = array<i32>} : memref<2x64xf32, #tpu.memory_space<vmem>>, vector<1x16xf32>,
      %get3A_1734 = vector.shape_cast %get3A_1733 : vector<1x16xf32> to vector<16xf32>
      %mul3A_1735 = arith.mulf %scan3A_1669#0, %get3A_1734 : vector<16xf32>
      %get3A_1736 = arith.constant 1 : i32
      %get3A_1737 = arith.index_cast %get3A_1736 : i32 to index
      %get3A_1738 = arith.constant 16 : index
      %get3A_1739 = tpu.vector_load %arg9[%get3A_1737, %get3A_1738] {strides = array<i32>} : memref<2x64xf32, #tpu.memory_space<vmem>>, vector<1x16xf32>,
      %get3A_1740 = vector.shape_cast %get3A_1739 : vector<1x16xf32> to vector<16xf32>
      %mul3A_1741 = arith.mulf %scan3A_1669#1, %get3A_1740 : vector<16xf32>
      %add3A_1742 = arith.addf %mul3A_1735, %mul3A_1741 : vector<16xf32>
      %get3A_1743 = arith.constant 1 : i32
      %get3A_1744 = arith.index_cast %get3A_1743 : i32 to index
      %get3A_1745 = arith.constant 32 : index
      %get3A_1746 = tpu.vector_load %arg9[%get3A_1744, %get3A_1745] {strides = array<i32>} : memref<2x64xf32, #tpu.memory_space<vmem>>, vector<1x16xf32>,
      %get3A_1747 = vector.shape_cast %get3A_1746 : vector<1x16xf32> to vector<16xf32>
      %mul3A_1748 = arith.mulf %scan3A_1669#2, %get3A_1747 : vector<16xf32>
      %add3A_1749 = arith.addf %add3A_1742, %mul3A_1748 : vector<16xf32>
      %get3A_1750 = arith.constant 1 : i32
      %get3A_1751 = arith.index_cast %get3A_1750 : i32 to index
      %get3A_1752 = arith.constant 48 : index
      %get3A_1753 = tpu.vector_load %arg9[%get3A_1751, %get3A_1752] {strides = array<i32>} : memref<2x64xf32, #tpu.memory_space<vmem>>, vector<1x16xf32>,
      %get3A_1754 = vector.shape_cast %get3A_1753 : vector<1x16xf32> to vector<16xf32>
      %mul3A_1755 = arith.mulf %scan3A_1669#3, %get3A_1754 : vector<16xf32>
      %add3A_1756 = arith.addf %add3A_1749, %mul3A_1755 : vector<16xf32>
      %xor3A_1757 = arith.constant 8 : i32
      %xor3A_1758 = vector.broadcast %xor3A_1757 : i32 to vector<16xi32>
      %xor3A_1759 = arith.xori %iota3A, %xor3A_1758 : vector<16xi32>
      %reshape3A_1760 = vector.shape_cast %xor3A_1759 : vector<16xi32> to vector<16x1xi32>
      %gather3A_1761 = vector.shape_cast %reshape3A_1760 : vector<16x1xi32> to vector<16xi32>
      %gather3A_1762 = tpu.dynamic_gather %add3A_1756[%gather3A_1761] in [0] : vector<16xf32>, vector<16xi32> -> vector<16xf32>
      %add3A_1763 = arith.addf %add3A_1756, %gather3A_1762 : vector<16xf32>
      %xor3A_1764 = arith.constant 4 : i32
      %xor3A_1765 = vector.broadcast %xor3A_1764 : i32 to vector<16xi32>
      %xor3A_1766 = arith.xori %iota3A, %xor3A_1765 : vector<16xi32>
      %reshape3A_1767 = vector.shape_cast %xor3A_1766 : vector<16xi32> to vector<16x1xi32>
      %gather3A_1768 = vector.shape_cast %reshape3A_1767 : vector<16x1xi32> to vector<16xi32>
      %gather3A_1769 = tpu.dynamic_gather %add3A_1763[%gather3A_1768] in [0] : vector<16xf32>, vector<16xi32> -> vector<16xf32>
      %add3A_1770 = arith.addf %add3A_1763, %gather3A_1769 : vector<16xf32>
      %xor3A_1771 = arith.constant 2 : i32
      %xor3A_1772 = vector.broadcast %xor3A_1771 : i32 to vector<16xi32>
      %xor3A_1773 = arith.xori %iota3A, %xor3A_1772 : vector<16xi32>
      %reshape3A_1774 = vector.shape_cast %xor3A_1773 : vector<16xi32> to vector<16x1xi32>
      %gather3A_1775 = vector.shape_cast %reshape3A_1774 : vector<16x1xi32> to vector<16xi32>
      %gather3A_1776 = tpu.dynamic_gather %add3A_1770[%gather3A_1775] in [0] : vector<16xf32>, vector<16xi32> -> vector<16xf32>
      %add3A_1777 = arith.addf %add3A_1770, %gather3A_1776 : vector<16xf32>
      %xor3A_1778 = arith.constant 1 : i32
      %xor3A_1779 = vector.broadcast %xor3A_1778 : i32 to vector<16xi32>
      %xor3A_1780 = arith.xori %iota3A, %xor3A_1779 : vector<16xi32>
      %reshape3A_1781 = vector.shape_cast %xor3A_1780 : vector<16xi32> to vector<16x1xi32>
      %gather3A_1782 = vector.shape_cast %reshape3A_1781 : vector<16x1xi32> to vector<16xi32>
      %gather3A_1783 = tpu.dynamic_gather %add3A_1777[%gather3A_1782] in [0] : vector<16xf32>, vector<16xi32> -> vector<16xf32>
      %add3A_1784 = arith.addf %add3A_1777, %gather3A_1783 : vector<16xf32>
      %eq3A_1785 = arith.constant 13 : i32
      %eq3A_1786 = vector.broadcast %eq3A_1785 : i32 to vector<16xi32>
      %eq3A_1787 = arith.cmpi eq, %iota3A, %eq3A_1786 : vector<16xi32>
      %select_n3A_1788 = arith.select %eq3A_1787, %add3A_1784, %select_n3A_1729 : vector<16xi1>, vector<16xf32>
      %dma_wait3A_1789 = arith.constant 3 : i32
      %dma_wait3A_1790 = arith.constant 3 : i32
      %dma_wait3A_1791 = arith.constant 0 : i32
      %dma_wait3A_1792 = arith.constant 0 : i32
      %dma_wait3A_1793 = tpu.memref_slice %arg8[%dma_wait3A_1789, %dma_wait3A_1791, %dma_wait3A_1792] : memref<4x200x64xf32, #tpu.memory_space<vmem>> -> memref<1x100x64xf32, #tpu.memory_space<vmem>>
      %dma_wait3A_1794 = tpu.memref_squeeze %dma_wait3A_1793 : memref<1x100x64xf32, #tpu.memory_space<vmem>> -> memref<100x64xf32, #tpu.memory_space<vmem>>
      %dma_wait3A_1795 = arith.constant 0 : i32
      %dma_wait3A_1796 = tpu.memref_slice %arg7[%mul3A_1299, %dma_wait3A_1795] : memref<256x100xi32, #tpu.memory_space<vmem>> -> memref<1x100xi32, #tpu.memory_space<vmem>>
      %dma_wait3A_1797 = tpu.memref_squeeze %dma_wait3A_1796 : memref<1x100xi32, #tpu.memory_space<vmem>> -> memref<100xi32, #tpu.memory_space<vmem>>
      %dma_wait3A_1798 = arith.constant 0 : i32
      %dma_wait3A_1799 = arith.constant 0 : i32
      %dma_wait3A_1800 = tpu.memref_slice %arg3[%dma_wait3A_1798, %dma_wait3A_1799] : memref<1000000x64xf32, #tpu.memory_space<hbm>> -> memref<1000000x64xf32, #tpu.memory_space<hbm>>
      %dma_wait3A_1801 = tpu.memref_slice %arg12[%dma_wait3A_1790] : memref<4x!tpu.dma_semaphore, #tpu.memory_space<semaphore_mem>> -> memref<1x!tpu.dma_semaphore, #tpu.memory_space<semaphore_mem>>
      %dma_wait3A_1802 = tpu.memref_squeeze %dma_wait3A_1801 : memref<1x!tpu.dma_semaphore, #tpu.memory_space<semaphore_mem>> -> memref<!tpu.dma_semaphore, #tpu.memory_space<semaphore_mem>>
      tpu.wait_indirect_dma semaphore(%dma_wait3A_1802 : memref<!tpu.dma_semaphore, #tpu.memory_space<semaphore_mem>>) src(%dma_wait3A_1800 : memref<1000000x64xf32, #tpu.memory_space<hbm>>) dst(%dma_wait3A_1794 : memref<100x64xf32, #tpu.memory_space<vmem>>)
      %dma_wait3A_1803 = arith.constant 3 : i32
      %dma_wait3A_1804 = arith.constant 3 : i32
      %dma_wait3A_1805 = arith.constant 100 : i32
      %dma_wait3A_1806 = arith.constant 0 : i32
      %dma_wait3A_1807 = tpu.memref_slice %arg8[%dma_wait3A_1803, %dma_wait3A_1805, %dma_wait3A_1806] : memref<4x200x64xf32, #tpu.memory_space<vmem>> -> memref<1x100x64xf32, #tpu.memory_space<vmem>>
      %dma_wait3A_1808 = tpu.memref_squeeze %dma_wait3A_1807 : memref<1x100x64xf32, #tpu.memory_space<vmem>> -> memref<100x64xf32, #tpu.memory_space<vmem>>
      %dma_wait3A_1809 = arith.constant 0 : i32
      %dma_wait3A_1810 = tpu.memref_slice %arg7[%add3A_1315, %dma_wait3A_1809] : memref<256x100xi32, #tpu.memory_space<vmem>> -> memref<1x100xi32, #tpu.memory_space<vmem>>
      %dma_wait3A_1811 = tpu.memref_squeeze %dma_wait3A_1810 : memref<1x100xi32, #tpu.memory_space<vmem>> -> memref<100xi32, #tpu.memory_space<vmem>>
      %dma_wait3A_1812 = arith.constant 0 : i32
      %dma_wait3A_1813 = arith.constant 0 : i32
      %dma_wait3A_1814 = tpu.memref_slice %arg3[%dma_wait3A_1812, %dma_wait3A_1813] : memref<1000000x64xf32, #tpu.memory_space<hbm>> -> memref<1000000x64xf32, #tpu.memory_space<hbm>>
      %dma_wait3A_1815 = tpu.memref_slice %arg12[%dma_wait3A_1804] : memref<4x!tpu.dma_semaphore, #tpu.memory_space<semaphore_mem>> -> memref<1x!tpu.dma_semaphore, #tpu.memory_space<semaphore_mem>>
      %dma_wait3A_1816 = tpu.memref_squeeze %dma_wait3A_1815 : memref<1x!tpu.dma_semaphore, #tpu.memory_space<semaphore_mem>> -> memref<!tpu.dma_semaphore, #tpu.memory_space<semaphore_mem>>
      tpu.wait_indirect_dma semaphore(%dma_wait3A_1816 : memref<!tpu.dma_semaphore, #tpu.memory_space<semaphore_mem>>) src(%dma_wait3A_1814 : memref<1000000x64xf32, #tpu.memory_space<hbm>>) dst(%dma_wait3A_1808 : memref<100x64xf32, #tpu.memory_space<vmem>>)
      %scan3A_1817 = arith.constant 3 : i32
      %scan3A_1818 = arith.constant 0 : i32
      %scan3A_1819 = arith.constant 200 : i32
      %scan3A_1820 = arith.addi %scan3A_1818, %scan3A_1819 : i32
      %scan3A_1821 = arith.constant 8 : i32
      %scan3A_1822:4 = scf.for %scan3A_1948 = %scan3A_1818 to %scan3A_1820 step %scan3A_1821 iter_args(%scan3A_1949 = %broadcast_in_dim3A_5, %scan3A_1950 = %broadcast_in_dim3A_5, %scan3A_1951 = %broadcast_in_dim3A_5, %scan3A_1952 = %broadcast_in_dim3A_5) -> (vector<16xf32>, vector<16xf32>, vector<16xf32>, vector<16xf32>)  : i32 {
        %get3A_1953 = arith.constant 0 : i32
        %get3A_1954 = arith.constant 0 : i32
        %get3A_1955 = tpu.memref_slice %arg8[%scan3A_1817, %get3A_1953, %get3A_1954] : memref<4x200x64xf32, #tpu.memory_space<vmem>> -> memref<1x200x64xf32, #tpu.memory_space<vmem>>
        %get3A_1956 = tpu.memref_squeeze %get3A_1955 : memref<1x200x64xf32, #tpu.memory_space<vmem>> -> memref<200x64xf32, #tpu.memory_space<vmem>>
        %get3A_1957 = arith.index_cast %scan3A_1948 : i32 to index
        %get3A_1958 = arith.constant 0 : index
        %get3A_1959 = tpu.vector_load %get3A_1956[%get3A_1957, %get3A_1958] {strides = array<i32>} : memref<200x64xf32, #tpu.memory_space<vmem>>, vector<1x16xf32>,
        %get3A_1960 = vector.shape_cast %get3A_1959 : vector<1x16xf32> to vector<16xf32>
        %max3A = arith.maximumf %scan3A_1949, %get3A_1960 : vector<16xf32>
        %get3A_1961 = arith.constant 0 : i32
        %get3A_1962 = arith.constant 0 : i32
        %get3A_1963 = tpu.memref_slice %arg8[%scan3A_1817, %get3A_1961, %get3A_1962] : memref<4x200x64xf32, #tpu.memory_space<vmem>> -> memref<1x200x64xf32, #tpu.memory_space<vmem>>
        %get3A_1964 = tpu.memref_squeeze %get3A_1963 : memref<1x200x64xf32, #tpu.memory_space<vmem>> -> memref<200x64xf32, #tpu.memory_space<vmem>>
        %get3A_1965 = arith.index_cast %scan3A_1948 : i32 to index
        %get3A_1966 = arith.constant 16 : index
        %get3A_1967 = tpu.vector_load %get3A_1964[%get3A_1965, %get3A_1966] {strides = array<i32>} : memref<200x64xf32, #tpu.memory_space<vmem>>, vector<1x16xf32>,
        %get3A_1968 = vector.shape_cast %get3A_1967 : vector<1x16xf32> to vector<16xf32>
        %max3A_1969 = arith.maximumf %scan3A_1950, %get3A_1968 : vector<16xf32>
        %get3A_1970 = arith.constant 0 : i32
        %get3A_1971 = arith.constant 0 : i32
        %get3A_1972 = tpu.memref_slice %arg8[%scan3A_1817, %get3A_1970, %get3A_1971] : memref<4x200x64xf32, #tpu.memory_space<vmem>> -> memref<1x200x64xf32, #tpu.memory_space<vmem>>
        %get3A_1973 = tpu.memref_squeeze %get3A_1972 : memref<1x200x64xf32, #tpu.memory_space<vmem>> -> memref<200x64xf32, #tpu.memory_space<vmem>>
        %get3A_1974 = arith.index_cast %scan3A_1948 : i32 to index
        %get3A_1975 = arith.constant 32 : index
        %get3A_1976 = tpu.vector_load %get3A_1973[%get3A_1974, %get3A_1975] {strides = array<i32>} : memref<200x64xf32, #tpu.memory_space<vmem>>, vector<1x16xf32>,
        %get3A_1977 = vector.shape_cast %get3A_1976 : vector<1x16xf32> to vector<16xf32>
        %max3A_1978 = arith.maximumf %scan3A_1951, %get3A_1977 : vector<16xf32>
        %get3A_1979 = arith.constant 0 : i32
        %get3A_1980 = arith.constant 0 : i32
        %get3A_1981 = tpu.memref_slice %arg8[%scan3A_1817, %get3A_1979, %get3A_1980] : memref<4x200x64xf32, #tpu.memory_space<vmem>> -> memref<1x200x64xf32, #tpu.memory_space<vmem>>
        %get3A_1982 = tpu.memref_squeeze %get3A_1981 : memref<1x200x64xf32, #tpu.memory_space<vmem>> -> memref<200x64xf32, #tpu.memory_space<vmem>>
        %get3A_1983 = arith.index_cast %scan3A_1948 : i32 to index
        %get3A_1984 = arith.constant 48 : index
        %get3A_1985 = tpu.vector_load %get3A_1982[%get3A_1983, %get3A_1984] {strides = array<i32>} : memref<200x64xf32, #tpu.memory_space<vmem>>, vector<1x16xf32>,
        %get3A_1986 = vector.shape_cast %get3A_1985 : vector<1x16xf32> to vector<16xf32>
        %max3A_1987 = arith.maximumf %scan3A_1952, %get3A_1986 : vector<16xf32>
        %scan3A_1988 = arith.constant 1 : i32
        %scan3A_1989 = arith.addi %scan3A_1948, %scan3A_1988 : i32
        %get3A_1990 = arith.constant 0 : i32
        %get3A_1991 = arith.constant 0 : i32
        %get3A_1992 = tpu.memref_slice %arg8[%scan3A_1817, %get3A_1990, %get3A_1991] : memref<4x200x64xf32, #tpu.memory_space<vmem>> -> memref<1x200x64xf32, #tpu.memory_space<vmem>>
        %get3A_1993 = tpu.memref_squeeze %get3A_1992 : memref<1x200x64xf32, #tpu.memory_space<vmem>> -> memref<200x64xf32, #tpu.memory_space<vmem>>
        %get3A_1994 = arith.index_cast %scan3A_1989 : i32 to index
        %get3A_1995 = arith.constant 0 : index
        %get3A_1996 = tpu.vector_load %get3A_1993[%get3A_1994, %get3A_1995] {strides = array<i32>} : memref<200x64xf32, #tpu.memory_space<vmem>>, vector<1x16xf32>,
        %get3A_1997 = vector.shape_cast %get3A_1996 : vector<1x16xf32> to vector<16xf32>
        %max3A_1998 = arith.maximumf %max3A, %get3A_1997 : vector<16xf32>
        %get3A_1999 = arith.constant 0 : i32
        %get3A_2000 = arith.constant 0 : i32
        %get3A_2001 = tpu.memref_slice %arg8[%scan3A_1817, %get3A_1999, %get3A_2000] : memref<4x200x64xf32, #tpu.memory_space<vmem>> -> memref<1x200x64xf32, #tpu.memory_space<vmem>>
        %get3A_2002 = tpu.memref_squeeze %get3A_2001 : memref<1x200x64xf32, #tpu.memory_space<vmem>> -> memref<200x64xf32, #tpu.memory_space<vmem>>
        %get3A_2003 = arith.index_cast %scan3A_1989 : i32 to index
        %get3A_2004 = arith.constant 16 : index
        %get3A_2005 = tpu.vector_load %get3A_2002[%get3A_2003, %get3A_2004] {strides = array<i32>} : memref<200x64xf32, #tpu.memory_space<vmem>>, vector<1x16xf32>,
        %get3A_2006 = vector.shape_cast %get3A_2005 : vector<1x16xf32> to vector<16xf32>
        %max3A_2007 = arith.maximumf %max3A_1969, %get3A_2006 : vector<16xf32>
        %get3A_2008 = arith.constant 0 : i32
        %get3A_2009 = arith.constant 0 : i32
        %get3A_2010 = tpu.memref_slice %arg8[%scan3A_1817, %get3A_2008, %get3A_2009] : memref<4x200x64xf32, #tpu.memory_space<vmem>> -> memref<1x200x64xf32, #tpu.memory_space<vmem>>
        %get3A_2011 = tpu.memref_squeeze %get3A_2010 : memref<1x200x64xf32, #tpu.memory_space<vmem>> -> memref<200x64xf32, #tpu.memory_space<vmem>>
        %get3A_2012 = arith.index_cast %scan3A_1989 : i32 to index
        %get3A_2013 = arith.constant 32 : index
        %get3A_2014 = tpu.vector_load %get3A_2011[%get3A_2012, %get3A_2013] {strides = array<i32>} : memref<200x64xf32, #tpu.memory_space<vmem>>, vector<1x16xf32>,
        %get3A_2015 = vector.shape_cast %get3A_2014 : vector<1x16xf32> to vector<16xf32>
        %max3A_2016 = arith.maximumf %max3A_1978, %get3A_2015 : vector<16xf32>
        %get3A_2017 = arith.constant 0 : i32
        %get3A_2018 = arith.constant 0 : i32
        %get3A_2019 = tpu.memref_slice %arg8[%scan3A_1817, %get3A_2017, %get3A_2018] : memref<4x200x64xf32, #tpu.memory_space<vmem>> -> memref<1x200x64xf32, #tpu.memory_space<vmem>>
        %get3A_2020 = tpu.memref_squeeze %get3A_2019 : memref<1x200x64xf32, #tpu.memory_space<vmem>> -> memref<200x64xf32, #tpu.memory_space<vmem>>
        %get3A_2021 = arith.index_cast %scan3A_1989 : i32 to index
        %get3A_2022 = arith.constant 48 : index
        %get3A_2023 = tpu.vector_load %get3A_2020[%get3A_2021, %get3A_2022] {strides = array<i32>} : memref<200x64xf32, #tpu.memory_space<vmem>>, vector<1x16xf32>,
        %get3A_2024 = vector.shape_cast %get3A_2023 : vector<1x16xf32> to vector<16xf32>
        %max3A_2025 = arith.maximumf %max3A_1987, %get3A_2024 : vector<16xf32>
        %scan3A_2026 = arith.constant 2 : i32
        %scan3A_2027 = arith.addi %scan3A_1948, %scan3A_2026 : i32
        %get3A_2028 = arith.constant 0 : i32
        %get3A_2029 = arith.constant 0 : i32
        %get3A_2030 = tpu.memref_slice %arg8[%scan3A_1817, %get3A_2028, %get3A_2029] : memref<4x200x64xf32, #tpu.memory_space<vmem>> -> memref<1x200x64xf32, #tpu.memory_space<vmem>>
        %get3A_2031 = tpu.memref_squeeze %get3A_2030 : memref<1x200x64xf32, #tpu.memory_space<vmem>> -> memref<200x64xf32, #tpu.memory_space<vmem>>
        %get3A_2032 = arith.index_cast %scan3A_2027 : i32 to index
        %get3A_2033 = arith.constant 0 : index
        %get3A_2034 = tpu.vector_load %get3A_2031[%get3A_2032, %get3A_2033] {strides = array<i32>} : memref<200x64xf32, #tpu.memory_space<vmem>>, vector<1x16xf32>,
        %get3A_2035 = vector.shape_cast %get3A_2034 : vector<1x16xf32> to vector<16xf32>
        %max3A_2036 = arith.maximumf %max3A_1998, %get3A_2035 : vector<16xf32>
        %get3A_2037 = arith.constant 0 : i32
        %get3A_2038 = arith.constant 0 : i32
        %get3A_2039 = tpu.memref_slice %arg8[%scan3A_1817, %get3A_2037, %get3A_2038] : memref<4x200x64xf32, #tpu.memory_space<vmem>> -> memref<1x200x64xf32, #tpu.memory_space<vmem>>
        %get3A_2040 = tpu.memref_squeeze %get3A_2039 : memref<1x200x64xf32, #tpu.memory_space<vmem>> -> memref<200x64xf32, #tpu.memory_space<vmem>>
        %get3A_2041 = arith.index_cast %scan3A_2027 : i32 to index
        %get3A_2042 = arith.constant 16 : index
        %get3A_2043 = tpu.vector_load %get3A_2040[%get3A_2041, %get3A_2042] {strides = array<i32>} : memref<200x64xf32, #tpu.memory_space<vmem>>, vector<1x16xf32>,
        %get3A_2044 = vector.shape_cast %get3A_2043 : vector<1x16xf32> to vector<16xf32>
        %max3A_2045 = arith.maximumf %max3A_2007, %get3A_2044 : vector<16xf32>
        %get3A_2046 = arith.constant 0 : i32
        %get3A_2047 = arith.constant 0 : i32
        %get3A_2048 = tpu.memref_slice %arg8[%scan3A_1817, %get3A_2046, %get3A_2047] : memref<4x200x64xf32, #tpu.memory_space<vmem>> -> memref<1x200x64xf32, #tpu.memory_space<vmem>>
        %get3A_2049 = tpu.memref_squeeze %get3A_2048 : memref<1x200x64xf32, #tpu.memory_space<vmem>> -> memref<200x64xf32, #tpu.memory_space<vmem>>
        %get3A_2050 = arith.index_cast %scan3A_2027 : i32 to index
        %get3A_2051 = arith.constant 32 : index
        %get3A_2052 = tpu.vector_load %get3A_2049[%get3A_2050, %get3A_2051] {strides = array<i32>} : memref<200x64xf32, #tpu.memory_space<vmem>>, vector<1x16xf32>,
        %get3A_2053 = vector.shape_cast %get3A_2052 : vector<1x16xf32> to vector<16xf32>
        %max3A_2054 = arith.maximumf %max3A_2016, %get3A_2053 : vector<16xf32>
        %get3A_2055 = arith.constant 0 : i32
        %get3A_2056 = arith.constant 0 : i32
        %get3A_2057 = tpu.memref_slice %arg8[%scan3A_1817, %get3A_2055, %get3A_2056] : memref<4x200x64xf32, #tpu.memory_space<vmem>> -> memref<1x200x64xf32, #tpu.memory_space<vmem>>
        %get3A_2058 = tpu.memref_squeeze %get3A_2057 : memref<1x200x64xf32, #tpu.memory_space<vmem>> -> memref<200x64xf32, #tpu.memory_space<vmem>>
        %get3A_2059 = arith.index_cast %scan3A_2027 : i32 to index
        %get3A_2060 = arith.constant 48 : index
        %get3A_2061 = tpu.vector_load %get3A_2058[%get3A_2059, %get3A_2060] {strides = array<i32>} : memref<200x64xf32, #tpu.memory_space<vmem>>, vector<1x16xf32>,
        %get3A_2062 = vector.shape_cast %get3A_2061 : vector<1x16xf32> to vector<16xf32>
        %max3A_2063 = arith.maximumf %max3A_2025, %get3A_2062 : vector<16xf32>
        %scan3A_2064 = arith.constant 3 : i32
        %scan3A_2065 = arith.addi %scan3A_1948, %scan3A_2064 : i32
        %get3A_2066 = arith.constant 0 : i32
        %get3A_2067 = arith.constant 0 : i32
        %get3A_2068 = tpu.memref_slice %arg8[%scan3A_1817, %get3A_2066, %get3A_2067] : memref<4x200x64xf32, #tpu.memory_space<vmem>> -> memref<1x200x64xf32, #tpu.memory_space<vmem>>
        %get3A_2069 = tpu.memref_squeeze %get3A_2068 : memref<1x200x64xf32, #tpu.memory_space<vmem>> -> memref<200x64xf32, #tpu.memory_space<vmem>>
        %get3A_2070 = arith.index_cast %scan3A_2065 : i32 to index
        %get3A_2071 = arith.constant 0 : index
        %get3A_2072 = tpu.vector_load %get3A_2069[%get3A_2070, %get3A_2071] {strides = array<i32>} : memref<200x64xf32, #tpu.memory_space<vmem>>, vector<1x16xf32>,
        %get3A_2073 = vector.shape_cast %get3A_2072 : vector<1x16xf32> to vector<16xf32>
        %max3A_2074 = arith.maximumf %max3A_2036, %get3A_2073 : vector<16xf32>
        %get3A_2075 = arith.constant 0 : i32
        %get3A_2076 = arith.constant 0 : i32
        %get3A_2077 = tpu.memref_slice %arg8[%scan3A_1817, %get3A_2075, %get3A_2076] : memref<4x200x64xf32, #tpu.memory_space<vmem>> -> memref<1x200x64xf32, #tpu.memory_space<vmem>>
        %get3A_2078 = tpu.memref_squeeze %get3A_2077 : memref<1x200x64xf32, #tpu.memory_space<vmem>> -> memref<200x64xf32, #tpu.memory_space<vmem>>
        %get3A_2079 = arith.index_cast %scan3A_2065 : i32 to index
        %get3A_2080 = arith.constant 16 : index
        %get3A_2081 = tpu.vector_load %get3A_2078[%get3A_2079, %get3A_2080] {strides = array<i32>} : memref<200x64xf32, #tpu.memory_space<vmem>>, vector<1x16xf32>,
        %get3A_2082 = vector.shape_cast %get3A_2081 : vector<1x16xf32> to vector<16xf32>
        %max3A_2083 = arith.maximumf %max3A_2045, %get3A_2082 : vector<16xf32>
        %get3A_2084 = arith.constant 0 : i32
        %get3A_2085 = arith.constant 0 : i32
        %get3A_2086 = tpu.memref_slice %arg8[%scan3A_1817, %get3A_2084, %get3A_2085] : memref<4x200x64xf32, #tpu.memory_space<vmem>> -> memref<1x200x64xf32, #tpu.memory_space<vmem>>
        %get3A_2087 = tpu.memref_squeeze %get3A_2086 : memref<1x200x64xf32, #tpu.memory_space<vmem>> -> memref<200x64xf32, #tpu.memory_space<vmem>>
        %get3A_2088 = arith.index_cast %scan3A_2065 : i32 to index
        %get3A_2089 = arith.constant 32 : index
        %get3A_2090 = tpu.vector_load %get3A_2087[%get3A_2088, %get3A_2089] {strides = array<i32>} : memref<200x64xf32, #tpu.memory_space<vmem>>, vector<1x16xf32>,
        %get3A_2091 = vector.shape_cast %get3A_2090 : vector<1x16xf32> to vector<16xf32>
        %max3A_2092 = arith.maximumf %max3A_2054, %get3A_2091 : vector<16xf32>
        %get3A_2093 = arith.constant 0 : i32
        %get3A_2094 = arith.constant 0 : i32
        %get3A_2095 = tpu.memref_slice %arg8[%scan3A_1817, %get3A_2093, %get3A_2094] : memref<4x200x64xf32, #tpu.memory_space<vmem>> -> memref<1x200x64xf32, #tpu.memory_space<vmem>>
        %get3A_2096 = tpu.memref_squeeze %get3A_2095 : memref<1x200x64xf32, #tpu.memory_space<vmem>> -> memref<200x64xf32, #tpu.memory_space<vmem>>
        %get3A_2097 = arith.index_cast %scan3A_2065 : i32 to index
        %get3A_2098 = arith.constant 48 : index
        %get3A_2099 = tpu.vector_load %get3A_2096[%get3A_2097, %get3A_2098] {strides = array<i32>} : memref<200x64xf32, #tpu.memory_space<vmem>>, vector<1x16xf32>,
        %get3A_2100 = vector.shape_cast %get3A_2099 : vector<1x16xf32> to vector<16xf32>
        %max3A_2101 = arith.maximumf %max3A_2063, %get3A_2100 : vector<16xf32>
        %scan3A_2102 = arith.constant 4 : i32
        %scan3A_2103 = arith.addi %scan3A_1948, %scan3A_2102 : i32
        %get3A_2104 = arith.constant 0 : i32
        %get3A_2105 = arith.constant 0 : i32
        %get3A_2106 = tpu.memref_slice %arg8[%scan3A_1817, %get3A_2104, %get3A_2105] : memref<4x200x64xf32, #tpu.memory_space<vmem>> -> memref<1x200x64xf32, #tpu.memory_space<vmem>>
        %get3A_2107 = tpu.memref_squeeze %get3A_2106 : memref<1x200x64xf32, #tpu.memory_space<vmem>> -> memref<200x64xf32, #tpu.memory_space<vmem>>
        %get3A_2108 = arith.index_cast %scan3A_2103 : i32 to index
        %get3A_2109 = arith.constant 0 : index
        %get3A_2110 = tpu.vector_load %get3A_2107[%get3A_2108, %get3A_2109] {strides = array<i32>} : memref<200x64xf32, #tpu.memory_space<vmem>>, vector<1x16xf32>,
        %get3A_2111 = vector.shape_cast %get3A_2110 : vector<1x16xf32> to vector<16xf32>
        %max3A_2112 = arith.maximumf %max3A_2074, %get3A_2111 : vector<16xf32>
        %get3A_2113 = arith.constant 0 : i32
        %get3A_2114 = arith.constant 0 : i32
        %get3A_2115 = tpu.memref_slice %arg8[%scan3A_1817, %get3A_2113, %get3A_2114] : memref<4x200x64xf32, #tpu.memory_space<vmem>> -> memref<1x200x64xf32, #tpu.memory_space<vmem>>
        %get3A_2116 = tpu.memref_squeeze %get3A_2115 : memref<1x200x64xf32, #tpu.memory_space<vmem>> -> memref<200x64xf32, #tpu.memory_space<vmem>>
        %get3A_2117 = arith.index_cast %scan3A_2103 : i32 to index
        %get3A_2118 = arith.constant 16 : index
        %get3A_2119 = tpu.vector_load %get3A_2116[%get3A_2117, %get3A_2118] {strides = array<i32>} : memref<200x64xf32, #tpu.memory_space<vmem>>, vector<1x16xf32>,
        %get3A_2120 = vector.shape_cast %get3A_2119 : vector<1x16xf32> to vector<16xf32>
        %max3A_2121 = arith.maximumf %max3A_2083, %get3A_2120 : vector<16xf32>
        %get3A_2122 = arith.constant 0 : i32
        %get3A_2123 = arith.constant 0 : i32
        %get3A_2124 = tpu.memref_slice %arg8[%scan3A_1817, %get3A_2122, %get3A_2123] : memref<4x200x64xf32, #tpu.memory_space<vmem>> -> memref<1x200x64xf32, #tpu.memory_space<vmem>>
        %get3A_2125 = tpu.memref_squeeze %get3A_2124 : memref<1x200x64xf32, #tpu.memory_space<vmem>> -> memref<200x64xf32, #tpu.memory_space<vmem>>
        %get3A_2126 = arith.index_cast %scan3A_2103 : i32 to index
        %get3A_2127 = arith.constant 32 : index
        %get3A_2128 = tpu.vector_load %get3A_2125[%get3A_2126, %get3A_2127] {strides = array<i32>} : memref<200x64xf32, #tpu.memory_space<vmem>>, vector<1x16xf32>,
        %get3A_2129 = vector.shape_cast %get3A_2128 : vector<1x16xf32> to vector<16xf32>
        %max3A_2130 = arith.maximumf %max3A_2092, %get3A_2129 : vector<16xf32>
        %get3A_2131 = arith.constant 0 : i32
        %get3A_2132 = arith.constant 0 : i32
        %get3A_2133 = tpu.memref_slice %arg8[%scan3A_1817, %get3A_2131, %get3A_2132] : memref<4x200x64xf32, #tpu.memory_space<vmem>> -> memref<1x200x64xf32, #tpu.memory_space<vmem>>
        %get3A_2134 = tpu.memref_squeeze %get3A_2133 : memref<1x200x64xf32, #tpu.memory_space<vmem>> -> memref<200x64xf32, #tpu.memory_space<vmem>>
        %get3A_2135 = arith.index_cast %scan3A_2103 : i32 to index
        %get3A_2136 = arith.constant 48 : index
        %get3A_2137 = tpu.vector_load %get3A_2134[%get3A_2135, %get3A_2136] {strides = array<i32>} : memref<200x64xf32, #tpu.memory_space<vmem>>, vector<1x16xf32>,
        %get3A_2138 = vector.shape_cast %get3A_2137 : vector<1x16xf32> to vector<16xf32>
        %max3A_2139 = arith.maximumf %max3A_2101, %get3A_2138 : vector<16xf32>
        %scan3A_2140 = arith.constant 5 : i32
        %scan3A_2141 = arith.addi %scan3A_1948, %scan3A_2140 : i32
        %get3A_2142 = arith.constant 0 : i32
        %get3A_2143 = arith.constant 0 : i32
        %get3A_2144 = tpu.memref_slice %arg8[%scan3A_1817, %get3A_2142, %get3A_2143] : memref<4x200x64xf32, #tpu.memory_space<vmem>> -> memref<1x200x64xf32, #tpu.memory_space<vmem>>
        %get3A_2145 = tpu.memref_squeeze %get3A_2144 : memref<1x200x64xf32, #tpu.memory_space<vmem>> -> memref<200x64xf32, #tpu.memory_space<vmem>>
        %get3A_2146 = arith.index_cast %scan3A_2141 : i32 to index
        %get3A_2147 = arith.constant 0 : index
        %get3A_2148 = tpu.vector_load %get3A_2145[%get3A_2146, %get3A_2147] {strides = array<i32>} : memref<200x64xf32, #tpu.memory_space<vmem>>, vector<1x16xf32>,
        %get3A_2149 = vector.shape_cast %get3A_2148 : vector<1x16xf32> to vector<16xf32>
        %max3A_2150 = arith.maximumf %max3A_2112, %get3A_2149 : vector<16xf32>
        %get3A_2151 = arith.constant 0 : i32
        %get3A_2152 = arith.constant 0 : i32
        %get3A_2153 = tpu.memref_slice %arg8[%scan3A_1817, %get3A_2151, %get3A_2152] : memref<4x200x64xf32, #tpu.memory_space<vmem>> -> memref<1x200x64xf32, #tpu.memory_space<vmem>>
        %get3A_2154 = tpu.memref_squeeze %get3A_2153 : memref<1x200x64xf32, #tpu.memory_space<vmem>> -> memref<200x64xf32, #tpu.memory_space<vmem>>
        %get3A_2155 = arith.index_cast %scan3A_2141 : i32 to index
        %get3A_2156 = arith.constant 16 : index
        %get3A_2157 = tpu.vector_load %get3A_2154[%get3A_2155, %get3A_2156] {strides = array<i32>} : memref<200x64xf32, #tpu.memory_space<vmem>>, vector<1x16xf32>,
        %get3A_2158 = vector.shape_cast %get3A_2157 : vector<1x16xf32> to vector<16xf32>
        %max3A_2159 = arith.maximumf %max3A_2121, %get3A_2158 : vector<16xf32>
        %get3A_2160 = arith.constant 0 : i32
        %get3A_2161 = arith.constant 0 : i32
        %get3A_2162 = tpu.memref_slice %arg8[%scan3A_1817, %get3A_2160, %get3A_2161] : memref<4x200x64xf32, #tpu.memory_space<vmem>> -> memref<1x200x64xf32, #tpu.memory_space<vmem>>
        %get3A_2163 = tpu.memref_squeeze %get3A_2162 : memref<1x200x64xf32, #tpu.memory_space<vmem>> -> memref<200x64xf32, #tpu.memory_space<vmem>>
        %get3A_2164 = arith.index_cast %scan3A_2141 : i32 to index
        %get3A_2165 = arith.constant 32 : index
        %get3A_2166 = tpu.vector_load %get3A_2163[%get3A_2164, %get3A_2165] {strides = array<i32>} : memref<200x64xf32, #tpu.memory_space<vmem>>, vector<1x16xf32>,
        %get3A_2167 = vector.shape_cast %get3A_2166 : vector<1x16xf32> to vector<16xf32>
        %max3A_2168 = arith.maximumf %max3A_2130, %get3A_2167 : vector<16xf32>
        %get3A_2169 = arith.constant 0 : i32
        %get3A_2170 = arith.constant 0 : i32
        %get3A_2171 = tpu.memref_slice %arg8[%scan3A_1817, %get3A_2169, %get3A_2170] : memref<4x200x64xf32, #tpu.memory_space<vmem>> -> memref<1x200x64xf32, #tpu.memory_space<vmem>>
        %get3A_2172 = tpu.memref_squeeze %get3A_2171 : memref<1x200x64xf32, #tpu.memory_space<vmem>> -> memref<200x64xf32, #tpu.memory_space<vmem>>
        %get3A_2173 = arith.index_cast %scan3A_2141 : i32 to index
        %get3A_2174 = arith.constant 48 : index
        %get3A_2175 = tpu.vector_load %get3A_2172[%get3A_2173, %get3A_2174] {strides = array<i32>} : memref<200x64xf32, #tpu.memory_space<vmem>>, vector<1x16xf32>,
        %get3A_2176 = vector.shape_cast %get3A_2175 : vector<1x16xf32> to vector<16xf32>
        %max3A_2177 = arith.maximumf %max3A_2139, %get3A_2176 : vector<16xf32>
        %scan3A_2178 = arith.constant 6 : i32
        %scan3A_2179 = arith.addi %scan3A_1948, %scan3A_2178 : i32
        %get3A_2180 = arith.constant 0 : i32
        %get3A_2181 = arith.constant 0 : i32
        %get3A_2182 = tpu.memref_slice %arg8[%scan3A_1817, %get3A_2180, %get3A_2181] : memref<4x200x64xf32, #tpu.memory_space<vmem>> -> memref<1x200x64xf32, #tpu.memory_space<vmem>>
        %get3A_2183 = tpu.memref_squeeze %get3A_2182 : memref<1x200x64xf32, #tpu.memory_space<vmem>> -> memref<200x64xf32, #tpu.memory_space<vmem>>
        %get3A_2184 = arith.index_cast %scan3A_2179 : i32 to index
        %get3A_2185 = arith.constant 0 : index
        %get3A_2186 = tpu.vector_load %get3A_2183[%get3A_2184, %get3A_2185] {strides = array<i32>} : memref<200x64xf32, #tpu.memory_space<vmem>>, vector<1x16xf32>,
        %get3A_2187 = vector.shape_cast %get3A_2186 : vector<1x16xf32> to vector<16xf32>
        %max3A_2188 = arith.maximumf %max3A_2150, %get3A_2187 : vector<16xf32>
        %get3A_2189 = arith.constant 0 : i32
        %get3A_2190 = arith.constant 0 : i32
        %get3A_2191 = tpu.memref_slice %arg8[%scan3A_1817, %get3A_2189, %get3A_2190] : memref<4x200x64xf32, #tpu.memory_space<vmem>> -> memref<1x200x64xf32, #tpu.memory_space<vmem>>
        %get3A_2192 = tpu.memref_squeeze %get3A_2191 : memref<1x200x64xf32, #tpu.memory_space<vmem>> -> memref<200x64xf32, #tpu.memory_space<vmem>>
        %get3A_2193 = arith.index_cast %scan3A_2179 : i32 to index
        %get3A_2194 = arith.constant 16 : index
        %get3A_2195 = tpu.vector_load %get3A_2192[%get3A_2193, %get3A_2194] {strides = array<i32>} : memref<200x64xf32, #tpu.memory_space<vmem>>, vector<1x16xf32>,
        %get3A_2196 = vector.shape_cast %get3A_2195 : vector<1x16xf32> to vector<16xf32>
        %max3A_2197 = arith.maximumf %max3A_2159, %get3A_2196 : vector<16xf32>
        %get3A_2198 = arith.constant 0 : i32
        %get3A_2199 = arith.constant 0 : i32
        %get3A_2200 = tpu.memref_slice %arg8[%scan3A_1817, %get3A_2198, %get3A_2199] : memref<4x200x64xf32, #tpu.memory_space<vmem>> -> memref<1x200x64xf32, #tpu.memory_space<vmem>>
        %get3A_2201 = tpu.memref_squeeze %get3A_2200 : memref<1x200x64xf32, #tpu.memory_space<vmem>> -> memref<200x64xf32, #tpu.memory_space<vmem>>
        %get3A_2202 = arith.index_cast %scan3A_2179 : i32 to index
        %get3A_2203 = arith.constant 32 : index
        %get3A_2204 = tpu.vector_load %get3A_2201[%get3A_2202, %get3A_2203] {strides = array<i32>} : memref<200x64xf32, #tpu.memory_space<vmem>>, vector<1x16xf32>,
        %get3A_2205 = vector.shape_cast %get3A_2204 : vector<1x16xf32> to vector<16xf32>
        %max3A_2206 = arith.maximumf %max3A_2168, %get3A_2205 : vector<16xf32>
        %get3A_2207 = arith.constant 0 : i32
        %get3A_2208 = arith.constant 0 : i32
        %get3A_2209 = tpu.memref_slice %arg8[%scan3A_1817, %get3A_2207, %get3A_2208] : memref<4x200x64xf32, #tpu.memory_space<vmem>> -> memref<1x200x64xf32, #tpu.memory_space<vmem>>
        %get3A_2210 = tpu.memref_squeeze %get3A_2209 : memref<1x200x64xf32, #tpu.memory_space<vmem>> -> memref<200x64xf32, #tpu.memory_space<vmem>>
        %get3A_2211 = arith.index_cast %scan3A_2179 : i32 to index
        %get3A_2212 = arith.constant 48 : index
        %get3A_2213 = tpu.vector_load %get3A_2210[%get3A_2211, %get3A_2212] {strides = array<i32>} : memref<200x64xf32, #tpu.memory_space<vmem>>, vector<1x16xf32>,
        %get3A_2214 = vector.shape_cast %get3A_2213 : vector<1x16xf32> to vector<16xf32>
        %max3A_2215 = arith.maximumf %max3A_2177, %get3A_2214 : vector<16xf32>
        %scan3A_2216 = arith.constant 7 : i32
        %scan3A_2217 = arith.addi %scan3A_1948, %scan3A_2216 : i32
        %get3A_2218 = arith.constant 0 : i32
        %get3A_2219 = arith.constant 0 : i32
        %get3A_2220 = tpu.memref_slice %arg8[%scan3A_1817, %get3A_2218, %get3A_2219] : memref<4x200x64xf32, #tpu.memory_space<vmem>> -> memref<1x200x64xf32, #tpu.memory_space<vmem>>
        %get3A_2221 = tpu.memref_squeeze %get3A_2220 : memref<1x200x64xf32, #tpu.memory_space<vmem>> -> memref<200x64xf32, #tpu.memory_space<vmem>>
        %get3A_2222 = arith.index_cast %scan3A_2217 : i32 to index
        %get3A_2223 = arith.constant 0 : index
        %get3A_2224 = tpu.vector_load %get3A_2221[%get3A_2222, %get3A_2223] {strides = array<i32>} : memref<200x64xf32, #tpu.memory_space<vmem>>, vector<1x16xf32>,
        %get3A_2225 = vector.shape_cast %get3A_2224 : vector<1x16xf32> to vector<16xf32>
        %max3A_2226 = arith.maximumf %max3A_2188, %get3A_2225 : vector<16xf32>
        %get3A_2227 = arith.constant 0 : i32
        %get3A_2228 = arith.constant 0 : i32
        %get3A_2229 = tpu.memref_slice %arg8[%scan3A_1817, %get3A_2227, %get3A_2228] : memref<4x200x64xf32, #tpu.memory_space<vmem>> -> memref<1x200x64xf32, #tpu.memory_space<vmem>>
        %get3A_2230 = tpu.memref_squeeze %get3A_2229 : memref<1x200x64xf32, #tpu.memory_space<vmem>> -> memref<200x64xf32, #tpu.memory_space<vmem>>
        %get3A_2231 = arith.index_cast %scan3A_2217 : i32 to index
        %get3A_2232 = arith.constant 16 : index
        %get3A_2233 = tpu.vector_load %get3A_2230[%get3A_2231, %get3A_2232] {strides = array<i32>} : memref<200x64xf32, #tpu.memory_space<vmem>>, vector<1x16xf32>,
        %get3A_2234 = vector.shape_cast %get3A_2233 : vector<1x16xf32> to vector<16xf32>
        %max3A_2235 = arith.maximumf %max3A_2197, %get3A_2234 : vector<16xf32>
        %get3A_2236 = arith.constant 0 : i32
        %get3A_2237 = arith.constant 0 : i32
        %get3A_2238 = tpu.memref_slice %arg8[%scan3A_1817, %get3A_2236, %get3A_2237] : memref<4x200x64xf32, #tpu.memory_space<vmem>> -> memref<1x200x64xf32, #tpu.memory_space<vmem>>
        %get3A_2239 = tpu.memref_squeeze %get3A_2238 : memref<1x200x64xf32, #tpu.memory_space<vmem>> -> memref<200x64xf32, #tpu.memory_space<vmem>>
        %get3A_2240 = arith.index_cast %scan3A_2217 : i32 to index
        %get3A_2241 = arith.constant 32 : index
        %get3A_2242 = tpu.vector_load %get3A_2239[%get3A_2240, %get3A_2241] {strides = array<i32>} : memref<200x64xf32, #tpu.memory_space<vmem>>, vector<1x16xf32>,
        %get3A_2243 = vector.shape_cast %get3A_2242 : vector<1x16xf32> to vector<16xf32>
        %max3A_2244 = arith.maximumf %max3A_2206, %get3A_2243 : vector<16xf32>
        %get3A_2245 = arith.constant 0 : i32
        %get3A_2246 = arith.constant 0 : i32
        %get3A_2247 = tpu.memref_slice %arg8[%scan3A_1817, %get3A_2245, %get3A_2246] : memref<4x200x64xf32, #tpu.memory_space<vmem>> -> memref<1x200x64xf32, #tpu.memory_space<vmem>>
        %get3A_2248 = tpu.memref_squeeze %get3A_2247 : memref<1x200x64xf32, #tpu.memory_space<vmem>> -> memref<200x64xf32, #tpu.memory_space<vmem>>
        %get3A_2249 = arith.index_cast %scan3A_2217 : i32 to index
        %get3A_2250 = arith.constant 48 : index
        %get3A_2251 = tpu.vector_load %get3A_2248[%get3A_2249, %get3A_2250] {strides = array<i32>} : memref<200x64xf32, #tpu.memory_space<vmem>>, vector<1x16xf32>,
        %get3A_2252 = vector.shape_cast %get3A_2251 : vector<1x16xf32> to vector<16xf32>
        %max3A_2253 = arith.maximumf %max3A_2215, %get3A_2252 : vector<16xf32>
        scf.yield %max3A_2226, %max3A_2235, %max3A_2244, %max3A_2253 : vector<16xf32>, vector<16xf32>, vector<16xf32>, vector<16xf32>
      }
      %scan3A_1823 = arith.constant 200 : i32
      %get3A_1824 = arith.constant 0 : i32
      %get3A_1825 = arith.index_cast %get3A_1824 : i32 to index
      %get3A_1826 = arith.constant 0 : index
      %get3A_1827 = tpu.vector_load %arg9[%get3A_1825, %get3A_1826] {strides = array<i32>} : memref<2x64xf32, #tpu.memory_space<vmem>>, vector<1x16xf32>,
      %get3A_1828 = vector.shape_cast %get3A_1827 : vector<1x16xf32> to vector<16xf32>
      %mul3A_1829 = arith.mulf %scan3A_1822#0, %get3A_1828 : vector<16xf32>
      %get3A_1830 = arith.constant 0 : i32
      %get3A_1831 = arith.index_cast %get3A_1830 : i32 to index
      %get3A_1832 = arith.constant 16 : index
      %get3A_1833 = tpu.vector_load %arg9[%get3A_1831, %get3A_1832] {strides = array<i32>} : memref<2x64xf32, #tpu.memory_space<vmem>>, vector<1x16xf32>,
      %get3A_1834 = vector.shape_cast %get3A_1833 : vector<1x16xf32> to vector<16xf32>
      %mul3A_1835 = arith.mulf %scan3A_1822#1, %get3A_1834 : vector<16xf32>
      %add3A_1836 = arith.addf %mul3A_1829, %mul3A_1835 : vector<16xf32>
      %get3A_1837 = arith.constant 0 : i32
      %get3A_1838 = arith.index_cast %get3A_1837 : i32 to index
      %get3A_1839 = arith.constant 32 : index
      %get3A_1840 = tpu.vector_load %arg9[%get3A_1838, %get3A_1839] {strides = array<i32>} : memref<2x64xf32, #tpu.memory_space<vmem>>, vector<1x16xf32>,
      %get3A_1841 = vector.shape_cast %get3A_1840 : vector<1x16xf32> to vector<16xf32>
      %mul3A_1842 = arith.mulf %scan3A_1822#2, %get3A_1841 : vector<16xf32>
      %add3A_1843 = arith.addf %add3A_1836, %mul3A_1842 : vector<16xf32>
      %get3A_1844 = arith.constant 0 : i32
      %get3A_1845 = arith.index_cast %get3A_1844 : i32 to index
      %get3A_1846 = arith.constant 48 : index
      %get3A_1847 = tpu.vector_load %arg9[%get3A_1845, %get3A_1846] {strides = array<i32>} : memref<2x64xf32, #tpu.memory_space<vmem>>, vector<1x16xf32>,
      %get3A_1848 = vector.shape_cast %get3A_1847 : vector<1x16xf32> to vector<16xf32>
      %mul3A_1849 = arith.mulf %scan3A_1822#3, %get3A_1848 : vector<16xf32>
      %add3A_1850 = arith.addf %add3A_1843, %mul3A_1849 : vector<16xf32>
      %xor3A_1851 = arith.constant 8 : i32
      %xor3A_1852 = vector.broadcast %xor3A_1851 : i32 to vector<16xi32>
      %xor3A_1853 = arith.xori %iota3A, %xor3A_1852 : vector<16xi32>
      %reshape3A_1854 = vector.shape_cast %xor3A_1853 : vector<16xi32> to vector<16x1xi32>
      %gather3A_1855 = vector.shape_cast %reshape3A_1854 : vector<16x1xi32> to vector<16xi32>
      %gather3A_1856 = tpu.dynamic_gather %add3A_1850[%gather3A_1855] in [0] : vector<16xf32>, vector<16xi32> -> vector<16xf32>
      %add3A_1857 = arith.addf %add3A_1850, %gather3A_1856 : vector<16xf32>
      %xor3A_1858 = arith.constant 4 : i32
      %xor3A_1859 = vector.broadcast %xor3A_1858 : i32 to vector<16xi32>
      %xor3A_1860 = arith.xori %iota3A, %xor3A_1859 : vector<16xi32>
      %reshape3A_1861 = vector.shape_cast %xor3A_1860 : vector<16xi32> to vector<16x1xi32>
      %gather3A_1862 = vector.shape_cast %reshape3A_1861 : vector<16x1xi32> to vector<16xi32>
      %gather3A_1863 = tpu.dynamic_gather %add3A_1857[%gather3A_1862] in [0] : vector<16xf32>, vector<16xi32> -> vector<16xf32>
      %add3A_1864 = arith.addf %add3A_1857, %gather3A_1863 : vector<16xf32>
      %xor3A_1865 = arith.constant 2 : i32
      %xor3A_1866 = vector.broadcast %xor3A_1865 : i32 to vector<16xi32>
      %xor3A_1867 = arith.xori %iota3A, %xor3A_1866 : vector<16xi32>
      %reshape3A_1868 = vector.shape_cast %xor3A_1867 : vector<16xi32> to vector<16x1xi32>
      %gather3A_1869 = vector.shape_cast %reshape3A_1868 : vector<16x1xi32> to vector<16xi32>
      %gather3A_1870 = tpu.dynamic_gather %add3A_1864[%gather3A_1869] in [0] : vector<16xf32>, vector<16xi32> -> vector<16xf32>
      %add3A_1871 = arith.addf %add3A_1864, %gather3A_1870 : vector<16xf32>
      %xor3A_1872 = arith.constant 1 : i32
      %xor3A_1873 = vector.broadcast %xor3A_1872 : i32 to vector<16xi32>
      %xor3A_1874 = arith.xori %iota3A, %xor3A_1873 : vector<16xi32>
      %reshape3A_1875 = vector.shape_cast %xor3A_1874 : vector<16xi32> to vector<16x1xi32>
      %gather3A_1876 = vector.shape_cast %reshape3A_1875 : vector<16x1xi32> to vector<16xi32>
      %gather3A_1877 = tpu.dynamic_gather %add3A_1871[%gather3A_1876] in [0] : vector<16xf32>, vector<16xi32> -> vector<16xf32>
      %add3A_1878 = arith.addf %add3A_1871, %gather3A_1877 : vector<16xf32>
      %eq3A_1879 = arith.constant 14 : i32
      %eq3A_1880 = vector.broadcast %eq3A_1879 : i32 to vector<16xi32>
      %eq3A_1881 = arith.cmpi eq, %iota3A, %eq3A_1880 : vector<16xi32>
      %select_n3A_1882 = arith.select %eq3A_1881, %add3A_1878, %select_n3A_1788 : vector<16xi1>, vector<16xf32>
      %get3A_1883 = arith.constant 1 : i32
      %get3A_1884 = arith.index_cast %get3A_1883 : i32 to index
      %get3A_1885 = arith.constant 0 : index
      %get3A_1886 = tpu.vector_load %arg9[%get3A_1884, %get3A_1885] {strides = array<i32>} : memref<2x64xf32, #tpu.memory_space<vmem>>, vector<1x16xf32>,
      %get3A_1887 = vector.shape_cast %get3A_1886 : vector<1x16xf32> to vector<16xf32>
      %mul3A_1888 = arith.mulf %scan3A_1822#0, %get3A_1887 : vector<16xf32>
      %get3A_1889 = arith.constant 1 : i32
      %get3A_1890 = arith.index_cast %get3A_1889 : i32 to index
      %get3A_1891 = arith.constant 16 : index
      %get3A_1892 = tpu.vector_load %arg9[%get3A_1890, %get3A_1891] {strides = array<i32>} : memref<2x64xf32, #tpu.memory_space<vmem>>, vector<1x16xf32>,
      %get3A_1893 = vector.shape_cast %get3A_1892 : vector<1x16xf32> to vector<16xf32>
      %mul3A_1894 = arith.mulf %scan3A_1822#1, %get3A_1893 : vector<16xf32>
      %add3A_1895 = arith.addf %mul3A_1888, %mul3A_1894 : vector<16xf32>
      %get3A_1896 = arith.constant 1 : i32
      %get3A_1897 = arith.index_cast %get3A_1896 : i32 to index
      %get3A_1898 = arith.constant 32 : index
      %get3A_1899 = tpu.vector_load %arg9[%get3A_1897, %get3A_1898] {strides = array<i32>} : memref<2x64xf32, #tpu.memory_space<vmem>>, vector<1x16xf32>,
      %get3A_1900 = vector.shape_cast %get3A_1899 : vector<1x16xf32> to vector<16xf32>
      %mul3A_1901 = arith.mulf %scan3A_1822#2, %get3A_1900 : vector<16xf32>
      %add3A_1902 = arith.addf %add3A_1895, %mul3A_1901 : vector<16xf32>
      %get3A_1903 = arith.constant 1 : i32
      %get3A_1904 = arith.index_cast %get3A_1903 : i32 to index
      %get3A_1905 = arith.constant 48 : index
      %get3A_1906 = tpu.vector_load %arg9[%get3A_1904, %get3A_1905] {strides = array<i32>} : memref<2x64xf32, #tpu.memory_space<vmem>>, vector<1x16xf32>,
      %get3A_1907 = vector.shape_cast %get3A_1906 : vector<1x16xf32> to vector<16xf32>
      %mul3A_1908 = arith.mulf %scan3A_1822#3, %get3A_1907 : vector<16xf32>
      %add3A_1909 = arith.addf %add3A_1902, %mul3A_1908 : vector<16xf32>
      %xor3A_1910 = arith.constant 8 : i32
      %xor3A_1911 = vector.broadcast %xor3A_1910 : i32 to vector<16xi32>
      %xor3A_1912 = arith.xori %iota3A, %xor3A_1911 : vector<16xi32>
      %reshape3A_1913 = vector.shape_cast %xor3A_1912 : vector<16xi32> to vector<16x1xi32>
      %gather3A_1914 = vector.shape_cast %reshape3A_1913 : vector<16x1xi32> to vector<16xi32>
      %gather3A_1915 = tpu.dynamic_gather %add3A_1909[%gather3A_1914] in [0] : vector<16xf32>, vector<16xi32> -> vector<16xf32>
      %add3A_1916 = arith.addf %add3A_1909, %gather3A_1915 : vector<16xf32>
      %xor3A_1917 = arith.constant 4 : i32
      %xor3A_1918 = vector.broadcast %xor3A_1917 : i32 to vector<16xi32>
      %xor3A_1919 = arith.xori %iota3A, %xor3A_1918 : vector<16xi32>
      %reshape3A_1920 = vector.shape_cast %xor3A_1919 : vector<16xi32> to vector<16x1xi32>
      %gather3A_1921 = vector.shape_cast %reshape3A_1920 : vector<16x1xi32> to vector<16xi32>
      %gather3A_1922 = tpu.dynamic_gather %add3A_1916[%gather3A_1921] in [0] : vector<16xf32>, vector<16xi32> -> vector<16xf32>
      %add3A_1923 = arith.addf %add3A_1916, %gather3A_1922 : vector<16xf32>
      %xor3A_1924 = arith.constant 2 : i32
      %xor3A_1925 = vector.broadcast %xor3A_1924 : i32 to vector<16xi32>
      %xor3A_1926 = arith.xori %iota3A, %xor3A_1925 : vector<16xi32>
      %reshape3A_1927 = vector.shape_cast %xor3A_1926 : vector<16xi32> to vector<16x1xi32>
      %gather3A_1928 = vector.shape_cast %reshape3A_1927 : vector<16x1xi32> to vector<16xi32>
      %gather3A_1929 = tpu.dynamic_gather %add3A_1923[%gather3A_1928] in [0] : vector<16xf32>, vector<16xi32> -> vector<16xf32>
      %add3A_1930 = arith.addf %add3A_1923, %gather3A_1929 : vector<16xf32>
      %xor3A_1931 = arith.constant 1 : i32
      %xor3A_1932 = vector.broadcast %xor3A_1931 : i32 to vector<16xi32>
      %xor3A_1933 = arith.xori %iota3A, %xor3A_1932 : vector<16xi32>
      %reshape3A_1934 = vector.shape_cast %xor3A_1933 : vector<16xi32> to vector<16x1xi32>
      %gather3A_1935 = vector.shape_cast %reshape3A_1934 : vector<16x1xi32> to vector<16xi32>
      %gather3A_1936 = tpu.dynamic_gather %add3A_1930[%gather3A_1935] in [0] : vector<16xf32>, vector<16xi32> -> vector<16xf32>
      %add3A_1937 = arith.addf %add3A_1930, %gather3A_1936 : vector<16xf32>
      %eq3A_1938 = arith.constant 15 : i32
      %eq3A_1939 = vector.broadcast %eq3A_1938 : i32 to vector<16xi32>
      %eq3A_1940 = arith.cmpi eq, %iota3A, %eq3A_1939 : vector<16xi32>
      %select_n3A_1941 = arith.select %eq3A_1940, %add3A_1937, %select_n3A_1882 : vector<16xi1>, vector<16xf32>
      %swap3A_1942 = arith.index_cast %scan3A_439 : i32 to index
      %swap3A_1943 = arith.constant 0 : index
      %swap3A_1944 = tpu.vector_load %arg11[%swap3A_1942, %swap3A_1943] {strides = array<i32>} : memref<16x16xf32, #tpu.memory_space<vmem>>, vector<1x16xf32>,
      %swap3A_1945 = vector.shape_cast %swap3A_1944 : vector<1x16xf32> to vector<16xf32>
      %swap3A_1946 = vector.shape_cast %select_n3A_1941 : vector<16xf32> to vector<1x16xf32>
      tpu.vector_store %arg11[%swap3A_1942, %swap3A_1943], %swap3A_1946 {strides = array<i32>} : memref<16x16xf32, #tpu.memory_space<vmem>>, vector<1x16xf32>,
      %scan3A_1947 = arith.constant 0 : i32
      scf.yield %scan3A_1947 : i32
    }
    %scan3A_11 = arith.constant 16 : i32
    %get3A = arith.constant 0 : i32
    %get3A_12 = arith.index_cast %get3A : i32 to index
    %get3A_13 = arith.constant 0 : index
    %get3A_14 = tpu.vector_load %arg11[%get3A_12, %get3A_13] {strides = array<i32>} : memref<16x16xf32, #tpu.memory_space<vmem>>, vector<1x16xf32>,
    %get3A_15 = vector.shape_cast %get3A_14 : vector<1x16xf32> to vector<16xf32>
    %get3A_16 = arith.constant 0 : i32
    %get3A_17 = arith.index_cast %get3A_16 : i32 to index
    %get3A_18 = arith.constant 0 : index
    %get3A_19 = tpu.vector_load %arg10[%get3A_17, %get3A_18] {strides = array<i32>} : memref<16x16xf32, #tpu.memory_space<vmem>>, vector<1x16xf32>,
    %get3A_20 = vector.shape_cast %get3A_19 : vector<1x16xf32> to vector<16xf32>
    %add3A_21 = arith.addf %get3A_15, %get3A_20 : vector<16xf32>
    %neg3A = arith.constant 0.000000e+00 : f32
    %neg3A_22 = vector.broadcast %neg3A : f32 to vector<16xf32>
    %neg3A_23 = arith.subf %neg3A_22, %add3A_21 : vector<16xf32>
    %exp3A = math.exp %neg3A_23 : vector<16xf32>
    %add3A_24 = arith.constant 1.000000e+00 : f32
    %add3A_25 = vector.broadcast %add3A_24 : f32 to vector<16xf32>
    %add3A_26 = arith.addf %add3A_25, %exp3A : vector<16xf32>
    %div3A = arith.constant 1.000000e+00 : f32
    %div3A_27 = vector.broadcast %div3A : f32 to vector<16xf32>
    %div3A_28 = arith.divf %div3A_27, %add3A_26 : vector<16xf32>
    %swap3A = arith.constant 0 : i32
    %swap3A_29 = arith.index_cast %swap3A : i32 to index
    %swap3A_30 = arith.constant 0 : index
    %swap3A_31 = tpu.vector_load %arg11[%swap3A_29, %swap3A_30] {strides = array<i32>} : memref<16x16xf32, #tpu.memory_space<vmem>>, vector<1x16xf32>,
    %swap3A_32 = vector.shape_cast %swap3A_31 : vector<1x16xf32> to vector<16xf32>
    %swap3A_33 = vector.shape_cast %div3A_28 : vector<16xf32> to vector<1x16xf32>
    tpu.vector_store %arg11[%swap3A_29, %swap3A_30], %swap3A_33 {strides = array<i32>} : memref<16x16xf32, #tpu.memory_space<vmem>>, vector<1x16xf32>,
    %get3A_34 = arith.constant 1 : i32
    %get3A_35 = arith.index_cast %get3A_34 : i32 to index
    %get3A_36 = arith.constant 0 : index
    %get3A_37 = tpu.vector_load %arg11[%get3A_35, %get3A_36] {strides = array<i32>} : memref<16x16xf32, #tpu.memory_space<vmem>>, vector<1x16xf32>,
    %get3A_38 = vector.shape_cast %get3A_37 : vector<1x16xf32> to vector<16xf32>
    %get3A_39 = arith.constant 1 : i32
    %get3A_40 = arith.index_cast %get3A_39 : i32 to index
    %get3A_41 = arith.constant 0 : index
    %get3A_42 = tpu.vector_load %arg10[%get3A_40, %get3A_41] {strides = array<i32>} : memref<16x16xf32, #tpu.memory_space<vmem>>, vector<1x16xf32>,
    %get3A_43 = vector.shape_cast %get3A_42 : vector<1x16xf32> to vector<16xf32>
    %add3A_44 = arith.addf %get3A_38, %get3A_43 : vector<16xf32>
    %neg3A_45 = arith.constant 0.000000e+00 : f32
    %neg3A_46 = vector.broadcast %neg3A_45 : f32 to vector<16xf32>
    %neg3A_47 = arith.subf %neg3A_46, %add3A_44 : vector<16xf32>
    %exp3A_48 = math.exp %neg3A_47 : vector<16xf32>
    %add3A_49 = arith.constant 1.000000e+00 : f32
    %add3A_50 = vector.broadcast %add3A_49 : f32 to vector<16xf32>
    %add3A_51 = arith.addf %add3A_50, %exp3A_48 : vector<16xf32>
    %div3A_52 = arith.constant 1.000000e+00 : f32
    %div3A_53 = vector.broadcast %div3A_52 : f32 to vector<16xf32>
    %div3A_54 = arith.divf %div3A_53, %add3A_51 : vector<16xf32>
    %swap3A_55 = arith.constant 1 : i32
    %swap3A_56 = arith.index_cast %swap3A_55 : i32 to index
    %swap3A_57 = arith.constant 0 : index
    %swap3A_58 = tpu.vector_load %arg11[%swap3A_56, %swap3A_57] {strides = array<i32>} : memref<16x16xf32, #tpu.memory_space<vmem>>, vector<1x16xf32>,
    %swap3A_59 = vector.shape_cast %swap3A_58 : vector<1x16xf32> to vector<16xf32>
    %swap3A_60 = vector.shape_cast %div3A_54 : vector<16xf32> to vector<1x16xf32>
    tpu.vector_store %arg11[%swap3A_56, %swap3A_57], %swap3A_60 {strides = array<i32>} : memref<16x16xf32, #tpu.memory_space<vmem>>, vector<1x16xf32>,
    %get3A_61 = arith.constant 2 : i32
    %get3A_62 = arith.index_cast %get3A_61 : i32 to index
    %get3A_63 = arith.constant 0 : index
    %get3A_64 = tpu.vector_load %arg11[%get3A_62, %get3A_63] {strides = array<i32>} : memref<16x16xf32, #tpu.memory_space<vmem>>, vector<1x16xf32>,
    %get3A_65 = vector.shape_cast %get3A_64 : vector<1x16xf32> to vector<16xf32>
    %get3A_66 = arith.constant 2 : i32
    %get3A_67 = arith.index_cast %get3A_66 : i32 to index
    %get3A_68 = arith.constant 0 : index
    %get3A_69 = tpu.vector_load %arg10[%get3A_67, %get3A_68] {strides = array<i32>} : memref<16x16xf32, #tpu.memory_space<vmem>>, vector<1x16xf32>,
    %get3A_70 = vector.shape_cast %get3A_69 : vector<1x16xf32> to vector<16xf32>
    %add3A_71 = arith.addf %get3A_65, %get3A_70 : vector<16xf32>
    %neg3A_72 = arith.constant 0.000000e+00 : f32
    %neg3A_73 = vector.broadcast %neg3A_72 : f32 to vector<16xf32>
    %neg3A_74 = arith.subf %neg3A_73, %add3A_71 : vector<16xf32>
    %exp3A_75 = math.exp %neg3A_74 : vector<16xf32>
    %add3A_76 = arith.constant 1.000000e+00 : f32
    %add3A_77 = vector.broadcast %add3A_76 : f32 to vector<16xf32>
    %add3A_78 = arith.addf %add3A_77, %exp3A_75 : vector<16xf32>
    %div3A_79 = arith.constant 1.000000e+00 : f32
    %div3A_80 = vector.broadcast %div3A_79 : f32 to vector<16xf32>
    %div3A_81 = arith.divf %div3A_80, %add3A_78 : vector<16xf32>
    %swap3A_82 = arith.constant 2 : i32
    %swap3A_83 = arith.index_cast %swap3A_82 : i32 to index
    %swap3A_84 = arith.constant 0 : index
    %swap3A_85 = tpu.vector_load %arg11[%swap3A_83, %swap3A_84] {strides = array<i32>} : memref<16x16xf32, #tpu.memory_space<vmem>>, vector<1x16xf32>,
    %swap3A_86 = vector.shape_cast %swap3A_85 : vector<1x16xf32> to vector<16xf32>
    %swap3A_87 = vector.shape_cast %div3A_81 : vector<16xf32> to vector<1x16xf32>
    tpu.vector_store %arg11[%swap3A_83, %swap3A_84], %swap3A_87 {strides = array<i32>} : memref<16x16xf32, #tpu.memory_space<vmem>>, vector<1x16xf32>,
    %get3A_88 = arith.constant 3 : i32
    %get3A_89 = arith.index_cast %get3A_88 : i32 to index
    %get3A_90 = arith.constant 0 : index
    %get3A_91 = tpu.vector_load %arg11[%get3A_89, %get3A_90] {strides = array<i32>} : memref<16x16xf32, #tpu.memory_space<vmem>>, vector<1x16xf32>,
    %get3A_92 = vector.shape_cast %get3A_91 : vector<1x16xf32> to vector<16xf32>
    %get3A_93 = arith.constant 3 : i32
    %get3A_94 = arith.index_cast %get3A_93 : i32 to index
    %get3A_95 = arith.constant 0 : index
    %get3A_96 = tpu.vector_load %arg10[%get3A_94, %get3A_95] {strides = array<i32>} : memref<16x16xf32, #tpu.memory_space<vmem>>, vector<1x16xf32>,
    %get3A_97 = vector.shape_cast %get3A_96 : vector<1x16xf32> to vector<16xf32>
    %add3A_98 = arith.addf %get3A_92, %get3A_97 : vector<16xf32>
    %neg3A_99 = arith.constant 0.000000e+00 : f32
    %neg3A_100 = vector.broadcast %neg3A_99 : f32 to vector<16xf32>
    %neg3A_101 = arith.subf %neg3A_100, %add3A_98 : vector<16xf32>
    %exp3A_102 = math.exp %neg3A_101 : vector<16xf32>
    %add3A_103 = arith.constant 1.000000e+00 : f32
    %add3A_104 = vector.broadcast %add3A_103 : f32 to vector<16xf32>
    %add3A_105 = arith.addf %add3A_104, %exp3A_102 : vector<16xf32>
    %div3A_106 = arith.constant 1.000000e+00 : f32
    %div3A_107 = vector.broadcast %div3A_106 : f32 to vector<16xf32>
    %div3A_108 = arith.divf %div3A_107, %add3A_105 : vector<16xf32>
    %swap3A_109 = arith.constant 3 : i32
    %swap3A_110 = arith.index_cast %swap3A_109 : i32 to index
    %swap3A_111 = arith.constant 0 : index
    %swap3A_112 = tpu.vector_load %arg11[%swap3A_110, %swap3A_111] {strides = array<i32>} : memref<16x16xf32, #tpu.memory_space<vmem>>, vector<1x16xf32>,
    %swap3A_113 = vector.shape_cast %swap3A_112 : vector<1x16xf32> to vector<16xf32>
    %swap3A_114 = vector.shape_cast %div3A_108 : vector<16xf32> to vector<1x16xf32>
    tpu.vector_store %arg11[%swap3A_110, %swap3A_111], %swap3A_114 {strides = array<i32>} : memref<16x16xf32, #tpu.memory_space<vmem>>, vector<1x16xf32>,
    %get3A_115 = arith.constant 4 : i32
    %get3A_116 = arith.index_cast %get3A_115 : i32 to index
    %get3A_117 = arith.constant 0 : index
    %get3A_118 = tpu.vector_load %arg11[%get3A_116, %get3A_117] {strides = array<i32>} : memref<16x16xf32, #tpu.memory_space<vmem>>, vector<1x16xf32>,
    %get3A_119 = vector.shape_cast %get3A_118 : vector<1x16xf32> to vector<16xf32>
    %get3A_120 = arith.constant 4 : i32
    %get3A_121 = arith.index_cast %get3A_120 : i32 to index
    %get3A_122 = arith.constant 0 : index
    %get3A_123 = tpu.vector_load %arg10[%get3A_121, %get3A_122] {strides = array<i32>} : memref<16x16xf32, #tpu.memory_space<vmem>>, vector<1x16xf32>,
    %get3A_124 = vector.shape_cast %get3A_123 : vector<1x16xf32> to vector<16xf32>
    %add3A_125 = arith.addf %get3A_119, %get3A_124 : vector<16xf32>
    %neg3A_126 = arith.constant 0.000000e+00 : f32
    %neg3A_127 = vector.broadcast %neg3A_126 : f32 to vector<16xf32>
    %neg3A_128 = arith.subf %neg3A_127, %add3A_125 : vector<16xf32>
    %exp3A_129 = math.exp %neg3A_128 : vector<16xf32>
    %add3A_130 = arith.constant 1.000000e+00 : f32
    %add3A_131 = vector.broadcast %add3A_130 : f32 to vector<16xf32>
    %add3A_132 = arith.addf %add3A_131, %exp3A_129 : vector<16xf32>
    %div3A_133 = arith.constant 1.000000e+00 : f32
    %div3A_134 = vector.broadcast %div3A_133 : f32 to vector<16xf32>
    %div3A_135 = arith.divf %div3A_134, %add3A_132 : vector<16xf32>
    %swap3A_136 = arith.constant 4 : i32
    %swap3A_137 = arith.index_cast %swap3A_136 : i32 to index
    %swap3A_138 = arith.constant 0 : index
    %swap3A_139 = tpu.vector_load %arg11[%swap3A_137, %swap3A_138] {strides = array<i32>} : memref<16x16xf32, #tpu.memory_space<vmem>>, vector<1x16xf32>,
    %swap3A_140 = vector.shape_cast %swap3A_139 : vector<1x16xf32> to vector<16xf32>
    %swap3A_141 = vector.shape_cast %div3A_135 : vector<16xf32> to vector<1x16xf32>
    tpu.vector_store %arg11[%swap3A_137, %swap3A_138], %swap3A_141 {strides = array<i32>} : memref<16x16xf32, #tpu.memory_space<vmem>>, vector<1x16xf32>,
    %get3A_142 = arith.constant 5 : i32
    %get3A_143 = arith.index_cast %get3A_142 : i32 to index
    %get3A_144 = arith.constant 0 : index
    %get3A_145 = tpu.vector_load %arg11[%get3A_143, %get3A_144] {strides = array<i32>} : memref<16x16xf32, #tpu.memory_space<vmem>>, vector<1x16xf32>,
    %get3A_146 = vector.shape_cast %get3A_145 : vector<1x16xf32> to vector<16xf32>
    %get3A_147 = arith.constant 5 : i32
    %get3A_148 = arith.index_cast %get3A_147 : i32 to index
    %get3A_149 = arith.constant 0 : index
    %get3A_150 = tpu.vector_load %arg10[%get3A_148, %get3A_149] {strides = array<i32>} : memref<16x16xf32, #tpu.memory_space<vmem>>, vector<1x16xf32>,
    %get3A_151 = vector.shape_cast %get3A_150 : vector<1x16xf32> to vector<16xf32>
    %add3A_152 = arith.addf %get3A_146, %get3A_151 : vector<16xf32>
    %neg3A_153 = arith.constant 0.000000e+00 : f32
    %neg3A_154 = vector.broadcast %neg3A_153 : f32 to vector<16xf32>
    %neg3A_155 = arith.subf %neg3A_154, %add3A_152 : vector<16xf32>
    %exp3A_156 = math.exp %neg3A_155 : vector<16xf32>
    %add3A_157 = arith.constant 1.000000e+00 : f32
    %add3A_158 = vector.broadcast %add3A_157 : f32 to vector<16xf32>
    %add3A_159 = arith.addf %add3A_158, %exp3A_156 : vector<16xf32>
    %div3A_160 = arith.constant 1.000000e+00 : f32
    %div3A_161 = vector.broadcast %div3A_160 : f32 to vector<16xf32>
    %div3A_162 = arith.divf %div3A_161, %add3A_159 : vector<16xf32>
    %swap3A_163 = arith.constant 5 : i32
    %swap3A_164 = arith.index_cast %swap3A_163 : i32 to index
    %swap3A_165 = arith.constant 0 : index
    %swap3A_166 = tpu.vector_load %arg11[%swap3A_164, %swap3A_165] {strides = array<i32>} : memref<16x16xf32, #tpu.memory_space<vmem>>, vector<1x16xf32>,
    %swap3A_167 = vector.shape_cast %swap3A_166 : vector<1x16xf32> to vector<16xf32>
    %swap3A_168 = vector.shape_cast %div3A_162 : vector<16xf32> to vector<1x16xf32>
    tpu.vector_store %arg11[%swap3A_164, %swap3A_165], %swap3A_168 {strides = array<i32>} : memref<16x16xf32, #tpu.memory_space<vmem>>, vector<1x16xf32>,
    %get3A_169 = arith.constant 6 : i32
    %get3A_170 = arith.index_cast %get3A_169 : i32 to index
    %get3A_171 = arith.constant 0 : index
    %get3A_172 = tpu.vector_load %arg11[%get3A_170, %get3A_171] {strides = array<i32>} : memref<16x16xf32, #tpu.memory_space<vmem>>, vector<1x16xf32>,
    %get3A_173 = vector.shape_cast %get3A_172 : vector<1x16xf32> to vector<16xf32>
    %get3A_174 = arith.constant 6 : i32
    %get3A_175 = arith.index_cast %get3A_174 : i32 to index
    %get3A_176 = arith.constant 0 : index
    %get3A_177 = tpu.vector_load %arg10[%get3A_175, %get3A_176] {strides = array<i32>} : memref<16x16xf32, #tpu.memory_space<vmem>>, vector<1x16xf32>,
    %get3A_178 = vector.shape_cast %get3A_177 : vector<1x16xf32> to vector<16xf32>
    %add3A_179 = arith.addf %get3A_173, %get3A_178 : vector<16xf32>
    %neg3A_180 = arith.constant 0.000000e+00 : f32
    %neg3A_181 = vector.broadcast %neg3A_180 : f32 to vector<16xf32>
    %neg3A_182 = arith.subf %neg3A_181, %add3A_179 : vector<16xf32>
    %exp3A_183 = math.exp %neg3A_182 : vector<16xf32>
    %add3A_184 = arith.constant 1.000000e+00 : f32
    %add3A_185 = vector.broadcast %add3A_184 : f32 to vector<16xf32>
    %add3A_186 = arith.addf %add3A_185, %exp3A_183 : vector<16xf32>
    %div3A_187 = arith.constant 1.000000e+00 : f32
    %div3A_188 = vector.broadcast %div3A_187 : f32 to vector<16xf32>
    %div3A_189 = arith.divf %div3A_188, %add3A_186 : vector<16xf32>
    %swap3A_190 = arith.constant 6 : i32
    %swap3A_191 = arith.index_cast %swap3A_190 : i32 to index
    %swap3A_192 = arith.constant 0 : index
    %swap3A_193 = tpu.vector_load %arg11[%swap3A_191, %swap3A_192] {strides = array<i32>} : memref<16x16xf32, #tpu.memory_space<vmem>>, vector<1x16xf32>,
    %swap3A_194 = vector.shape_cast %swap3A_193 : vector<1x16xf32> to vector<16xf32>
    %swap3A_195 = vector.shape_cast %div3A_189 : vector<16xf32> to vector<1x16xf32>
    tpu.vector_store %arg11[%swap3A_191, %swap3A_192], %swap3A_195 {strides = array<i32>} : memref<16x16xf32, #tpu.memory_space<vmem>>, vector<1x16xf32>,
    %get3A_196 = arith.constant 7 : i32
    %get3A_197 = arith.index_cast %get3A_196 : i32 to index
    %get3A_198 = arith.constant 0 : index
    %get3A_199 = tpu.vector_load %arg11[%get3A_197, %get3A_198] {strides = array<i32>} : memref<16x16xf32, #tpu.memory_space<vmem>>, vector<1x16xf32>,
    %get3A_200 = vector.shape_cast %get3A_199 : vector<1x16xf32> to vector<16xf32>
    %get3A_201 = arith.constant 7 : i32
    %get3A_202 = arith.index_cast %get3A_201 : i32 to index
    %get3A_203 = arith.constant 0 : index
    %get3A_204 = tpu.vector_load %arg10[%get3A_202, %get3A_203] {strides = array<i32>} : memref<16x16xf32, #tpu.memory_space<vmem>>, vector<1x16xf32>,
    %get3A_205 = vector.shape_cast %get3A_204 : vector<1x16xf32> to vector<16xf32>
    %add3A_206 = arith.addf %get3A_200, %get3A_205 : vector<16xf32>
    %neg3A_207 = arith.constant 0.000000e+00 : f32
    %neg3A_208 = vector.broadcast %neg3A_207 : f32 to vector<16xf32>
    %neg3A_209 = arith.subf %neg3A_208, %add3A_206 : vector<16xf32>
    %exp3A_210 = math.exp %neg3A_209 : vector<16xf32>
    %add3A_211 = arith.constant 1.000000e+00 : f32
    %add3A_212 = vector.broadcast %add3A_211 : f32 to vector<16xf32>
    %add3A_213 = arith.addf %add3A_212, %exp3A_210 : vector<16xf32>
    %div3A_214 = arith.constant 1.000000e+00 : f32
    %div3A_215 = vector.broadcast %div3A_214 : f32 to vector<16xf32>
    %div3A_216 = arith.divf %div3A_215, %add3A_213 : vector<16xf32>
    %swap3A_217 = arith.constant 7 : i32
    %swap3A_218 = arith.index_cast %swap3A_217 : i32 to index
    %swap3A_219 = arith.constant 0 : index
    %swap3A_220 = tpu.vector_load %arg11[%swap3A_218, %swap3A_219] {strides = array<i32>} : memref<16x16xf32, #tpu.memory_space<vmem>>, vector<1x16xf32>,
    %swap3A_221 = vector.shape_cast %swap3A_220 : vector<1x16xf32> to vector<16xf32>
    %swap3A_222 = vector.shape_cast %div3A_216 : vector<16xf32> to vector<1x16xf32>
    tpu.vector_store %arg11[%swap3A_218, %swap3A_219], %swap3A_222 {strides = array<i32>} : memref<16x16xf32, #tpu.memory_space<vmem>>, vector<1x16xf32>,
    %get3A_223 = arith.constant 8 : i32
    %get3A_224 = arith.index_cast %get3A_223 : i32 to index
    %get3A_225 = arith.constant 0 : index
    %get3A_226 = tpu.vector_load %arg11[%get3A_224, %get3A_225] {strides = array<i32>} : memref<16x16xf32, #tpu.memory_space<vmem>>, vector<1x16xf32>,
    %get3A_227 = vector.shape_cast %get3A_226 : vector<1x16xf32> to vector<16xf32>
    %get3A_228 = arith.constant 8 : i32
    %get3A_229 = arith.index_cast %get3A_228 : i32 to index
    %get3A_230 = arith.constant 0 : index
    %get3A_231 = tpu.vector_load %arg10[%get3A_229, %get3A_230] {strides = array<i32>} : memref<16x16xf32, #tpu.memory_space<vmem>>, vector<1x16xf32>,
    %get3A_232 = vector.shape_cast %get3A_231 : vector<1x16xf32> to vector<16xf32>
    %add3A_233 = arith.addf %get3A_227, %get3A_232 : vector<16xf32>
    %neg3A_234 = arith.constant 0.000000e+00 : f32
    %neg3A_235 = vector.broadcast %neg3A_234 : f32 to vector<16xf32>
    %neg3A_236 = arith.subf %neg3A_235, %add3A_233 : vector<16xf32>
    %exp3A_237 = math.exp %neg3A_236 : vector<16xf32>
    %add3A_238 = arith.constant 1.000000e+00 : f32
    %add3A_239 = vector.broadcast %add3A_238 : f32 to vector<16xf32>
    %add3A_240 = arith.addf %add3A_239, %exp3A_237 : vector<16xf32>
    %div3A_241 = arith.constant 1.000000e+00 : f32
    %div3A_242 = vector.broadcast %div3A_241 : f32 to vector<16xf32>
    %div3A_243 = arith.divf %div3A_242, %add3A_240 : vector<16xf32>
    %swap3A_244 = arith.constant 8 : i32
    %swap3A_245 = arith.index_cast %swap3A_244 : i32 to index
    %swap3A_246 = arith.constant 0 : index
    %swap3A_247 = tpu.vector_load %arg11[%swap3A_245, %swap3A_246] {strides = array<i32>} : memref<16x16xf32, #tpu.memory_space<vmem>>, vector<1x16xf32>,
    %swap3A_248 = vector.shape_cast %swap3A_247 : vector<1x16xf32> to vector<16xf32>
    %swap3A_249 = vector.shape_cast %div3A_243 : vector<16xf32> to vector<1x16xf32>
    tpu.vector_store %arg11[%swap3A_245, %swap3A_246], %swap3A_249 {strides = array<i32>} : memref<16x16xf32, #tpu.memory_space<vmem>>, vector<1x16xf32>,
    %get3A_250 = arith.constant 9 : i32
    %get3A_251 = arith.index_cast %get3A_250 : i32 to index
    %get3A_252 = arith.constant 0 : index
    %get3A_253 = tpu.vector_load %arg11[%get3A_251, %get3A_252] {strides = array<i32>} : memref<16x16xf32, #tpu.memory_space<vmem>>, vector<1x16xf32>,
    %get3A_254 = vector.shape_cast %get3A_253 : vector<1x16xf32> to vector<16xf32>
    %get3A_255 = arith.constant 9 : i32
    %get3A_256 = arith.index_cast %get3A_255 : i32 to index
    %get3A_257 = arith.constant 0 : index
    %get3A_258 = tpu.vector_load %arg10[%get3A_256, %get3A_257] {strides = array<i32>} : memref<16x16xf32, #tpu.memory_space<vmem>>, vector<1x16xf32>,
    %get3A_259 = vector.shape_cast %get3A_258 : vector<1x16xf32> to vector<16xf32>
    %add3A_260 = arith.addf %get3A_254, %get3A_259 : vector<16xf32>
    %neg3A_261 = arith.constant 0.000000e+00 : f32
    %neg3A_262 = vector.broadcast %neg3A_261 : f32 to vector<16xf32>
    %neg3A_263 = arith.subf %neg3A_262, %add3A_260 : vector<16xf32>
    %exp3A_264 = math.exp %neg3A_263 : vector<16xf32>
    %add3A_265 = arith.constant 1.000000e+00 : f32
    %add3A_266 = vector.broadcast %add3A_265 : f32 to vector<16xf32>
    %add3A_267 = arith.addf %add3A_266, %exp3A_264 : vector<16xf32>
    %div3A_268 = arith.constant 1.000000e+00 : f32
    %div3A_269 = vector.broadcast %div3A_268 : f32 to vector<16xf32>
    %div3A_270 = arith.divf %div3A_269, %add3A_267 : vector<16xf32>
    %swap3A_271 = arith.constant 9 : i32
    %swap3A_272 = arith.index_cast %swap3A_271 : i32 to index
    %swap3A_273 = arith.constant 0 : index
    %swap3A_274 = tpu.vector_load %arg11[%swap3A_272, %swap3A_273] {strides = array<i32>} : memref<16x16xf32, #tpu.memory_space<vmem>>, vector<1x16xf32>,
    %swap3A_275 = vector.shape_cast %swap3A_274 : vector<1x16xf32> to vector<16xf32>
    %swap3A_276 = vector.shape_cast %div3A_270 : vector<16xf32> to vector<1x16xf32>
    tpu.vector_store %arg11[%swap3A_272, %swap3A_273], %swap3A_276 {strides = array<i32>} : memref<16x16xf32, #tpu.memory_space<vmem>>, vector<1x16xf32>,
    %get3A_277 = arith.constant 10 : i32
    %get3A_278 = arith.index_cast %get3A_277 : i32 to index
    %get3A_279 = arith.constant 0 : index
    %get3A_280 = tpu.vector_load %arg11[%get3A_278, %get3A_279] {strides = array<i32>} : memref<16x16xf32, #tpu.memory_space<vmem>>, vector<1x16xf32>,
    %get3A_281 = vector.shape_cast %get3A_280 : vector<1x16xf32> to vector<16xf32>
    %get3A_282 = arith.constant 10 : i32
    %get3A_283 = arith.index_cast %get3A_282 : i32 to index
    %get3A_284 = arith.constant 0 : index
    %get3A_285 = tpu.vector_load %arg10[%get3A_283, %get3A_284] {strides = array<i32>} : memref<16x16xf32, #tpu.memory_space<vmem>>, vector<1x16xf32>,
    %get3A_286 = vector.shape_cast %get3A_285 : vector<1x16xf32> to vector<16xf32>
    %add3A_287 = arith.addf %get3A_281, %get3A_286 : vector<16xf32>
    %neg3A_288 = arith.constant 0.000000e+00 : f32
    %neg3A_289 = vector.broadcast %neg3A_288 : f32 to vector<16xf32>
    %neg3A_290 = arith.subf %neg3A_289, %add3A_287 : vector<16xf32>
    %exp3A_291 = math.exp %neg3A_290 : vector<16xf32>
    %add3A_292 = arith.constant 1.000000e+00 : f32
    %add3A_293 = vector.broadcast %add3A_292 : f32 to vector<16xf32>
    %add3A_294 = arith.addf %add3A_293, %exp3A_291 : vector<16xf32>
    %div3A_295 = arith.constant 1.000000e+00 : f32
    %div3A_296 = vector.broadcast %div3A_295 : f32 to vector<16xf32>
    %div3A_297 = arith.divf %div3A_296, %add3A_294 : vector<16xf32>
    %swap3A_298 = arith.constant 10 : i32
    %swap3A_299 = arith.index_cast %swap3A_298 : i32 to index
    %swap3A_300 = arith.constant 0 : index
    %swap3A_301 = tpu.vector_load %arg11[%swap3A_299, %swap3A_300] {strides = array<i32>} : memref<16x16xf32, #tpu.memory_space<vmem>>, vector<1x16xf32>,
    %swap3A_302 = vector.shape_cast %swap3A_301 : vector<1x16xf32> to vector<16xf32>
    %swap3A_303 = vector.shape_cast %div3A_297 : vector<16xf32> to vector<1x16xf32>
    tpu.vector_store %arg11[%swap3A_299, %swap3A_300], %swap3A_303 {strides = array<i32>} : memref<16x16xf32, #tpu.memory_space<vmem>>, vector<1x16xf32>,
    %get3A_304 = arith.constant 11 : i32
    %get3A_305 = arith.index_cast %get3A_304 : i32 to index
    %get3A_306 = arith.constant 0 : index
    %get3A_307 = tpu.vector_load %arg11[%get3A_305, %get3A_306] {strides = array<i32>} : memref<16x16xf32, #tpu.memory_space<vmem>>, vector<1x16xf32>,
    %get3A_308 = vector.shape_cast %get3A_307 : vector<1x16xf32> to vector<16xf32>
    %get3A_309 = arith.constant 11 : i32
    %get3A_310 = arith.index_cast %get3A_309 : i32 to index
    %get3A_311 = arith.constant 0 : index
    %get3A_312 = tpu.vector_load %arg10[%get3A_310, %get3A_311] {strides = array<i32>} : memref<16x16xf32, #tpu.memory_space<vmem>>, vector<1x16xf32>,
    %get3A_313 = vector.shape_cast %get3A_312 : vector<1x16xf32> to vector<16xf32>
    %add3A_314 = arith.addf %get3A_308, %get3A_313 : vector<16xf32>
    %neg3A_315 = arith.constant 0.000000e+00 : f32
    %neg3A_316 = vector.broadcast %neg3A_315 : f32 to vector<16xf32>
    %neg3A_317 = arith.subf %neg3A_316, %add3A_314 : vector<16xf32>
    %exp3A_318 = math.exp %neg3A_317 : vector<16xf32>
    %add3A_319 = arith.constant 1.000000e+00 : f32
    %add3A_320 = vector.broadcast %add3A_319 : f32 to vector<16xf32>
    %add3A_321 = arith.addf %add3A_320, %exp3A_318 : vector<16xf32>
    %div3A_322 = arith.constant 1.000000e+00 : f32
    %div3A_323 = vector.broadcast %div3A_322 : f32 to vector<16xf32>
    %div3A_324 = arith.divf %div3A_323, %add3A_321 : vector<16xf32>
    %swap3A_325 = arith.constant 11 : i32
    %swap3A_326 = arith.index_cast %swap3A_325 : i32 to index
    %swap3A_327 = arith.constant 0 : index
    %swap3A_328 = tpu.vector_load %arg11[%swap3A_326, %swap3A_327] {strides = array<i32>} : memref<16x16xf32, #tpu.memory_space<vmem>>, vector<1x16xf32>,
    %swap3A_329 = vector.shape_cast %swap3A_328 : vector<1x16xf32> to vector<16xf32>
    %swap3A_330 = vector.shape_cast %div3A_324 : vector<16xf32> to vector<1x16xf32>
    tpu.vector_store %arg11[%swap3A_326, %swap3A_327], %swap3A_330 {strides = array<i32>} : memref<16x16xf32, #tpu.memory_space<vmem>>, vector<1x16xf32>,
    %get3A_331 = arith.constant 12 : i32
    %get3A_332 = arith.index_cast %get3A_331 : i32 to index
    %get3A_333 = arith.constant 0 : index
    %get3A_334 = tpu.vector_load %arg11[%get3A_332, %get3A_333] {strides = array<i32>} : memref<16x16xf32, #tpu.memory_space<vmem>>, vector<1x16xf32>,
    %get3A_335 = vector.shape_cast %get3A_334 : vector<1x16xf32> to vector<16xf32>
    %get3A_336 = arith.constant 12 : i32
    %get3A_337 = arith.index_cast %get3A_336 : i32 to index
    %get3A_338 = arith.constant 0 : index
    %get3A_339 = tpu.vector_load %arg10[%get3A_337, %get3A_338] {strides = array<i32>} : memref<16x16xf32, #tpu.memory_space<vmem>>, vector<1x16xf32>,
    %get3A_340 = vector.shape_cast %get3A_339 : vector<1x16xf32> to vector<16xf32>
    %add3A_341 = arith.addf %get3A_335, %get3A_340 : vector<16xf32>
    %neg3A_342 = arith.constant 0.000000e+00 : f32
    %neg3A_343 = vector.broadcast %neg3A_342 : f32 to vector<16xf32>
    %neg3A_344 = arith.subf %neg3A_343, %add3A_341 : vector<16xf32>
    %exp3A_345 = math.exp %neg3A_344 : vector<16xf32>
    %add3A_346 = arith.constant 1.000000e+00 : f32
    %add3A_347 = vector.broadcast %add3A_346 : f32 to vector<16xf32>
    %add3A_348 = arith.addf %add3A_347, %exp3A_345 : vector<16xf32>
    %div3A_349 = arith.constant 1.000000e+00 : f32
    %div3A_350 = vector.broadcast %div3A_349 : f32 to vector<16xf32>
    %div3A_351 = arith.divf %div3A_350, %add3A_348 : vector<16xf32>
    %swap3A_352 = arith.constant 12 : i32
    %swap3A_353 = arith.index_cast %swap3A_352 : i32 to index
    %swap3A_354 = arith.constant 0 : index
    %swap3A_355 = tpu.vector_load %arg11[%swap3A_353, %swap3A_354] {strides = array<i32>} : memref<16x16xf32, #tpu.memory_space<vmem>>, vector<1x16xf32>,
    %swap3A_356 = vector.shape_cast %swap3A_355 : vector<1x16xf32> to vector<16xf32>
    %swap3A_357 = vector.shape_cast %div3A_351 : vector<16xf32> to vector<1x16xf32>
    tpu.vector_store %arg11[%swap3A_353, %swap3A_354], %swap3A_357 {strides = array<i32>} : memref<16x16xf32, #tpu.memory_space<vmem>>, vector<1x16xf32>,
    %get3A_358 = arith.constant 13 : i32
    %get3A_359 = arith.index_cast %get3A_358 : i32 to index
    %get3A_360 = arith.constant 0 : index
    %get3A_361 = tpu.vector_load %arg11[%get3A_359, %get3A_360] {strides = array<i32>} : memref<16x16xf32, #tpu.memory_space<vmem>>, vector<1x16xf32>,
    %get3A_362 = vector.shape_cast %get3A_361 : vector<1x16xf32> to vector<16xf32>
    %get3A_363 = arith.constant 13 : i32
    %get3A_364 = arith.index_cast %get3A_363 : i32 to index
    %get3A_365 = arith.constant 0 : index
    %get3A_366 = tpu.vector_load %arg10[%get3A_364, %get3A_365] {strides = array<i32>} : memref<16x16xf32, #tpu.memory_space<vmem>>, vector<1x16xf32>,
    %get3A_367 = vector.shape_cast %get3A_366 : vector<1x16xf32> to vector<16xf32>
    %add3A_368 = arith.addf %get3A_362, %get3A_367 : vector<16xf32>
    %neg3A_369 = arith.constant 0.000000e+00 : f32
    %neg3A_370 = vector.broadcast %neg3A_369 : f32 to vector<16xf32>
    %neg3A_371 = arith.subf %neg3A_370, %add3A_368 : vector<16xf32>
    %exp3A_372 = math.exp %neg3A_371 : vector<16xf32>
    %add3A_373 = arith.constant 1.000000e+00 : f32
    %add3A_374 = vector.broadcast %add3A_373 : f32 to vector<16xf32>
    %add3A_375 = arith.addf %add3A_374, %exp3A_372 : vector<16xf32>
    %div3A_376 = arith.constant 1.000000e+00 : f32
    %div3A_377 = vector.broadcast %div3A_376 : f32 to vector<16xf32>
    %div3A_378 = arith.divf %div3A_377, %add3A_375 : vector<16xf32>
    %swap3A_379 = arith.constant 13 : i32
    %swap3A_380 = arith.index_cast %swap3A_379 : i32 to index
    %swap3A_381 = arith.constant 0 : index
    %swap3A_382 = tpu.vector_load %arg11[%swap3A_380, %swap3A_381] {strides = array<i32>} : memref<16x16xf32, #tpu.memory_space<vmem>>, vector<1x16xf32>,
    %swap3A_383 = vector.shape_cast %swap3A_382 : vector<1x16xf32> to vector<16xf32>
    %swap3A_384 = vector.shape_cast %div3A_378 : vector<16xf32> to vector<1x16xf32>
    tpu.vector_store %arg11[%swap3A_380, %swap3A_381], %swap3A_384 {strides = array<i32>} : memref<16x16xf32, #tpu.memory_space<vmem>>, vector<1x16xf32>,
    %get3A_385 = arith.constant 14 : i32
    %get3A_386 = arith.index_cast %get3A_385 : i32 to index
    %get3A_387 = arith.constant 0 : index
    %get3A_388 = tpu.vector_load %arg11[%get3A_386, %get3A_387] {strides = array<i32>} : memref<16x16xf32, #tpu.memory_space<vmem>>, vector<1x16xf32>,
    %get3A_389 = vector.shape_cast %get3A_388 : vector<1x16xf32> to vector<16xf32>
    %get3A_390 = arith.constant 14 : i32
    %get3A_391 = arith.index_cast %get3A_390 : i32 to index
    %get3A_392 = arith.constant 0 : index
    %get3A_393 = tpu.vector_load %arg10[%get3A_391, %get3A_392] {strides = array<i32>} : memref<16x16xf32, #tpu.memory_space<vmem>>, vector<1x16xf32>,
    %get3A_394 = vector.shape_cast %get3A_393 : vector<1x16xf32> to vector<16xf32>
    %add3A_395 = arith.addf %get3A_389, %get3A_394 : vector<16xf32>
    %neg3A_396 = arith.constant 0.000000e+00 : f32
    %neg3A_397 = vector.broadcast %neg3A_396 : f32 to vector<16xf32>
    %neg3A_398 = arith.subf %neg3A_397, %add3A_395 : vector<16xf32>
    %exp3A_399 = math.exp %neg3A_398 : vector<16xf32>
    %add3A_400 = arith.constant 1.000000e+00 : f32
    %add3A_401 = vector.broadcast %add3A_400 : f32 to vector<16xf32>
    %add3A_402 = arith.addf %add3A_401, %exp3A_399 : vector<16xf32>
    %div3A_403 = arith.constant 1.000000e+00 : f32
    %div3A_404 = vector.broadcast %div3A_403 : f32 to vector<16xf32>
    %div3A_405 = arith.divf %div3A_404, %add3A_402 : vector<16xf32>
    %swap3A_406 = arith.constant 14 : i32
    %swap3A_407 = arith.index_cast %swap3A_406 : i32 to index
    %swap3A_408 = arith.constant 0 : index
    %swap3A_409 = tpu.vector_load %arg11[%swap3A_407, %swap3A_408] {strides = array<i32>} : memref<16x16xf32, #tpu.memory_space<vmem>>, vector<1x16xf32>,
    %swap3A_410 = vector.shape_cast %swap3A_409 : vector<1x16xf32> to vector<16xf32>
    %swap3A_411 = vector.shape_cast %div3A_405 : vector<16xf32> to vector<1x16xf32>
    tpu.vector_store %arg11[%swap3A_407, %swap3A_408], %swap3A_411 {strides = array<i32>} : memref<16x16xf32, #tpu.memory_space<vmem>>, vector<1x16xf32>,
    %get3A_412 = arith.constant 15 : i32
    %get3A_413 = arith.index_cast %get3A_412 : i32 to index
    %get3A_414 = arith.constant 0 : index
    %get3A_415 = tpu.vector_load %arg11[%get3A_413, %get3A_414] {strides = array<i32>} : memref<16x16xf32, #tpu.memory_space<vmem>>, vector<1x16xf32>,
    %get3A_416 = vector.shape_cast %get3A_415 : vector<1x16xf32> to vector<16xf32>
    %get3A_417 = arith.constant 15 : i32
    %get3A_418 = arith.index_cast %get3A_417 : i32 to index
    %get3A_419 = arith.constant 0 : index
    %get3A_420 = tpu.vector_load %arg10[%get3A_418, %get3A_419] {strides = array<i32>} : memref<16x16xf32, #tpu.memory_space<vmem>>, vector<1x16xf32>,
    %get3A_421 = vector.shape_cast %get3A_420 : vector<1x16xf32> to vector<16xf32>
    %add3A_422 = arith.addf %get3A_416, %get3A_421 : vector<16xf32>
    %neg3A_423 = arith.constant 0.000000e+00 : f32
    %neg3A_424 = vector.broadcast %neg3A_423 : f32 to vector<16xf32>
    %neg3A_425 = arith.subf %neg3A_424, %add3A_422 : vector<16xf32>
    %exp3A_426 = math.exp %neg3A_425 : vector<16xf32>
    %add3A_427 = arith.constant 1.000000e+00 : f32
    %add3A_428 = vector.broadcast %add3A_427 : f32 to vector<16xf32>
    %add3A_429 = arith.addf %add3A_428, %exp3A_426 : vector<16xf32>
    %div3A_430 = arith.constant 1.000000e+00 : f32
    %div3A_431 = vector.broadcast %div3A_430 : f32 to vector<16xf32>
    %div3A_432 = arith.divf %div3A_431, %add3A_429 : vector<16xf32>
    %swap3A_433 = arith.constant 15 : i32
    %swap3A_434 = arith.index_cast %swap3A_433 : i32 to index
    %swap3A_435 = arith.constant 0 : index
    %swap3A_436 = tpu.vector_load %arg11[%swap3A_434, %swap3A_435] {strides = array<i32>} : memref<16x16xf32, #tpu.memory_space<vmem>>, vector<1x16xf32>,
    %swap3A_437 = vector.shape_cast %swap3A_436 : vector<1x16xf32> to vector<16xf32>
    %swap3A_438 = vector.shape_cast %div3A_432 : vector<16xf32> to vector<1x16xf32>
    tpu.vector_store %arg11[%swap3A_434, %swap3A_435], %swap3A_438 {strides = array<i32>} : memref<16x16xf32, #tpu.memory_space<vmem>>, vector<1x16xf32>,
    "tpu.region"() ({
      %run_scoped3A = tpu.sem_alloc : memref<!tpu.dma_semaphore, #tpu.memory_space<semaphore_mem>>
      %dma_start3A = arith.constant 0 : i32
      %dma_start3A_439 = arith.constant 0 : i32
      %dma_start3A_440 = tpu.memref_slice %arg6[%add3A, %dma_start3A, %dma_start3A_439] : memref<32x16x16xf32, #tpu.memory_space<hbm>> -> memref<1x16x16xf32, #tpu.memory_space<hbm>>
      %dma_start3A_441 = tpu.memref_squeeze %dma_start3A_440 : memref<1x16x16xf32, #tpu.memory_space<hbm>> -> memref<16x16xf32, #tpu.memory_space<hbm>>
      %dma_start3A_442 = arith.constant 0 : i32
      %dma_start3A_443 = arith.constant 0 : i32
      %dma_start3A_444 = tpu.memref_slice %arg6[%add3A, %dma_start3A_442, %dma_start3A_443] : memref<32x16x16xf32, #tpu.memory_space<hbm>> -> memref<1x16x16xf32, #tpu.memory_space<hbm>>
      %dma_start3A_445 = tpu.memref_squeeze %dma_start3A_444 : memref<1x16x16xf32, #tpu.memory_space<hbm>> -> memref<16x16xf32, #tpu.memory_space<hbm>>
      tpu.enqueue_dma source(%arg11 : memref<16x16xf32, #tpu.memory_space<vmem>>) target(%dma_start3A_445 : memref<16x16xf32, #tpu.memory_space<hbm>>) target_semaphore(%run_scoped3A : memref<!tpu.dma_semaphore, #tpu.memory_space<semaphore_mem>>)
      %dma_wait3A = arith.constant 0 : i32
      %dma_wait3A_446 = arith.constant 0 : i32
      %dma_wait3A_447 = tpu.memref_slice %arg6[%add3A, %dma_wait3A, %dma_wait3A_446] : memref<32x16x16xf32, #tpu.memory_space<hbm>> -> memref<1x16x16xf32, #tpu.memory_space<hbm>>
      %dma_wait3A_448 = tpu.memref_squeeze %dma_wait3A_447 : memref<1x16x16xf32, #tpu.memory_space<hbm>> -> memref<16x16xf32, #tpu.memory_space<hbm>>
      %dma_wait3A_449 = arith.constant 0 : i32
      %dma_wait3A_450 = arith.constant 0 : i32
      %dma_wait3A_451 = tpu.memref_slice %arg6[%add3A, %dma_wait3A_449, %dma_wait3A_450] : memref<32x16x16xf32, #tpu.memory_space<hbm>> -> memref<1x16x16xf32, #tpu.memory_space<hbm>>
      %dma_wait3A_452 = tpu.memref_squeeze %dma_wait3A_451 : memref<1x16x16xf32, #tpu.memory_space<hbm>> -> memref<16x16xf32, #tpu.memory_space<hbm>>
      tpu.wait_dma2 semaphore(%run_scoped3A : memref<!tpu.dma_semaphore, #tpu.memory_space<semaphore_mem>>) src(%arg11 : memref<16x16xf32, #tpu.memory_space<vmem>>) dst(%dma_wait3A_452 : memref<16x16xf32, #tpu.memory_space<hbm>>)
      tpu.yield
    }) : () -> ()
    return
  }
}

</mosaic_0001>

<sc_bundles>
// kernel: _run.3.cloned.1.call-start
scs
__scs_entry_jumppad:
0x0: {  	(pc) =	sbr.rel $0x88, $3  }
0x1: {  	(tag) =	ssettag $0x0;
	lr =	simm.s32 $0x1  }
0x2: {  	[smem:$0x3F9D] =	sst lr;
	_ =	strace $0xD0000000  }
0x3: {  	_ = 	snop  }
0x4: {  	_ = 	snop  }
0x5: {  	_ = 	snop  }
0x6: {  	_ = 	snop  }
0x7: {  	_ = 	snop  }
__scs_overlays_trampoline_lowered:
0x8: {  	[smem:$0x3FAC] =	sst s0  }
0x9: {  	[smem:$0x3FAD] =	sst s1  }
0xa: {  	[smem:$0x3FAE] =	sst s2  }
0xb: {  	[smem:$0x3FAF] =	sst s3  }
0xc: {  	[smem:$0x3FB0] =	sst s4  }
0xd: {  	[smem:$0x3FB1] =	sst s5  }
0xe: {  	[smem:$0x3FB2] =	sst s6  }
0xf: {  	[smem:$0x3FB3] =	sst s7  }
0x10: {  	[smem:$0x3FB4] =	sst s8  }
0x11: {  	[smem:$0x3FB5] =	sst s9;
	s0 =	simm.s32 @!p0 $0x0  }
0x12: {  	s1 =	sld [smem:$0x3F9B];
	s0 =	simm.s32 @p0 $0x1  }
0x13: {  	[smem:$0x3FB6] =	sst s0;
	s0 =	simm.s32 @!p1 $0x0  }
0x14: {  	s2 =	sld [smem:$0x3F9A];
	s0 =	simm.s32 @p1 $0x1  }
0x15: {  	[smem:$0x3FB7] =	sst s0;
	s0 =	simm.s32 @!p2 $0x0  }
0x16: {  	s3 =	sld [smem:$0x3FDB];
	s0 =	simm.s32 @p2 $0x1  }
0x17: {  	s4 =	simm.s32 $0x1BF5;
	[smem:$0x3FB9] =	sst s0  }
0x18: {  	s0 =	sld [smem:$0x3F9C];
	_ =	swait.ge [sflag:s4], $0x0  }
0x19: {  	s7 =	sld [smem:$0x3F9D]  }
0x1a: {  	s8 =	sadd.s32 $0xFFFFE003, lr  }
0x1b: {  	s9 =	sadd.s32 $0xFFFFFEF7, lr;
	s5 =	simm.s32 $0xFFFFFFFF;
	p2 =	slt.u32 s8, $0xFFFFF086  }
0x1c: {  	p1 =	slt.u32 s9, $0xF7A;
	s5 =	simm.s32 @!p2 $0x0  }
0x1d: {  	s5 =	simm.s32 @p1 $0x1;
	p0 =	seq.s32 s7, s2  }
0x1e: {  	s7 =	smul.u32 @!p0 $0xF7A, s2;
	p2 =	seq.s32 @!p0 s5, $0x0  }
0x1f: {  	s9 =	smul.u32 $0xF7A, s1;
	s8 =	simm.s32 @!p0 $0x1BF5;
	p2 =	por !p2, p0  }
0x20: {  	[sflag:s8] =	ssyncset.s32 @!p0 $0xFFFFF086;
	s6 =	sadd.s32 @!p0 s3, s7;
	s7 =	simm.s32 @!p0 $0x108  }
0x21: {  	s3 =	sadd.s32 s3, s9;
	s6 =	sadd.s32 @!p0 $0x88, s6;
	s7 =	simm.s32 @p2 $0x1082  }
0x22: {  	[simem:s7], [sflag:s8] =	dma.local @!p0 [hbm:s6], $0xF7A  }
0x23: {  	s9 =	sor.u32 $0xD0000000, s2;
	s6 =	simm.s32 $0x108;
	_ =	swait.ge @!p0 [sflag:s8], $0x0  }
0x24: {  	s3 =	sadd.s32 $0x88, s3;
	s6 =	simm.s32 @!p1 $0x1082;
	[sflag:s4] =	ssyncset.s32 $0xFFFFF086  }
0x25: {  	[simem:s6], [sflag:s4] =	dma.local [hbm:s3], $0xF7A  }
0x26: {  	[smem:$0x3F9D] =	sst s1;
	(tag) =	ssettag s2;
	_ =	strace s9  }
0x27: {  	s1 =	sld [smem:$0x3FAD]  }
0x28: {  	s2 =	sld [smem:$0x3FAE]  }
0x29: {  	s4 =	sld [smem:$0x3FB0]  }
0x2a: {  	p0 =	seq.s32 s5, $0x0;
	s5 =	sld [smem:$0x3FB1]  }
0x2b: {  	s6 =	sld [smem:$0x3FB2]  }
0x2c: {  	s7 =	sld [smem:$0x3FB3]  }
0x2d: {  	s3 =	simm.s32 $0x108;
	s8 =	sld [smem:$0x3FB4]  }
0x2e: {  	s3 =	simm.s32 @!p0 $0x1082;
	s9 =	sld [smem:$0x3FB5]  }
0x2f: {  	lr =	sadd.s32 s0, s3;
	s0 =	sld [smem:$0x3FAC]  }
0x30: {  	s3 =	sld [smem:$0x3FAF]  }
0x31: {  	[smem:$0x3FB8] =	sst s10  }
0x32: {  	s10 =	sld [smem:$0x3FB6];
	_ =	sdelay $0x3  }
0x33: {  	p0 =	seq.s32 s10, $0x1;
	s10 =	sld [smem:$0x3FB8];
	_ =	sdelay $0x3  }
0x34: {  	[smem:$0x3FB8] =	sst s10  }
0x35: {  	s10 =	sld [smem:$0x3FB7];
	_ =	sdelay $0x3  }
0x36: {  	p1 =	seq.s32 s10, $0x1;
	s10 =	sld [smem:$0x3FB8];
	_ =	sdelay $0x3  }
0x37: {  	[smem:$0x3FB8] =	sst s10  }
0x38: {  	s10 =	sld [smem:$0x3FB9]  }
0x39: {  	_ = 	snop;
	(pc) =	sbr.ind lr, $3  }
0x3a: {  	_ = 	snop  }
0x3b: {  	_ = 	snop  }
0x3c: {  	p2 =	seq.s32 s10, $0x1;
	s10 =	sld [smem:$0x3FB8]  }
0x3d: {  	_ =	shalt  }
0x3e: {  	_ =	shalt  }
0x3f: {  	_ =	shalt  }
0x40: {  	_ =	shalt  }
0x41: {  	_ =	shalt  }
0x42: {  	_ =	shalt  }
0x43: {  	_ =	shalt  }
0x44: {  	_ =	shalt  }
0x45: {  	_ =	shalt  }
0x46: {  	_ =	shalt  }
0x47: {  	_ =	shalt  }
0x48: {  	_ =	shalt  }
0x49: {  	_ =	shalt  }
0x4a: {  	_ =	shalt  }
0x4b: {  	_ =	shalt  }
0x4c: {  	_ =	shalt  }
0x4d: {  	_ =	shalt  }
0x4e: {  	_ =	shalt  }
0x4f: {  	_ =	shalt  }
0x50: {  	_ =	shalt  }
0x51: {  	_ =	shalt  }
0x52: {  	_ =	shalt  }
0x53: {  	_ =	shalt  }
0x54: {  	_ =	shalt  }
0x55: {  	_ =	shalt  }
0x56: {  	_ =	shalt  }
0x57: {  	_ =	shalt  }
0x58: {  	_ =	shalt  }
0x59: {  	_ =	shalt  }
0x5a: {  	_ =	shalt  }
0x5b: {  	_ =	shalt  }
0x5c: {  	_ =	shalt  }
0x5d: {  	_ =	shalt  }
0x5e: {  	_ =	shalt  }
0x5f: {  	_ =	shalt  }
0x60: {  	_ =	shalt  }
0x61: {  	_ =	shalt  }
0x62: {  	_ =	shalt  }
0x63: {  	_ =	shalt  }
0x64: {  	_ =	shalt  }
0x65: {  	_ =	shalt  }
0x66: {  	_ =	shalt  }
0x67: {  	_ =	shalt  }
0x68: {  	_ =	shalt  }
0x69: {  	_ =	shalt  }
0x6a: {  	_ =	shalt  }
0x6b: {  	_ =	shalt  }
0x6c: {  	_ =	shalt  }
0x6d: {  	_ =	shalt  }
0x6e: {  	_ =	shalt  }
0x6f: {  	_ =	shalt  }
0x70: {  	_ =	shalt  }
0x71: {  	_ =	shalt  }
0x72: {  	_ =	shalt  }
0x73: {  	_ =	shalt  }
0x74: {  	_ =	shalt  }
0x75: {  	_ =	shalt  }
0x76: {  	_ =	shalt  }
0x77: {  	_ =	shalt  }
0x78: {  	_ =	shalt  }
0x79: {  	_ =	shalt  }
0x7a: {  	_ =	shalt  }
0x7b: {  	_ =	shalt  }
0x7c: {  	_ =	shalt  }
0x7d: {  	_ =	shalt  }
0x7e: {  	_ =	shalt  }
0x7f: {  	_ =	shalt  }
0x80: {  	_ =	shalt  }
0x81: {  	_ =	shalt  }
0x82: {  	_ =	shalt  }
0x83: {  	_ =	shalt  }
0x84: {  	_ =	shalt  }
0x85: {  	_ =	shalt  }
0x86: {  	_ =	shalt  }
0x87: {  	_ =	shalt  }
.Lfunc_end0:
.L_simem_size_0:
called_computation_lowered:
.L_overlay_start_0:
0x88: {  	s2 =	sld [smem:$0x3FD9]  }
0x89: {  	s3 =	sld [smem:$0x3FFE];
	_ =	sdelay $0x1  }
0x8a: {  	s1 =	srdreg.scid  }
0x8b: {  	s0 =	sand.u32 $0x1, s1  }
0x8c: {  	s17 =	sshll.u32 s0, $0xA;
	s2 =	sadd.s32 s3, s2  }
0x8d: {  	s2 =	sadd.s32 s2, s17  }
0x8e: {  	[smem:$0x3FC4] =	sst s2  }
0x8f: {  	_ = 	snop  }
0x90: {  	s2 =	sld [smem:$0x3FD0];
	(tm) =	ssettm $0x1  }
0x91: {  	s18 =	sld [smem:$0x3FFB];
	_ =	sdelay $0x3  }
0x92: {  	_ =	strace s18  }
0x93: {  	s3 =	sld [smem:$0x3FFC];
	_ =	sdelay $0x3  }
0x94: {  	_ =	strace s3  }
0x95: {  	s3 =	sld [smem:$0x3FFD];
	_ =	sdelay $0x3  }
0x96: {  	_ =	strace s3  }
0x97: {  	_ =	strace $0x8FFFFFFF  }
0x98: {  	s19 =	sld [smem:$0x3FDB];
	_ =	sdelay $0x1  }
0x99: {  	s4 =	simm.s32 $_scs_section_size  }
0x9a: {  	s5 =	simm.s32 $_size__tile_overlayer_lowered;
	s6 =	simm.s32 $_tile_overlayer_lowered  }
0x9b: {  	s22 =	simm.s32 $0x1BFF;
	s21 =	sshll.u32 s6, $0x1;
	s3 =	sadd.s32 s4, s19  }
0x9c: {  	s7 =	simm.s32 $0x0;
	s20 =	sshll.u32 s5, $0x1;
	s5 =	sadd.s32 s21, s3  }
0x9d: {  	[timem:s7], [sflag:s22] =	dma.local [hbm:s5], s20  }
0x9e: {  	_ =	swait.ge [sflag:s22], s20  }
0x9f: {  	s4 =	ssub.s32 $0x0, s20;
	[sflag:s22] =	ssyncset.done $0x0  }
0xa0: {  	[sflag:s22] =	ssyncadd.s32 s4;
	_ =	sdelay $0x1  }
0xa1: {  	s23 =	simm.s32 $0x1B8B  }
0xa2: {  	_ =	swait.ge [sflag:s23], $0x1  }
0xa3: {  	[sflag:s23] =	ssyncset.done $0x0  }
0xa4: {  	s25 =	simm.s32 $0x1B8E;
	s24 =	sld [smem:$0x3FFE];
	[sflag:s23] =	ssyncadd.s32 $0xFFFFFFFF  }
0xa5: {  	s26 =	simm.s32 $execute0_lowered;
	[smem:$0x3FD2] =	sst s25  }
0xa6: {  	s5 =	sshll.u32 s26, $0x1;
	_ =	strace $0x80000046;
	[dreg:$0x1] =	wrdreg $0xFFFFFFFF  }
0xa7: {  	s28 =	simm.s32 $_size_execute0_lowered;
	s3 =	sadd.s32 s3, s5;
	[dreg:$0x0] =	wrdreg $0x0  }
0xa8: {  	s5 =	sshll.u32 s28, $0x1;
	[dreg:$0x2] =	wrdreg s3  }
0xa9: {  	[dreg:$0x3] =	wrdreg s5  }
0xaa: {  	[dreg:$0x4] =	wrdreg $0xC0  }
0xab: {  	_ =	task [dreg:s7], $0x5FFFF  }
0xac: {  	[dreg:$0x1] =	wrdreg $0xFFFFFFFF  }
0xad: {  	[dreg:$0x0] =	wrdreg $0x60  }
0xae: {  	[dreg:$0x2] =	wrdreg s24  }
0xaf: {  	[dreg:$0x3] =	wrdreg s2  }
0xb0: {  	[dreg:$0x4] =	wrdreg $0x9  }
0xb1: {  	_ =	task.clear_ibuf [dreg:s7], $0x5FFFF;
	_ =	strace $0x90000046  }
0xb2: {  	s29 =	simm.s32 $0x9;
	_ =	strace $0x80000048  }
0xb3: {  	_ =	swait.ge [sflag:s29], $0x1  }
0xb4: {  	[sflag:s29] =	ssyncadd.s32 $0xFFFFFFFF  }
0xb5: {  	_ =	strace $0x90000048  }
0xb6: {  	_ =	sfence  }
0xb7: {  	s30 =	sld [smem:$0x0];
	_ =	sdelay $0x2  }
0xb8: {  	s31 =	sshll.u32 s1, $0xD;
	s1 =	sshrl.u32 s1, $0x2  }
0xb9: {  	s3 =	sand.u32 $0x4000, s31;
	s1 =	sadd.s32 s1, s30  }
0xba: {  	s0 =	sor.u32 s3, s0;
	s1 =	sshll.u32 s1, $0x11  }
0xbb: {  	s0 =	sor.u32 s1, s0  }
0xbc: {  	s0 =	sadd.s32 $0x8F2B, s0  }
0xbd: {  	[sflag:s0] =	ssyncadd.remote.s32 $0x1  }
0xbe: {  	_ =	sfence.sel $0xFFFF  }
0xbf: {  	[dreg:$0x0] =	wrdreg $0xFFFFFFFF;
	(pc) =	sbr.abs _section_cstart, $3  }
0xc0: {  	[dreg:$0x1] =	wrdreg $0xFFFFFFFF  }
0xc1: {  	_ =	task.clear_ibuf [dreg:s7], $0x2FFFF;
	_ =	strace $0x9FFFFFFF  }
0xc2: {  	(tm) =	ssettm $0x7FFFFFFF  }
0xc3: {  	_ =	shalt  }
tec
execute0_lowered:
.L_overlay_start_1:
0x0: {  	(tag) =	ssettag $0x1  }
0x1: {  	s6 =	rddreg [dreg:$0x0]  }
0x2: {  	s7 =	rddreg [dreg:$0x1]  }
0x3: {  	s0 =	rddreg [dreg:$0x2];
	v0 =	vimm.s32 $0xFEDCBA98;
	v1 =	vimm.s32 $0x76543210  }
0x4: {  	s3 =	srdreg.scid;
	s2 =	simm.s32 $0x0;
	s1 =	stileid.u32;
	v2 =	vimm.s32 $0xBA98FEDC;
	v3 =	vimm.s32 $0x32107654;
	v4 =	vimm.s32 $0xDCFE98BA  }
0x5: {  	v5 =	vimm.s32 $0x54761032;
	s12 =	simm.s32 $0x64;
	s13 =	simm.s32 $0x6800;
	s14 =	simm.s32 $0x8100  }
0x6: {  	v6 =	vimm.s32 $0xEFCDAB89;
	s15 =	simm.s32 $0x9A00;
	s16 =	simm.s32 $0xB300;
	s17 =	simm.s32 $0xCC00  }
0x7: {  	v7 =	vimm.s32 $0x67452301;
	s18 =	simm.s32 $0xE500;
	s19 =	simm.s32 $0xFE00;
	s20 =	simm.s32 $0x11700  }
0x8: {  	s21 =	simm.s32 $0x1;
	s22 =	simm.s32 $0x2;
	s23 =	simm.s32 $0x3;
	v0 =	vunpack.c.l.s4.s8 v0;
	v1 =	vunpack.c.l.s4.s8 v1;
	v2 =	vunpack.c.l.s4.s8 v2  }
0x9: {  	s24 =	simm.s32 $0x4;
	s25 =	simm.s32 $0x13180;
	s26 =	simm.s32 $0x0;
	v3 =	vunpack.c.l.s4.s8 v3;
	v4 =	vunpack.c.l.s4.s8 v4;
	v5 =	vunpack.c.l.s4.s8 v5  }
0xa: {  	s4 =	sand.u32 $0x1, s3;
	[smem:$0x7FF] =	sst s2;
	s30 =	sshll.u32 s1, $0x9;
	v6 =	vunpack.c.l.s4.s8 v6;
	v7 =	vunpack.c.l.s4.s8 v7;
	v0 =	vunpack.c.0.s8.s32 v0  }
0xb: {  	s3 =	sadd.s32 $0xF42E00, s6;
	s5 =	sshll.u32 s4, $0x8;
	_ =	strace $0x80000047;
	v2 =	vunpack.c.0.s8.s32 v2;
	v3 =	vunpack.c.0.s8.s32 v3;
	v4 =	vunpack.c.0.s8.s32 v4  }
0xc: {  	s10 =	ssub.s32 $0x2, s4;
	s4 =	sadd.s32 $0x1AC00, s6;
	s8 =	sor.u32 s5, s30;
	v5 =	vunpack.c.0.s8.s32 v5;
	v6 =	vunpack.c.0.s8.s32 v6;
	v7 =	vunpack.c.0.s8.s32 v7  }
0xd: {  	s5 =	sadd.s32 $0x1AA00, s6;
	s11 =	sshrl.u32 s10, $0x1;
	v1 =	vunpack.c.0.s8.s32 v1;
	s9 =	smul.u32 $0xD, s8;
	v2 =	vcombine.low v3, v2  }
0xe: {  	s31 =	ssub.s32 s10, s11;
	s8 =	sshrl.u32 s8, $0x3;
	s10 =	simm.s32 $0x13000;
	v3 =	vcombine.low v5, v4;
	v4 =	vcombine.low v7, v6;
	v0 =	vand.u32 $0xF, v0  }
0xf: {  	s11 =	simm.s32 $0x13080;
	s7 =	sadd.s32 s7, s8;
	s6 =	sadd.s32 s9, s6;
	v0 =	vcombine.low v0, v1  }
0x10: {  	s8 =	smax.u32 s31, $0x1;
	s9 =	simm.s32 $0x5;
	s6 =	sadd.s32 $0xA00, s6;
	v1 =	vand.u32 $0xF, v2;
	v2 =	vand.u32 $0xF, v3;
	v3 =	vand.u32 $0xF, v4  }
.LBB2_1:
0x11: {  	[tilespmem:s2], [sflag:$0x5] =	stream.linear.gather [hbm4b:s6+s2], $0x6800, $0x38;
	[tilespmem:$0x13280] =	vst v63  }
0x12: {  	_ =	swait.ge [sflag:s9], $0x6800  }
0x13: {  	[sflag:s9] =	ssyncset.done $0x0  }
0x14: {  	[sflag:s9] =	ssyncadd.s32 $0xFFFF9800  }
0x15: {  	[tilespmem:s10], [sflag:$0x5] =	stream.linear.gather [hbm4b:s4+s2], $0x80, $0x38;
	[tilespmem:$0x13280] =	vst v63  }
0x16: {  	_ =	swait.ge [sflag:s9], $0x80  }
0x17: {  	[sflag:s9] =	ssyncset.done $0x0  }
0x18: {  	[sflag:s9] =	ssyncadd.s32 $0xFFFFFF80  }
0x19: {  	[tilespmem:s11], [sflag:$0x5] =	stream.linear.gather [hbm4b:s5+s2], $0x100, $0x38;
	[tilespmem:$0x13280] =	vst v63  }
0x1a: {  	_ =	swait.ge [sflag:s9], $0x100  }
0x1b: {  	[sflag:s9] =	ssyncset.done $0x0  }
0x1c: {  	s28 =	simm.s32 $0x0;
	[sflag:s9] =	ssyncadd.s32 $0xFFFFFF00  }
.LBB2_2:
0x1d: {  	s29 =	smul.u32 $0x1A00, s28;
	_ =	sdelay $0x1  }
0x1e: {  	s29 =	sshra.s32 s29, $0x2  }
0x1f: {  	[tilespmem:s13], [sflag:$0x1] =	stream.indirect.gather [hbm4b:s3+s12], $0x40, s29, s12, $0xb8;
	[tilespmem:$0x13280] =	vst v63  }
0x20: {  	s30 =	sor.u32 $0x68, s29  }
0x21: {  	[tilespmem:s14], [sflag:$0x1] =	stream.indirect.gather [hbm4b:s3+s12], $0x40, s30, s12, $0xb8;
	[tilespmem:$0x13280] =	vst v63  }
0x22: {  	s30 =	sadd.s32 $0xD0, s29  }
0x23: {  	[tilespmem:s15], [sflag:$0x2] =	stream.indirect.gather [hbm4b:s3+s12], $0x40, s30, s12, $0xb8;
	[tilespmem:$0x13280] =	vst v63  }
0x24: {  	s30 =	sadd.s32 $0x138, s29  }
0x25: {  	[tilespmem:s16], [sflag:$0x2] =	stream.indirect.gather [hbm4b:s3+s12], $0x40, s30, s12, $0xb8;
	[tilespmem:$0x13280] =	vst v63  }
0x26: {  	s30 =	sadd.s32 $0x1A0, s29  }
0x27: {  	[tilespmem:s17], [sflag:$0x3] =	stream.indirect.gather [hbm4b:s3+s12], $0x40, s30, s12, $0xb8;
	[tilespmem:$0x13280] =	vst v63  }
0x28: {  	s30 =	sadd.s32 $0x208, s29  }
0x29: {  	[tilespmem:s18], [sflag:$0x3] =	stream.indirect.gather [hbm4b:s3+s12], $0x40, s30, s12, $0xb8;
	[tilespmem:$0x13280] =	vst v63  }
0x2a: {  	s30 =	sadd.s32 $0x270, s29  }
0x2b: {  	[tilespmem:s19], [sflag:$0x4] =	stream.indirect.gather [hbm4b:s3+s12], $0x40, s30, s12, $0xb8;
	[tilespmem:$0x13280] =	vst v63  }
0x2c: {  	s30 =	sadd.s32 $0x2D8, s29  }
0x2d: {  	[tilespmem:s20], [sflag:$0x4] =	stream.indirect.gather [hbm4b:s3+s12], $0x40, s30, s12, $0xb8;
	[tilespmem:$0x13280] =	vst v63  }
0x2e: {  	_ =	swait.ge [sflag:s21], $0x1900  }
0x2f: {  	[sflag:s21] =	ssyncset.done $0x0  }
0x30: {  	[sflag:s21] =	ssyncadd.s32 $0xFFFFE700  }
0x31: {  	_ =	swait.ge [sflag:s21], $0x1900  }
0x32: {  	[sflag:s21] =	ssyncset.done $0x0  }
0x33: {  	s31 =	simm.s32 $0x6900;
	[sflag:s21] =	ssyncadd.s32 $0xFFFFE700  }
0x34: {  	v9 =	vld [tilespmem:s31+$0xC0]  }
0x35: {  	v5 =	vld [tilespmem:s31+$0xD0]  }
0x36: {  	v4 =	vld [tilespmem:s31+$0xE0]  }
0x37: {  	v15 =	vld [tilespmem:s31+$0x80]  }
0x38: {  	v7 =	vld [tilespmem:s31+$0x90]  }
0x39: {  	v6 =	vld [tilespmem:s31+$0xA0]  }
0x3a: {  	v16 =	vld [tilespmem:s31+$0x40]  }
0x3b: {  	v10 =	vld [tilespmem:s31+$0x50]  }
0x3c: {  	v12 =	vld [tilespmem:s31+$0x60]  }
0x3d: {  	v17 =	vld [tilespmem:s31+$0x0]  }
0x3e: {  	v13 =	vld [tilespmem:s31+$0x10]  }
0x3f: {  	v11 =	vld [tilespmem:s31+$0x20]  }
0x40: {  	v18 =	vld [tilespmem:s31+$0xFFFFFFC0]  }
0x41: {  	v8 =	vld [tilespmem:s31+$0xFFFFFFD0]  }
0x42: {  	v14 =	vld [tilespmem:s31+$0xFFFFFFE0]  }
0x43: {  	v19 =	vld [tilespmem:s31+$0xFFFFFF80]  }
0x44: {  	v20 =	vld [tilespmem:s31+$0xFFFFFF00]  }
0x45: {  	v21 =	vld [tilespmem:s31+$0xFFFFFF40]  }
0x46: {  	v22 =	vld [tilespmem:s31+$0xFFFFFF90]  }
0x47: {  	v24 =	vld [tilespmem:s31+$0xFFFFFFA0]  }
0x48: {  	v25 =	vld [tilespmem:s31+$0xFFFFFF50]  }
0x49: {  	v23 =	vimm.f32 $-Inf;
	v26 =	vld [tilespmem:s31+$0xFFFFFF60]  }
0x4a: {  	v27 =	vld [tilespmem:s31+$0xFFFFFF10];
	v20 =	vmax.f32 v23, v20  }
0x4b: {  	v20 =	vmax.f32 v20, v21;
	v21 =	vld [tilespmem:s31+$0xFFFFFF20]  }
0x4c: {  	v28 =	vld [tilespmem:s31+$0xFFFFFF30];
	v19 =	vmax.f32 v20, v19  }
0x4d: {  	v18 =	vmax.f32 v19, v18;
	v19 =	vld [tilespmem:s31+$0xFFFFFF70]  }
0x4e: {  	v29 =	vld [tilespmem:s31+$0xFFFFFFB0];
	v17 =	vmax.f32 v18, v17  }
0x4f: {  	v20 =	vld [tilespmem:s31+$0xFFFFFFF0];
	v16 =	vmax.f32 v17, v16  }
0x50: {  	v15 =	vmax.f32 v16, v15;
	v16 =	vld [tilespmem:s31+$0x30];
	v18 =	vmax.f32 v23, v21  }
0x51: {  	v17 =	vld [tilespmem:s31+$0x70];
	v21 =	vmax.f32 v23, v28;
	v15 =	vmax.f32 v15, v9;
	v9 =	vmax.f32 v23, v27  }
0x52: {  	v63 =	vmax.f32 v18, v26;
	v18 =	vld [tilespmem:s31+$0xB0];
	v9 =	vmax.f32 v9, v25;
	v19 =	vmax.f32 v21, v19  }
0x53: {  	s30 =	simm.s32 $0x0;
	v23 =	vmax.f32 v9, v22;
	v22 =	vmax.f32 v63, v24;
	v21 =	vmax.f32 v19, v29;
	v19 =	vld [tilespmem:s31+$0xF0];
	s31 =	simm.s32 $0x6B00  }
.LBB2_3:
0x54: {  	v9 =	vld [tilespmem:s31+$0xC0];
	v8 =	vmax.f32 v23, v8;
	v14 =	vmax.f32 v22, v14;
	v20 =	vmax.f32 v21, v20  }
0x55: {  	v21 =	vld [tilespmem:s31+$0xD0];
	v8 =	vmax.f32 v8, v13;
	v11 =	vmax.f32 v14, v11;
	v13 =	vmax.f32 v20, v16  }
0x56: {  	v14 =	vld [tilespmem:s31+$0xE0];
	v8 =	vmax.f32 v8, v10;
	v10 =	vmax.f32 v11, v12;
	v11 =	vmax.f32 v13, v17  }
0x57: {  	v16 =	vld [tilespmem:s31+$0x80];
	v8 =	vmax.f32 v8, v7;
	v6 =	vmax.f32 v10, v6;
	v10 =	vmax.f32 v11, v18  }
0x58: {  	v7 =	vld [tilespmem:s31+$0x90];
	v17 =	vmax.f32 v8, v5;
	v18 =	vmax.f32 v6, v4;
	v19 =	vmax.f32 v10, v19  }
0x59: {  	v6 =	vld [tilespmem:s31+$0xA0]  }
0x5a: {  	v20 =	vld [tilespmem:s31+$0x40];
	v5 =	vmov v21  }
0x5b: {  	v10 =	vld [tilespmem:s31+$0x50];
	v4 =	vmov v14  }
0x5c: {  	v12 =	vld [tilespmem:s31+$0x60]  }
0x5d: {  	v21 =	vld [tilespmem:s31+$0x0]  }
0x5e: {  	v13 =	vld [tilespmem:s31+$0x10]  }
0x5f: {  	v11 =	vld [tilespmem:s31+$0x20]  }
0x60: {  	v22 =	vld [tilespmem:s31+$0xFFFFFFC0]  }
0x61: {  	v8 =	vld [tilespmem:s31+$0xFFFFFFD0]  }
0x62: {  	v14 =	vld [tilespmem:s31+$0xFFFFFFE0]  }
0x63: {  	v23 =	vld [tilespmem:s31+$0xFFFFFF80]  }
0x64: {  	v24 =	vld [tilespmem:s31+$0xFFFFFF00]  }
0x65: {  	v25 =	vld [tilespmem:s31+$0xFFFFFF40]  }
0x66: {  	v26 =	vld [tilespmem:s31+$0xFFFFFF90]  }
0x67: {  	v27 =	vld [tilespmem:s31+$0xFFFFFFA0]  }
0x68: {  	v28 =	vld [tilespmem:s31+$0xFFFFFF50]  }
0x69: {  	v15 =	vmax.f32 v15, v24;
	v24 =	vld [tilespmem:s31+$0xFFFFFF60]  }
0x6a: {  	v29 =	vld [tilespmem:s31+$0xFFFFFF10];
	v15 =	vmax.f32 v15, v25  }
0x6b: {  	v25 =	vld [tilespmem:s31+$0xFFFFFF20];
	v15 =	vmax.f32 v15, v23  }
0x6c: {  	s30 =	sadd.s32 $0x8, s30;
	v23 =	vld [tilespmem:s31+$0xFFFFFF30];
	v15 =	vmax.f32 v15, v22  }
0x6d: {  	p0 =	slt.u32 s30, $0xC0;
	v22 =	vld [tilespmem:s31+$0xFFFFFF70];
	v15 =	vmax.f32 v15, v21  }
0x6e: {  	v21 =	vld [tilespmem:s31+$0xFFFFFFB0];
	v15 =	vmax.f32 v15, v20  }
.Ltmp0:
0x6f: {  	v20 =	vld [tilespmem:s31+$0xFFFFFFF0];
	v15 =	vmax.f32 v15, v16;
	(pc) =	sbr.rel @p0 .LBB2_3-.Ltmp0, $4  }
0x70: {  	v16 =	vld [tilespmem:s31+$0x30];
	v15 =	vmax.f32 v15, v9  }
0x71: {  	v9 =	vmax.f32 v17, v29;
	v18 =	vmax.f32 v18, v25;
	v19 =	vmax.f32 v19, v23;
	v17 =	vld [tilespmem:s31+$0x70]  }
0x72: {  	v9 =	vmax.f32 v9, v28;
	v24 =	vmax.f32 v18, v24;
	v19 =	vmax.f32 v19, v22;
	v18 =	vld [tilespmem:s31+$0xB0]  }
0x73: {  	v23 =	vmax.f32 v9, v26;
	v22 =	vmax.f32 v24, v27;
	v21 =	vmax.f32 v19, v21;
	v19 =	vld [tilespmem:s31+$0xF0];
	s31 =	sadd.s32 $0x200, s31  }
0x74: {  	v24 =	vld [tilespmem:$0x13000]  }
0x75: {  	v25 =	vld [tilespmem:$0x13010]  }
0x76: {  	v26 =	vld [tilespmem:$0x13020]  }
0x77: {  	v27 =	vld [tilespmem:$0x13030]  }
0x78: {  	v28 =	vld [tilespmem:$0x13040]  }
0x79: {  	v29 =	vld [tilespmem:$0x13050]  }
0x7a: {  	v30 =	vld [tilespmem:$0x13060];
	s30 =	sadd.s32 $0x340, s29  }
0x7b: {  	v31 =	vld [tilespmem:$0x13070];
	[tilespmem:s13], [sflag:$0x1] =	stream.indirect.gather [hbm4b:s3+s12], $0x40, s30, s12, $0xb8  }
0x7c: {  	s30 =	sadd.s32 $0x3A8, s29  }
0x7d: {  	[tilespmem:s14], [sflag:$0x1] =	stream.indirect.gather [hbm4b:s3+s12], $0x40, s30, s12, $0xb8;
	[tilespmem:$0x13280] =	vst v63  }
0x7e: {  	_ =	swait.ge [sflag:s22], $0x1900  }
0x7f: {  	[sflag:s22] =	ssyncset.done $0x0  }
0x80: {  	[sflag:s22] =	ssyncadd.s32 $0xFFFFE700  }
0x81: {  	_ =	swait.ge [sflag:s22], $0x1900  }
0x82: {  	[sflag:s22] =	ssyncset.done $0x0  }
0x83: {  	s31 =	simm.s32 $0x9BF0;
	[sflag:s22] =	ssyncadd.s32 $0xFFFFE700  }
0x84: {  	v32 =	vld [tilespmem:s31+$0xFFFFFFD0]  }
0x85: {  	v9 =	vld [tilespmem:s31+$0xFFFFFFE0]  }
0x86: {  	v23 =	vmax.f32 v23, v8;
	v8 =	vld [tilespmem:s31+$0xFFFFFFF0]  }
0x87: {  	v14 =	vmax.f32 v22, v14;
	v13 =	vmax.f32 v23, v13;
	v23 =	vld [tilespmem:s31+$0xFFFFFF90]  }
0x88: {  	v14 =	vmax.f32 v14, v11;
	v13 =	vmax.f32 v13, v10;
	v10 =	vld [tilespmem:s31+$0xFFFFFFA0]  }
0x89: {  	v20 =	vmax.f32 v21, v20;
	v12 =	vmax.f32 v14, v12;
	v7 =	vmax.f32 v13, v7;
	v11 =	vld [tilespmem:s31+$0xFFFFFFB0]  }
0x8a: {  	v13 =	vmax.f32 v20, v16;
	v6 =	vmax.f32 v12, v6;
	v5 =	vmax.f32 v7, v5;
	v7 =	vld [tilespmem:s31+$0xFFFFFF50]  }
0x8b: {  	v4 =	vmax.f32 v6, v4;
	v12 =	vmul.f32 v24, v15;
	v20 =	vmul.f32 v25, v5;
	v14 =	vld [tilespmem:s31+$0xFFFFFF60]  }
0x8c: {  	v13 =	vmax.f32 v13, v17;
	v6 =	vmul.f32 v28, v15;
	v5 =	vmul.f32 v29, v5;
	v16 =	vld [tilespmem:s31+$0xFFFFFF70]  }
0x8d: {  	v15 =	vmul.f32 v26, v4;
	v13 =	vmax.f32 v13, v18;
	v12 =	vadd.f32 v20, v12;
	v20 =	vld [tilespmem:s31+$0xFFFFFF10]  }
0x8e: {  	v4 =	vmul.f32 v30, v4;
	v5 =	vadd.f32 v5, v6;
	v6 =	vmax.f32 v13, v19;
	v17 =	vld [tilespmem:s31+$0xFFFFFF20]  }
0x8f: {  	v18 =	vmul.f32 v27, v6;
	v13 =	vadd.f32 v15, v12;
	v15 =	vld [tilespmem:s31+$0xFFFFFF30]  }
0x90: {  	v4 =	vadd.f32 v4, v5;
	v5 =	vmul.f32 v31, v6;
	v6 =	vld [tilespmem:s31+$0xFFFFFED0]  }
0x91: {  	v12 =	vld [tilespmem:s31+$0xFFFFFEE0];
	v13 =	vadd.f32 v18, v13  }
0x92: {  	v22 =	vld [tilespmem:s31+$0xFFFFFE10];
	v4 =	vadd.f32 v5, v4  }
0x93: {  	v24 =	vld [tilespmem:s31+$0xFFFFFE50];
	v19 =	vperm.xlane v13, v0  }
0x94: {  	v25 =	vld [tilespmem:s31+$0xFFFFFEA0];
	v21 =	vperm.xlane v4, v0  }
0x95: {  	v26 =	vld [tilespmem:s31+$0xFFFFFEB0];
	v13 =	vadd.f32 v13, v19  }
0x96: {  	v5 =	vld [tilespmem:s31+$0xFFFFFE90];
	v4 =	vadd.f32 v4, v21  }
0x97: {  	v28 =	vld [tilespmem:s31+$0xFFFFFE60];
	v19 =	vperm.xlane v13, v1  }
0x98: {  	v27 =	vimm.f32 $-Inf;
	v29 =	vld [tilespmem:s31+$0xFFFFFE70];
	v21 =	vperm.xlane v4, v1  }
0x99: {  	v62 =	vld [tilespmem:s31+$0xFFFFFE40];
	v22 =	vmax.f32 v27, v22;
	v13 =	vadd.f32 v13, v19  }
0x9a: {  	v4 =	vadd.f32 v4, v21;
	v21 =	vld [tilespmem:s31+$0xFFFFFE20];
	v19 =	vmax.f32 v22, v24  }
0x9b: {  	v22 =	vld [tilespmem:s31+$0xFFFFFE30];
	v5 =	vmax.f32 v19, v5;
	v19 =	vperm.xlane v13, v2  }
0x9c: {  	v63 =	vld [tilespmem:s31+$0xFFFFFE80];
	v5 =	vmax.f32 v5, v6  }
0x9d: {  	v18 =	vld [tilespmem:s31+$0xFFFFFEF0];
	v24 =	vperm.xlane v4, v2;
	v6 =	vmax.f32 v5, v20;
	v5 =	vadd.f32 v13, v19  }
0x9e: {  	v13 =	vld [tilespmem:s31+$0xFFFFFEC0];
	v6 =	vmax.f32 v6, v7  }
0x9f: {  	v4 =	vadd.f32 v4, v24;
	v24 =	vld [tilespmem:s31+$0xFFFFFF00];
	v19 =	vmax.f32 v6, v23;
	v6 =	vperm.xlane v5, v3  }
0xa0: {  	v20 =	vld [tilespmem:s31+$0xFFFFFF40];
	v23 =	vmax.f32 v27, v21;
	v22 =	vmax.f32 v27, v22  }
0xa1: {  	v27 =	vmax.f32 v27, v62;
	v21 =	vld [tilespmem:s31+$0xFFFFFF80];
	v19 =	vmax.f32 v19, v32;
	[tilespmem:$0x1FFE0] =	vst v6;
	v6 =	vperm.xlane v4, v3  }
0xa2: {  	v23 =	vmax.f32 v23, v28;
	v28 =	vmax.f32 v22, v29;
	v29 =	vmax.f32 v27, v63;
	v22 =	vld [tilespmem:s31+$0xFFFFFFC0]  }
0xa3: {  	s30 =	simm.s32 $0x0;
	v27 =	vmax.f32 v23, v25;
	v26 =	vmax.f32 v28, v26;
	v23 =	vld [tilespmem:s31+$0x0];
	s31 =	simm.s32 $0x9DF0;
	v25 =	vmax.f32 v29, v13;
	[tilespmem:$0x1FFF0] =	vst v6  }
.LBB2_5:
0xa4: {  	v13 =	vld [tilespmem:s31+$0xFFFFFFD0];
	v12 =	vmax.f32 v27, v12;
	v18 =	vmax.f32 v26, v18;
	v24 =	vmax.f32 v25, v24  }
0xa5: {  	v25 =	vld [tilespmem:s31+$0xFFFFFFE0];
	v12 =	vmax.f32 v12, v17;
	v15 =	vmax.f32 v18, v15;
	v17 =	vmax.f32 v24, v20  }
0xa6: {  	v18 =	vld [tilespmem:s31+$0xFFFFFFF0];
	v12 =	vmax.f32 v12, v14;
	v14 =	vmax.f32 v15, v16;
	v15 =	vmax.f32 v17, v21  }
0xa7: {  	v20 =	vld [tilespmem:s31+$0xFFFFFF90];
	v12 =	vmax.f32 v12, v10;
	v11 =	vmax.f32 v14, v11;
	v14 =	vmax.f32 v15, v22  }
0xa8: {  	v10 =	vld [tilespmem:s31+$0xFFFFFFA0];
	v21 =	vmax.f32 v12, v9;
	v22 =	vmax.f32 v11, v8;
	v23 =	vmax.f32 v14, v23  }
0xa9: {  	v11 =	vld [tilespmem:s31+$0xFFFFFFB0]  }
0xaa: {  	v24 =	vld [tilespmem:s31+$0xFFFFFF50];
	v9 =	vmov v25  }
0xab: {  	v14 =	vld [tilespmem:s31+$0xFFFFFF60];
	v8 =	vmov v18  }
0xac: {  	v16 =	vld [tilespmem:s31+$0xFFFFFF70]  }
0xad: {  	v25 =	vld [tilespmem:s31+$0xFFFFFF10]  }
0xae: {  	v17 =	vld [tilespmem:s31+$0xFFFFFF20]  }
0xaf: {  	v15 =	vld [tilespmem:s31+$0xFFFFFF30]  }
0xb0: {  	v26 =	vld [tilespmem:s31+$0xFFFFFED0]  }
0xb1: {  	v12 =	vld [tilespmem:s31+$0xFFFFFEE0]  }
0xb2: {  	v18 =	vld [tilespmem:s31+$0xFFFFFEF0]  }
0xb3: {  	v27 =	vld [tilespmem:s31+$0xFFFFFE90]  }
0xb4: {  	v28 =	vld [tilespmem:s31+$0xFFFFFE10]  }
0xb5: {  	v29 =	vld [tilespmem:s31+$0xFFFFFE50]  }
0xb6: {  	v30 =	vld [tilespmem:s31+$0xFFFFFEA0]  }
0xb7: {  	v31 =	vld [tilespmem:s31+$0xFFFFFEB0]  }
0xb8: {  	v32 =	vld [tilespmem:s31+$0xFFFFFE60]  }
0xb9: {  	v19 =	vmax.f32 v19, v28;
	v28 =	vld [tilespmem:s31+$0xFFFFFE70]  }
0xba: {  	v33 =	vld [tilespmem:s31+$0xFFFFFE20];
	v19 =	vmax.f32 v19, v29  }
0xbb: {  	v29 =	vld [tilespmem:s31+$0xFFFFFE30];
	v19 =	vmax.f32 v19, v27  }
0xbc: {  	s30 =	sadd.s32 $0x8, s30;
	v27 =	vld [tilespmem:s31+$0xFFFFFE40];
	v19 =	vmax.f32 v19, v26  }
0xbd: {  	p0 =	slt.u32 s30, $0xC0;
	v26 =	vld [tilespmem:s31+$0xFFFFFE80];
	v19 =	vmax.f32 v19, v25  }
0xbe: {  	v25 =	vld [tilespmem:s31+$0xFFFFFEC0];
	v19 =	vmax.f32 v19, v24  }
.Ltmp1:
0xbf: {  	v24 =	vld [tilespmem:s31+$0xFFFFFF00];
	v19 =	vmax.f32 v19, v20;
	(pc) =	sbr.rel @p0 .LBB2_5-.Ltmp1, $4  }
0xc0: {  	v20 =	vld [tilespmem:s31+$0xFFFFFF40];
	v19 =	vmax.f32 v19, v13  }
0xc1: {  	v13 =	vmax.f32 v21, v33;
	v22 =	vmax.f32 v22, v29;
	v23 =	vmax.f32 v23, v27;
	v21 =	vld [tilespmem:s31+$0xFFFFFF80]  }
0xc2: {  	v13 =	vmax.f32 v13, v32;
	v28 =	vmax.f32 v22, v28;
	v23 =	vmax.f32 v23, v26;
	v22 =	vld [tilespmem:s31+$0xFFFFFFC0]  }
0xc3: {  	v27 =	vmax.f32 v13, v30;
	v26 =	vmax.f32 v28, v31;
	v25 =	vmax.f32 v23, v25;
	v23 =	vld [tilespmem:s31+$0x0];
	s31 =	sadd.s32 $0x200, s31  }
0xc4: {  	v28 =	vld [tilespmem:$0x13000]  }
0xc5: {  	v29 =	vld [tilespmem:$0x13010]  }
0xc6: {  	v30 =	vld [tilespmem:$0x13020]  }
0xc7: {  	v31 =	vld [tilespmem:$0x13030]  }
0xc8: {  	v32 =	vld [tilespmem:$0x13040]  }
0xc9: {  	v33 =	vld [tilespmem:$0x13050]  }
0xca: {  	v34 =	vld [tilespmem:$0x13060];
	s30 =	sadd.s32 $0x410, s29  }
0xcb: {  	v35 =	vld [tilespmem:$0x13070];
	[tilespmem:s15], [sflag:$0x2] =	stream.indirect.gather [hbm4b:s3+s12], $0x40, s30, s12, $0xb8  }
0xcc: {  	s30 =	sadd.s32 $0x478, s29  }
0xcd: {  	[tilespmem:s16], [sflag:$0x2] =	stream.indirect.gather [hbm4b:s3+s12], $0x40, s30, s12, $0xb8;
	[tilespmem:$0x13280] =	vst v63  }
0xce: {  	_ =	swait.ge [sflag:s23], $0x1900  }
0xcf: {  	[sflag:s23] =	ssyncset.done $0x0  }
0xd0: {  	[sflag:s23] =	ssyncadd.s32 $0xFFFFE700  }
0xd1: {  	_ =	swait.ge [sflag:s23], $0x1900  }
0xd2: {  	[sflag:s23] =	ssyncset.done $0x0  }
0xd3: {  	s31 =	simm.s32 $0xCC00;
	[sflag:s23] =	ssyncadd.s32 $0xFFFFE700  }
0xd4: {  	v36 =	vld [tilespmem:s31+$0x1C0]  }
0xd5: {  	v13 =	vld [tilespmem:s31+$0x1D0]  }
0xd6: {  	v27 =	vmax.f32 v27, v12;
	v12 =	vld [tilespmem:s31+$0x1E0]  }
0xd7: {  	v17 =	vmax.f32 v27, v17;
	v27 =	vld [tilespmem:s31+$0x180]  }
0xd8: {  	v18 =	vmax.f32 v26, v18;
	v17 =	vmax.f32 v17, v14;
	v14 =	vld [tilespmem:s31+$0x190]  }
0xd9: {  	v24 =	vmax.f32 v25, v24;
	v18 =	vmax.f32 v18, v15;
	v10 =	vmax.f32 v17, v10;
	v15 =	vld [tilespmem:s31+$0x1A0]  }
0xda: {  	v16 =	vmax.f32 v18, v16;
	v17 =	vmax.f32 v24, v20;
	v9 =	vmax.f32 v10, v9;
	v10 =	vld [tilespmem:s31+$0x140]  }
0xdb: {  	v11 =	vmax.f32 v16, v11;
	v16 =	vmul.f32 v28, v19;
	v24 =	vmul.f32 v29, v9;
	v18 =	vld [tilespmem:s31+$0x150]  }
0xdc: {  	v8 =	vmax.f32 v11, v8;
	v11 =	vmul.f32 v32, v19;
	v9 =	vmul.f32 v33, v9;
	v20 =	vld [tilespmem:s31+$0x160]  }
0xdd: {  	v17 =	vmax.f32 v17, v21;
	v19 =	vmul.f32 v30, v8;
	v16 =	vadd.f32 v24, v16;
	v24 =	vld [tilespmem:s31+$0x100]  }
0xde: {  	v17 =	vmax.f32 v17, v22;
	v8 =	vmul.f32 v34, v8;
	v9 =	vadd.f32 v9, v11;
	v21 =	vld [tilespmem:s31+$0x110]  }
0xdf: {  	v11 =	vmax.f32 v17, v23;
	v17 =	vadd.f32 v19, v16;
	v19 =	vld [tilespmem:s31+$0x120]  }
0xe0: {  	v22 =	vmul.f32 v31, v11;
	v8 =	vadd.f32 v8, v9;
	v9 =	vmul.f32 v35, v11;
	v11 =	vld [tilespmem:s31+$0xC0]  }
0xe1: {  	v16 =	vld [tilespmem:s31+$0xD0]  }
0xe2: {  	v26 =	vld [tilespmem:s31+$0x0];
	v17 =	vadd.f32 v22, v17;
	v8 =	vadd.f32 v9, v8  }
0xe3: {  	v28 =	vld [tilespmem:s31+$0x40]  }
0xe4: {  	v29 =	vld [tilespmem:s31+$0x90];
	v23 =	vperm.xlane v17, v0;
	v25 =	vperm.xlane v8, v0  }
0xe5: {  	v30 =	vld [tilespmem:s31+$0xA0]  }
0xe6: {  	v9 =	vld [tilespmem:s31+$0x80];
	v17 =	vadd.f32 v17, v23;
	v8 =	vadd.f32 v8, v25  }
0xe7: {  	v59 =	vld [tilespmem:s31+$0x50]  }
0xe8: {  	v31 =	vimm.f32 $-Inf;
	v60 =	vld [tilespmem:s31+$0x60];
	v23 =	vperm.xlane v17, v1;
	v25 =	vperm.xlane v8, v1  }
0xe9: {  	v61 =	vld [tilespmem:s31+$0x30];
	v26 =	vmax.f32 v31, v26  }
0xea: {  	v17 =	vadd.f32 v17, v23;
	v8 =	vadd.f32 v8, v25;
	v25 =	vld [tilespmem:s31+$0x10];
	v23 =	vmax.f32 v26, v28  }
0xeb: {  	v26 =	vld [tilespmem:s31+$0x20];
	v9 =	vmax.f32 v23, v9  }
0xec: {  	v62 =	vld [tilespmem:s31+$0x70];
	v23 =	vperm.xlane v17, v2;
	v9 =	vmax.f32 v9, v11  }
0xed: {  	v22 =	vld [tilespmem:s31+$0xE0];
	v28 =	vperm.xlane v8, v2;
	v11 =	vmax.f32 v9, v24  }
0xee: {  	v9 =	vadd.f32 v17, v23;
	v17 =	vld [tilespmem:s31+$0xB0];
	v10 =	vmax.f32 v11, v10  }
0xef: {  	v8 =	vadd.f32 v8, v28;
	v28 =	vld [tilespmem:s31+$0xF0];
	v23 =	vmax.f32 v10, v27  }
0xf0: {  	v27 =	vld [tilespmem:s31+$0x130];
	v25 =	vmax.f32 v31, v25;
	v26 =	vmax.f32 v31, v26;
	v31 =	vmax.f32 v31, v61  }
0xf1: {  	v24 =	vld [tilespmem:s31+$0x170];
	v11 =	vperm.xlane v9, v3;
	v6 =	vperm.xlane v8, v3;
	v23 =	vmax.f32 v23, v36  }
0xf2: {  	v32 =	vmax.f32 v25, v59;
	v26 =	vmax.f32 v26, v60;
	v63 =	vmax.f32 v31, v62;
	v25 =	vld [tilespmem:s31+$0x1B0]  }
0xf3: {  	s30 =	simm.s32 $0x0;
	v31 =	vmax.f32 v32, v29;
	v30 =	vmax.f32 v26, v30;
	v26 =	vld [tilespmem:s31+$0x1F0];
	s31 =	simm.s32 $0xCE00;
	[tilespmem:$0x1FFD0] =	vst v6;
	v29 =	vmax.f32 v63, v17  }
.LBB2_7:
0xf4: {  	v17 =	vld [tilespmem:s31+$0x1C0];
	v16 =	vmax.f32 v31, v16;
	v22 =	vmax.f32 v30, v22;
	v28 =	vmax.f32 v29, v28  }
0xf5: {  	v29 =	vld [tilespmem:s31+$0x1D0];
	v16 =	vmax.f32 v16, v21;
	v19 =	vmax.f32 v22, v19;
	v21 =	vmax.f32 v28, v27  }
0xf6: {  	v22 =	vld [tilespmem:s31+$0x1E0];
	v16 =	vmax.f32 v16, v18;
	v18 =	vmax.f32 v19, v20;
	v19 =	vmax.f32 v21, v24  }
0xf7: {  	v24 =	vld [tilespmem:s31+$0x180];
	v16 =	vmax.f32 v16, v14;
	v15 =	vmax.f32 v18, v15;
	v18 =	vmax.f32 v19, v25  }
0xf8: {  	v14 =	vld [tilespmem:s31+$0x190];
	v25 =	vmax.f32 v16, v13;
	v30 =	vmax.f32 v15, v12;
	v26 =	vmax.f32 v18, v26  }
0xf9: {  	v15 =	vld [tilespmem:s31+$0x1A0]  }
0xfa: {  	v27 =	vld [tilespmem:s31+$0x140];
	v13 =	vmov v29  }
0xfb: {  	v18 =	vld [tilespmem:s31+$0x150];
	v12 =	vmov v22  }
0xfc: {  	v20 =	vld [tilespmem:s31+$0x160]  }
0xfd: {  	v28 =	vld [tilespmem:s31+$0x100]  }
0xfe: {  	v21 =	vld [tilespmem:s31+$0x110]  }
0xff: {  	v19 =	vld [tilespmem:s31+$0x120]  }
0x100: {  	v29 =	vld [tilespmem:s31+$0xC0]  }
0x101: {  	v16 =	vld [tilespmem:s31+$0xD0]  }
0x102: {  	v22 =	vld [tilespmem:s31+$0xE0]  }
0x103: {  	v31 =	vld [tilespmem:s31+$0x80]  }
0x104: {  	v32 =	vld [tilespmem:s31+$0x0]  }
0x105: {  	v33 =	vld [tilespmem:s31+$0x40]  }
0x106: {  	v34 =	vld [tilespmem:s31+$0x90]  }
0x107: {  	v35 =	vld [tilespmem:s31+$0xA0]  }
0x108: {  	v36 =	vld [tilespmem:s31+$0x50]  }
0x109: {  	v23 =	vmax.f32 v23, v32;
	v32 =	vld [tilespmem:s31+$0x60]  }
0x10a: {  	v37 =	vld [tilespmem:s31+$0x10];
	v23 =	vmax.f32 v23, v33  }
0x10b: {  	v33 =	vld [tilespmem:s31+$0x20];
	v23 =	vmax.f32 v23, v31  }
0x10c: {  	s30 =	sadd.s32 $0x8, s30;
	v31 =	vld [tilespmem:s31+$0x30];
	v23 =	vmax.f32 v23, v29  }
0x10d: {  	p0 =	slt.u32 s30, $0xC0;
	v29 =	vld [tilespmem:s31+$0x70];
	v23 =	vmax.f32 v23, v28  }
0x10e: {  	v38 =	vld [tilespmem:s31+$0xB0];
	v23 =	vmax.f32 v23, v27  }
.Ltmp2:
0x10f: {  	v28 =	vld [tilespmem:s31+$0xF0];
	v23 =	vmax.f32 v23, v24;
	(pc) =	sbr.rel @p0 .LBB2_7-.Ltmp2, $4  }
0x110: {  	v27 =	vld [tilespmem:s31+$0x130];
	v23 =	vmax.f32 v23, v17  }
0x111: {  	v17 =	vmax.f32 v25, v37;
	v25 =	vmax.f32 v30, v33;
	v26 =	vmax.f32 v26, v31;
	v24 =	vld [tilespmem:s31+$0x170]  }
0x112: {  	v17 =	vmax.f32 v17, v36;
	v30 =	vmax.f32 v25, v32;
	v26 =	vmax.f32 v26, v29;
	v25 =	vld [tilespmem:s31+$0x1B0]  }
0x113: {  	v31 =	vmax.f32 v17, v34;
	v30 =	vmax.f32 v30, v35;
	v29 =	vmax.f32 v26, v38;
	v26 =	vld [tilespmem:s31+$0x1F0];
	s31 =	sadd.s32 $0x200, s31  }
0x114: {  	v32 =	vld [tilespmem:$0x13000]  }
0x115: {  	v33 =	vld [tilespmem:$0x13010]  }
0x116: {  	v34 =	vld [tilespmem:$0x13020]  }
0x117: {  	v35 =	vld [tilespmem:$0x13030]  }
0x118: {  	v36 =	vld [tilespmem:$0x13040]  }
0x119: {  	v37 =	vld [tilespmem:$0x13050]  }
0x11a: {  	v38 =	vld [tilespmem:$0x13060];
	s30 =	sadd.s32 $0x4E0, s29  }
0x11b: {  	v39 =	vld [tilespmem:$0x13070];
	[tilespmem:s17], [sflag:$0x3] =	stream.indirect.gather [hbm4b:s3+s12], $0x40, s30, s12, $0xb8  }
0x11c: {  	s30 =	sadd.s32 $0x548, s29  }
0x11d: {  	[tilespmem:s18], [sflag:$0x3] =	stream.indirect.gather [hbm4b:s3+s12], $0x40, s30, s12, $0xb8;
	[tilespmem:$0x13280] =	vst v63  }
0x11e: {  	_ =	swait.ge [sflag:s24], $0x1900  }
0x11f: {  	[sflag:s24] =	ssyncset.done $0x0  }
0x120: {  	[sflag:s24] =	ssyncadd.s32 $0xFFFFE700  }
0x121: {  	_ =	swait.ge [sflag:s24], $0x1900  }
0x122: {  	[sflag:s24] =	ssyncset.done $0x0  }
0x123: {  	s31 =	simm.s32 $0xFE00;
	[sflag:s24] =	ssyncadd.s32 $0xFFFFE700  }
0x124: {  	v40 =	vld [tilespmem:s31+$0x1C0]  }
0x125: {  	v17 =	vld [tilespmem:s31+$0x1D0]  }
0x126: {  	v31 =	vmax.f32 v31, v16;
	v16 =	vld [tilespmem:s31+$0x1E0]  }
0x127: {  	v21 =	vmax.f32 v31, v21;
	v41 =	vld [tilespmem:s31+$0x180]  }
0x128: {  	v22 =	vmax.f32 v30, v22;
	v21 =	vmax.f32 v21, v18;
	v18 =	vld [tilespmem:s31+$0x190]  }
0x129: {  	v28 =	vmax.f32 v29, v28;
	v22 =	vmax.f32 v22, v19;
	v14 =	vmax.f32 v21, v14;
	v19 =	vld [tilespmem:s31+$0x1A0]  }
0x12a: {  	v27 =	vmax.f32 v28, v27;
	v20 =	vmax.f32 v22, v20;
	v13 =	vmax.f32 v14, v13;
	v14 =	vld [tilespmem:s31+$0x140]  }
0x12b: {  	v15 =	vmax.f32 v20, v15;
	v22 =	vmul.f32 v32, v23;
	v28 =	vmul.f32 v33, v13;
	v21 =	vld [tilespmem:s31+$0x150]  }
0x12c: {  	v12 =	vmax.f32 v15, v12;
	v15 =	vmul.f32 v36, v23;
	v13 =	vmul.f32 v37, v13;
	v20 =	vld [tilespmem:s31+$0x160]  }
0x12d: {  	v23 =	vmax.f32 v27, v24;
	v24 =	vmul.f32 v34, v12;
	v22 =	vadd.f32 v28, v22;
	v27 =	vld [tilespmem:s31+$0x100]  }
0x12e: {  	v12 =	vmul.f32 v38, v12;
	v25 =	vmax.f32 v23, v25;
	v13 =	vadd.f32 v13, v15;
	v23 =	vld [tilespmem:s31+$0x110]  }
0x12f: {  	v15 =	vmax.f32 v25, v26;
	v25 =	vadd.f32 v24, v22;
	v22 =	vld [tilespmem:s31+$0x120]  }
0x130: {  	v26 =	vmul.f32 v35, v15;
	v12 =	vadd.f32 v12, v13;
	v13 =	vmul.f32 v39, v15;
	v15 =	vld [tilespmem:s31+$0xC0]  }
0x131: {  	v24 =	vld [tilespmem:s31+$0xD0]  }
0x132: {  	v30 =	vld [tilespmem:s31+$0x0]  }
0x133: {  	v31 =	vld [tilespmem:s31+$0x40];
	v12 =	vadd.f32 v13, v12  }
0x134: {  	v55 =	vld [tilespmem:s31+$0x50];
	v26 =	vadd.f32 v26, v25  }
0x135: {  	v56 =	vld [tilespmem:s31+$0x60];
	v29 =	vperm.xlane v12, v0  }
0x136: {  	v57 =	vld [tilespmem:s31+$0x10];
	v28 =	vperm.xlane v26, v0  }
0x137: {  	v58 =	vld [tilespmem:s31+$0x20];
	v12 =	vadd.f32 v12, v29  }
0x138: {  	v13 =	vld [tilespmem:s31+$0x80];
	v26 =	vadd.f32 v26, v28  }
0x139: {  	v59 =	vld [tilespmem:s31+$0x30];
	v53 =	vperm.xlane v12, v1  }
0x13a: {  	v54 =	vimm.f32 $-Inf;
	v60 =	vld [tilespmem:s31+$0x70];
	v52 =	vperm.xlane v26, v1  }
0x13b: {  	v42 =	vld [tilespmem:s31+$0xB0];
	v30 =	vmax.f32 v54, v30;
	v12 =	vadd.f32 v12, v53  }
0x13c: {  	v25 =	vld [tilespmem:s31+$0xE0];
	v30 =	vmax.f32 v30, v31;
	v26 =	vadd.f32 v26, v52  }
0x13d: {  	v28 =	vld [tilespmem:s31+$0x90];
	v61 =	vmax.f32 v54, v58;
	v13 =	vmax.f32 v30, v13;
	v31 =	vperm.xlane v12, v2  }
0x13e: {  	v29 =	vld [tilespmem:s31+$0xA0];
	v62 =	vmax.f32 v54, v59;
	v13 =	vmax.f32 v13, v15;
	v30 =	vperm.xlane v26, v2  }
0x13f: {  	v63 =	vmax.f32 v61, v56;
	v15 =	vmax.f32 v13, v27;
	v12 =	vadd.f32 v12, v31;
	v31 =	vld [tilespmem:s31+$0xF0]  }
0x140: {  	v34 =	vld [tilespmem:s31+$0x130];
	v33 =	vmax.f32 v62, v60;
	v14 =	vmax.f32 v15, v14;
	v13 =	vadd.f32 v26, v30  }
0x141: {  	v35 =	vmax.f32 v33, v42;
	v27 =	vld [tilespmem:s31+$0x170];
	v26 =	vmax.f32 v14, v41;
	v30 =	vmax.f32 v54, v57  }
0x142: {  	v32 =	vld [tilespmem:s31+$0x1B0];
	v26 =	vmax.f32 v26, v40;
	v30 =	vmax.f32 v30, v55;
	v15 =	vperm.xlane v13, v3  }
0x143: {  	s30 =	simm.s32 $0x0;
	v33 =	vld [tilespmem:s31+$0x1F0];
	s31 =	simm.s32 $0x10000;
	v14 =	vperm.xlane v12, v3;
	v28 =	vmax.f32 v30, v28;
	v30 =	vmax.f32 v63, v29  }
.LBB2_9:
0x144: {  	v29 =	vld [tilespmem:s31+$0x1C0];
	v24 =	vmax.f32 v28, v24;
	v25 =	vmax.f32 v30, v25;
	v28 =	vmax.f32 v35, v31  }
0x145: {  	v30 =	vld [tilespmem:s31+$0x1D0];
	v23 =	vmax.f32 v24, v23;
	v22 =	vmax.f32 v25, v22;
	v24 =	vmax.f32 v28, v34  }
0x146: {  	v25 =	vld [tilespmem:s31+$0x1E0];
	v21 =	vmax.f32 v23, v21;
	v20 =	vmax.f32 v22, v20;
	v22 =	vmax.f32 v24, v27  }
0x147: {  	v27 =	vld [tilespmem:s31+$0x180];
	v21 =	vmax.f32 v21, v18;
	v19 =	vmax.f32 v20, v19;
	v20 =	vmax.f32 v22, v32  }
0x148: {  	v18 =	vld [tilespmem:s31+$0x190];
	v28 =	vmax.f32 v21, v17;
	v32 =	vmax.f32 v19, v16;
	v33 =	vmax.f32 v20, v33  }
0x149: {  	v19 =	vld [tilespmem:s31+$0x1A0]  }
0x14a: {  	v31 =	vld [tilespmem:s31+$0x140];
	v17 =	vmov v30  }
0x14b: {  	v21 =	vld [tilespmem:s31+$0x150];
	v16 =	vmov v25  }
0x14c: {  	v20 =	vld [tilespmem:s31+$0x160]  }
0x14d: {  	v30 =	vld [tilespmem:s31+$0x100]  }
0x14e: {  	v23 =	vld [tilespmem:s31+$0x110]  }
0x14f: {  	v22 =	vld [tilespmem:s31+$0x120]  }
0x150: {  	v34 =	vld [tilespmem:s31+$0xC0]  }
0x151: {  	v24 =	vld [tilespmem:s31+$0xD0]  }
0x152: {  	v25 =	vld [tilespmem:s31+$0xE0]  }
0x153: {  	v35 =	vld [tilespmem:s31+$0x80]  }
0x154: {  	v36 =	vld [tilespmem:s31+$0x0]  }
0x155: {  	v37 =	vld [tilespmem:s31+$0x40]  }
0x156: {  	v38 =	vld [tilespmem:s31+$0x90]  }
0x157: {  	v39 =	vld [tilespmem:s31+$0xA0]  }
0x158: {  	v40 =	vld [tilespmem:s31+$0x50]  }
0x159: {  	v26 =	vmax.f32 v26, v36;
	v36 =	vld [tilespmem:s31+$0x60]  }
0x15a: {  	v41 =	vld [tilespmem:s31+$0x10];
	v26 =	vmax.f32 v26, v37  }
0x15b: {  	v37 =	vld [tilespmem:s31+$0x20];
	v26 =	vmax.f32 v26, v35  }
0x15c: {  	s30 =	sadd.s32 $0x8, s30;
	v35 =	vld [tilespmem:s31+$0x30];
	v26 =	vmax.f32 v26, v34  }
0x15d: {  	p0 =	slt.u32 s30, $0xC0;
	v42 =	vld [tilespmem:s31+$0x70];
	v26 =	vmax.f32 v26, v30  }
0x15e: {  	v43 =	vld [tilespmem:s31+$0xB0];
	v26 =	vmax.f32 v26, v31  }
.Ltmp3:
0x15f: {  	v31 =	vld [tilespmem:s31+$0xF0];
	v26 =	vmax.f32 v26, v27;
	(pc) =	sbr.rel @p0 .LBB2_9-.Ltmp3, $4  }
0x160: {  	v34 =	vld [tilespmem:s31+$0x130];
	v26 =	vmax.f32 v26, v29  }
0x161: {  	v28 =	vmax.f32 v28, v41;
	v29 =	vmax.f32 v32, v37;
	v30 =	vmax.f32 v33, v35;
	v27 =	vld [tilespmem:s31+$0x170]  }
0x162: {  	v28 =	vmax.f32 v28, v40;
	v29 =	vmax.f32 v29, v36;
	v33 =	vmax.f32 v30, v42;
	v32 =	vld [tilespmem:s31+$0x1B0]  }
0x163: {  	v28 =	vmax.f32 v28, v38;
	v30 =	vmax.f32 v29, v39;
	v35 =	vmax.f32 v33, v43;
	v33 =	vld [tilespmem:s31+$0x1F0];
	s31 =	sadd.s32 $0x200, s31  }
0x164: {  	v36 =	vld [tilespmem:$0x13000]  }
0x165: {  	v37 =	vld [tilespmem:$0x13010]  }
0x166: {  	v38 =	vld [tilespmem:$0x13020]  }
0x167: {  	v39 =	vld [tilespmem:$0x13030]  }
0x168: {  	v40 =	vld [tilespmem:$0x13040]  }
0x169: {  	v41 =	vld [tilespmem:$0x13050]  }
0x16a: {  	v42 =	vld [tilespmem:$0x13060];
	s30 =	sadd.s32 $0x5B0, s29  }
0x16b: {  	v43 =	vld [tilespmem:$0x13070];
	[tilespmem:s19], [sflag:$0x4] =	stream.indirect.gather [hbm4b:s3+s12], $0x40, s30, s12, $0xb8  }
0x16c: {  	s29 =	sadd.s32 $0x618, s29  }
0x16d: {  	[tilespmem:s20], [sflag:$0x4] =	stream.indirect.gather [hbm4b:s3+s12], $0x40, s29, s12, $0xb8;
	[tilespmem:$0x13280] =	vst v63  }
0x16e: {  	_ =	swait.ge [sflag:s21], $0x1900  }
0x16f: {  	[sflag:s21] =	ssyncset.done $0x0  }
0x170: {  	[sflag:s21] =	ssyncadd.s32 $0xFFFFE700  }
0x171: {  	_ =	swait.ge [sflag:s21], $0x1900  }
0x172: {  	[sflag:s21] =	ssyncset.done $0x0  }
0x173: {  	s30 =	simm.s32 $0x6900;
	[sflag:s21] =	ssyncadd.s32 $0xFFFFE700  }
0x174: {  	v45 =	vld [tilespmem:s30+$0xC0]  }
0x175: {  	v29 =	vld [tilespmem:s30+$0xD0]  }
0x176: {  	v24 =	vmax.f32 v28, v24;
	v28 =	vld [tilespmem:s30+$0xE0]  }
0x177: {  	v25 =	vmax.f32 v30, v25;
	v23 =	vmax.f32 v24, v23;
	v63 =	vld [tilespmem:s30+$0x80]  }
0x178: {  	v22 =	vmax.f32 v25, v22;
	v21 =	vmax.f32 v23, v21;
	v30 =	vld [tilespmem:s30+$0x90]  }
0x179: {  	v35 =	vmax.f32 v35, v31;
	v20 =	vmax.f32 v22, v20;
	v18 =	vmax.f32 v21, v18;
	v31 =	vld [tilespmem:s30+$0xA0]  }
0x17a: {  	v44 =	vmax.f32 v35, v34;
	v19 =	vmax.f32 v20, v19;
	v17 =	vmax.f32 v18, v17;
	v18 =	vld [tilespmem:s30+$0x40]  }
0x17b: {  	v21 =	vmax.f32 v44, v27;
	v20 =	vmul.f32 v36, v26;
	v46 =	vmul.f32 v37, v17;
	v34 =	vld [tilespmem:s30+$0x50]  }
0x17c: {  	v16 =	vmax.f32 v19, v16;
	v19 =	vmul.f32 v40, v26;
	v17 =	vmul.f32 v41, v17;
	v36 =	vld [tilespmem:s30+$0x60]  }
0x17d: {  	v21 =	vmax.f32 v21, v32;
	v47 =	vmul.f32 v38, v16;
	v16 =	vmul.f32 v42, v16;
	v48 =	vld [tilespmem:s30+$0x0]  }
0x17e: {  	v20 =	vadd.f32 v46, v20;
	v17 =	vadd.f32 v17, v19;
	v19 =	vmax.f32 v21, v33;
	v37 =	vld [tilespmem:s30+$0x10]  }
0x17f: {  	v21 =	vmul.f32 v39, v19;
	v35 =	vld [tilespmem:s30+$0x20]  }
0x180: {  	v20 =	vadd.f32 v47, v20;
	v16 =	vadd.f32 v16, v17;
	v17 =	vmul.f32 v43, v19;
	v19 =	vld [tilespmem:s30+$0xFFFFFFC0]  }
0x181: {  	v32 =	vld [tilespmem:s30+$0xFFFFFFD0]  }
0x182: {  	v38 =	vld [tilespmem:s30+$0xFFFFFFE0];
	v20 =	vadd.f32 v21, v20  }
0x183: {  	v50 =	vld [tilespmem:s30+$0xFFFFFF00]  }
0x184: {  	v51 =	vld [tilespmem:s30+$0xFFFFFF40];
	v21 =	vperm.xlane v20, v0  }
0x185: {  	v52 =	vld [tilespmem:s30+$0xFFFFFF90];
	v16 =	vadd.f32 v17, v16  }
0x186: {  	v53 =	vld [tilespmem:s30+$0xFFFFFFA0];
	v20 =	vadd.f32 v20, v21  }
0x187: {  	v17 =	vld [tilespmem:s30+$0xFFFFFF80];
	v49 =	vperm.xlane v16, v0  }
0x188: {  	v56 =	vld [tilespmem:s30+$0xFFFFFF50];
	v27 =	vperm.xlane v20, v1  }
0x189: {  	v55 =	vimm.f32 $-Inf;
	v58 =	vld [tilespmem:s30+$0xFFFFFF20];
	v16 =	vadd.f32 v16, v49  }
0x18a: {  	v57 =	vld [tilespmem:s30+$0xFFFFFF60];
	v25 =	vmax.f32 v55, v50;
	v20 =	vadd.f32 v20, v27  }
0x18b: {  	v46 =	vld [tilespmem:s30+$0xFFFFFF30];
	v25 =	vmax.f32 v25, v51;
	v54 =	vperm.xlane v16, v1  }
0x18c: {  	v17 =	vmax.f32 v25, v17;
	v27 =	vld [tilespmem:s30+$0xFFFFFF10];
	v59 =	vperm.xlane v20, v2  }
0x18d: {  	v47 =	vld [tilespmem:s30+$0xFFFFFF70];
	v17 =	vmax.f32 v17, v19;
	v16 =	vadd.f32 v16, v54  }
0x18e: {  	v62 =	vmax.f32 v55, v58;
	v19 =	vmax.f32 v17, v48;
	v17 =	vadd.f32 v20, v59;
	v20 =	vld [tilespmem:s30+$0xFFFFFFB0]  }
0x18f: {  	v44 =	vld [tilespmem:s30+$0xFFFFFFF0];
	v24 =	vmax.f32 v62, v57;
	v18 =	vmax.f32 v19, v18;
	v33 =	vperm.xlane v16, v2  }
0x190: {  	v43 =	vld [tilespmem:s30+$0x30];
	v60 =	vmax.f32 v18, v63;
	v63 =	vmax.f32 v55, v46;
	v46 =	vmax.f32 v24, v53  }
0x191: {  	v40 =	vld [tilespmem:s30+$0x70];
	v39 =	vmax.f32 v60, v45;
	v16 =	vadd.f32 v16, v33;
	v61 =	vmax.f32 v55, v27  }
0x192: {  	v41 =	vld [tilespmem:s30+$0xB0];
	v25 =	vmax.f32 v63, v47;
	v19 =	vperm.xlane v17, v3;
	v23 =	vmax.f32 v61, v56  }
0x193: {  	s29 =	simm.s32 $0x0;
	v42 =	vld [tilespmem:s30+$0xF0];
	s30 =	simm.s32 $0x6B00;
	v18 =	vperm.xlane v16, v3;
	v47 =	vmax.f32 v23, v52;
	v45 =	vmax.f32 v25, v20  }
.LBB2_11:
0x194: {  	v20 =	vld [tilespmem:s30+$0xC0];
	v21 =	vmax.f32 v47, v32;
	v22 =	vmax.f32 v46, v38;
	v23 =	vmax.f32 v45, v44  }
0x195: {  	v24 =	vld [tilespmem:s30+$0xD0];
	v21 =	vmax.f32 v21, v37;
	v22 =	vmax.f32 v22, v35;
	v23 =	vmax.f32 v23, v43  }
0x196: {  	v25 =	vld [tilespmem:s30+$0xE0];
	v21 =	vmax.f32 v21, v34;
	v22 =	vmax.f32 v22, v36;
	v23 =	vmax.f32 v23, v40  }
0x197: {  	v26 =	vld [tilespmem:s30+$0x80];
	v21 =	vmax.f32 v21, v30;
	v22 =	vmax.f32 v22, v31;
	v23 =	vmax.f32 v23, v41  }
0x198: {  	v30 =	vld [tilespmem:s30+$0x90];
	v21 =	vmax.f32 v21, v29;
	v22 =	vmax.f32 v22, v28;
	v23 =	vmax.f32 v23, v42  }
0x199: {  	v31 =	vld [tilespmem:s30+$0xA0]  }
0x19a: {  	v27 =	vld [tilespmem:s30+$0x40];
	v29 =	vmov v24  }
0x19b: {  	v34 =	vld [tilespmem:s30+$0x50];
	v28 =	vmov v25  }
0x19c: {  	v36 =	vld [tilespmem:s30+$0x60]  }
0x19d: {  	v24 =	vld [tilespmem:s30+$0x0]  }
0x19e: {  	v37 =	vld [tilespmem:s30+$0x10]  }
0x19f: {  	v35 =	vld [tilespmem:s30+$0x20]  }
0x1a0: {  	v25 =	vld [tilespmem:s30+$0xFFFFFFC0]  }
0x1a1: {  	v32 =	vld [tilespmem:s30+$0xFFFFFFD0]  }
0x1a2: {  	v38 =	vld [tilespmem:s30+$0xFFFFFFE0]  }
0x1a3: {  	v33 =	vld [tilespmem:s30+$0xFFFFFF80]  }
0x1a4: {  	v40 =	vld [tilespmem:s30+$0xFFFFFF00]  }
0x1a5: {  	v41 =	vld [tilespmem:s30+$0xFFFFFF40]  }
0x1a6: {  	v42 =	vld [tilespmem:s30+$0xFFFFFF90]  }
0x1a7: {  	v45 =	vld [tilespmem:s30+$0xFFFFFFA0]  }
0x1a8: {  	v46 =	vld [tilespmem:s30+$0xFFFFFF50]  }
0x1a9: {  	v39 =	vmax.f32 v39, v40;
	v47 =	vld [tilespmem:s30+$0xFFFFFF60]  }
0x1aa: {  	v40 =	vld [tilespmem:s30+$0xFFFFFF10];
	v39 =	vmax.f32 v39, v41  }
0x1ab: {  	v41 =	vld [tilespmem:s30+$0xFFFFFF20];
	v33 =	vmax.f32 v39, v33  }
0x1ac: {  	s29 =	sadd.s32 $0x8, s29;
	v48 =	vld [tilespmem:s30+$0xFFFFFF30];
	v25 =	vmax.f32 v33, v25  }
0x1ad: {  	p0 =	slt.u32 s29, $0xC0;
	v33 =	vld [tilespmem:s30+$0xFFFFFF70];
	v24 =	vmax.f32 v25, v24  }
0x1ae: {  	v25 =	vld [tilespmem:s30+$0xFFFFFFB0];
	v24 =	vmax.f32 v24, v27  }
.Ltmp4:
0x1af: {  	v44 =	vld [tilespmem:s30+$0xFFFFFFF0];
	v24 =	vmax.f32 v24, v26;
	(pc) =	sbr.rel @p0 .LBB2_11-.Ltmp4, $4  }
0x1b0: {  	v43 =	vld [tilespmem:s30+$0x30];
	v39 =	vmax.f32 v24, v20  }
0x1b1: {  	v20 =	vmax.f32 v21, v40;
	v21 =	vmax.f32 v22, v41;
	v22 =	vmax.f32 v23, v48;
	v40 =	vld [tilespmem:s30+$0x70]  }
0x1b2: {  	v20 =	vmax.f32 v20, v46;
	v21 =	vmax.f32 v21, v47;
	v22 =	vmax.f32 v22, v33;
	v41 =	vld [tilespmem:s30+$0xB0]  }
0x1b3: {  	v47 =	vmax.f32 v20, v42;
	v46 =	vmax.f32 v21, v45;
	v45 =	vmax.f32 v22, v25;
	v42 =	vld [tilespmem:s30+$0xF0];
	s30 =	sadd.s32 $0x200, s30  }
0x1b4: {  	v24 =	vld [tilespmem:$0x13000]  }
0x1b5: {  	v25 =	vld [tilespmem:$0x13010]  }
0x1b6: {  	v22 =	vld [tilespmem:$0x13020]  }
0x1b7: {  	v20 =	vld [tilespmem:$0x13030]  }
0x1b8: {  	v26 =	vld [tilespmem:$0x13040]  }
0x1b9: {  	v27 =	vld [tilespmem:$0x13050]  }
0x1ba: {  	v23 =	vld [tilespmem:$0x13060]  }
0x1bb: {  	v21 =	vld [tilespmem:$0x13070];
	_ =	swait.ge [sflag:s22], $0x1900  }
0x1bc: {  	[sflag:s22] =	ssyncset.done $0x0  }
0x1bd: {  	[sflag:s22] =	ssyncadd.s32 $0xFFFFE700  }
0x1be: {  	_ =	swait.ge [sflag:s22], $0x1900  }
0x1bf: {  	[sflag:s22] =	ssyncset.done $0x0  }
0x1c0: {  	s30 =	simm.s32 $0x9BF0;
	[sflag:s22] =	ssyncadd.s32 $0xFFFFE700  }
0x1c1: {  	v49 =	vld [tilespmem:s30+$0xFFFFFFD0]  }
0x1c2: {  	v33 =	vld [tilespmem:s30+$0xFFFFFFE0]  }
0x1c3: {  	v47 =	vmax.f32 v47, v32;
	v32 =	vld [tilespmem:s30+$0xFFFFFFF0]  }
0x1c4: {  	v37 =	vmax.f32 v47, v37;
	v47 =	vld [tilespmem:s30+$0xFFFFFF90]  }
0x1c5: {  	v38 =	vmax.f32 v46, v38;
	v37 =	vmax.f32 v37, v34;
	v34 =	vld [tilespmem:s30+$0xFFFFFFA0]  }
0x1c6: {  	v38 =	vmax.f32 v38, v35;
	v30 =	vmax.f32 v37, v30;
	v35 =	vld [tilespmem:s30+$0xFFFFFFB0]  }
0x1c7: {  	v44 =	vmax.f32 v45, v44;
	v36 =	vmax.f32 v38, v36;
	v29 =	vmax.f32 v30, v29;
	v30 =	vld [tilespmem:s30+$0xFFFFFF50]  }
0x1c8: {  	v53 =	vmax.f32 v44, v43;
	v31 =	vmax.f32 v36, v31;
	v38 =	vld [tilespmem:s30+$0xFFFFFF60]  }
0x1c9: {  	v28 =	vmax.f32 v31, v28;
	v54 =	vmul.f32 v24, v39;
	v31 =	vmul.f32 v26, v39;
	v39 =	vld [tilespmem:s30+$0xFFFFFF70]  }
0x1ca: {  	v37 =	vmax.f32 v53, v40;
	v43 =	vld [tilespmem:s30+$0xFFFFFF10]  }
0x1cb: {  	v37 =	vmax.f32 v37, v41;
	v55 =	vmul.f32 v25, v29;
	v29 =	vmul.f32 v27, v29;
	v41 =	vld [tilespmem:s30+$0xFFFFFF20]  }
0x1cc: {  	v56 =	vmul.f32 v22, v28;
	v28 =	vmul.f32 v23, v28;
	v40 =	vld [tilespmem:s30+$0xFFFFFF30]  }
0x1cd: {  	v60 =	vld [tilespmem:s30+$0xFFFFFE10];
	v36 =	vadd.f32 v55, v54;
	v29 =	vadd.f32 v29, v31;
	v31 =	vmax.f32 v37, v42  }
0x1ce: {  	v48 =	vld [tilespmem:s30+$0xFFFFFE50];
	v42 =	vmul.f32 v20, v31  }
0x1cf: {  	v50 =	vld [tilespmem:s30+$0xFFFFFEA0];
	v57 =	vadd.f32 v56, v36;
	v28 =	vadd.f32 v28, v29;
	v29 =	vmul.f32 v21, v31  }
0x1d0: {  	v52 =	vld [tilespmem:s30+$0xFFFFFEB0]  }
0x1d1: {  	v53 =	vld [tilespmem:s30+$0xFFFFFE60];
	v37 =	vadd.f32 v42, v57;
	v28 =	vadd.f32 v29, v28  }
0x1d2: {  	v29 =	vld [tilespmem:s30+$0xFFFFFE90]  }
0x1d3: {  	v31 =	vld [tilespmem:s30+$0xFFFFFED0];
	v58 =	vperm.xlane v37, v0;
	v59 =	vperm.xlane v28, v0  }
0x1d4: {  	v51 =	vimm.f32 $-Inf;
	v54 =	vld [tilespmem:s30+$0xFFFFFE70]  }
0x1d5: {  	v55 =	vld [tilespmem:s30+$0xFFFFFE40];
	v46 =	vmax.f32 v51, v60;
	v37 =	vadd.f32 v37, v58;
	v28 =	vadd.f32 v28, v59  }
0x1d6: {  	v36 =	vld [tilespmem:s30+$0xFFFFFEE0];
	v61 =	vmax.f32 v46, v48  }
0x1d7: {  	v46 =	vld [tilespmem:s30+$0xFFFFFE30];
	v29 =	vmax.f32 v61, v29;
	v44 =	vperm.xlane v37, v1;
	v45 =	vperm.xlane v28, v1  }
0x1d8: {  	v56 =	vld [tilespmem:s30+$0xFFFFFE80];
	v29 =	vmax.f32 v29, v31  }
0x1d9: {  	v31 =	vmax.f32 v29, v43;
	v37 =	vadd.f32 v37, v44;
	v28 =	vadd.f32 v28, v45;
	v45 =	vld [tilespmem:s30+$0xFFFFFE20]  }
0x1da: {  	v42 =	vld [tilespmem:s30+$0xFFFFFEF0];
	v30 =	vmax.f32 v31, v30  }
0x1db: {  	v59 =	vld [tilespmem:s30+$0xFFFFFEC0];
	v60 =	vmax.f32 v30, v47;
	v62 =	vperm.xlane v37, v2;
	v63 =	vperm.xlane v28, v2  }
0x1dc: {  	v48 =	vld [tilespmem:s30+$0xFFFFFF00];
	v46 =	vmax.f32 v51, v46;
	v43 =	vmax.f32 v60, v49  }
0x1dd: {  	v44 =	vld [tilespmem:s30+$0xFFFFFF40];
	v29 =	vadd.f32 v37, v62;
	v28 =	vadd.f32 v28, v63;
	v62 =	vmax.f32 v51, v55  }
0x1de: {  	v63 =	vmax.f32 v46, v54;
	v61 =	vmax.f32 v51, v45;
	v45 =	vld [tilespmem:s30+$0xFFFFFF80];
	v49 =	vmax.f32 v62, v56  }
0x1df: {  	v46 =	vld [tilespmem:s30+$0xFFFFFFC0];
	v31 =	vperm.xlane v29, v3;
	v30 =	vperm.xlane v28, v3;
	v47 =	vmax.f32 v61, v53  }
0x1e0: {  	s29 =	simm.s32 $0x0;
	v49 =	vmax.f32 v49, v59;
	v51 =	vmax.f32 v47, v50;
	v50 =	vmax.f32 v63, v52;
	v47 =	vld [tilespmem:s30+$0x0];
	s30 =	simm.s32 $0x9DF0  }
.LBB2_13:
0x1e1: {  	v37 =	vld [tilespmem:s30+$0xFFFFFFD0];
	v36 =	vmax.f32 v51, v36;
	v42 =	vmax.f32 v50, v42;
	v48 =	vmax.f32 v49, v48  }
0x1e2: {  	v49 =	vld [tilespmem:s30+$0xFFFFFFE0];
	v36 =	vmax.f32 v36, v41;
	v40 =	vmax.f32 v42, v40;
	v41 =	vmax.f32 v48, v44  }
0x1e3: {  	v42 =	vld [tilespmem:s30+$0xFFFFFFF0];
	v36 =	vmax.f32 v36, v38;
	v38 =	vmax.f32 v40, v39;
	v39 =	vmax.f32 v41, v45  }
0x1e4: {  	v44 =	vld [tilespmem:s30+$0xFFFFFF90];
	v36 =	vmax.f32 v36, v34;
	v35 =	vmax.f32 v38, v35;
	v38 =	vmax.f32 v39, v46  }
0x1e5: {  	v34 =	vld [tilespmem:s30+$0xFFFFFFA0];
	v45 =	vmax.f32 v36, v33;
	v46 =	vmax.f32 v35, v32;
	v47 =	vmax.f32 v38, v47  }
0x1e6: {  	v35 =	vld [tilespmem:s30+$0xFFFFFFB0]  }
0x1e7: {  	v48 =	vld [tilespmem:s30+$0xFFFFFF50];
	v33 =	vmov v49  }
0x1e8: {  	v38 =	vld [tilespmem:s30+$0xFFFFFF60];
	v32 =	vmov v42  }
0x1e9: {  	v39 =	vld [tilespmem:s30+$0xFFFFFF70]  }
0x1ea: {  	v49 =	vld [tilespmem:s30+$0xFFFFFF10]  }
0x1eb: {  	v41 =	vld [tilespmem:s30+$0xFFFFFF20]  }
0x1ec: {  	v40 =	vld [tilespmem:s30+$0xFFFFFF30]  }
0x1ed: {  	v50 =	vld [tilespmem:s30+$0xFFFFFED0]  }
0x1ee: {  	v36 =	vld [tilespmem:s30+$0xFFFFFEE0]  }
0x1ef: {  	v42 =	vld [tilespmem:s30+$0xFFFFFEF0]  }
0x1f0: {  	v51 =	vld [tilespmem:s30+$0xFFFFFE90]  }
0x1f1: {  	v52 =	vld [tilespmem:s30+$0xFFFFFE10]  }
0x1f2: {  	v53 =	vld [tilespmem:s30+$0xFFFFFE50]  }
0x1f3: {  	v54 =	vld [tilespmem:s30+$0xFFFFFEA0]  }
0x1f4: {  	v55 =	vld [tilespmem:s30+$0xFFFFFEB0]  }
0x1f5: {  	v56 =	vld [tilespmem:s30+$0xFFFFFE60]  }
0x1f6: {  	v43 =	vmax.f32 v43, v52;
	v52 =	vld [tilespmem:s30+$0xFFFFFE70]  }
0x1f7: {  	v57 =	vld [tilespmem:s30+$0xFFFFFE20];
	v43 =	vmax.f32 v43, v53  }
0x1f8: {  	v53 =	vld [tilespmem:s30+$0xFFFFFE30];
	v43 =	vmax.f32 v43, v51  }
0x1f9: {  	s29 =	sadd.s32 $0x8, s29;
	v51 =	vld [tilespmem:s30+$0xFFFFFE40];
	v43 =	vmax.f32 v43, v50  }
0x1fa: {  	p0 =	slt.u32 s29, $0xC0;
	v50 =	vld [tilespmem:s30+$0xFFFFFE80];
	v43 =	vmax.f32 v43, v49  }
0x1fb: {  	v49 =	vld [tilespmem:s30+$0xFFFFFEC0];
	v43 =	vmax.f32 v43, v48  }
.Ltmp5:
0x1fc: {  	v48 =	vld [tilespmem:s30+$0xFFFFFF00];
	v43 =	vmax.f32 v43, v44;
	(pc) =	sbr.rel @p0 .LBB2_13-.Ltmp5, $4  }
0x1fd: {  	v44 =	vld [tilespmem:s30+$0xFFFFFF40];
	v43 =	vmax.f32 v43, v37  }
0x1fe: {  	v37 =	vmax.f32 v45, v57;
	v46 =	vmax.f32 v46, v53;
	v47 =	vmax.f32 v47, v51;
	v45 =	vld [tilespmem:s30+$0xFFFFFF80]  }
0x1ff: {  	v37 =	vmax.f32 v37, v56;
	v52 =	vmax.f32 v46, v52;
	v47 =	vmax.f32 v47, v50;
	v46 =	vld [tilespmem:s30+$0xFFFFFFC0]  }
0x200: {  	v51 =	vmax.f32 v37, v54;
	v50 =	vmax.f32 v52, v55;
	v49 =	vmax.f32 v47, v49;
	v47 =	vld [tilespmem:s30+$0x0];
	s30 =	sadd.s32 $0x200, s30  }
0x201: {  	_ =	swait.ge [sflag:s23], $0x1900  }
0x202: {  	[sflag:s23] =	ssyncset.done $0x0  }
0x203: {  	[sflag:s23] =	ssyncadd.s32 $0xFFFFE700  }
0x204: {  	_ =	swait.ge [sflag:s23], $0x1900  }
0x205: {  	[sflag:s23] =	ssyncset.done $0x0  }
0x206: {  	s30 =	simm.s32 $0xCC00;
	[sflag:s23] =	ssyncadd.s32 $0xFFFFE700  }
0x207: {  	v53 =	vld [tilespmem:s30+$0x1C0]  }
0x208: {  	v37 =	vld [tilespmem:s30+$0x1D0]  }
0x209: {  	v51 =	vmax.f32 v51, v36;
	v36 =	vld [tilespmem:s30+$0x1E0]  }
0x20a: {  	v41 =	vmax.f32 v51, v41;
	v51 =	vld [tilespmem:s30+$0x180]  }
0x20b: {  	v42 =	vmax.f32 v50, v42;
	v41 =	vmax.f32 v41, v38;
	v38 =	vld [tilespmem:s30+$0x190]  }
0x20c: {  	v42 =	vmax.f32 v42, v40;
	v34 =	vmax.f32 v41, v34;
	v40 =	vld [tilespmem:s30+$0x1A0]  }
0x20d: {  	v48 =	vmax.f32 v49, v48;
	v33 =	vmax.f32 v34, v33;
	v34 =	vld [tilespmem:s30+$0x140]  }
0x20e: {  	v54 =	vmul.f32 v43, v24;
	v56 =	vmul.f32 v43, v26;
	v39 =	vmax.f32 v42, v39;
	v42 =	vld [tilespmem:s30+$0x150]  }
0x20f: {  	v52 =	vmax.f32 v48, v44;
	v35 =	vmax.f32 v39, v35;
	v55 =	vmul.f32 v33, v25;
	v44 =	vld [tilespmem:s30+$0x160]  }
0x210: {  	v41 =	vmax.f32 v52, v45;
	v32 =	vmax.f32 v35, v32;
	v33 =	vmul.f32 v33, v27;
	v48 =	vld [tilespmem:s30+$0x100]  }
0x211: {  	v41 =	vmax.f32 v41, v46;
	v57 =	vmul.f32 v32, v22;
	v45 =	vld [tilespmem:s30+$0x110];
	v39 =	vadd.f32 v55, v54  }
0x212: {  	v32 =	vmul.f32 v32, v23;
	v58 =	vmax.f32 v41, v47;
	v43 =	vld [tilespmem:s30+$0x120];
	v33 =	vadd.f32 v33, v56  }
0x213: {  	v59 =	vmul.f32 v58, v20;
	v35 =	vld [tilespmem:s30+$0xC0];
	v39 =	vadd.f32 v57, v39  }
0x214: {  	v60 =	vmul.f32 v58, v21;
	v41 =	vld [tilespmem:s30+$0xD0];
	v32 =	vadd.f32 v32, v33  }
0x215: {  	v46 =	vld [tilespmem:s30+$0xE0];
	v39 =	vadd.f32 v59, v39  }
0x216: {  	v63 =	vld [tilespmem:s30+$0x0];
	v32 =	vadd.f32 v60, v32  }
0x217: {  	v52 =	vld [tilespmem:s30+$0x40];
	v61 =	vperm.xlane v39, v0  }
0x218: {  	v58 =	vld [tilespmem:s30+$0x60];
	v62 =	vperm.xlane v32, v0  }
0x219: {  	v33 =	vld [tilespmem:s30+$0x80];
	v39 =	vadd.f32 v61, v39  }
0x21a: {  	v54 =	vld [tilespmem:s30+$0x90];
	v32 =	vadd.f32 v62, v32  }
0x21b: {  	v56 =	vld [tilespmem:s30+$0xA0];
	v55 =	vimm.f32 $-Inf;
	v47 =	vperm.xlane v39, v1  }
0x21c: {  	v50 =	vmax.f32 v55, v63;
	v59 =	vld [tilespmem:s30+$0x30];
	v49 =	vperm.xlane v32, v1  }
0x21d: {  	v60 =	vmax.f32 v50, v52;
	v50 =	vld [tilespmem:s30+$0x20];
	v39 =	vadd.f32 v47, v39  }
0x21e: {  	v33 =	vmax.f32 v60, v33;
	v60 =	vld [tilespmem:s30+$0x70];
	v32 =	vadd.f32 v49, v32  }
0x21f: {  	v49 =	vld [tilespmem:s30+$0x10];
	v47 =	vperm.xlane v39, v2  }
0x220: {  	v57 =	vld [tilespmem:s30+$0x50];
	v33 =	vmax.f32 v33, v35;
	v52 =	vperm.xlane v32, v2  }
0x221: {  	v35 =	vmax.f32 v33, v48;
	v33 =	vadd.f32 v47, v39;
	v39 =	vld [tilespmem:s30+$0xB0]  }
0x222: {  	v34 =	vmax.f32 v35, v34;
	v50 =	vmax.f32 v55, v50;
	v32 =	vadd.f32 v52, v32;
	v52 =	vld [tilespmem:s30+$0xF0]  }
0x223: {  	v62 =	vmax.f32 v55, v59;
	v61 =	vmax.f32 v34, v51;
	v51 =	vld [tilespmem:s30+$0x130];
	v50 =	vmax.f32 v50, v58  }
0x224: {  	v48 =	vld [tilespmem:s30+$0x170];
	v47 =	vmax.f32 v61, v53;
	v53 =	vmax.f32 v62, v60;
	v49 =	vmax.f32 v55, v49  }
0x225: {  	v35 =	vperm.xlane v33, v3;
	v34 =	vperm.xlane v32, v3;
	v63 =	vmax.f32 v49, v57;
	v49 =	vld [tilespmem:s30+$0x1B0]  }
0x226: {  	s29 =	simm.s32 $0x0;
	v55 =	vmax.f32 v63, v54;
	v54 =	vmax.f32 v50, v56;
	v50 =	vld [tilespmem:s30+$0x1F0];
	s30 =	simm.s32 $0xCE00;
	v53 =	vmax.f32 v53, v39  }
.LBB2_15:
0x227: {  	v39 =	vld [tilespmem:s30+$0x1C0];
	v41 =	vmax.f32 v55, v41;
	v46 =	vmax.f32 v54, v46;
	v52 =	vmax.f32 v53, v52  }
0x228: {  	v53 =	vld [tilespmem:s30+$0x1D0];
	v41 =	vmax.f32 v41, v45;
	v43 =	vmax.f32 v46, v43;
	v45 =	vmax.f32 v52, v51  }
0x229: {  	v46 =	vld [tilespmem:s30+$0x1E0];
	v41 =	vmax.f32 v41, v42;
	v42 =	vmax.f32 v43, v44;
	v43 =	vmax.f32 v45, v48  }
0x22a: {  	v48 =	vld [tilespmem:s30+$0x180];
	v41 =	vmax.f32 v41, v38;
	v40 =	vmax.f32 v42, v40;
	v42 =	vmax.f32 v43, v49  }
0x22b: {  	v38 =	vld [tilespmem:s30+$0x190];
	v49 =	vmax.f32 v41, v37;
	v54 =	vmax.f32 v40, v36;
	v50 =	vmax.f32 v42, v50  }
0x22c: {  	v40 =	vld [tilespmem:s30+$0x1A0]  }
0x22d: {  	v51 =	vld [tilespmem:s30+$0x140];
	v37 =	vmov v53  }
0x22e: {  	v42 =	vld [tilespmem:s30+$0x150];
	v36 =	vmov v46  }
0x22f: {  	v44 =	vld [tilespmem:s30+$0x160]  }
0x230: {  	v52 =	vld [tilespmem:s30+$0x100]  }
0x231: {  	v45 =	vld [tilespmem:s30+$0x110]  }
0x232: {  	v43 =	vld [tilespmem:s30+$0x120]  }
0x233: {  	v53 =	vld [tilespmem:s30+$0xC0]  }
0x234: {  	v41 =	vld [tilespmem:s30+$0xD0]  }
0x235: {  	v46 =	vld [tilespmem:s30+$0xE0]  }
0x236: {  	v55 =	vld [tilespmem:s30+$0x80]  }
0x237: {  	v56 =	vld [tilespmem:s30+$0x0]  }
0x238: {  	v57 =	vld [tilespmem:s30+$0x40]  }
0x239: {  	v58 =	vld [tilespmem:s30+$0x90]  }
0x23a: {  	v59 =	vld [tilespmem:s30+$0xA0]  }
0x23b: {  	v60 =	vld [tilespmem:s30+$0x50]  }
0x23c: {  	v47 =	vmax.f32 v47, v56;
	v56 =	vld [tilespmem:s30+$0x60]  }
0x23d: {  	v61 =	vld [tilespmem:s30+$0x10];
	v47 =	vmax.f32 v47, v57  }
0x23e: {  	v57 =	vld [tilespmem:s30+$0x20];
	v47 =	vmax.f32 v47, v55  }
0x23f: {  	s29 =	sadd.s32 $0x8, s29;
	v55 =	vld [tilespmem:s30+$0x30];
	v47 =	vmax.f32 v47, v53  }
0x240: {  	p0 =	slt.u32 s29, $0xC0;
	v53 =	vld [tilespmem:s30+$0x70];
	v47 =	vmax.f32 v47, v52  }
0x241: {  	v62 =	vld [tilespmem:s30+$0xB0];
	v47 =	vmax.f32 v47, v51  }
.Ltmp6:
0x242: {  	v52 =	vld [tilespmem:s30+$0xF0];
	v47 =	vmax.f32 v47, v48;
	(pc) =	sbr.rel @p0 .LBB2_15-.Ltmp6, $4  }
0x243: {  	v51 =	vld [tilespmem:s30+$0x130];
	v47 =	vmax.f32 v47, v39  }
0x244: {  	v39 =	vmax.f32 v49, v61;
	v49 =	vmax.f32 v54, v57;
	v50 =	vmax.f32 v50, v55;
	v48 =	vld [tilespmem:s30+$0x170]  }
0x245: {  	v39 =	vmax.f32 v39, v60;
	v54 =	vmax.f32 v49, v56;
	v50 =	vmax.f32 v50, v53;
	v49 =	vld [tilespmem:s30+$0x1B0]  }
0x246: {  	v55 =	vmax.f32 v39, v58;
	v54 =	vmax.f32 v54, v59;
	v53 =	vmax.f32 v50, v62;
	v50 =	vld [tilespmem:s30+$0x1F0];
	s30 =	sadd.s32 $0x200, s30  }
0x247: {  	_ =	swait.ge [sflag:s24], $0x1900  }
0x248: {  	[sflag:s24] =	ssyncset.done $0x0  }
0x249: {  	[sflag:s24] =	ssyncadd.s32 $0xFFFFE700  }
0x24a: {  	_ =	swait.ge [sflag:s24], $0x1900  }
0x24b: {  	[sflag:s24] =	ssyncset.done $0x0  }
0x24c: {  	s30 =	simm.s32 $0xFE00;
	[sflag:s24] =	ssyncadd.s32 $0xFFFFE700  }
0x24d: {  	v56 =	vld [tilespmem:s30+$0x1C0]  }
0x24e: {  	v39 =	vld [tilespmem:s30+$0x1D0]  }
0x24f: {  	v55 =	vmax.f32 v55, v41;
	v41 =	vld [tilespmem:s30+$0x1E0]  }
0x250: {  	v45 =	vmax.f32 v55, v45;
	v55 =	vld [tilespmem:s30+$0x180]  }
0x251: {  	v46 =	vmax.f32 v54, v46;
	v45 =	vmax.f32 v45, v42;
	v42 =	vld [tilespmem:s30+$0x190]  }
0x252: {  	v52 =	vmax.f32 v53, v52;
	v46 =	vmax.f32 v46, v43;
	v38 =	vmax.f32 v45, v38;
	v43 =	vld [tilespmem:s30+$0x1A0]  }
0x253: {  	v51 =	vmax.f32 v52, v51;
	v44 =	vmax.f32 v46, v44;
	v37 =	vmax.f32 v38, v37;
	v38 =	vld [tilespmem:s30+$0x140]  }
0x254: {  	v62 =	vmax.f32 v51, v48;
	v40 =	vmax.f32 v44, v40;
	v44 =	vld [tilespmem:s30+$0x150]  }
0x255: {  	v59 =	vmul.f32 v47, v24;
	v61 =	vmul.f32 v47, v26;
	v47 =	vmax.f32 v62, v49;
	v45 =	vld [tilespmem:s30+$0x160]  }
0x256: {  	v36 =	vmax.f32 v40, v36;
	v60 =	vmul.f32 v37, v25;
	v37 =	vmul.f32 v37, v27;
	v52 =	vld [tilespmem:s30+$0x100]  }
0x257: {  	v58 =	vmax.f32 v47, v50;
	v57 =	vmul.f32 v36, v22;
	v46 =	vld [tilespmem:s30+$0x110]  }
0x258: {  	v36 =	vmul.f32 v36, v23;
	v47 =	vld [tilespmem:s30+$0x120];
	v63 =	vadd.f32 v60, v59;
	v37 =	vadd.f32 v37, v61  }
0x259: {  	v50 =	vmul.f32 v58, v20;
	v40 =	vld [tilespmem:s30+$0xC0]  }
0x25a: {  	v48 =	vld [tilespmem:s30+$0xD0];
	v60 =	vmul.f32 v58, v21;
	v59 =	vadd.f32 v57, v63;
	v36 =	vadd.f32 v36, v37  }
0x25b: {  	v49 =	vld [tilespmem:s30+$0xE0]  }
0x25c: {  	v54 =	vld [tilespmem:s30+$0x0];
	v50 =	vadd.f32 v50, v59;
	v36 =	vadd.f32 v60, v36  }
0x25d: {  	v57 =	vld [tilespmem:s30+$0x40]  }
0x25e: {  	v6 =	vld [tilespmem:s30+$0x70];
	v61 =	vperm.xlane v50, v0;
	v62 =	vperm.xlane v36, v0  }
0x25f: {  	v37 =	vld [tilespmem:s30+$0x80]  }
0x260: {  	v7 =	vld [tilespmem:s30+$0xB0];
	v60 =	vimm.f32 $-Inf;
	v50 =	vadd.f32 v61, v50;
	v36 =	vadd.f32 v62, v36  }
0x261: {  	v58 =	vld [tilespmem:s30+$0x90];
	v54 =	vmax.f32 v60, v54  }
0x262: {  	v63 =	vmax.f32 v54, v57;
	v54 =	vld [tilespmem:s30+$0x20];
	v51 =	vperm.xlane v50, v1;
	v53 =	vperm.xlane v36, v1  }
0x263: {  	v62 =	vld [tilespmem:s30+$0x60]  }
0x264: {  	v37 =	vmax.f32 v63, v37;
	v50 =	vadd.f32 v51, v50;
	v36 =	vadd.f32 v53, v36;
	v53 =	vld [tilespmem:s30+$0x10]  }
0x265: {  	v63 =	vld [tilespmem:s30+$0x30];
	v37 =	vmax.f32 v37, v40  }
0x266: {  	v61 =	vld [tilespmem:s30+$0x50];
	v40 =	vmax.f32 v37, v52;
	v51 =	vperm.xlane v50, v2;
	v57 =	vperm.xlane v36, v2  }
0x267: {  	v59 =	vld [tilespmem:s30+$0xA0];
	v38 =	vmax.f32 v40, v38  }
0x268: {  	v52 =	vld [tilespmem:s30+$0xF0];
	v37 =	vadd.f32 v51, v50;
	v36 =	vadd.f32 v57, v36;
	v57 =	vmax.f32 v38, v55  }
0x269: {  	v54 =	vmax.f32 v60, v54;
	v51 =	vld [tilespmem:s30+$0x130];
	v50 =	vmax.f32 v57, v56;
	v55 =	vmax.f32 v60, v53  }
0x26a: {  	v60 =	vmax.f32 v60, v63;
	v53 =	vld [tilespmem:s30+$0x170];
	v63 =	vmax.f32 v54, v62;
	v40 =	vperm.xlane v37, v3  }
0x26b: {  	v54 =	vld [tilespmem:s30+$0x1B0];
	v38 =	vperm.xlane v36, v3;
	v55 =	vmax.f32 v55, v61;
	v6 =	vmax.f32 v60, v6  }
0x26c: {  	s29 =	simm.s32 $0x0;
	v57 =	vmax.f32 v63, v59;
	v56 =	vmax.f32 v55, v58;
	v58 =	vmax.f32 v6, v7;
	v55 =	vld [tilespmem:s30+$0x1F0];
	s30 =	simm.s32 $0x10000  }
.LBB2_17:
0x26d: {  	v6 =	vld [tilespmem:s30+$0x1C0];
	v7 =	vmax.f32 v56, v48;
	v48 =	vmax.f32 v57, v49;
	v49 =	vmax.f32 v58, v52  }
0x26e: {  	v52 =	vld [tilespmem:s30+$0x1D0];
	v7 =	vmax.f32 v7, v46;
	v46 =	vmax.f32 v48, v47;
	v47 =	vmax.f32 v49, v51  }
0x26f: {  	v48 =	vld [tilespmem:s30+$0x1E0];
	v7 =	vmax.f32 v7, v44;
	v44 =	vmax.f32 v46, v45;
	v45 =	vmax.f32 v47, v53  }
0x270: {  	v51 =	vld [tilespmem:s30+$0x180];
	v7 =	vmax.f32 v7, v42;
	v43 =	vmax.f32 v44, v43;
	v44 =	vmax.f32 v45, v54  }
0x271: {  	v42 =	vld [tilespmem:s30+$0x190];
	v7 =	vmax.f32 v7, v39;
	v53 =	vmax.f32 v43, v41;
	v54 =	vmax.f32 v44, v55  }
0x272: {  	v43 =	vld [tilespmem:s30+$0x1A0]  }
0x273: {  	v55 =	vld [tilespmem:s30+$0x140];
	v39 =	vmov v52  }
0x274: {  	v44 =	vld [tilespmem:s30+$0x150];
	v41 =	vmov v48  }
0x275: {  	v45 =	vld [tilespmem:s30+$0x160]  }
0x276: {  	v52 =	vld [tilespmem:s30+$0x100]  }
0x277: {  	v46 =	vld [tilespmem:s30+$0x110]  }
0x278: {  	v47 =	vld [tilespmem:s30+$0x120]  }
0x279: {  	v56 =	vld [tilespmem:s30+$0xC0]  }
0x27a: {  	v48 =	vld [tilespmem:s30+$0xD0]  }
0x27b: {  	v49 =	vld [tilespmem:s30+$0xE0]  }
0x27c: {  	v57 =	vld [tilespmem:s30+$0x80]  }
0x27d: {  	v58 =	vld [tilespmem:s30+$0x0]  }
0x27e: {  	v59 =	vld [tilespmem:s30+$0x40]  }
0x27f: {  	v60 =	vld [tilespmem:s30+$0x90]  }
0x280: {  	v61 =	vld [tilespmem:s30+$0xA0]  }
0x281: {  	v62 =	vld [tilespmem:s30+$0x50]  }
0x282: {  	v50 =	vmax.f32 v50, v58;
	v58 =	vld [tilespmem:s30+$0x60]  }
0x283: {  	v63 =	vld [tilespmem:s30+$0x10];
	v50 =	vmax.f32 v50, v59  }
0x284: {  	v59 =	vld [tilespmem:s30+$0x20];
	v50 =	vmax.f32 v50, v57  }
0x285: {  	s29 =	sadd.s32 $0x8, s29;
	v57 =	vld [tilespmem:s30+$0x30];
	v50 =	vmax.f32 v50, v56  }
0x286: {  	p0 =	slt.u32 s29, $0xC0;
	v56 =	vld [tilespmem:s30+$0x70];
	v50 =	vmax.f32 v50, v52  }
0x287: {  	v10 =	vld [tilespmem:s30+$0xB0];
	v50 =	vmax.f32 v50, v55  }
.Ltmp7:
0x288: {  	v52 =	vld [tilespmem:s30+$0xF0];
	v50 =	vmax.f32 v50, v51;
	(pc) =	sbr.rel @p0 .LBB2_17-.Ltmp7, $4  }
0x289: {  	v51 =	vld [tilespmem:s30+$0x130];
	v50 =	vmax.f32 v50, v6  }
0x28a: {  	v6 =	vmax.f32 v7, v63;
	v7 =	vmax.f32 v53, v59;
	v54 =	vmax.f32 v54, v57;
	v53 =	vld [tilespmem:s30+$0x170]  }
0x28b: {  	v6 =	vmax.f32 v6, v62;
	v7 =	vmax.f32 v7, v58;
	v55 =	vmax.f32 v54, v56;
	v54 =	vld [tilespmem:s30+$0x1B0]  }
0x28c: {  	v56 =	vmax.f32 v6, v60;
	v57 =	vmax.f32 v7, v61;
	v58 =	vmax.f32 v55, v10;
	v55 =	vld [tilespmem:s30+$0x1F0];
	s30 =	sadd.s32 $0x200, s30  }
0x28d: {  	v6 =	vmax.f32 v56, v48  }
0x28e: {  	v7 =	vmax.f32 v57, v49;
	v6 =	vmax.f32 v6, v46  }
0x28f: {  	v7 =	vmax.f32 v7, v47;
	v6 =	vmax.f32 v6, v44  }
0x290: {  	v7 =	vmax.f32 v7, v45;
	v6 =	vmax.f32 v6, v42;
	v42 =	vld [tilespmem:$0x1FFE0]  }
0x291: {  	v10 =	vmax.f32 v58, v52;
	v7 =	vmax.f32 v7, v43;
	v43 =	vld [tilespmem:$0x1FFF0]  }
0x292: {  	v10 =	vmax.f32 v10, v51;
	v6 =	vmax.f32 v6, v39  }
0x293: {  	v24 =	vmul.f32 v50, v24;
	v10 =	vmax.f32 v10, v53;
	v25 =	vmul.f32 v6, v25  }
0x294: {  	v26 =	vmul.f32 v50, v26;
	vm0 =	vmmov $0x1;
	v10 =	vmax.f32 v10, v54  }
0x295: {  	v7 =	vmax.f32 v7, v41;
	v6 =	vmul.f32 v6, v27;
	v24 =	vadd.f32 v25, v24  }
0x296: {  	v22 =	vmul.f32 v7, v22;
	v5 =	vadd.f32 v5, v42;
	v4 =	vadd.f32 v4, v43  }
0x297: {  	v10 =	vmax.f32 v10, v55;
	v7 =	vmul.f32 v7, v23;
	v6 =	vadd.f32 v6, v26  }
0x298: {  	v20 =	vmul.f32 v10, v20;
	v4 =	vsel vm0, v5, v4;
	v5 =	vadd.f32 v22, v24  }
0x299: {  	v9 =	vadd.f32 v9, v11;
	v44 =	vmul.f32 v10, v21;
	v6 =	vadd.f32 v7, v6  }
0x29a: {  	vm14 =	vmmov $0x3;
	vm15 =	vmmov $0x7;
	v45 =	vld [tilespmem:$0x1FFD0];
	v5 =	vadd.f32 v20, v5  }
0x29b: {  	vm4 =	vmmov $0xf;
	v48 =	vadd.f32 v12, v14;
	v6 =	vadd.f32 v44, v6  }
0x29c: {  	vm5 =	vmmov $0x1f;
	v50 =	vadd.f32 v17, v19;
	v47 =	vperm.xlane v5, v0  }
0x29d: {  	vm6 =	vmmov $0x3f;
	vm7 =	vmmov $0x7f;
	v49 =	vperm.xlane v6, v0  }
0x29e: {  	vm8 =	vmmov $0xff;
	v57 =	vadd.f32 v35, v33;
	v5 =	vadd.f32 v47, v5  }
0x29f: {  	vm9 =	vmmov $0x1ff;
	v8 =	vadd.f32 v8, v45;
	v6 =	vadd.f32 v49, v6  }
0x2a0: {  	v46 =	vadd.f32 v13, v15;
	v4 =	vsel vm14, v4, v9;
	v52 =	vperm.xlane v5, v1  }
0x2a1: {  	vm10 =	vmmov $0x3ff;
	v4 =	vsel vm15, v4, v8;
	v53 =	vperm.xlane v6, v1  }
0x2a2: {  	v59 =	vadd.f32 v34, v32;
	v4 =	vsel vm4, v4, v46;
	v5 =	vadd.f32 v52, v5  }
0x2a3: {  	v51 =	vadd.f32 v16, v18;
	v4 =	vsel vm5, v4, v48;
	v6 =	vadd.f32 v53, v6  }
0x2a4: {  	v54 =	vadd.f32 v29, v31;
	v4 =	vsel vm6, v4, v50;
	v56 =	vperm.xlane v5, v2  }
0x2a5: {  	v55 =	vadd.f32 v28, v30;
	v4 =	vsel vm7, v4, v51;
	v58 =	vperm.xlane v6, v2  }
0x2a6: {  	vm11 =	vmmov $0x7ff;
	v4 =	vsel vm8, v4, v54;
	v5 =	vadd.f32 v56, v5  }
0x2a7: {  	v60 =	vadd.f32 v40, v37;
	v4 =	vsel vm9, v4, v55;
	v6 =	vadd.f32 v58, v6  }
0x2a8: {  	vm12 =	vmmov $0xfff;
	s29 =	sshll.u32 s28, $0x4;
	s28 =	sadd.s32 $0x1, s28;
	v4 =	vsel vm10, v4, v57;
	v61 =	vperm.xlane v5, v3  }
0x2a9: {  	v62 =	vadd.f32 v38, v36;
	p0 =	sne.s32 s28, $0x10;
	v4 =	vsel vm11, v4, v59;
	v63 =	vperm.xlane v6, v3  }
.Ltmp8:
0x2aa: {  	vm13 =	vmmov $0x1fff;
	v4 =	vsel vm12, v4, v60;
	v5 =	vadd.f32 v61, v5;
	(pc) =	sbr.rel @p0 .LBB2_2-.Ltmp8, $4  }
0x2ab: {  	vm14 =	vmmov $0x3fff;
	v4 =	vsel vm13, v4, v62;
	v6 =	vadd.f32 v63, v6  }
0x2ac: {  	vm15 =	vmmov $0x7fff;
	v4 =	vsel vm14, v4, v5  }
0x2ad: {  	s29 =	sand.u32 $0x3FFFFFF0, s29;
	v4 =	vsel vm15, v4, v6  }
0x2ae: {  	[tilespmem:s29+$0x13180] =	vst v4  }
0x2af: {  	v4 =	vld [tilespmem:$0x13180]  }
0x2b0: {  	v5 =	vld [tilespmem:$0x13080];
	_ =	sdelay $0x4  }
0x2b1: {  	v4 =	vadd.f32 v5, v4;
	_ =	sdelay $0x1  }
0x2b2: {  	v4 =	vsub.f32 $0.0e+00, v4;
	_ =	sdelay $0x1  }
0x2b3: {  	v4 =	vmul.f32 $1.442695020e+00, v4;
	_ =	sdelay $0x1  }
0x2b4: {  	(erf) = vpow2.f32 v4  }
0x2b5: {  	v5 =	vld [tilespmem:$0x13090]  }
0x2b6: {  	v4 =	vld [tilespmem:$0x13190];
	_ =	sdelay $0x4  }
0x2b7: {  	v4 =	vadd.f32 v5, v4;
	_ =	sdelay $0x1  }
0x2b8: {  	v4 =	vsub.f32 $0.0e+00, v4;
	v5 =	vpop (erf)  }
0x2b9: {  	v5 =	vadd.f32 $1.000000000e+00, v5  }
0x2ba: {  	v4 =	vmul.f32 $1.442695020e+00, v4  }
0x2bb: {  	(erf) = vrcp.f32 v5  }
0x2bc: {  	(erf) = vpow2.f32 v4  }
0x2bd: {  	v5 =	vld [tilespmem:$0x130A0]  }
0x2be: {  	v4 =	vld [tilespmem:$0x131A0];
	_ =	sdelay $0x4  }
0x2bf: {  	v5 =	vadd.f32 v5, v4  }
0x2c0: {  	v4 =	vpop (erf)  }
0x2c1: {  	v5 =	vsub.f32 $0.0e+00, v5;
	v6 =	vpop (erf)  }
0x2c2: {  	v6 =	vadd.f32 $1.000000000e+00, v6  }
0x2c3: {  	v5 =	vmul.f32 $1.442695020e+00, v5  }
0x2c4: {  	(erf) = vrcp.f32 v6  }
0x2c5: {  	(erf) = vpow2.f32 v5  }
0x2c6: {  	v27 =	vld [tilespmem:$0x130B0]  }
0x2c7: {  	v5 =	vld [tilespmem:$0x131B0];
	_ =	sdelay $0x4  }
0x2c8: {  	v6 =	vadd.f32 v27, v5  }
0x2c9: {  	v5 =	vpop (erf)  }
0x2ca: {  	v6 =	vsub.f32 $0.0e+00, v6;
	v7 =	vpop (erf)  }
0x2cb: {  	v7 =	vadd.f32 $1.000000000e+00, v7  }
0x2cc: {  	v6 =	vmul.f32 $1.442695020e+00, v6  }
0x2cd: {  	(erf) = vrcp.f32 v7  }
0x2ce: {  	(erf) = vpow2.f32 v6  }
0x2cf: {  	v28 =	vld [tilespmem:$0x131C0]  }
0x2d0: {  	v29 =	vld [tilespmem:$0x130C0];
	_ =	sdelay $0x4  }
0x2d1: {  	v6 =	vadd.f32 v29, v28  }
0x2d2: {  	v30 =	vpop (erf)  }
0x2d3: {  	v6 =	vsub.f32 $0.0e+00, v6;
	v8 =	vpop (erf)  }
0x2d4: {  	v8 =	vadd.f32 $1.000000000e+00, v8  }
0x2d5: {  	v6 =	vmul.f32 $1.442695020e+00, v6  }
0x2d6: {  	(erf) = vrcp.f32 v8  }
0x2d7: {  	(erf) = vpow2.f32 v6  }
0x2d8: {  	v31 =	vld [tilespmem:$0x131D0]  }
0x2d9: {  	v32 =	vld [tilespmem:$0x130D0];
	_ =	sdelay $0x4  }
0x2da: {  	v6 =	vadd.f32 v32, v31  }
0x2db: {  	v33 =	vpop (erf)  }
0x2dc: {  	v6 =	vsub.f32 $0.0e+00, v6;
	v9 =	vpop (erf)  }
0x2dd: {  	v9 =	vadd.f32 $1.000000000e+00, v9  }
0x2de: {  	v6 =	vmul.f32 $1.442695020e+00, v6  }
0x2df: {  	(erf) = vrcp.f32 v9  }
0x2e0: {  	(erf) = vpow2.f32 v6  }
0x2e1: {  	v34 =	vld [tilespmem:$0x131E0]  }
0x2e2: {  	v35 =	vld [tilespmem:$0x130E0];
	_ =	sdelay $0x4  }
0x2e3: {  	v6 =	vadd.f32 v35, v34  }
0x2e4: {  	v36 =	vpop (erf)  }
0x2e5: {  	v6 =	vsub.f32 $0.0e+00, v6;
	v10 =	vpop (erf)  }
0x2e6: {  	v10 =	vadd.f32 $1.000000000e+00, v10  }
0x2e7: {  	v6 =	vmul.f32 $1.442695020e+00, v6  }
0x2e8: {  	(erf) = vrcp.f32 v10  }
0x2e9: {  	(erf) = vpow2.f32 v6  }
0x2ea: {  	v37 =	vld [tilespmem:$0x131F0]  }
0x2eb: {  	v38 =	vld [tilespmem:$0x130F0];
	_ =	sdelay $0x4  }
0x2ec: {  	v6 =	vadd.f32 v38, v37  }
0x2ed: {  	v39 =	vpop (erf)  }
0x2ee: {  	v6 =	vsub.f32 $0.0e+00, v6;
	v11 =	vpop (erf)  }
0x2ef: {  	v11 =	vadd.f32 $1.000000000e+00, v11  }
0x2f0: {  	v6 =	vmul.f32 $1.442695020e+00, v6  }
0x2f1: {  	(erf) = vrcp.f32 v11  }
0x2f2: {  	(erf) = vpow2.f32 v6  }
0x2f3: {  	v40 =	vld [tilespmem:$0x13200]  }
0x2f4: {  	v41 =	vld [tilespmem:$0x13100];
	_ =	sdelay $0x4  }
0x2f5: {  	v6 =	vadd.f32 v41, v40  }
0x2f6: {  	v42 =	vpop (erf)  }
0x2f7: {  	v6 =	vsub.f32 $0.0e+00, v6;
	v12 =	vpop (erf)  }
0x2f8: {  	v12 =	vadd.f32 $1.000000000e+00, v12  }
0x2f9: {  	v6 =	vmul.f32 $1.442695020e+00, v6  }
0x2fa: {  	(erf) = vrcp.f32 v12  }
0x2fb: {  	(erf) = vpow2.f32 v6  }
0x2fc: {  	v43 =	vld [tilespmem:$0x13210]  }
0x2fd: {  	v44 =	vld [tilespmem:$0x13110];
	_ =	sdelay $0x4  }
0x2fe: {  	v6 =	vadd.f32 v44, v43  }
0x2ff: {  	v45 =	vpop (erf)  }
0x300: {  	v6 =	vsub.f32 $0.0e+00, v6;
	v13 =	vpop (erf)  }
0x301: {  	v13 =	vadd.f32 $1.000000000e+00, v13  }
0x302: {  	v6 =	vmul.f32 $1.442695020e+00, v6  }
0x303: {  	(erf) = vrcp.f32 v13  }
0x304: {  	(erf) = vpow2.f32 v6  }
0x305: {  	v46 =	vld [tilespmem:$0x13220]  }
0x306: {  	v47 =	vld [tilespmem:$0x13120];
	_ =	sdelay $0x4  }
0x307: {  	v6 =	vadd.f32 v47, v46  }
0x308: {  	v48 =	vpop (erf)  }
0x309: {  	v6 =	vsub.f32 $0.0e+00, v6;
	v14 =	vpop (erf)  }
0x30a: {  	v14 =	vadd.f32 $1.000000000e+00, v14  }
0x30b: {  	v6 =	vmul.f32 $1.442695020e+00, v6  }
0x30c: {  	(erf) = vrcp.f32 v14  }
0x30d: {  	(erf) = vpow2.f32 v6  }
0x30e: {  	v49 =	vld [tilespmem:$0x13230]  }
0x30f: {  	v50 =	vld [tilespmem:$0x13130];
	_ =	sdelay $0x4  }
0x310: {  	v6 =	vadd.f32 v50, v49  }
0x311: {  	v51 =	vpop (erf)  }
0x312: {  	v6 =	vsub.f32 $0.0e+00, v6;
	v15 =	vpop (erf)  }
0x313: {  	v15 =	vadd.f32 $1.000000000e+00, v15  }
0x314: {  	v6 =	vmul.f32 $1.442695020e+00, v6  }
0x315: {  	(erf) = vrcp.f32 v15  }
0x316: {  	(erf) = vpow2.f32 v6  }
0x317: {  	v52 =	vld [tilespmem:$0x13240]  }
0x318: {  	v53 =	vld [tilespmem:$0x13140];
	_ =	sdelay $0x4  }
0x319: {  	v6 =	vadd.f32 v53, v52  }
0x31a: {  	v54 =	vpop (erf)  }
0x31b: {  	v6 =	vsub.f32 $0.0e+00, v6;
	v16 =	vpop (erf)  }
0x31c: {  	v16 =	vadd.f32 $1.000000000e+00, v16  }
0x31d: {  	v6 =	vmul.f32 $1.442695020e+00, v6  }
0x31e: {  	(erf) = vrcp.f32 v16  }
0x31f: {  	(erf) = vpow2.f32 v6  }
0x320: {  	v55 =	vld [tilespmem:$0x13250]  }
0x321: {  	v56 =	vld [tilespmem:$0x13150];
	_ =	sdelay $0x4  }
0x322: {  	v6 =	vadd.f32 v56, v55  }
0x323: {  	v57 =	vpop (erf)  }
0x324: {  	v6 =	vsub.f32 $0.0e+00, v6;
	v17 =	vpop (erf)  }
0x325: {  	v17 =	vadd.f32 $1.000000000e+00, v17  }
0x326: {  	v6 =	vmul.f32 $1.442695020e+00, v6  }
0x327: {  	(erf) = vrcp.f32 v17  }
0x328: {  	(erf) = vpow2.f32 v6  }
0x329: {  	v58 =	vld [tilespmem:$0x13260]  }
0x32a: {  	v59 =	vld [tilespmem:$0x13160];
	_ =	sdelay $0x4  }
0x32b: {  	v6 =	vadd.f32 v59, v58  }
0x32c: {  	v60 =	vpop (erf)  }
0x32d: {  	v6 =	vsub.f32 $0.0e+00, v6;
	v18 =	vpop (erf)  }
0x32e: {  	v18 =	vadd.f32 $1.000000000e+00, v18  }
0x32f: {  	v6 =	vmul.f32 $1.442695020e+00, v6  }
0x330: {  	(erf) = vrcp.f32 v18  }
0x331: {  	(erf) = vpow2.f32 v6  }
0x332: {  	v61 =	vld [tilespmem:$0x13270]  }
0x333: {  	v62 =	vld [tilespmem:$0x13170];
	_ =	sdelay $0x4  }
0x334: {  	v6 =	vadd.f32 v62, v61  }
0x335: {  	v63 =	vpop (erf)  }
0x336: {  	v6 =	vsub.f32 $0.0e+00, v6;
	v19 =	vpop (erf)  }
0x337: {  	v19 =	vadd.f32 $1.000000000e+00, v19  }
0x338: {  	v6 =	vmul.f32 $1.442695020e+00, v6  }
0x339: {  	(erf) = vrcp.f32 v19  }
0x33a: {  	(erf) = vpow2.f32 v6;
	_ =	sdelay $0x6  }
0x33b: {  	[tilespmem:$0x13180] =	vst v4  }
0x33c: {  	[tilespmem:$0x13190] =	vst v5;
	v4 =	vpop (erf)  }
0x33d: {  	[tilespmem:$0x131A0] =	vst v30;
	v5 =	vpop (erf)  }
0x33e: {  	[tilespmem:$0x131B0] =	vst v33;
	v5 =	vadd.f32 $1.000000000e+00, v5  }
0x33f: {  	[tilespmem:$0x131C0] =	vst v36  }
0x340: {  	[tilespmem:$0x131D0] =	vst v39;
	(erf) = vrcp.f32 v5  }
0x341: {  	[tilespmem:$0x131E0] =	vst v42  }
0x342: {  	[tilespmem:$0x131F0] =	vst v45  }
0x343: {  	[tilespmem:$0x13200] =	vst v48  }
0x344: {  	[tilespmem:$0x13210] =	vst v51  }
0x345: {  	[tilespmem:$0x13220] =	vst v54  }
0x346: {  	[tilespmem:$0x13230] =	vst v57  }
0x347: {  	[tilespmem:$0x13240] =	vst v60  }
0x348: {  	s26 =	sadd.s32 $0x1, s26;
	[tilespmem:$0x13250] =	vst v63  }
0x349: {  	p0 =	sne.s32 s26, s8;
	[tilespmem:$0x13260] =	vst v4;
	v4 =	vpop (erf)  }
.Ltmp9:
0x34a: {  	[tilespmem:$0x13270] =	vst v4;
	(pc) =	sbr.rel @p0 .LBB2_1-.Ltmp9, $4  }
0x34b: {  	[hbm4b:s7+s2] =	stream.linear.scatter [tilespmem:s25], [sflag:$0x5], $0x100, $0x38;
	[tilespmem:$0x13280] =	vst v63  }
0x34c: {  	_ =	swait.ge [sflag:s9], $0x100  }
0x34d: {  	[sflag:s9] =	ssyncset.done $0x0  }
0x34e: {  	[sflag:s9] =	ssyncadd.s32 $0xFFFFFF00  }
0x34f: {  	_ =	sfence.sel $0x180000  }
0x350: {  	[bflag:$0x0] =	sbarrier.arrive $0xFFFF  }
0x351: {  	p0 =	sne.s32 s1, $0x0;
	_ =	strace $0x90000047  }
0x352: {  	s0 =	sadd.s32 @!p0 $0x100000, s0;
	[bflag:$0x2] =	sbarrier.arrive $0xFFFF  }
0x353: {  	[sflag:s0] =	ssyncadd.tile.s32 @!p0 $0x1;
	_ =	shalt  }
.Lfunc_end2:
_tile_overlayer_lowered:
.L_overlay_start_2:
0x354: {  	(tag) =	ssettag $0x2  }
0x355: {  	s0 =	rddreg [dreg:$0x0];
	s2 =	stileid.u32  }
0x356: {  	s1 =	rddreg [dreg:$0x1];
	p0 =	sne.s32 s2, $0x0  }
0x357: {  	s3 =	rddreg [dreg:$0x2];
	[bflag:$0x3] =	sbarrier.arrive $0xFFFF;
	s2 =	simm.s32 @!p0 $0x1C05  }
0x358: {  	[timem:s3], [sflag:s2] =	dma.local @!p0 [hbm:s0], s1  }
0x359: {  	s0 =	simm.s32 @!p0 $0x5  }
0x35a: {  	_ =	swait.ge @!p0 [sflag:s0], s1  }
0x35b: {  	s1 =	ssub.s32 @!p0 $0x0, s1;
	[sflag:s0] =	ssyncset.done @!p0 $0x0  }
0x35c: {  	[sflag:s0] =	ssyncadd.s32 @!p0 s1  }
0x35d: {  	[bflag:$0x3] =	sbarrier.arrive $0xFFFF  }
0x35e: {  	_ =	shalt  }

</sc_bundles>
